<compile_context>
chip_gen: v7x
topology: tpu7x:2x2x1
jax: 0.10.2.dev20260603
libtpu: 0.0.44.dev20260713+nightly
codegen_flags: <defaults>
</compile_context>

<pallas_src>
import functools

import jax
import jax.numpy as jnp
from jax import lax
from jax.experimental import pallas as pl
from jax.experimental.pallas import tpu as pltpu
from jax.experimental.pallas import tpu_sc as plsc

U = 10000
D = 128
E = 320000
NC = 2
NS = 16
NW = NC * NS
EPT = E // NW
CHUNK = 80
NCHUNK = EPT // CHUNK
ROWS_PT = 632
UPAD = NS * ROWS_PT


def _spmm1(tbl_in, dst_in, src_in, zrows):
    mesh = plsc.VectorSubcoreMesh(core_axis_name="c", subcore_axis_name="s")
    out_type = jax.ShapeDtypeStruct((NC, UPAD, D), jnp.float32)
    scratch = [
        pltpu.VMEM((NCHUNK, CHUNK), jnp.int32),
        pltpu.VMEM((EPT,), jnp.int32),
        pltpu.VMEM((CHUNK, D), jnp.float32),
        pltpu.VMEM((CHUNK, D), jnp.float32),
        pltpu.VMEM_SHARED((UPAD, D), jnp.float32),
        pltpu.SemaphoreType.DMA,
        pltpu.SemaphoreType.DMA,
        pltpu.SemaphoreType.DMA,
    ]

    @functools.partial(pl.kernel, mesh=mesh, out_type=out_type,
                       scratch_types=scratch)
    def k(zr, tb, dh, sh, out, dst_v, src_v, rows0, rows1, acc,
          sem0, sem1, sem2):
        cid = lax.axis_index("c")
        sid = lax.axis_index("s")
        wid = sid * NC + cid
        rbase = sid * ROWS_PT
        tbl = tb

        pltpu.async_copy(zr, acc.at[pl.ds(rbase, ROWS_PT)], sem2)
        pltpu.async_copy(dh.at[wid], dst_v, sem2)
        pltpu.async_copy(sh.at[wid], src_v, sem2)
        pltpu.make_async_copy(zr, acc.at[pl.ds(rbase, ROWS_PT)],
                              sem2).wait()
        pltpu.make_async_copy(dh.at[wid], dst_v, sem2).wait()
        pltpu.make_async_copy(sh.at[wid], src_v, sem2).wait()

        def sidx(c):
            return src_v.at[pl.ds(c * CHUNK, CHUNK)]

        pltpu.async_copy(tbl.at[sidx(0)], rows0, sem0)
        plsc.subcore_barrier()

        def step(i, _):
            c0 = 2 * i
            c1 = c0 + 1
            pltpu.async_copy(tbl.at[sidx(c1)], rows1, sem1)
            pltpu.make_async_copy(tbl.at[sidx(c0)], rows0, sem0).wait()
            pltpu.sync_copy(rows0, acc.at[dst_v.at[c0]], add=True)
            pltpu.async_copy(tbl.at[sidx(c1 + 1)], rows0, sem0)
            pltpu.make_async_copy(tbl.at[sidx(c1)], rows1, sem1).wait()
            pltpu.sync_copy(rows1, acc.at[dst_v.at[c1]], add=True)
            return 0
        lax.fori_loop(0, (NCHUNK - 1) // 2, step, 0)
        last = NCHUNK - 1
        pltpu.make_async_copy(tbl.at[sidx(last)], rows0, sem0).wait()
        pltpu.sync_copy(rows0, acc.at[dst_v.at[last]], add=True)
        plsc.subcore_barrier()

        pltpu.sync_copy(acc.at[pl.ds(rbase, ROWS_PT)],
                        out.at[cid, pl.ds(rbase, ROWS_PT)])

    return k(zrows, tbl_in, dst_in, src_in)


def _mm1(p, w, relu):
    blk = 1000

    def body(p_ref, w_ref, o_ref):
        x = p_ref[0] + p_ref[1]
        y = jnp.dot(x, w_ref[...], preferred_element_type=jnp.float32)
        if relu:
            y = jnp.maximum(y, 0.0)
        o_ref[...] = y

    return pl.pallas_call(
        body,
        grid=(U // blk,),
        in_specs=[pl.BlockSpec((NC, blk, D), lambda i: (0, i, 0)),
                  pl.BlockSpec((D, D), lambda i: (0, 0))],
        out_specs=pl.BlockSpec((blk, D), lambda i: (i, 0)),
        out_shape=jax.ShapeDtypeStruct((U, D), jnp.float32),
    )(p, w)


def kernel(source_UV, source_VU, target_UV, target_VU,
           source_UU_adj, source_VV_adj, target_UU_adj, target_VV_adj,
           source_user_table, source_item_table,
           target_user_table, target_item_table,
           s_W_user, s_W_item, s_W_out_u, s_W_out_i,
           t_W_user, t_W_item, t_W_out_u, t_W_out_i):
    def e(a):
        return jnp.asarray(a, jnp.int32).reshape(NW, NCHUNK, CHUNK)

    def f(a):
        return jnp.asarray(a, jnp.int32).reshape(NW, EPT)

    zrows = jnp.zeros((ROWS_PT, D), jnp.float32)

    aggu_s = _spmm1(source_item_table, e(source_UV[0]), f(source_UV[1]),
                    zrows)
    aggi_s = _spmm1(source_user_table, e(source_VU[0]), f(source_VU[1]),
                    zrows)
    hu_s = _mm1(aggu_s, s_W_user, True)
    aggu_t = _spmm1(target_item_table, e(target_UV[0]), f(target_UV[1]),
                    zrows)
    hi_s = _mm1(aggi_s, s_W_item, True)
    aggi_t = _spmm1(target_user_table, e(target_VU[0]), f(target_VU[1]),
                    zrows)
    hu_t = _mm1(aggu_t, t_W_user, True)
    hu2_s = _spmm1(hu_s, e(source_UU_adj[0]), f(source_UU_adj[1]), zrows)
    hi_t = _mm1(aggi_t, t_W_item, True)
    hi2_s = _spmm1(hi_s, e(source_VV_adj[0]), f(source_VV_adj[1]), zrows)
    su = _mm1(hu2_s, s_W_out_u, False)
    hu2_t = _spmm1(hu_t, e(target_UU_adj[0]), f(target_UU_adj[1]), zrows)
    si = _mm1(hi2_s, s_W_out_i, False)
    hi2_t = _spmm1(hi_t, e(target_VV_adj[0]), f(target_VV_adj[1]), zrows)
    tu = _mm1(hu2_t, t_W_out_u, False)
    ti = _mm1(hi2_t, t_W_out_i, False)
    return (su, si, tu, ti)

# --- scband reference (transcript-rebuilt; emitter-appended) ---
"""Pipeline reference for scband-teacher-net-42709154791902 (READ-ONLY COPY).

The authoritative reference and input builder live on the scoring server;
editing this copy changes nothing except your own understanding.
"""

import jax, jax.numpy as jnp
import numpy as np

U = 10000
I = 10000
D = 128
E = 320000


def setup_inputs(seed: int = 0):
    key = jax.random.key(seed)
    ks = jax.random.split(key, 20)
    inp = {}
    edge_names = ["source_UV", "source_VU", "target_UV", "target_VU",
                  "source_UU_adj", "source_VV_adj", "target_UU_adj", "target_VV_adj"]
    for i, n in enumerate(edge_names):
        inp[n] = jax.random.randint(ks[i], (2, E), 0, U)
    inp["source_user_table"] = jax.random.normal(ks[8], (U, D), dtype=jnp.float32) * 0.02
    inp["source_item_table"] = jax.random.normal(ks[9], (I, D), dtype=jnp.float32) * 0.02
    inp["target_user_table"] = jax.random.normal(ks[10], (U, D), dtype=jnp.float32) * 0.02
    inp["target_item_table"] = jax.random.normal(ks[11], (I, D), dtype=jnp.float32) * 0.02
    wn = ["s_W_user", "s_W_item", "s_W_out_u", "s_W_out_i",
          "t_W_user", "t_W_item", "t_W_out_u", "t_W_out_i"]
    for i, n in enumerate(wn):
        inp[n] = jax.random.normal(ks[12 + i], (D, D), dtype=jnp.float32) * (1.0 / np.sqrt(D))
    return inp


def _vtge(user_table, item_table, UV, VU, UU, VV, Wu, Wi, Wou, Woi):
    # embedding lookup over full arange index (faithful to torch nn.Embedding(self.user_index))
    user = jnp.take(user_table, jnp.arange(U), axis=0)
    item = jnp.take(item_table, jnp.arange(I), axis=0)
    # bipartite spmm: aggregate item features into users and vice versa (sparse adj as edge lists)
    agg_u = jax.ops.segment_sum(jnp.take(item, UV[1], axis=0), UV[0], num_segments=U)
    agg_i = jax.ops.segment_sum(jnp.take(user, VU[1], axis=0), VU[0], num_segments=I)
    hu = jax.nn.relu(agg_u @ Wu)
    hi = jax.nn.relu(agg_i @ Wi)
    # homogeneous UU / VV propagation
    hu2 = jax.ops.segment_sum(jnp.take(hu, UU[1], axis=0), UU[0], num_segments=U)
    hi2 = jax.ops.segment_sum(jnp.take(hi, VV[1], axis=0), VV[0], num_segments=I)
    # variational mean head; in eval mode sampled_z = mean (reparameters returns mean when not training)
    mu_u = hu2 @ Wou
    mu_i = hi2 @ Woi
    return mu_u, mu_i


def reference(source_UV, source_VU, target_UV, target_VU,
              source_UU_adj, source_VV_adj, target_UU_adj, target_VV_adj,
              source_user_table, source_item_table, target_user_table, target_item_table,
              s_W_user, s_W_item, s_W_out_u, s_W_out_i,
              t_W_user, t_W_item, t_W_out_u, t_W_out_i):
    su, si = _vtge(source_user_table, source_item_table, source_UV, source_VU,
                   source_UU_adj, source_VV_adj, s_W_user, s_W_item, s_W_out_u, s_W_out_i)
    tu, ti = _vtge(target_user_table, target_item_table, target_UV, target_VU,
                   target_UU_adj, target_VV_adj, t_W_user, t_W_item, t_W_out_u, t_W_out_i)
    return (su, si, tu, ti)

if __name__ == "__main__":
    import jax
    _d = setup_inputs()
    print(jax.jit(kernel)(*tuple(_d.values())))

</pallas_src>

<mosaic_0001>
#map = affine_map<(d0, d1) -> (0, 0)>
#map1 = affine_map<(d0, d1) -> (0, 0, 0)>
module attributes {stable_mosaic.version = 14 : i64} {
  func.func @k(%arg0: i32, %arg1: i32, %arg2: memref<632x128xf32, #tpu.memory_space<hbm>>, %arg3: memref<10000x128xf32, #tpu.memory_space<hbm>>, %arg4: memref<32x125x80xi32, #tpu.memory_space<hbm>>, %arg5: memref<32x10000xi32, #tpu.memory_space<hbm>>, %arg6: memref<2x10112x128xf32, #tpu.memory_space<hbm>>, %arg7: memref<125x80xi32, #tpu.memory_space<vmem>>, %arg8: memref<10000xi32, #tpu.memory_space<vmem>>, %arg9: memref<80x128xf32, #tpu.memory_space<vmem>>, %arg10: memref<80x128xf32, #tpu.memory_space<vmem>>, %arg11: memref<10112x128xf32, #tpu.memory_space<vmem_shared>>, %arg12: memref<!tpu.dma_semaphore, #tpu.memory_space<semaphore_mem>>, %arg13: memref<!tpu.dma_semaphore, #tpu.memory_space<semaphore_mem>>, %arg14: memref<!tpu.dma_semaphore, #tpu.memory_space<semaphore_mem>>) attributes {dimension_semantics = [#tpu.dimension_semantics<core_parallel>, #tpu.dimension_semantics<subcore_parallel>], iteration_bounds = array<i64: 2, 16>, scalar_prefetch = 0 : i64, scratch_operands = 8 : i64, tpu.core_type = #tpu.core_type<sc_vector_subcore>, window_params = [{transform_indices = #map}, {transform_indices = #map}, {transform_indices = #map1}, {transform_indices = #map}, {transform_indices = #map1}]} {
    %mul3A = arith.constant 2 : i32
    %mul3A_0 = arith.muli %arg1, %mul3A : i32
    %add3A = arith.addi %mul3A_0, %arg0 : i32
    %mul3A_1 = arith.constant 632 : i32
    %mul3A_2 = arith.muli %arg1, %mul3A_1 : i32
    %dma_start3A = arith.constant 0 : i32
    %dma_start3A_3 = tpu.memref_slice %arg11[%mul3A_2, %dma_start3A] : memref<10112x128xf32, #tpu.memory_space<vmem_shared>> -> memref<632x128xf32, #tpu.memory_space<vmem_shared>>
    tpu.enqueue_dma source(%arg2 : memref<632x128xf32, #tpu.memory_space<hbm>>) target(%dma_start3A_3 : memref<632x128xf32, #tpu.memory_space<vmem_shared>>) target_semaphore(%arg14 : memref<!tpu.dma_semaphore, #tpu.memory_space<semaphore_mem>>)
    %dma_start3A_4 = arith.constant 0 : i32
    %dma_start3A_5 = arith.constant 0 : i32
    %dma_start3A_6 = tpu.memref_slice %arg4[%add3A, %dma_start3A_4, %dma_start3A_5] : memref<32x125x80xi32, #tpu.memory_space<hbm>> -> memref<1x125x80xi32, #tpu.memory_space<hbm>>
    %dma_start3A_7 = tpu.memref_squeeze %dma_start3A_6 : memref<1x125x80xi32, #tpu.memory_space<hbm>> -> memref<125x80xi32, #tpu.memory_space<hbm>>
    %dma_start3A_8 = arith.constant 0 : i32
    %dma_start3A_9 = arith.constant 0 : i32
    %dma_start3A_10 = tpu.memref_slice %arg4[%add3A, %dma_start3A_8, %dma_start3A_9] : memref<32x125x80xi32, #tpu.memory_space<hbm>> -> memref<1x125x80xi32, #tpu.memory_space<hbm>>
    %dma_start3A_11 = tpu.memref_squeeze %dma_start3A_10 : memref<1x125x80xi32, #tpu.memory_space<hbm>> -> memref<125x80xi32, #tpu.memory_space<hbm>>
    tpu.enqueue_dma source(%dma_start3A_11 : memref<125x80xi32, #tpu.memory_space<hbm>>) target(%arg7 : memref<125x80xi32, #tpu.memory_space<vmem>>) target_semaphore(%arg14 : memref<!tpu.dma_semaphore, #tpu.memory_space<semaphore_mem>>)
    %dma_start3A_12 = arith.constant 0 : i32
    %dma_start3A_13 = tpu.memref_slice %arg5[%add3A, %dma_start3A_12] : memref<32x10000xi32, #tpu.memory_space<hbm>> -> memref<1x10000xi32, #tpu.memory_space<hbm>>
    %dma_start3A_14 = tpu.memref_squeeze %dma_start3A_13 : memref<1x10000xi32, #tpu.memory_space<hbm>> -> memref<10000xi32, #tpu.memory_space<hbm>>
    %dma_start3A_15 = arith.constant 0 : i32
    %dma_start3A_16 = tpu.memref_slice %arg5[%add3A, %dma_start3A_15] : memref<32x10000xi32, #tpu.memory_space<hbm>> -> memref<1x10000xi32, #tpu.memory_space<hbm>>
    %dma_start3A_17 = tpu.memref_squeeze %dma_start3A_16 : memref<1x10000xi32, #tpu.memory_space<hbm>> -> memref<10000xi32, #tpu.memory_space<hbm>>
    tpu.enqueue_dma source(%dma_start3A_17 : memref<10000xi32, #tpu.memory_space<hbm>>) target(%arg8 : memref<10000xi32, #tpu.memory_space<vmem>>) target_semaphore(%arg14 : memref<!tpu.dma_semaphore, #tpu.memory_space<semaphore_mem>>)
    %dma_wait3A = arith.constant 0 : i32
    %dma_wait3A_18 = tpu.memref_slice %arg11[%mul3A_2, %dma_wait3A] : memref<10112x128xf32, #tpu.memory_space<vmem_shared>> -> memref<632x128xf32, #tpu.memory_space<vmem_shared>>
    tpu.wait_dma2 semaphore(%arg14 : memref<!tpu.dma_semaphore, #tpu.memory_space<semaphore_mem>>) src(%arg2 : memref<632x128xf32, #tpu.memory_space<hbm>>) dst(%dma_wait3A_18 : memref<632x128xf32, #tpu.memory_space<vmem_shared>>)
    %dma_wait3A_19 = arith.constant 0 : i32
    %dma_wait3A_20 = arith.constant 0 : i32
    %dma_wait3A_21 = tpu.memref_slice %arg4[%add3A, %dma_wait3A_19, %dma_wait3A_20] : memref<32x125x80xi32, #tpu.memory_space<hbm>> -> memref<1x125x80xi32, #tpu.memory_space<hbm>>
    %dma_wait3A_22 = tpu.memref_squeeze %dma_wait3A_21 : memref<1x125x80xi32, #tpu.memory_space<hbm>> -> memref<125x80xi32, #tpu.memory_space<hbm>>
    %dma_wait3A_23 = arith.constant 0 : i32
    %dma_wait3A_24 = arith.constant 0 : i32
    %dma_wait3A_25 = tpu.memref_slice %arg4[%add3A, %dma_wait3A_23, %dma_wait3A_24] : memref<32x125x80xi32, #tpu.memory_space<hbm>> -> memref<1x125x80xi32, #tpu.memory_space<hbm>>
    %dma_wait3A_26 = tpu.memref_squeeze %dma_wait3A_25 : memref<1x125x80xi32, #tpu.memory_space<hbm>> -> memref<125x80xi32, #tpu.memory_space<hbm>>
    tpu.wait_dma2 semaphore(%arg14 : memref<!tpu.dma_semaphore, #tpu.memory_space<semaphore_mem>>) src(%dma_wait3A_26 : memref<125x80xi32, #tpu.memory_space<hbm>>) dst(%arg7 : memref<125x80xi32, #tpu.memory_space<vmem>>)
    %dma_wait3A_27 = arith.constant 0 : i32
    %dma_wait3A_28 = tpu.memref_slice %arg5[%add3A, %dma_wait3A_27] : memref<32x10000xi32, #tpu.memory_space<hbm>> -> memref<1x10000xi32, #tpu.memory_space<hbm>>
    %dma_wait3A_29 = tpu.memref_squeeze %dma_wait3A_28 : memref<1x10000xi32, #tpu.memory_space<hbm>> -> memref<10000xi32, #tpu.memory_space<hbm>>
    %dma_wait3A_30 = arith.constant 0 : i32
    %dma_wait3A_31 = tpu.memref_slice %arg5[%add3A, %dma_wait3A_30] : memref<32x10000xi32, #tpu.memory_space<hbm>> -> memref<1x10000xi32, #tpu.memory_space<hbm>>
    %dma_wait3A_32 = tpu.memref_squeeze %dma_wait3A_31 : memref<1x10000xi32, #tpu.memory_space<hbm>> -> memref<10000xi32, #tpu.memory_space<hbm>>
    tpu.wait_dma2 semaphore(%arg14 : memref<!tpu.dma_semaphore, #tpu.memory_space<semaphore_mem>>) src(%dma_wait3A_32 : memref<10000xi32, #tpu.memory_space<hbm>>) dst(%arg8 : memref<10000xi32, #tpu.memory_space<vmem>>)
    %dma_start3A_33 = arith.constant 0 : i32
    %dma_start3A_34 = tpu.memref_slice %arg8[%dma_start3A_33] : memref<10000xi32, #tpu.memory_space<vmem>> -> memref<80xi32, #tpu.memory_space<vmem>>
    %dma_start3A_35 = arith.constant 0 : i32
    %dma_start3A_36 = arith.constant 0 : i32
    %dma_start3A_37 = tpu.memref_slice %arg3[%dma_start3A_35, %dma_start3A_36] : memref<10000x128xf32, #tpu.memory_space<hbm>> -> memref<10000x128xf32, #tpu.memory_space<hbm>>
    tpu.enqueue_indirect_dma source(%dma_start3A_37 : memref<10000x128xf32, #tpu.memory_space<hbm>>) target(%arg9 : memref<80x128xf32, #tpu.memory_space<vmem>>) offsets(%dma_start3A_34 : memref<80xi32, #tpu.memory_space<vmem>>) semaphore(%arg12 : memref<!tpu.dma_semaphore, #tpu.memory_space<semaphore_mem>>)
    %barrier3A = arith.constant 0 : index
    tpu.barrier barrier_id(%barrier3A)
    %scan3A = arith.constant 0 : i32
    %scan3A_38 = arith.constant 0 : i32
    %scan3A_39 = arith.constant 62 : i32
    %scan3A_40 = arith.addi %scan3A_38, %scan3A_39 : i32
    %scan3A_41 = arith.constant 1 : i32
    %scan3A_42 = scf.for %scan3A_50 = %scan3A_38 to %scan3A_40 step %scan3A_41 iter_args(%scan3A_51 = %scan3A) -> (i32)  : i32 {
      %mul3A_52 = arith.constant 2 : i32
      %mul3A_53 = arith.muli %mul3A_52, %scan3A_50 : i32
      %add3A_54 = arith.constant 1 : i32
      %add3A_55 = arith.addi %mul3A_53, %add3A_54 : i32
      %mul3A_56 = arith.constant 80 : i32
      %mul3A_57 = arith.muli %add3A_55, %mul3A_56 : i32
      %dma_start3A_58 = tpu.memref_slice %arg8[%mul3A_57] : memref<10000xi32, #tpu.memory_space<vmem>> -> memref<80xi32, #tpu.memory_space<vmem>>
      %dma_start3A_59 = arith.constant 0 : i32
      %dma_start3A_60 = arith.constant 0 : i32
      %dma_start3A_61 = tpu.memref_slice %arg3[%dma_start3A_59, %dma_start3A_60] : memref<10000x128xf32, #tpu.memory_space<hbm>> -> memref<10000x128xf32, #tpu.memory_space<hbm>>
      tpu.enqueue_indirect_dma source(%dma_start3A_61 : memref<10000x128xf32, #tpu.memory_space<hbm>>) target(%arg10 : memref<80x128xf32, #tpu.memory_space<vmem>>) offsets(%dma_start3A_58 : memref<80xi32, #tpu.memory_space<vmem>>) semaphore(%arg13 : memref<!tpu.dma_semaphore, #tpu.memory_space<semaphore_mem>>)
      %mul3A_62 = arith.constant 80 : i32
      %mul3A_63 = arith.muli %mul3A_53, %mul3A_62 : i32
      %dma_wait3A_64 = tpu.memref_slice %arg8[%mul3A_63] : memref<10000xi32, #tpu.memory_space<vmem>> -> memref<80xi32, #tpu.memory_space<vmem>>
      %dma_wait3A_65 = arith.constant 0 : i32
      %dma_wait3A_66 = arith.constant 0 : i32
      %dma_wait3A_67 = tpu.memref_slice %arg3[%dma_wait3A_65, %dma_wait3A_66] : memref<10000x128xf32, #tpu.memory_space<hbm>> -> memref<10000x128xf32, #tpu.memory_space<hbm>>
      tpu.wait_indirect_dma semaphore(%arg12 : memref<!tpu.dma_semaphore, #tpu.memory_space<semaphore_mem>>) src(%dma_wait3A_67 : memref<10000x128xf32, #tpu.memory_space<hbm>>) dst(%arg9 : memref<80x128xf32, #tpu.memory_space<vmem>>)
      "tpu.region"() ({
        %run_scoped3A_83 = tpu.sem_alloc : memref<!tpu.dma_semaphore, #tpu.memory_space<semaphore_mem>>
        %dma_start3A_84 = arith.constant 0 : i32
        %dma_start3A_85 = tpu.memref_slice %arg7[%mul3A_53, %dma_start3A_84] : memref<125x80xi32, #tpu.memory_space<vmem>> -> memref<1x80xi32, #tpu.memory_space<vmem>>
        %dma_start3A_86 = tpu.memref_squeeze %dma_start3A_85 : memref<1x80xi32, #tpu.memory_space<vmem>> -> memref<80xi32, #tpu.memory_space<vmem>>
        %dma_start3A_87 = arith.constant 0 : i32
        %dma_start3A_88 = arith.constant 0 : i32
        %dma_start3A_89 = tpu.memref_slice %arg11[%dma_start3A_87, %dma_start3A_88] : memref<10112x128xf32, #tpu.memory_space<vmem_shared>> -> memref<10112x128xf32, #tpu.memory_space<vmem_shared>>
        tpu.enqueue_indirect_dma source(%arg9 : memref<80x128xf32, #tpu.memory_space<vmem>>) target(%dma_start3A_89 : memref<10112x128xf32, #tpu.memory_space<vmem_shared>>) offsets(%dma_start3A_86 : memref<80xi32, #tpu.memory_space<vmem>>) semaphore(%run_scoped3A_83 : memref<!tpu.dma_semaphore, #tpu.memory_space<semaphore_mem>>) {add = true}
        %dma_wait3A_90 = arith.constant 0 : i32
        %dma_wait3A_91 = tpu.memref_slice %arg7[%mul3A_53, %dma_wait3A_90] : memref<125x80xi32, #tpu.memory_space<vmem>> -> memref<1x80xi32, #tpu.memory_space<vmem>>
        %dma_wait3A_92 = tpu.memref_squeeze %dma_wait3A_91 : memref<1x80xi32, #tpu.memory_space<vmem>> -> memref<80xi32, #tpu.memory_space<vmem>>
        %dma_wait3A_93 = arith.constant 0 : i32
        %dma_wait3A_94 = arith.constant 0 : i32
        %dma_wait3A_95 = tpu.memref_slice %arg11[%dma_wait3A_93, %dma_wait3A_94] : memref<10112x128xf32, #tpu.memory_space<vmem_shared>> -> memref<10112x128xf32, #tpu.memory_space<vmem_shared>>
        tpu.wait_indirect_dma semaphore(%run_scoped3A_83 : memref<!tpu.dma_semaphore, #tpu.memory_space<semaphore_mem>>) src(%arg9 : memref<80x128xf32, #tpu.memory_space<vmem>>) dst(%dma_wait3A_95 : memref<10112x128xf32, #tpu.memory_space<vmem_shared>>)
        tpu.yield
      }) : () -> ()
      %add3A_68 = arith.constant 1 : i32
      %add3A_69 = arith.addi %add3A_55, %add3A_68 : i32
      %mul3A_70 = arith.constant 80 : i32
      %mul3A_71 = arith.muli %add3A_69, %mul3A_70 : i32
      %dma_start3A_72 = tpu.memref_slice %arg8[%mul3A_71] : memref<10000xi32, #tpu.memory_space<vmem>> -> memref<80xi32, #tpu.memory_space<vmem>>
      %dma_start3A_73 = arith.constant 0 : i32
      %dma_start3A_74 = arith.constant 0 : i32
      %dma_start3A_75 = tpu.memref_slice %arg3[%dma_start3A_73, %dma_start3A_74] : memref<10000x128xf32, #tpu.memory_space<hbm>> -> memref<10000x128xf32, #tpu.memory_space<hbm>>
      tpu.enqueue_indirect_dma source(%dma_start3A_75 : memref<10000x128xf32, #tpu.memory_space<hbm>>) target(%arg9 : memref<80x128xf32, #tpu.memory_space<vmem>>) offsets(%dma_start3A_72 : memref<80xi32, #tpu.memory_space<vmem>>) semaphore(%arg12 : memref<!tpu.dma_semaphore, #tpu.memory_space<semaphore_mem>>)
      %mul3A_76 = arith.constant 80 : i32
      %mul3A_77 = arith.muli %add3A_55, %mul3A_76 : i32
      %dma_wait3A_78 = tpu.memref_slice %arg8[%mul3A_77] : memref<10000xi32, #tpu.memory_space<vmem>> -> memref<80xi32, #tpu.memory_space<vmem>>
      %dma_wait3A_79 = arith.constant 0 : i32
      %dma_wait3A_80 = arith.constant 0 : i32
      %dma_wait3A_81 = tpu.memref_slice %arg3[%dma_wait3A_79, %dma_wait3A_80] : memref<10000x128xf32, #tpu.memory_space<hbm>> -> memref<10000x128xf32, #tpu.memory_space<hbm>>
      tpu.wait_indirect_dma semaphore(%arg13 : memref<!tpu.dma_semaphore, #tpu.memory_space<semaphore_mem>>) src(%dma_wait3A_81 : memref<10000x128xf32, #tpu.memory_space<hbm>>) dst(%arg10 : memref<80x128xf32, #tpu.memory_space<vmem>>)
      "tpu.region"() ({
        %run_scoped3A_83 = tpu.sem_alloc : memref<!tpu.dma_semaphore, #tpu.memory_space<semaphore_mem>>
        %dma_start3A_84 = arith.constant 0 : i32
        %dma_start3A_85 = tpu.memref_slice %arg7[%add3A_55, %dma_start3A_84] : memref<125x80xi32, #tpu.memory_space<vmem>> -> memref<1x80xi32, #tpu.memory_space<vmem>>
        %dma_start3A_86 = tpu.memref_squeeze %dma_start3A_85 : memref<1x80xi32, #tpu.memory_space<vmem>> -> memref<80xi32, #tpu.memory_space<vmem>>
        %dma_start3A_87 = arith.constant 0 : i32
        %dma_start3A_88 = arith.constant 0 : i32
        %dma_start3A_89 = tpu.memref_slice %arg11[%dma_start3A_87, %dma_start3A_88] : memref<10112x128xf32, #tpu.memory_space<vmem_shared>> -> memref<10112x128xf32, #tpu.memory_space<vmem_shared>>
        tpu.enqueue_indirect_dma source(%arg10 : memref<80x128xf32, #tpu.memory_space<vmem>>) target(%dma_start3A_89 : memref<10112x128xf32, #tpu.memory_space<vmem_shared>>) offsets(%dma_start3A_86 : memref<80xi32, #tpu.memory_space<vmem>>) semaphore(%run_scoped3A_83 : memref<!tpu.dma_semaphore, #tpu.memory_space<semaphore_mem>>) {add = true}
        %dma_wait3A_90 = arith.constant 0 : i32
        %dma_wait3A_91 = tpu.memref_slice %arg7[%add3A_55, %dma_wait3A_90] : memref<125x80xi32, #tpu.memory_space<vmem>> -> memref<1x80xi32, #tpu.memory_space<vmem>>
        %dma_wait3A_92 = tpu.memref_squeeze %dma_wait3A_91 : memref<1x80xi32, #tpu.memory_space<vmem>> -> memref<80xi32, #tpu.memory_space<vmem>>
        %dma_wait3A_93 = arith.constant 0 : i32
        %dma_wait3A_94 = arith.constant 0 : i32
        %dma_wait3A_95 = tpu.memref_slice %arg11[%dma_wait3A_93, %dma_wait3A_94] : memref<10112x128xf32, #tpu.memory_space<vmem_shared>> -> memref<10112x128xf32, #tpu.memory_space<vmem_shared>>
        tpu.wait_indirect_dma semaphore(%run_scoped3A_83 : memref<!tpu.dma_semaphore, #tpu.memory_space<semaphore_mem>>) src(%arg10 : memref<80x128xf32, #tpu.memory_space<vmem>>) dst(%dma_wait3A_95 : memref<10112x128xf32, #tpu.memory_space<vmem_shared>>)
        tpu.yield
      }) : () -> ()
      %scan3A_82 = arith.constant 0 : i32
      scf.yield %scan3A_82 : i32
    }
    %scan3A_43 = arith.constant 62 : i32
    %dma_wait3A_44 = arith.constant 9920 : i32
    %dma_wait3A_45 = tpu.memref_slice %arg8[%dma_wait3A_44] : memref<10000xi32, #tpu.memory_space<vmem>> -> memref<80xi32, #tpu.memory_space<vmem>>
    %dma_wait3A_46 = arith.constant 0 : i32
    %dma_wait3A_47 = arith.constant 0 : i32
    %dma_wait3A_48 = tpu.memref_slice %arg3[%dma_wait3A_46, %dma_wait3A_47] : memref<10000x128xf32, #tpu.memory_space<hbm>> -> memref<10000x128xf32, #tpu.memory_space<hbm>>
    tpu.wait_indirect_dma semaphore(%arg12 : memref<!tpu.dma_semaphore, #tpu.memory_space<semaphore_mem>>) src(%dma_wait3A_48 : memref<10000x128xf32, #tpu.memory_space<hbm>>) dst(%arg9 : memref<80x128xf32, #tpu.memory_space<vmem>>)
    %run_scoped3A = arith.constant 124 : i32
    "tpu.region"() ({
      %run_scoped3A_50 = tpu.sem_alloc : memref<!tpu.dma_semaphore, #tpu.memory_space<semaphore_mem>>
      %dma_start3A_51 = arith.constant 0 : i32
      %dma_start3A_52 = tpu.memref_slice %arg7[%run_scoped3A, %dma_start3A_51] : memref<125x80xi32, #tpu.memory_space<vmem>> -> memref<1x80xi32, #tpu.memory_space<vmem>>
      %dma_start3A_53 = tpu.memref_squeeze %dma_start3A_52 : memref<1x80xi32, #tpu.memory_space<vmem>> -> memref<80xi32, #tpu.memory_space<vmem>>
      %dma_start3A_54 = arith.constant 0 : i32
      %dma_start3A_55 = arith.constant 0 : i32
      %dma_start3A_56 = tpu.memref_slice %arg11[%dma_start3A_54, %dma_start3A_55] : memref<10112x128xf32, #tpu.memory_space<vmem_shared>> -> memref<10112x128xf32, #tpu.memory_space<vmem_shared>>
      tpu.enqueue_indirect_dma source(%arg9 : memref<80x128xf32, #tpu.memory_space<vmem>>) target(%dma_start3A_56 : memref<10112x128xf32, #tpu.memory_space<vmem_shared>>) offsets(%dma_start3A_53 : memref<80xi32, #tpu.memory_space<vmem>>) semaphore(%run_scoped3A_50 : memref<!tpu.dma_semaphore, #tpu.memory_space<semaphore_mem>>) {add = true}
      %dma_wait3A_57 = arith.constant 0 : i32
      %dma_wait3A_58 = tpu.memref_slice %arg7[%run_scoped3A, %dma_wait3A_57] : memref<125x80xi32, #tpu.memory_space<vmem>> -> memref<1x80xi32, #tpu.memory_space<vmem>>
      %dma_wait3A_59 = tpu.memref_squeeze %dma_wait3A_58 : memref<1x80xi32, #tpu.memory_space<vmem>> -> memref<80xi32, #tpu.memory_space<vmem>>
      %dma_wait3A_60 = arith.constant 0 : i32
      %dma_wait3A_61 = arith.constant 0 : i32
      %dma_wait3A_62 = tpu.memref_slice %arg11[%dma_wait3A_60, %dma_wait3A_61] : memref<10112x128xf32, #tpu.memory_space<vmem_shared>> -> memref<10112x128xf32, #tpu.memory_space<vmem_shared>>
      tpu.wait_indirect_dma semaphore(%run_scoped3A_50 : memref<!tpu.dma_semaphore, #tpu.memory_space<semaphore_mem>>) src(%arg9 : memref<80x128xf32, #tpu.memory_space<vmem>>) dst(%dma_wait3A_62 : memref<10112x128xf32, #tpu.memory_space<vmem_shared>>)
      tpu.yield
    }) : () -> ()
    %barrier3A_49 = arith.constant 0 : index
    tpu.barrier barrier_id(%barrier3A_49)
    "tpu.region"() ({
      %run_scoped3A_50 = tpu.sem_alloc : memref<!tpu.dma_semaphore, #tpu.memory_space<semaphore_mem>>
      %dma_start3A_51 = arith.constant 0 : i32
      %dma_start3A_52 = tpu.memref_slice %arg6[%arg0, %mul3A_2, %dma_start3A_51] : memref<2x10112x128xf32, #tpu.memory_space<hbm>> -> memref<1x632x128xf32, #tpu.memory_space<hbm>>
      %dma_start3A_53 = tpu.memref_squeeze %dma_start3A_52 : memref<1x632x128xf32, #tpu.memory_space<hbm>> -> memref<632x128xf32, #tpu.memory_space<hbm>>
      %dma_start3A_54 = arith.constant 0 : i32
      %dma_start3A_55 = tpu.memref_slice %arg11[%mul3A_2, %dma_start3A_54] : memref<10112x128xf32, #tpu.memory_space<vmem_shared>> -> memref<632x128xf32, #tpu.memory_space<vmem_shared>>
      tpu.enqueue_dma source(%dma_start3A_55 : memref<632x128xf32, #tpu.memory_space<vmem_shared>>) target(%dma_start3A_53 : memref<632x128xf32, #tpu.memory_space<hbm>>) target_semaphore(%run_scoped3A_50 : memref<!tpu.dma_semaphore, #tpu.memory_space<semaphore_mem>>)
      %dma_wait3A_56 = arith.constant 0 : i32
      %dma_wait3A_57 = tpu.memref_slice %arg6[%arg0, %mul3A_2, %dma_wait3A_56] : memref<2x10112x128xf32, #tpu.memory_space<hbm>> -> memref<1x632x128xf32, #tpu.memory_space<hbm>>
      %dma_wait3A_58 = tpu.memref_squeeze %dma_wait3A_57 : memref<1x632x128xf32, #tpu.memory_space<hbm>> -> memref<632x128xf32, #tpu.memory_space<hbm>>
      %dma_wait3A_59 = arith.constant 0 : i32
      %dma_wait3A_60 = tpu.memref_slice %arg11[%mul3A_2, %dma_wait3A_59] : memref<10112x128xf32, #tpu.memory_space<vmem_shared>> -> memref<632x128xf32, #tpu.memory_space<vmem_shared>>
      tpu.wait_dma2 semaphore(%run_scoped3A_50 : memref<!tpu.dma_semaphore, #tpu.memory_space<semaphore_mem>>) src(%dma_wait3A_60 : memref<632x128xf32, #tpu.memory_space<vmem_shared>>) dst(%dma_wait3A_58 : memref<632x128xf32, #tpu.memory_space<hbm>>)
      tpu.yield
    }) : () -> ()
    return
  }
}

#map = affine_map<(d0, d1) -> (0, 0)>
#map1 = affine_map<(d0, d1) -> (0, 0, 0)>
module attributes {stable_mosaic.version = 14 : i64} {
  func.func @k(%arg0: i32, %arg1: i32, %arg2: memref<632x128xf32, #tpu.memory_space<hbm>>, %arg3: memref<10000x128xf32, #tpu.memory_space<hbm>>, %arg4: memref<32x125x80xi32, #tpu.memory_space<hbm>>, %arg5: memref<32x10000xi32, #tpu.memory_space<hbm>>, %arg6: memref<2x10112x128xf32, #tpu.memory_space<hbm>>, %arg7: memref<125x80xi32, #tpu.memory_space<vmem>>, %arg8: memref<10000xi32, #tpu.memory_space<vmem>>, %arg9: memref<80x128xf32, #tpu.memory_space<vmem>>, %arg10: memref<80x128xf32, #tpu.memory_space<vmem>>, %arg11: memref<10112x128xf32, #tpu.memory_space<vmem_shared>>, %arg12: memref<!tpu.dma_semaphore, #tpu.memory_space<semaphore_mem>>, %arg13: memref<!tpu.dma_semaphore, #tpu.memory_space<semaphore_mem>>, %arg14: memref<!tpu.dma_semaphore, #tpu.memory_space<semaphore_mem>>) attributes {dimension_semantics = [#tpu.dimension_semantics<core_parallel>, #tpu.dimension_semantics<subcore_parallel>], iteration_bounds = array<i64: 2, 16>, scalar_prefetch = 0 : i64, scratch_operands = 8 : i64, tpu.core_type = #tpu.core_type<sc_vector_subcore>, window_params = [{transform_indices = #map}, {transform_indices = #map}, {transform_indices = #map1}, {transform_indices = #map}, {transform_indices = #map1}]} {
    %mul3A = arith.constant 2 : i32
    %mul3A_0 = arith.muli %arg1, %mul3A : i32
    %add3A = arith.addi %mul3A_0, %arg0 : i32
    %mul3A_1 = arith.constant 632 : i32
    %mul3A_2 = arith.muli %arg1, %mul3A_1 : i32
    %dma_start3A = arith.constant 0 : i32
    %dma_start3A_3 = tpu.memref_slice %arg11[%mul3A_2, %dma_start3A] : memref<10112x128xf32, #tpu.memory_space<vmem_shared>> -> memref<632x128xf32, #tpu.memory_space<vmem_shared>>
    tpu.enqueue_dma source(%arg2 : memref<632x128xf32, #tpu.memory_space<hbm>>) target(%dma_start3A_3 : memref<632x128xf32, #tpu.memory_space<vmem_shared>>) target_semaphore(%arg14 : memref<!tpu.dma_semaphore, #tpu.memory_space<semaphore_mem>>)
    %dma_start3A_4 = arith.constant 0 : i32
    %dma_start3A_5 = arith.constant 0 : i32
    %dma_start3A_6 = tpu.memref_slice %arg4[%add3A, %dma_start3A_4, %dma_start3A_5] : memref<32x125x80xi32, #tpu.memory_space<hbm>> -> memref<1x125x80xi32, #tpu.memory_space<hbm>>
    %dma_start3A_7 = tpu.memref_squeeze %dma_start3A_6 : memref<1x125x80xi32, #tpu.memory_space<hbm>> -> memref<125x80xi32, #tpu.memory_space<hbm>>
    %dma_start3A_8 = arith.constant 0 : i32
    %dma_start3A_9 = arith.constant 0 : i32
    %dma_start3A_10 = tpu.memref_slice %arg4[%add3A, %dma_start3A_8, %dma_start3A_9] : memref<32x125x80xi32, #tpu.memory_space<hbm>> -> memref<1x125x80xi32, #tpu.memory_space<hbm>>
    %dma_start3A_11 = tpu.memref_squeeze %dma_start3A_10 : memref<1x125x80xi32, #tpu.memory_space<hbm>> -> memref<125x80xi32, #tpu.memory_space<hbm>>
    tpu.enqueue_dma source(%dma_start3A_11 : memref<125x80xi32, #tpu.memory_space<hbm>>) target(%arg7 : memref<125x80xi32, #tpu.memory_space<vmem>>) target_semaphore(%arg14 : memref<!tpu.dma_semaphore, #tpu.memory_space<semaphore_mem>>)
    %dma_start3A_12 = arith.constant 0 : i32
    %dma_start3A_13 = tpu.memref_slice %arg5[%add3A, %dma_start3A_12] : memref<32x10000xi32, #tpu.memory_space<hbm>> -> memref<1x10000xi32, #tpu.memory_space<hbm>>
    %dma_start3A_14 = tpu.memref_squeeze %dma_start3A_13 : memref<1x10000xi32, #tpu.memory_space<hbm>> -> memref<10000xi32, #tpu.memory_space<hbm>>
    %dma_start3A_15 = arith.constant 0 : i32
    %dma_start3A_16 = tpu.memref_slice %arg5[%add3A, %dma_start3A_15] : memref<32x10000xi32, #tpu.memory_space<hbm>> -> memref<1x10000xi32, #tpu.memory_space<hbm>>
    %dma_start3A_17 = tpu.memref_squeeze %dma_start3A_16 : memref<1x10000xi32, #tpu.memory_space<hbm>> -> memref<10000xi32, #tpu.memory_space<hbm>>
    tpu.enqueue_dma source(%dma_start3A_17 : memref<10000xi32, #tpu.memory_space<hbm>>) target(%arg8 : memref<10000xi32, #tpu.memory_space<vmem>>) target_semaphore(%arg14 : memref<!tpu.dma_semaphore, #tpu.memory_space<semaphore_mem>>)
    %dma_wait3A = arith.constant 0 : i32
    %dma_wait3A_18 = tpu.memref_slice %arg11[%mul3A_2, %dma_wait3A] : memref<10112x128xf32, #tpu.memory_space<vmem_shared>> -> memref<632x128xf32, #tpu.memory_space<vmem_shared>>
    tpu.wait_dma2 semaphore(%arg14 : memref<!tpu.dma_semaphore, #tpu.memory_space<semaphore_mem>>) src(%arg2 : memref<632x128xf32, #tpu.memory_space<hbm>>) dst(%dma_wait3A_18 : memref<632x128xf32, #tpu.memory_space<vmem_shared>>)
    %dma_wait3A_19 = arith.constant 0 : i32
    %dma_wait3A_20 = arith.constant 0 : i32
    %dma_wait3A_21 = tpu.memref_slice %arg4[%add3A, %dma_wait3A_19, %dma_wait3A_20] : memref<32x125x80xi32, #tpu.memory_space<hbm>> -> memref<1x125x80xi32, #tpu.memory_space<hbm>>
    %dma_wait3A_22 = tpu.memref_squeeze %dma_wait3A_21 : memref<1x125x80xi32, #tpu.memory_space<hbm>> -> memref<125x80xi32, #tpu.memory_space<hbm>>
    %dma_wait3A_23 = arith.constant 0 : i32
    %dma_wait3A_24 = arith.constant 0 : i32
    %dma_wait3A_25 = tpu.memref_slice %arg4[%add3A, %dma_wait3A_23, %dma_wait3A_24] : memref<32x125x80xi32, #tpu.memory_space<hbm>> -> memref<1x125x80xi32, #tpu.memory_space<hbm>>
    %dma_wait3A_26 = tpu.memref_squeeze %dma_wait3A_25 : memref<1x125x80xi32, #tpu.memory_space<hbm>> -> memref<125x80xi32, #tpu.memory_space<hbm>>
    tpu.wait_dma2 semaphore(%arg14 : memref<!tpu.dma_semaphore, #tpu.memory_space<semaphore_mem>>) src(%dma_wait3A_26 : memref<125x80xi32, #tpu.memory_space<hbm>>) dst(%arg7 : memref<125x80xi32, #tpu.memory_space<vmem>>)
    %dma_wait3A_27 = arith.constant 0 : i32
    %dma_wait3A_28 = tpu.memref_slice %arg5[%add3A, %dma_wait3A_27] : memref<32x10000xi32, #tpu.memory_space<hbm>> -> memref<1x10000xi32, #tpu.memory_space<hbm>>
    %dma_wait3A_29 = tpu.memref_squeeze %dma_wait3A_28 : memref<1x10000xi32, #tpu.memory_space<hbm>> -> memref<10000xi32, #tpu.memory_space<hbm>>
    %dma_wait3A_30 = arith.constant 0 : i32
    %dma_wait3A_31 = tpu.memref_slice %arg5[%add3A, %dma_wait3A_30] : memref<32x10000xi32, #tpu.memory_space<hbm>> -> memref<1x10000xi32, #tpu.memory_space<hbm>>
    %dma_wait3A_32 = tpu.memref_squeeze %dma_wait3A_31 : memref<1x10000xi32, #tpu.memory_space<hbm>> -> memref<10000xi32, #tpu.memory_space<hbm>>
    tpu.wait_dma2 semaphore(%arg14 : memref<!tpu.dma_semaphore, #tpu.memory_space<semaphore_mem>>) src(%dma_wait3A_32 : memref<10000xi32, #tpu.memory_space<hbm>>) dst(%arg8 : memref<10000xi32, #tpu.memory_space<vmem>>)
    %dma_start3A_33 = arith.constant 0 : i32
    %dma_start3A_34 = tpu.memref_slice %arg8[%dma_start3A_33] : memref<10000xi32, #tpu.memory_space<vmem>> -> memref<80xi32, #tpu.memory_space<vmem>>
    %dma_start3A_35 = arith.constant 0 : i32
    %dma_start3A_36 = arith.constant 0 : i32
    %dma_start3A_37 = tpu.memref_slice %arg3[%dma_start3A_35, %dma_start3A_36] : memref<10000x128xf32, #tpu.memory_space<hbm>> -> memref<10000x128xf32, #tpu.memory_space<hbm>>
    tpu.enqueue_indirect_dma source(%dma_start3A_37 : memref<10000x128xf32, #tpu.memory_space<hbm>>) target(%arg9 : memref<80x128xf32, #tpu.memory_space<vmem>>) offsets(%dma_start3A_34 : memref<80xi32, #tpu.memory_space<vmem>>) semaphore(%arg12 : memref<!tpu.dma_semaphore, #tpu.memory_space<semaphore_mem>>)
    %barrier3A = arith.constant 0 : index
    tpu.barrier barrier_id(%barrier3A)
    %scan3A = arith.constant 0 : i32
    %scan3A_38 = arith.constant 0 : i32
    %scan3A_39 = arith.constant 62 : i32
    %scan3A_40 = arith.addi %scan3A_38, %scan3A_39 : i32
    %scan3A_41 = arith.constant 1 : i32
    %scan3A_42 = scf.for %scan3A_50 = %scan3A_38 to %scan3A_40 step %scan3A_41 iter_args(%scan3A_51 = %scan3A) -> (i32)  : i32 {
      %mul3A_52 = arith.constant 2 : i32
      %mul3A_53 = arith.muli %mul3A_52, %scan3A_50 : i32
      %add3A_54 = arith.constant 1 : i32
      %add3A_55 = arith.addi %mul3A_53, %add3A_54 : i32
      %mul3A_56 = arith.constant 80 : i32
      %mul3A_57 = arith.muli %add3A_55, %mul3A_56 : i32
      %dma_start3A_58 = tpu.memref_slice %arg8[%mul3A_57] : memref<10000xi32, #tpu.memory_space<vmem>> -> memref<80xi32, #tpu.memory_space<vmem>>
      %dma_start3A_59 = arith.constant 0 : i32
      %dma_start3A_60 = arith.constant 0 : i32
      %dma_start3A_61 = tpu.memref_slice %arg3[%dma_start3A_59, %dma_start3A_60] : memref<10000x128xf32, #tpu.memory_space<hbm>> -> memref<10000x128xf32, #tpu.memory_space<hbm>>
      tpu.enqueue_indirect_dma source(%dma_start3A_61 : memref<10000x128xf32, #tpu.memory_space<hbm>>) target(%arg10 : memref<80x128xf32, #tpu.memory_space<vmem>>) offsets(%dma_start3A_58 : memref<80xi32, #tpu.memory_space<vmem>>) semaphore(%arg13 : memref<!tpu.dma_semaphore, #tpu.memory_space<semaphore_mem>>)
      %mul3A_62 = arith.constant 80 : i32
      %mul3A_63 = arith.muli %mul3A_53, %mul3A_62 : i32
      %dma_wait3A_64 = tpu.memref_slice %arg8[%mul3A_63] : memref<10000xi32, #tpu.memory_space<vmem>> -> memref<80xi32, #tpu.memory_space<vmem>>
      %dma_wait3A_65 = arith.constant 0 : i32
      %dma_wait3A_66 = arith.constant 0 : i32
      %dma_wait3A_67 = tpu.memref_slice %arg3[%dma_wait3A_65, %dma_wait3A_66] : memref<10000x128xf32, #tpu.memory_space<hbm>> -> memref<10000x128xf32, #tpu.memory_space<hbm>>
      tpu.wait_indirect_dma semaphore(%arg12 : memref<!tpu.dma_semaphore, #tpu.memory_space<semaphore_mem>>) src(%dma_wait3A_67 : memref<10000x128xf32, #tpu.memory_space<hbm>>) dst(%arg9 : memref<80x128xf32, #tpu.memory_space<vmem>>)
      "tpu.region"() ({
        %run_scoped3A_83 = tpu.sem_alloc : memref<!tpu.dma_semaphore, #tpu.memory_space<semaphore_mem>>
        %dma_start3A_84 = arith.constant 0 : i32
        %dma_start3A_85 = tpu.memref_slice %arg7[%mul3A_53, %dma_start3A_84] : memref<125x80xi32, #tpu.memory_space<vmem>> -> memref<1x80xi32, #tpu.memory_space<vmem>>
        %dma_start3A_86 = tpu.memref_squeeze %dma_start3A_85 : memref<1x80xi32, #tpu.memory_space<vmem>> -> memref<80xi32, #tpu.memory_space<vmem>>
        %dma_start3A_87 = arith.constant 0 : i32
        %dma_start3A_88 = arith.constant 0 : i32
        %dma_start3A_89 = tpu.memref_slice %arg11[%dma_start3A_87, %dma_start3A_88] : memref<10112x128xf32, #tpu.memory_space<vmem_shared>> -> memref<10112x128xf32, #tpu.memory_space<vmem_shared>>
        tpu.enqueue_indirect_dma source(%arg9 : memref<80x128xf32, #tpu.memory_space<vmem>>) target(%dma_start3A_89 : memref<10112x128xf32, #tpu.memory_space<vmem_shared>>) offsets(%dma_start3A_86 : memref<80xi32, #tpu.memory_space<vmem>>) semaphore(%run_scoped3A_83 : memref<!tpu.dma_semaphore, #tpu.memory_space<semaphore_mem>>) {add = true}
        %dma_wait3A_90 = arith.constant 0 : i32
        %dma_wait3A_91 = tpu.memref_slice %arg7[%mul3A_53, %dma_wait3A_90] : memref<125x80xi32, #tpu.memory_space<vmem>> -> memref<1x80xi32, #tpu.memory_space<vmem>>
        %dma_wait3A_92 = tpu.memref_squeeze %dma_wait3A_91 : memref<1x80xi32, #tpu.memory_space<vmem>> -> memref<80xi32, #tpu.memory_space<vmem>>
        %dma_wait3A_93 = arith.constant 0 : i32
        %dma_wait3A_94 = arith.constant 0 : i32
        %dma_wait3A_95 = tpu.memref_slice %arg11[%dma_wait3A_93, %dma_wait3A_94] : memref<10112x128xf32, #tpu.memory_space<vmem_shared>> -> memref<10112x128xf32, #tpu.memory_space<vmem_shared>>
        tpu.wait_indirect_dma semaphore(%run_scoped3A_83 : memref<!tpu.dma_semaphore, #tpu.memory_space<semaphore_mem>>) src(%arg9 : memref<80x128xf32, #tpu.memory_space<vmem>>) dst(%dma_wait3A_95 : memref<10112x128xf32, #tpu.memory_space<vmem_shared>>)
        tpu.yield
      }) : () -> ()
      %add3A_68 = arith.constant 1 : i32
      %add3A_69 = arith.addi %add3A_55, %add3A_68 : i32
      %mul3A_70 = arith.constant 80 : i32
      %mul3A_71 = arith.muli %add3A_69, %mul3A_70 : i32
      %dma_start3A_72 = tpu.memref_slice %arg8[%mul3A_71] : memref<10000xi32, #tpu.memory_space<vmem>> -> memref<80xi32, #tpu.memory_space<vmem>>
      %dma_start3A_73 = arith.constant 0 : i32
      %dma_start3A_74 = arith.constant 0 : i32
      %dma_start3A_75 = tpu.memref_slice %arg3[%dma_start3A_73, %dma_start3A_74] : memref<10000x128xf32, #tpu.memory_space<hbm>> -> memref<10000x128xf32, #tpu.memory_space<hbm>>
      tpu.enqueue_indirect_dma source(%dma_start3A_75 : memref<10000x128xf32, #tpu.memory_space<hbm>>) target(%arg9 : memref<80x128xf32, #tpu.memory_space<vmem>>) offsets(%dma_start3A_72 : memref<80xi32, #tpu.memory_space<vmem>>) semaphore(%arg12 : memref<!tpu.dma_semaphore, #tpu.memory_space<semaphore_mem>>)
      %mul3A_76 = arith.constant 80 : i32
      %mul3A_77 = arith.muli %add3A_55, %mul3A_76 : i32
      %dma_wait3A_78 = tpu.memref_slice %arg8[%mul3A_77] : memref<10000xi32, #tpu.memory_space<vmem>> -> memref<80xi32, #tpu.memory_space<vmem>>
      %dma_wait3A_79 = arith.constant 0 : i32
      %dma_wait3A_80 = arith.constant 0 : i32
      %dma_wait3A_81 = tpu.memref_slice %arg3[%dma_wait3A_79, %dma_wait3A_80] : memref<10000x128xf32, #tpu.memory_space<hbm>> -> memref<10000x128xf32, #tpu.memory_space<hbm>>
      tpu.wait_indirect_dma semaphore(%arg13 : memref<!tpu.dma_semaphore, #tpu.memory_space<semaphore_mem>>) src(%dma_wait3A_81 : memref<10000x128xf32, #tpu.memory_space<hbm>>) dst(%arg10 : memref<80x128xf32, #tpu.memory_space<vmem>>)
      "tpu.region"() ({
        %run_scoped3A_83 = tpu.sem_alloc : memref<!tpu.dma_semaphore, #tpu.memory_space<semaphore_mem>>
        %dma_start3A_84 = arith.constant 0 : i32
        %dma_start3A_85 = tpu.memref_slice %arg7[%add3A_55, %dma_start3A_84] : memref<125x80xi32, #tpu.memory_space<vmem>> -> memref<1x80xi32, #tpu.memory_space<vmem>>
        %dma_start3A_86 = tpu.memref_squeeze %dma_start3A_85 : memref<1x80xi32, #tpu.memory_space<vmem>> -> memref<80xi32, #tpu.memory_space<vmem>>
        %dma_start3A_87 = arith.constant 0 : i32
        %dma_start3A_88 = arith.constant 0 : i32
        %dma_start3A_89 = tpu.memref_slice %arg11[%dma_start3A_87, %dma_start3A_88] : memref<10112x128xf32, #tpu.memory_space<vmem_shared>> -> memref<10112x128xf32, #tpu.memory_space<vmem_shared>>
        tpu.enqueue_indirect_dma source(%arg10 : memref<80x128xf32, #tpu.memory_space<vmem>>) target(%dma_start3A_89 : memref<10112x128xf32, #tpu.memory_space<vmem_shared>>) offsets(%dma_start3A_86 : memref<80xi32, #tpu.memory_space<vmem>>) semaphore(%run_scoped3A_83 : memref<!tpu.dma_semaphore, #tpu.memory_space<semaphore_mem>>) {add = true}
        %dma_wait3A_90 = arith.constant 0 : i32
        %dma_wait3A_91 = tpu.memref_slice %arg7[%add3A_55, %dma_wait3A_90] : memref<125x80xi32, #tpu.memory_space<vmem>> -> memref<1x80xi32, #tpu.memory_space<vmem>>
        %dma_wait3A_92 = tpu.memref_squeeze %dma_wait3A_91 : memref<1x80xi32, #tpu.memory_space<vmem>> -> memref<80xi32, #tpu.memory_space<vmem>>
        %dma_wait3A_93 = arith.constant 0 : i32
        %dma_wait3A_94 = arith.constant 0 : i32
        %dma_wait3A_95 = tpu.memref_slice %arg11[%dma_wait3A_93, %dma_wait3A_94] : memref<10112x128xf32, #tpu.memory_space<vmem_shared>> -> memref<10112x128xf32, #tpu.memory_space<vmem_shared>>
        tpu.wait_indirect_dma semaphore(%run_scoped3A_83 : memref<!tpu.dma_semaphore, #tpu.memory_space<semaphore_mem>>) src(%arg10 : memref<80x128xf32, #tpu.memory_space<vmem>>) dst(%dma_wait3A_95 : memref<10112x128xf32, #tpu.memory_space<vmem_shared>>)
        tpu.yield
      }) : () -> ()
      %scan3A_82 = arith.constant 0 : i32
      scf.yield %scan3A_82 : i32
    }
    %scan3A_43 = arith.constant 62 : i32
    %dma_wait3A_44 = arith.constant 9920 : i32
    %dma_wait3A_45 = tpu.memref_slice %arg8[%dma_wait3A_44] : memref<10000xi32, #tpu.memory_space<vmem>> -> memref<80xi32, #tpu.memory_space<vmem>>
    %dma_wait3A_46 = arith.constant 0 : i32
    %dma_wait3A_47 = arith.constant 0 : i32
    %dma_wait3A_48 = tpu.memref_slice %arg3[%dma_wait3A_46, %dma_wait3A_47] : memref<10000x128xf32, #tpu.memory_space<hbm>> -> memref<10000x128xf32, #tpu.memory_space<hbm>>
    tpu.wait_indirect_dma semaphore(%arg12 : memref<!tpu.dma_semaphore, #tpu.memory_space<semaphore_mem>>) src(%dma_wait3A_48 : memref<10000x128xf32, #tpu.memory_space<hbm>>) dst(%arg9 : memref<80x128xf32, #tpu.memory_space<vmem>>)
    %run_scoped3A = arith.constant 124 : i32
    "tpu.region"() ({
      %run_scoped3A_50 = tpu.sem_alloc : memref<!tpu.dma_semaphore, #tpu.memory_space<semaphore_mem>>
      %dma_start3A_51 = arith.constant 0 : i32
      %dma_start3A_52 = tpu.memref_slice %arg7[%run_scoped3A, %dma_start3A_51] : memref<125x80xi32, #tpu.memory_space<vmem>> -> memref<1x80xi32, #tpu.memory_space<vmem>>
      %dma_start3A_53 = tpu.memref_squeeze %dma_start3A_52 : memref<1x80xi32, #tpu.memory_space<vmem>> -> memref<80xi32, #tpu.memory_space<vmem>>
      %dma_start3A_54 = arith.constant 0 : i32
      %dma_start3A_55 = arith.constant 0 : i32
      %dma_start3A_56 = tpu.memref_slice %arg11[%dma_start3A_54, %dma_start3A_55] : memref<10112x128xf32, #tpu.memory_space<vmem_shared>> -> memref<10112x128xf32, #tpu.memory_space<vmem_shared>>
      tpu.enqueue_indirect_dma source(%arg9 : memref<80x128xf32, #tpu.memory_space<vmem>>) target(%dma_start3A_56 : memref<10112x128xf32, #tpu.memory_space<vmem_shared>>) offsets(%dma_start3A_53 : memref<80xi32, #tpu.memory_space<vmem>>) semaphore(%run_scoped3A_50 : memref<!tpu.dma_semaphore, #tpu.memory_space<semaphore_mem>>) {add = true}
      %dma_wait3A_57 = arith.constant 0 : i32
      %dma_wait3A_58 = tpu.memref_slice %arg7[%run_scoped3A, %dma_wait3A_57] : memref<125x80xi32, #tpu.memory_space<vmem>> -> memref<1x80xi32, #tpu.memory_space<vmem>>
      %dma_wait3A_59 = tpu.memref_squeeze %dma_wait3A_58 : memref<1x80xi32, #tpu.memory_space<vmem>> -> memref<80xi32, #tpu.memory_space<vmem>>
      %dma_wait3A_60 = arith.constant 0 : i32
      %dma_wait3A_61 = arith.constant 0 : i32
      %dma_wait3A_62 = tpu.memref_slice %arg11[%dma_wait3A_60, %dma_wait3A_61] : memref<10112x128xf32, #tpu.memory_space<vmem_shared>> -> memref<10112x128xf32, #tpu.memory_space<vmem_shared>>
      tpu.wait_indirect_dma semaphore(%run_scoped3A_50 : memref<!tpu.dma_semaphore, #tpu.memory_space<semaphore_mem>>) src(%arg9 : memref<80x128xf32, #tpu.memory_space<vmem>>) dst(%dma_wait3A_62 : memref<10112x128xf32, #tpu.memory_space<vmem_shared>>)
      tpu.yield
    }) : () -> ()
    %barrier3A_49 = arith.constant 0 : index
    tpu.barrier barrier_id(%barrier3A_49)
    "tpu.region"() ({
      %run_scoped3A_50 = tpu.sem_alloc : memref<!tpu.dma_semaphore, #tpu.memory_space<semaphore_mem>>
      %dma_start3A_51 = arith.constant 0 : i32
      %dma_start3A_52 = tpu.memref_slice %arg6[%arg0, %mul3A_2, %dma_start3A_51] : memref<2x10112x128xf32, #tpu.memory_space<hbm>> -> memref<1x632x128xf32, #tpu.memory_space<hbm>>
      %dma_start3A_53 = tpu.memref_squeeze %dma_start3A_52 : memref<1x632x128xf32, #tpu.memory_space<hbm>> -> memref<632x128xf32, #tpu.memory_space<hbm>>
      %dma_start3A_54 = arith.constant 0 : i32
      %dma_start3A_55 = tpu.memref_slice %arg11[%mul3A_2, %dma_start3A_54] : memref<10112x128xf32, #tpu.memory_space<vmem_shared>> -> memref<632x128xf32, #tpu.memory_space<vmem_shared>>
      tpu.enqueue_dma source(%dma_start3A_55 : memref<632x128xf32, #tpu.memory_space<vmem_shared>>) target(%dma_start3A_53 : memref<632x128xf32, #tpu.memory_space<hbm>>) target_semaphore(%run_scoped3A_50 : memref<!tpu.dma_semaphore, #tpu.memory_space<semaphore_mem>>)
      %dma_wait3A_56 = arith.constant 0 : i32
      %dma_wait3A_57 = tpu.memref_slice %arg6[%arg0, %mul3A_2, %dma_wait3A_56] : memref<2x10112x128xf32, #tpu.memory_space<hbm>> -> memref<1x632x128xf32, #tpu.memory_space<hbm>>
      %dma_wait3A_58 = tpu.memref_squeeze %dma_wait3A_57 : memref<1x632x128xf32, #tpu.memory_space<hbm>> -> memref<632x128xf32, #tpu.memory_space<hbm>>
      %dma_wait3A_59 = arith.constant 0 : i32
      %dma_wait3A_60 = tpu.memref_slice %arg11[%mul3A_2, %dma_wait3A_59] : memref<10112x128xf32, #tpu.memory_space<vmem_shared>> -> memref<632x128xf32, #tpu.memory_space<vmem_shared>>
      tpu.wait_dma2 semaphore(%run_scoped3A_50 : memref<!tpu.dma_semaphore, #tpu.memory_space<semaphore_mem>>) src(%dma_wait3A_60 : memref<632x128xf32, #tpu.memory_space<vmem_shared>>) dst(%dma_wait3A_58 : memref<632x128xf32, #tpu.memory_space<hbm>>)
      tpu.yield
    }) : () -> ()
    return
  }
}

#map = affine_map<(d0, d1) -> (0, 0)>
#map1 = affine_map<(d0, d1) -> (0, 0, 0)>
module attributes {stable_mosaic.version = 14 : i64} {
  func.func @k(%arg0: i32, %arg1: i32, %arg2: memref<632x128xf32, #tpu.memory_space<hbm>>, %arg3: memref<10000x128xf32, #tpu.memory_space<hbm>>, %arg4: memref<32x125x80xi32, #tpu.memory_space<hbm>>, %arg5: memref<32x10000xi32, #tpu.memory_space<hbm>>, %arg6: memref<2x10112x128xf32, #tpu.memory_space<hbm>>, %arg7: memref<125x80xi32, #tpu.memory_space<vmem>>, %arg8: memref<10000xi32, #tpu.memory_space<vmem>>, %arg9: memref<80x128xf32, #tpu.memory_space<vmem>>, %arg10: memref<80x128xf32, #tpu.memory_space<vmem>>, %arg11: memref<10112x128xf32, #tpu.memory_space<vmem_shared>>, %arg12: memref<!tpu.dma_semaphore, #tpu.memory_space<semaphore_mem>>, %arg13: memref<!tpu.dma_semaphore, #tpu.memory_space<semaphore_mem>>, %arg14: memref<!tpu.dma_semaphore, #tpu.memory_space<semaphore_mem>>) attributes {dimension_semantics = [#tpu.dimension_semantics<core_parallel>, #tpu.dimension_semantics<subcore_parallel>], iteration_bounds = array<i64: 2, 16>, scalar_prefetch = 0 : i64, scratch_operands = 8 : i64, tpu.core_type = #tpu.core_type<sc_vector_subcore>, window_params = [{transform_indices = #map}, {transform_indices = #map}, {transform_indices = #map1}, {transform_indices = #map}, {transform_indices = #map1}]} {
    %mul3A = arith.constant 2 : i32
    %mul3A_0 = arith.muli %arg1, %mul3A : i32
    %add3A = arith.addi %mul3A_0, %arg0 : i32
    %mul3A_1 = arith.constant 632 : i32
    %mul3A_2 = arith.muli %arg1, %mul3A_1 : i32
    %dma_start3A = arith.constant 0 : i32
    %dma_start3A_3 = tpu.memref_slice %arg11[%mul3A_2, %dma_start3A] : memref<10112x128xf32, #tpu.memory_space<vmem_shared>> -> memref<632x128xf32, #tpu.memory_space<vmem_shared>>
    tpu.enqueue_dma source(%arg2 : memref<632x128xf32, #tpu.memory_space<hbm>>) target(%dma_start3A_3 : memref<632x128xf32, #tpu.memory_space<vmem_shared>>) target_semaphore(%arg14 : memref<!tpu.dma_semaphore, #tpu.memory_space<semaphore_mem>>)
    %dma_start3A_4 = arith.constant 0 : i32
    %dma_start3A_5 = arith.constant 0 : i32
    %dma_start3A_6 = tpu.memref_slice %arg4[%add3A, %dma_start3A_4, %dma_start3A_5] : memref<32x125x80xi32, #tpu.memory_space<hbm>> -> memref<1x125x80xi32, #tpu.memory_space<hbm>>
    %dma_start3A_7 = tpu.memref_squeeze %dma_start3A_6 : memref<1x125x80xi32, #tpu.memory_space<hbm>> -> memref<125x80xi32, #tpu.memory_space<hbm>>
    %dma_start3A_8 = arith.constant 0 : i32
    %dma_start3A_9 = arith.constant 0 : i32
    %dma_start3A_10 = tpu.memref_slice %arg4[%add3A, %dma_start3A_8, %dma_start3A_9] : memref<32x125x80xi32, #tpu.memory_space<hbm>> -> memref<1x125x80xi32, #tpu.memory_space<hbm>>
    %dma_start3A_11 = tpu.memref_squeeze %dma_start3A_10 : memref<1x125x80xi32, #tpu.memory_space<hbm>> -> memref<125x80xi32, #tpu.memory_space<hbm>>
    tpu.enqueue_dma source(%dma_start3A_11 : memref<125x80xi32, #tpu.memory_space<hbm>>) target(%arg7 : memref<125x80xi32, #tpu.memory_space<vmem>>) target_semaphore(%arg14 : memref<!tpu.dma_semaphore, #tpu.memory_space<semaphore_mem>>)
    %dma_start3A_12 = arith.constant 0 : i32
    %dma_start3A_13 = tpu.memref_slice %arg5[%add3A, %dma_start3A_12] : memref<32x10000xi32, #tpu.memory_space<hbm>> -> memref<1x10000xi32, #tpu.memory_space<hbm>>
    %dma_start3A_14 = tpu.memref_squeeze %dma_start3A_13 : memref<1x10000xi32, #tpu.memory_space<hbm>> -> memref<10000xi32, #tpu.memory_space<hbm>>
    %dma_start3A_15 = arith.constant 0 : i32
    %dma_start3A_16 = tpu.memref_slice %arg5[%add3A, %dma_start3A_15] : memref<32x10000xi32, #tpu.memory_space<hbm>> -> memref<1x10000xi32, #tpu.memory_space<hbm>>
    %dma_start3A_17 = tpu.memref_squeeze %dma_start3A_16 : memref<1x10000xi32, #tpu.memory_space<hbm>> -> memref<10000xi32, #tpu.memory_space<hbm>>
    tpu.enqueue_dma source(%dma_start3A_17 : memref<10000xi32, #tpu.memory_space<hbm>>) target(%arg8 : memref<10000xi32, #tpu.memory_space<vmem>>) target_semaphore(%arg14 : memref<!tpu.dma_semaphore, #tpu.memory_space<semaphore_mem>>)
    %dma_wait3A = arith.constant 0 : i32
    %dma_wait3A_18 = tpu.memref_slice %arg11[%mul3A_2, %dma_wait3A] : memref<10112x128xf32, #tpu.memory_space<vmem_shared>> -> memref<632x128xf32, #tpu.memory_space<vmem_shared>>
    tpu.wait_dma2 semaphore(%arg14 : memref<!tpu.dma_semaphore, #tpu.memory_space<semaphore_mem>>) src(%arg2 : memref<632x128xf32, #tpu.memory_space<hbm>>) dst(%dma_wait3A_18 : memref<632x128xf32, #tpu.memory_space<vmem_shared>>)
    %dma_wait3A_19 = arith.constant 0 : i32
    %dma_wait3A_20 = arith.constant 0 : i32
    %dma_wait3A_21 = tpu.memref_slice %arg4[%add3A, %dma_wait3A_19, %dma_wait3A_20] : memref<32x125x80xi32, #tpu.memory_space<hbm>> -> memref<1x125x80xi32, #tpu.memory_space<hbm>>
    %dma_wait3A_22 = tpu.memref_squeeze %dma_wait3A_21 : memref<1x125x80xi32, #tpu.memory_space<hbm>> -> memref<125x80xi32, #tpu.memory_space<hbm>>
    %dma_wait3A_23 = arith.constant 0 : i32
    %dma_wait3A_24 = arith.constant 0 : i32
    %dma_wait3A_25 = tpu.memref_slice %arg4[%add3A, %dma_wait3A_23, %dma_wait3A_24] : memref<32x125x80xi32, #tpu.memory_space<hbm>> -> memref<1x125x80xi32, #tpu.memory_space<hbm>>
    %dma_wait3A_26 = tpu.memref_squeeze %dma_wait3A_25 : memref<1x125x80xi32, #tpu.memory_space<hbm>> -> memref<125x80xi32, #tpu.memory_space<hbm>>
    tpu.wait_dma2 semaphore(%arg14 : memref<!tpu.dma_semaphore, #tpu.memory_space<semaphore_mem>>) src(%dma_wait3A_26 : memref<125x80xi32, #tpu.memory_space<hbm>>) dst(%arg7 : memref<125x80xi32, #tpu.memory_space<vmem>>)
    %dma_wait3A_27 = arith.constant 0 : i32
    %dma_wait3A_28 = tpu.memref_slice %arg5[%add3A, %dma_wait3A_27] : memref<32x10000xi32, #tpu.memory_space<hbm>> -> memref<1x10000xi32, #tpu.memory_space<hbm>>
    %dma_wait3A_29 = tpu.memref_squeeze %dma_wait3A_28 : memref<1x10000xi32, #tpu.memory_space<hbm>> -> memref<10000xi32, #tpu.memory_space<hbm>>
    %dma_wait3A_30 = arith.constant 0 : i32
    %dma_wait3A_31 = tpu.memref_slice %arg5[%add3A, %dma_wait3A_30] : memref<32x10000xi32, #tpu.memory_space<hbm>> -> memref<1x10000xi32, #tpu.memory_space<hbm>>
    %dma_wait3A_32 = tpu.memref_squeeze %dma_wait3A_31 : memref<1x10000xi32, #tpu.memory_space<hbm>> -> memref<10000xi32, #tpu.memory_space<hbm>>
    tpu.wait_dma2 semaphore(%arg14 : memref<!tpu.dma_semaphore, #tpu.memory_space<semaphore_mem>>) src(%dma_wait3A_32 : memref<10000xi32, #tpu.memory_space<hbm>>) dst(%arg8 : memref<10000xi32, #tpu.memory_space<vmem>>)
    %dma_start3A_33 = arith.constant 0 : i32
    %dma_start3A_34 = tpu.memref_slice %arg8[%dma_start3A_33] : memref<10000xi32, #tpu.memory_space<vmem>> -> memref<80xi32, #tpu.memory_space<vmem>>
    %dma_start3A_35 = arith.constant 0 : i32
    %dma_start3A_36 = arith.constant 0 : i32
    %dma_start3A_37 = tpu.memref_slice %arg3[%dma_start3A_35, %dma_start3A_36] : memref<10000x128xf32, #tpu.memory_space<hbm>> -> memref<10000x128xf32, #tpu.memory_space<hbm>>
    tpu.enqueue_indirect_dma source(%dma_start3A_37 : memref<10000x128xf32, #tpu.memory_space<hbm>>) target(%arg9 : memref<80x128xf32, #tpu.memory_space<vmem>>) offsets(%dma_start3A_34 : memref<80xi32, #tpu.memory_space<vmem>>) semaphore(%arg12 : memref<!tpu.dma_semaphore, #tpu.memory_space<semaphore_mem>>)
    %barrier3A = arith.constant 0 : index
    tpu.barrier barrier_id(%barrier3A)
    %scan3A = arith.constant 0 : i32
    %scan3A_38 = arith.constant 0 : i32
    %scan3A_39 = arith.constant 62 : i32
    %scan3A_40 = arith.addi %scan3A_38, %scan3A_39 : i32
    %scan3A_41 = arith.constant 1 : i32
    %scan3A_42 = scf.for %scan3A_50 = %scan3A_38 to %scan3A_40 step %scan3A_41 iter_args(%scan3A_51 = %scan3A) -> (i32)  : i32 {
      %mul3A_52 = arith.constant 2 : i32
      %mul3A_53 = arith.muli %mul3A_52, %scan3A_50 : i32
      %add3A_54 = arith.constant 1 : i32
      %add3A_55 = arith.addi %mul3A_53, %add3A_54 : i32
      %mul3A_56 = arith.constant 80 : i32
      %mul3A_57 = arith.muli %add3A_55, %mul3A_56 : i32
      %dma_start3A_58 = tpu.memref_slice %arg8[%mul3A_57] : memref<10000xi32, #tpu.memory_space<vmem>> -> memref<80xi32, #tpu.memory_space<vmem>>
      %dma_start3A_59 = arith.constant 0 : i32
      %dma_start3A_60 = arith.constant 0 : i32
      %dma_start3A_61 = tpu.memref_slice %arg3[%dma_start3A_59, %dma_start3A_60] : memref<10000x128xf32, #tpu.memory_space<hbm>> -> memref<10000x128xf32, #tpu.memory_space<hbm>>
      tpu.enqueue_indirect_dma source(%dma_start3A_61 : memref<10000x128xf32, #tpu.memory_space<hbm>>) target(%arg10 : memref<80x128xf32, #tpu.memory_space<vmem>>) offsets(%dma_start3A_58 : memref<80xi32, #tpu.memory_space<vmem>>) semaphore(%arg13 : memref<!tpu.dma_semaphore, #tpu.memory_space<semaphore_mem>>)
      %mul3A_62 = arith.constant 80 : i32
      %mul3A_63 = arith.muli %mul3A_53, %mul3A_62 : i32
      %dma_wait3A_64 = tpu.memref_slice %arg8[%mul3A_63] : memref<10000xi32, #tpu.memory_space<vmem>> -> memref<80xi32, #tpu.memory_space<vmem>>
      %dma_wait3A_65 = arith.constant 0 : i32
      %dma_wait3A_66 = arith.constant 0 : i32
      %dma_wait3A_67 = tpu.memref_slice %arg3[%dma_wait3A_65, %dma_wait3A_66] : memref<10000x128xf32, #tpu.memory_space<hbm>> -> memref<10000x128xf32, #tpu.memory_space<hbm>>
      tpu.wait_indirect_dma semaphore(%arg12 : memref<!tpu.dma_semaphore, #tpu.memory_space<semaphore_mem>>) src(%dma_wait3A_67 : memref<10000x128xf32, #tpu.memory_space<hbm>>) dst(%arg9 : memref<80x128xf32, #tpu.memory_space<vmem>>)
      "tpu.region"() ({
        %run_scoped3A_83 = tpu.sem_alloc : memref<!tpu.dma_semaphore, #tpu.memory_space<semaphore_mem>>
        %dma_start3A_84 = arith.constant 0 : i32
        %dma_start3A_85 = tpu.memref_slice %arg7[%mul3A_53, %dma_start3A_84] : memref<125x80xi32, #tpu.memory_space<vmem>> -> memref<1x80xi32, #tpu.memory_space<vmem>>
        %dma_start3A_86 = tpu.memref_squeeze %dma_start3A_85 : memref<1x80xi32, #tpu.memory_space<vmem>> -> memref<80xi32, #tpu.memory_space<vmem>>
        %dma_start3A_87 = arith.constant 0 : i32
        %dma_start3A_88 = arith.constant 0 : i32
        %dma_start3A_89 = tpu.memref_slice %arg11[%dma_start3A_87, %dma_start3A_88] : memref<10112x128xf32, #tpu.memory_space<vmem_shared>> -> memref<10112x128xf32, #tpu.memory_space<vmem_shared>>
        tpu.enqueue_indirect_dma source(%arg9 : memref<80x128xf32, #tpu.memory_space<vmem>>) target(%dma_start3A_89 : memref<10112x128xf32, #tpu.memory_space<vmem_shared>>) offsets(%dma_start3A_86 : memref<80xi32, #tpu.memory_space<vmem>>) semaphore(%run_scoped3A_83 : memref<!tpu.dma_semaphore, #tpu.memory_space<semaphore_mem>>) {add = true}
        %dma_wait3A_90 = arith.constant 0 : i32
        %dma_wait3A_91 = tpu.memref_slice %arg7[%mul3A_53, %dma_wait3A_90] : memref<125x80xi32, #tpu.memory_space<vmem>> -> memref<1x80xi32, #tpu.memory_space<vmem>>
        %dma_wait3A_92 = tpu.memref_squeeze %dma_wait3A_91 : memref<1x80xi32, #tpu.memory_space<vmem>> -> memref<80xi32, #tpu.memory_space<vmem>>
        %dma_wait3A_93 = arith.constant 0 : i32
        %dma_wait3A_94 = arith.constant 0 : i32
        %dma_wait3A_95 = tpu.memref_slice %arg11[%dma_wait3A_93, %dma_wait3A_94] : memref<10112x128xf32, #tpu.memory_space<vmem_shared>> -> memref<10112x128xf32, #tpu.memory_space<vmem_shared>>
        tpu.wait_indirect_dma semaphore(%run_scoped3A_83 : memref<!tpu.dma_semaphore, #tpu.memory_space<semaphore_mem>>) src(%arg9 : memref<80x128xf32, #tpu.memory_space<vmem>>) dst(%dma_wait3A_95 : memref<10112x128xf32, #tpu.memory_space<vmem_shared>>)
        tpu.yield
      }) : () -> ()
      %add3A_68 = arith.constant 1 : i32
      %add3A_69 = arith.addi %add3A_55, %add3A_68 : i32
      %mul3A_70 = arith.constant 80 : i32
      %mul3A_71 = arith.muli %add3A_69, %mul3A_70 : i32
      %dma_start3A_72 = tpu.memref_slice %arg8[%mul3A_71] : memref<10000xi32, #tpu.memory_space<vmem>> -> memref<80xi32, #tpu.memory_space<vmem>>
      %dma_start3A_73 = arith.constant 0 : i32
      %dma_start3A_74 = arith.constant 0 : i32
      %dma_start3A_75 = tpu.memref_slice %arg3[%dma_start3A_73, %dma_start3A_74] : memref<10000x128xf32, #tpu.memory_space<hbm>> -> memref<10000x128xf32, #tpu.memory_space<hbm>>
      tpu.enqueue_indirect_dma source(%dma_start3A_75 : memref<10000x128xf32, #tpu.memory_space<hbm>>) target(%arg9 : memref<80x128xf32, #tpu.memory_space<vmem>>) offsets(%dma_start3A_72 : memref<80xi32, #tpu.memory_space<vmem>>) semaphore(%arg12 : memref<!tpu.dma_semaphore, #tpu.memory_space<semaphore_mem>>)
      %mul3A_76 = arith.constant 80 : i32
      %mul3A_77 = arith.muli %add3A_55, %mul3A_76 : i32
      %dma_wait3A_78 = tpu.memref_slice %arg8[%mul3A_77] : memref<10000xi32, #tpu.memory_space<vmem>> -> memref<80xi32, #tpu.memory_space<vmem>>
      %dma_wait3A_79 = arith.constant 0 : i32
      %dma_wait3A_80 = arith.constant 0 : i32
      %dma_wait3A_81 = tpu.memref_slice %arg3[%dma_wait3A_79, %dma_wait3A_80] : memref<10000x128xf32, #tpu.memory_space<hbm>> -> memref<10000x128xf32, #tpu.memory_space<hbm>>
      tpu.wait_indirect_dma semaphore(%arg13 : memref<!tpu.dma_semaphore, #tpu.memory_space<semaphore_mem>>) src(%dma_wait3A_81 : memref<10000x128xf32, #tpu.memory_space<hbm>>) dst(%arg10 : memref<80x128xf32, #tpu.memory_space<vmem>>)
      "tpu.region"() ({
        %run_scoped3A_83 = tpu.sem_alloc : memref<!tpu.dma_semaphore, #tpu.memory_space<semaphore_mem>>
        %dma_start3A_84 = arith.constant 0 : i32
        %dma_start3A_85 = tpu.memref_slice %arg7[%add3A_55, %dma_start3A_84] : memref<125x80xi32, #tpu.memory_space<vmem>> -> memref<1x80xi32, #tpu.memory_space<vmem>>
        %dma_start3A_86 = tpu.memref_squeeze %dma_start3A_85 : memref<1x80xi32, #tpu.memory_space<vmem>> -> memref<80xi32, #tpu.memory_space<vmem>>
        %dma_start3A_87 = arith.constant 0 : i32
        %dma_start3A_88 = arith.constant 0 : i32
        %dma_start3A_89 = tpu.memref_slice %arg11[%dma_start3A_87, %dma_start3A_88] : memref<10112x128xf32, #tpu.memory_space<vmem_shared>> -> memref<10112x128xf32, #tpu.memory_space<vmem_shared>>
        tpu.enqueue_indirect_dma source(%arg10 : memref<80x128xf32, #tpu.memory_space<vmem>>) target(%dma_start3A_89 : memref<10112x128xf32, #tpu.memory_space<vmem_shared>>) offsets(%dma_start3A_86 : memref<80xi32, #tpu.memory_space<vmem>>) semaphore(%run_scoped3A_83 : memref<!tpu.dma_semaphore, #tpu.memory_space<semaphore_mem>>) {add = true}
        %dma_wait3A_90 = arith.constant 0 : i32
        %dma_wait3A_91 = tpu.memref_slice %arg7[%add3A_55, %dma_wait3A_90] : memref<125x80xi32, #tpu.memory_space<vmem>> -> memref<1x80xi32, #tpu.memory_space<vmem>>
        %dma_wait3A_92 = tpu.memref_squeeze %dma_wait3A_91 : memref<1x80xi32, #tpu.memory_space<vmem>> -> memref<80xi32, #tpu.memory_space<vmem>>
        %dma_wait3A_93 = arith.constant 0 : i32
        %dma_wait3A_94 = arith.constant 0 : i32
        %dma_wait3A_95 = tpu.memref_slice %arg11[%dma_wait3A_93, %dma_wait3A_94] : memref<10112x128xf32, #tpu.memory_space<vmem_shared>> -> memref<10112x128xf32, #tpu.memory_space<vmem_shared>>
        tpu.wait_indirect_dma semaphore(%run_scoped3A_83 : memref<!tpu.dma_semaphore, #tpu.memory_space<semaphore_mem>>) src(%arg10 : memref<80x128xf32, #tpu.memory_space<vmem>>) dst(%dma_wait3A_95 : memref<10112x128xf32, #tpu.memory_space<vmem_shared>>)
        tpu.yield
      }) : () -> ()
      %scan3A_82 = arith.constant 0 : i32
      scf.yield %scan3A_82 : i32
    }
    %scan3A_43 = arith.constant 62 : i32
    %dma_wait3A_44 = arith.constant 9920 : i32
    %dma_wait3A_45 = tpu.memref_slice %arg8[%dma_wait3A_44] : memref<10000xi32, #tpu.memory_space<vmem>> -> memref<80xi32, #tpu.memory_space<vmem>>
    %dma_wait3A_46 = arith.constant 0 : i32
    %dma_wait3A_47 = arith.constant 0 : i32
    %dma_wait3A_48 = tpu.memref_slice %arg3[%dma_wait3A_46, %dma_wait3A_47] : memref<10000x128xf32, #tpu.memory_space<hbm>> -> memref<10000x128xf32, #tpu.memory_space<hbm>>
    tpu.wait_indirect_dma semaphore(%arg12 : memref<!tpu.dma_semaphore, #tpu.memory_space<semaphore_mem>>) src(%dma_wait3A_48 : memref<10000x128xf32, #tpu.memory_space<hbm>>) dst(%arg9 : memref<80x128xf32, #tpu.memory_space<vmem>>)
    %run_scoped3A = arith.constant 124 : i32
    "tpu.region"() ({
      %run_scoped3A_50 = tpu.sem_alloc : memref<!tpu.dma_semaphore, #tpu.memory_space<semaphore_mem>>
      %dma_start3A_51 = arith.constant 0 : i32
      %dma_start3A_52 = tpu.memref_slice %arg7[%run_scoped3A, %dma_start3A_51] : memref<125x80xi32, #tpu.memory_space<vmem>> -> memref<1x80xi32, #tpu.memory_space<vmem>>
      %dma_start3A_53 = tpu.memref_squeeze %dma_start3A_52 : memref<1x80xi32, #tpu.memory_space<vmem>> -> memref<80xi32, #tpu.memory_space<vmem>>
      %dma_start3A_54 = arith.constant 0 : i32
      %dma_start3A_55 = arith.constant 0 : i32
      %dma_start3A_56 = tpu.memref_slice %arg11[%dma_start3A_54, %dma_start3A_55] : memref<10112x128xf32, #tpu.memory_space<vmem_shared>> -> memref<10112x128xf32, #tpu.memory_space<vmem_shared>>
      tpu.enqueue_indirect_dma source(%arg9 : memref<80x128xf32, #tpu.memory_space<vmem>>) target(%dma_start3A_56 : memref<10112x128xf32, #tpu.memory_space<vmem_shared>>) offsets(%dma_start3A_53 : memref<80xi32, #tpu.memory_space<vmem>>) semaphore(%run_scoped3A_50 : memref<!tpu.dma_semaphore, #tpu.memory_space<semaphore_mem>>) {add = true}
      %dma_wait3A_57 = arith.constant 0 : i32
      %dma_wait3A_58 = tpu.memref_slice %arg7[%run_scoped3A, %dma_wait3A_57] : memref<125x80xi32, #tpu.memory_space<vmem>> -> memref<1x80xi32, #tpu.memory_space<vmem>>
      %dma_wait3A_59 = tpu.memref_squeeze %dma_wait3A_58 : memref<1x80xi32, #tpu.memory_space<vmem>> -> memref<80xi32, #tpu.memory_space<vmem>>
      %dma_wait3A_60 = arith.constant 0 : i32
      %dma_wait3A_61 = arith.constant 0 : i32
      %dma_wait3A_62 = tpu.memref_slice %arg11[%dma_wait3A_60, %dma_wait3A_61] : memref<10112x128xf32, #tpu.memory_space<vmem_shared>> -> memref<10112x128xf32, #tpu.memory_space<vmem_shared>>
      tpu.wait_indirect_dma semaphore(%run_scoped3A_50 : memref<!tpu.dma_semaphore, #tpu.memory_space<semaphore_mem>>) src(%arg9 : memref<80x128xf32, #tpu.memory_space<vmem>>) dst(%dma_wait3A_62 : memref<10112x128xf32, #tpu.memory_space<vmem_shared>>)
      tpu.yield
    }) : () -> ()
    %barrier3A_49 = arith.constant 0 : index
    tpu.barrier barrier_id(%barrier3A_49)
    "tpu.region"() ({
      %run_scoped3A_50 = tpu.sem_alloc : memref<!tpu.dma_semaphore, #tpu.memory_space<semaphore_mem>>
      %dma_start3A_51 = arith.constant 0 : i32
      %dma_start3A_52 = tpu.memref_slice %arg6[%arg0, %mul3A_2, %dma_start3A_51] : memref<2x10112x128xf32, #tpu.memory_space<hbm>> -> memref<1x632x128xf32, #tpu.memory_space<hbm>>
      %dma_start3A_53 = tpu.memref_squeeze %dma_start3A_52 : memref<1x632x128xf32, #tpu.memory_space<hbm>> -> memref<632x128xf32, #tpu.memory_space<hbm>>
      %dma_start3A_54 = arith.constant 0 : i32
      %dma_start3A_55 = tpu.memref_slice %arg11[%mul3A_2, %dma_start3A_54] : memref<10112x128xf32, #tpu.memory_space<vmem_shared>> -> memref<632x128xf32, #tpu.memory_space<vmem_shared>>
      tpu.enqueue_dma source(%dma_start3A_55 : memref<632x128xf32, #tpu.memory_space<vmem_shared>>) target(%dma_start3A_53 : memref<632x128xf32, #tpu.memory_space<hbm>>) target_semaphore(%run_scoped3A_50 : memref<!tpu.dma_semaphore, #tpu.memory_space<semaphore_mem>>)
      %dma_wait3A_56 = arith.constant 0 : i32
      %dma_wait3A_57 = tpu.memref_slice %arg6[%arg0, %mul3A_2, %dma_wait3A_56] : memref<2x10112x128xf32, #tpu.memory_space<hbm>> -> memref<1x632x128xf32, #tpu.memory_space<hbm>>
      %dma_wait3A_58 = tpu.memref_squeeze %dma_wait3A_57 : memref<1x632x128xf32, #tpu.memory_space<hbm>> -> memref<632x128xf32, #tpu.memory_space<hbm>>
      %dma_wait3A_59 = arith.constant 0 : i32
      %dma_wait3A_60 = tpu.memref_slice %arg11[%mul3A_2, %dma_wait3A_59] : memref<10112x128xf32, #tpu.memory_space<vmem_shared>> -> memref<632x128xf32, #tpu.memory_space<vmem_shared>>
      tpu.wait_dma2 semaphore(%run_scoped3A_50 : memref<!tpu.dma_semaphore, #tpu.memory_space<semaphore_mem>>) src(%dma_wait3A_60 : memref<632x128xf32, #tpu.memory_space<vmem_shared>>) dst(%dma_wait3A_58 : memref<632x128xf32, #tpu.memory_space<hbm>>)
      tpu.yield
    }) : () -> ()
    return
  }
}

#map = affine_map<(d0, d1) -> (0, 0)>
#map1 = affine_map<(d0, d1) -> (0, 0, 0)>
module attributes {stable_mosaic.version = 14 : i64} {
  func.func @k(%arg0: i32, %arg1: i32, %arg2: memref<632x128xf32, #tpu.memory_space<hbm>>, %arg3: memref<10000x128xf32, #tpu.memory_space<hbm>>, %arg4: memref<32x125x80xi32, #tpu.memory_space<hbm>>, %arg5: memref<32x10000xi32, #tpu.memory_space<hbm>>, %arg6: memref<2x10112x128xf32, #tpu.memory_space<hbm>>, %arg7: memref<125x80xi32, #tpu.memory_space<vmem>>, %arg8: memref<10000xi32, #tpu.memory_space<vmem>>, %arg9: memref<80x128xf32, #tpu.memory_space<vmem>>, %arg10: memref<80x128xf32, #tpu.memory_space<vmem>>, %arg11: memref<10112x128xf32, #tpu.memory_space<vmem_shared>>, %arg12: memref<!tpu.dma_semaphore, #tpu.memory_space<semaphore_mem>>, %arg13: memref<!tpu.dma_semaphore, #tpu.memory_space<semaphore_mem>>, %arg14: memref<!tpu.dma_semaphore, #tpu.memory_space<semaphore_mem>>) attributes {dimension_semantics = [#tpu.dimension_semantics<core_parallel>, #tpu.dimension_semantics<subcore_parallel>], iteration_bounds = array<i64: 2, 16>, scalar_prefetch = 0 : i64, scratch_operands = 8 : i64, tpu.core_type = #tpu.core_type<sc_vector_subcore>, window_params = [{transform_indices = #map}, {transform_indices = #map}, {transform_indices = #map1}, {transform_indices = #map}, {transform_indices = #map1}]} {
    %mul3A = arith.constant 2 : i32
    %mul3A_0 = arith.muli %arg1, %mul3A : i32
    %add3A = arith.addi %mul3A_0, %arg0 : i32
    %mul3A_1 = arith.constant 632 : i32
    %mul3A_2 = arith.muli %arg1, %mul3A_1 : i32
    %dma_start3A = arith.constant 0 : i32
    %dma_start3A_3 = tpu.memref_slice %arg11[%mul3A_2, %dma_start3A] : memref<10112x128xf32, #tpu.memory_space<vmem_shared>> -> memref<632x128xf32, #tpu.memory_space<vmem_shared>>
    tpu.enqueue_dma source(%arg2 : memref<632x128xf32, #tpu.memory_space<hbm>>) target(%dma_start3A_3 : memref<632x128xf32, #tpu.memory_space<vmem_shared>>) target_semaphore(%arg14 : memref<!tpu.dma_semaphore, #tpu.memory_space<semaphore_mem>>)
    %dma_start3A_4 = arith.constant 0 : i32
    %dma_start3A_5 = arith.constant 0 : i32
    %dma_start3A_6 = tpu.memref_slice %arg4[%add3A, %dma_start3A_4, %dma_start3A_5] : memref<32x125x80xi32, #tpu.memory_space<hbm>> -> memref<1x125x80xi32, #tpu.memory_space<hbm>>
    %dma_start3A_7 = tpu.memref_squeeze %dma_start3A_6 : memref<1x125x80xi32, #tpu.memory_space<hbm>> -> memref<125x80xi32, #tpu.memory_space<hbm>>
    %dma_start3A_8 = arith.constant 0 : i32
    %dma_start3A_9 = arith.constant 0 : i32
    %dma_start3A_10 = tpu.memref_slice %arg4[%add3A, %dma_start3A_8, %dma_start3A_9] : memref<32x125x80xi32, #tpu.memory_space<hbm>> -> memref<1x125x80xi32, #tpu.memory_space<hbm>>
    %dma_start3A_11 = tpu.memref_squeeze %dma_start3A_10 : memref<1x125x80xi32, #tpu.memory_space<hbm>> -> memref<125x80xi32, #tpu.memory_space<hbm>>
    tpu.enqueue_dma source(%dma_start3A_11 : memref<125x80xi32, #tpu.memory_space<hbm>>) target(%arg7 : memref<125x80xi32, #tpu.memory_space<vmem>>) target_semaphore(%arg14 : memref<!tpu.dma_semaphore, #tpu.memory_space<semaphore_mem>>)
    %dma_start3A_12 = arith.constant 0 : i32
    %dma_start3A_13 = tpu.memref_slice %arg5[%add3A, %dma_start3A_12] : memref<32x10000xi32, #tpu.memory_space<hbm>> -> memref<1x10000xi32, #tpu.memory_space<hbm>>
    %dma_start3A_14 = tpu.memref_squeeze %dma_start3A_13 : memref<1x10000xi32, #tpu.memory_space<hbm>> -> memref<10000xi32, #tpu.memory_space<hbm>>
    %dma_start3A_15 = arith.constant 0 : i32
    %dma_start3A_16 = tpu.memref_slice %arg5[%add3A, %dma_start3A_15] : memref<32x10000xi32, #tpu.memory_space<hbm>> -> memref<1x10000xi32, #tpu.memory_space<hbm>>
    %dma_start3A_17 = tpu.memref_squeeze %dma_start3A_16 : memref<1x10000xi32, #tpu.memory_space<hbm>> -> memref<10000xi32, #tpu.memory_space<hbm>>
    tpu.enqueue_dma source(%dma_start3A_17 : memref<10000xi32, #tpu.memory_space<hbm>>) target(%arg8 : memref<10000xi32, #tpu.memory_space<vmem>>) target_semaphore(%arg14 : memref<!tpu.dma_semaphore, #tpu.memory_space<semaphore_mem>>)
    %dma_wait3A = arith.constant 0 : i32
    %dma_wait3A_18 = tpu.memref_slice %arg11[%mul3A_2, %dma_wait3A] : memref<10112x128xf32, #tpu.memory_space<vmem_shared>> -> memref<632x128xf32, #tpu.memory_space<vmem_shared>>
    tpu.wait_dma2 semaphore(%arg14 : memref<!tpu.dma_semaphore, #tpu.memory_space<semaphore_mem>>) src(%arg2 : memref<632x128xf32, #tpu.memory_space<hbm>>) dst(%dma_wait3A_18 : memref<632x128xf32, #tpu.memory_space<vmem_shared>>)
    %dma_wait3A_19 = arith.constant 0 : i32
    %dma_wait3A_20 = arith.constant 0 : i32
    %dma_wait3A_21 = tpu.memref_slice %arg4[%add3A, %dma_wait3A_19, %dma_wait3A_20] : memref<32x125x80xi32, #tpu.memory_space<hbm>> -> memref<1x125x80xi32, #tpu.memory_space<hbm>>
    %dma_wait3A_22 = tpu.memref_squeeze %dma_wait3A_21 : memref<1x125x80xi32, #tpu.memory_space<hbm>> -> memref<125x80xi32, #tpu.memory_space<hbm>>
    %dma_wait3A_23 = arith.constant 0 : i32
    %dma_wait3A_24 = arith.constant 0 : i32
    %dma_wait3A_25 = tpu.memref_slice %arg4[%add3A, %dma_wait3A_23, %dma_wait3A_24] : memref<32x125x80xi32, #tpu.memory_space<hbm>> -> memref<1x125x80xi32, #tpu.memory_space<hbm>>
    %dma_wait3A_26 = tpu.memref_squeeze %dma_wait3A_25 : memref<1x125x80xi32, #tpu.memory_space<hbm>> -> memref<125x80xi32, #tpu.memory_space<hbm>>
    tpu.wait_dma2 semaphore(%arg14 : memref<!tpu.dma_semaphore, #tpu.memory_space<semaphore_mem>>) src(%dma_wait3A_26 : memref<125x80xi32, #tpu.memory_space<hbm>>) dst(%arg7 : memref<125x80xi32, #tpu.memory_space<vmem>>)
    %dma_wait3A_27 = arith.constant 0 : i32
    %dma_wait3A_28 = tpu.memref_slice %arg5[%add3A, %dma_wait3A_27] : memref<32x10000xi32, #tpu.memory_space<hbm>> -> memref<1x10000xi32, #tpu.memory_space<hbm>>
    %dma_wait3A_29 = tpu.memref_squeeze %dma_wait3A_28 : memref<1x10000xi32, #tpu.memory_space<hbm>> -> memref<10000xi32, #tpu.memory_space<hbm>>
    %dma_wait3A_30 = arith.constant 0 : i32
    %dma_wait3A_31 = tpu.memref_slice %arg5[%add3A, %dma_wait3A_30] : memref<32x10000xi32, #tpu.memory_space<hbm>> -> memref<1x10000xi32, #tpu.memory_space<hbm>>
    %dma_wait3A_32 = tpu.memref_squeeze %dma_wait3A_31 : memref<1x10000xi32, #tpu.memory_space<hbm>> -> memref<10000xi32, #tpu.memory_space<hbm>>
    tpu.wait_dma2 semaphore(%arg14 : memref<!tpu.dma_semaphore, #tpu.memory_space<semaphore_mem>>) src(%dma_wait3A_32 : memref<10000xi32, #tpu.memory_space<hbm>>) dst(%arg8 : memref<10000xi32, #tpu.memory_space<vmem>>)
    %dma_start3A_33 = arith.constant 0 : i32
    %dma_start3A_34 = tpu.memref_slice %arg8[%dma_start3A_33] : memref<10000xi32, #tpu.memory_space<vmem>> -> memref<80xi32, #tpu.memory_space<vmem>>
    %dma_start3A_35 = arith.constant 0 : i32
    %dma_start3A_36 = arith.constant 0 : i32
    %dma_start3A_37 = tpu.memref_slice %arg3[%dma_start3A_35, %dma_start3A_36] : memref<10000x128xf32, #tpu.memory_space<hbm>> -> memref<10000x128xf32, #tpu.memory_space<hbm>>
    tpu.enqueue_indirect_dma source(%dma_start3A_37 : memref<10000x128xf32, #tpu.memory_space<hbm>>) target(%arg9 : memref<80x128xf32, #tpu.memory_space<vmem>>) offsets(%dma_start3A_34 : memref<80xi32, #tpu.memory_space<vmem>>) semaphore(%arg12 : memref<!tpu.dma_semaphore, #tpu.memory_space<semaphore_mem>>)
    %barrier3A = arith.constant 0 : index
    tpu.barrier barrier_id(%barrier3A)
    %scan3A = arith.constant 0 : i32
    %scan3A_38 = arith.constant 0 : i32
    %scan3A_39 = arith.constant 62 : i32
    %scan3A_40 = arith.addi %scan3A_38, %scan3A_39 : i32
    %scan3A_41 = arith.constant 1 : i32
    %scan3A_42 = scf.for %scan3A_50 = %scan3A_38 to %scan3A_40 step %scan3A_41 iter_args(%scan3A_51 = %scan3A) -> (i32)  : i32 {
      %mul3A_52 = arith.constant 2 : i32
      %mul3A_53 = arith.muli %mul3A_52, %scan3A_50 : i32
      %add3A_54 = arith.constant 1 : i32
      %add3A_55 = arith.addi %mul3A_53, %add3A_54 : i32
      %mul3A_56 = arith.constant 80 : i32
      %mul3A_57 = arith.muli %add3A_55, %mul3A_56 : i32
      %dma_start3A_58 = tpu.memref_slice %arg8[%mul3A_57] : memref<10000xi32, #tpu.memory_space<vmem>> -> memref<80xi32, #tpu.memory_space<vmem>>
      %dma_start3A_59 = arith.constant 0 : i32
      %dma_start3A_60 = arith.constant 0 : i32
      %dma_start3A_61 = tpu.memref_slice %arg3[%dma_start3A_59, %dma_start3A_60] : memref<10000x128xf32, #tpu.memory_space<hbm>> -> memref<10000x128xf32, #tpu.memory_space<hbm>>
      tpu.enqueue_indirect_dma source(%dma_start3A_61 : memref<10000x128xf32, #tpu.memory_space<hbm>>) target(%arg10 : memref<80x128xf32, #tpu.memory_space<vmem>>) offsets(%dma_start3A_58 : memref<80xi32, #tpu.memory_space<vmem>>) semaphore(%arg13 : memref<!tpu.dma_semaphore, #tpu.memory_space<semaphore_mem>>)
      %mul3A_62 = arith.constant 80 : i32
      %mul3A_63 = arith.muli %mul3A_53, %mul3A_62 : i32
      %dma_wait3A_64 = tpu.memref_slice %arg8[%mul3A_63] : memref<10000xi32, #tpu.memory_space<vmem>> -> memref<80xi32, #tpu.memory_space<vmem>>
      %dma_wait3A_65 = arith.constant 0 : i32
      %dma_wait3A_66 = arith.constant 0 : i32
      %dma_wait3A_67 = tpu.memref_slice %arg3[%dma_wait3A_65, %dma_wait3A_66] : memref<10000x128xf32, #tpu.memory_space<hbm>> -> memref<10000x128xf32, #tpu.memory_space<hbm>>
      tpu.wait_indirect_dma semaphore(%arg12 : memref<!tpu.dma_semaphore, #tpu.memory_space<semaphore_mem>>) src(%dma_wait3A_67 : memref<10000x128xf32, #tpu.memory_space<hbm>>) dst(%arg9 : memref<80x128xf32, #tpu.memory_space<vmem>>)
      "tpu.region"() ({
        %run_scoped3A_83 = tpu.sem_alloc : memref<!tpu.dma_semaphore, #tpu.memory_space<semaphore_mem>>
        %dma_start3A_84 = arith.constant 0 : i32
        %dma_start3A_85 = tpu.memref_slice %arg7[%mul3A_53, %dma_start3A_84] : memref<125x80xi32, #tpu.memory_space<vmem>> -> memref<1x80xi32, #tpu.memory_space<vmem>>
        %dma_start3A_86 = tpu.memref_squeeze %dma_start3A_85 : memref<1x80xi32, #tpu.memory_space<vmem>> -> memref<80xi32, #tpu.memory_space<vmem>>
        %dma_start3A_87 = arith.constant 0 : i32
        %dma_start3A_88 = arith.constant 0 : i32
        %dma_start3A_89 = tpu.memref_slice %arg11[%dma_start3A_87, %dma_start3A_88] : memref<10112x128xf32, #tpu.memory_space<vmem_shared>> -> memref<10112x128xf32, #tpu.memory_space<vmem_shared>>
        tpu.enqueue_indirect_dma source(%arg9 : memref<80x128xf32, #tpu.memory_space<vmem>>) target(%dma_start3A_89 : memref<10112x128xf32, #tpu.memory_space<vmem_shared>>) offsets(%dma_start3A_86 : memref<80xi32, #tpu.memory_space<vmem>>) semaphore(%run_scoped3A_83 : memref<!tpu.dma_semaphore, #tpu.memory_space<semaphore_mem>>) {add = true}
        %dma_wait3A_90 = arith.constant 0 : i32
        %dma_wait3A_91 = tpu.memref_slice %arg7[%mul3A_53, %dma_wait3A_90] : memref<125x80xi32, #tpu.memory_space<vmem>> -> memref<1x80xi32, #tpu.memory_space<vmem>>
        %dma_wait3A_92 = tpu.memref_squeeze %dma_wait3A_91 : memref<1x80xi32, #tpu.memory_space<vmem>> -> memref<80xi32, #tpu.memory_space<vmem>>
        %dma_wait3A_93 = arith.constant 0 : i32
        %dma_wait3A_94 = arith.constant 0 : i32
        %dma_wait3A_95 = tpu.memref_slice %arg11[%dma_wait3A_93, %dma_wait3A_94] : memref<10112x128xf32, #tpu.memory_space<vmem_shared>> -> memref<10112x128xf32, #tpu.memory_space<vmem_shared>>
        tpu.wait_indirect_dma semaphore(%run_scoped3A_83 : memref<!tpu.dma_semaphore, #tpu.memory_space<semaphore_mem>>) src(%arg9 : memref<80x128xf32, #tpu.memory_space<vmem>>) dst(%dma_wait3A_95 : memref<10112x128xf32, #tpu.memory_space<vmem_shared>>)
        tpu.yield
      }) : () -> ()
      %add3A_68 = arith.constant 1 : i32
      %add3A_69 = arith.addi %add3A_55, %add3A_68 : i32
      %mul3A_70 = arith.constant 80 : i32
      %mul3A_71 = arith.muli %add3A_69, %mul3A_70 : i32
      %dma_start3A_72 = tpu.memref_slice %arg8[%mul3A_71] : memref<10000xi32, #tpu.memory_space<vmem>> -> memref<80xi32, #tpu.memory_space<vmem>>
      %dma_start3A_73 = arith.constant 0 : i32
      %dma_start3A_74 = arith.constant 0 : i32
      %dma_start3A_75 = tpu.memref_slice %arg3[%dma_start3A_73, %dma_start3A_74] : memref<10000x128xf32, #tpu.memory_space<hbm>> -> memref<10000x128xf32, #tpu.memory_space<hbm>>
      tpu.enqueue_indirect_dma source(%dma_start3A_75 : memref<10000x128xf32, #tpu.memory_space<hbm>>) target(%arg9 : memref<80x128xf32, #tpu.memory_space<vmem>>) offsets(%dma_start3A_72 : memref<80xi32, #tpu.memory_space<vmem>>) semaphore(%arg12 : memref<!tpu.dma_semaphore, #tpu.memory_space<semaphore_mem>>)
      %mul3A_76 = arith.constant 80 : i32
      %mul3A_77 = arith.muli %add3A_55, %mul3A_76 : i32
      %dma_wait3A_78 = tpu.memref_slice %arg8[%mul3A_77] : memref<10000xi32, #tpu.memory_space<vmem>> -> memref<80xi32, #tpu.memory_space<vmem>>
      %dma_wait3A_79 = arith.constant 0 : i32
      %dma_wait3A_80 = arith.constant 0 : i32
      %dma_wait3A_81 = tpu.memref_slice %arg3[%dma_wait3A_79, %dma_wait3A_80] : memref<10000x128xf32, #tpu.memory_space<hbm>> -> memref<10000x128xf32, #tpu.memory_space<hbm>>
      tpu.wait_indirect_dma semaphore(%arg13 : memref<!tpu.dma_semaphore, #tpu.memory_space<semaphore_mem>>) src(%dma_wait3A_81 : memref<10000x128xf32, #tpu.memory_space<hbm>>) dst(%arg10 : memref<80x128xf32, #tpu.memory_space<vmem>>)
      "tpu.region"() ({
        %run_scoped3A_83 = tpu.sem_alloc : memref<!tpu.dma_semaphore, #tpu.memory_space<semaphore_mem>>
        %dma_start3A_84 = arith.constant 0 : i32
        %dma_start3A_85 = tpu.memref_slice %arg7[%add3A_55, %dma_start3A_84] : memref<125x80xi32, #tpu.memory_space<vmem>> -> memref<1x80xi32, #tpu.memory_space<vmem>>
        %dma_start3A_86 = tpu.memref_squeeze %dma_start3A_85 : memref<1x80xi32, #tpu.memory_space<vmem>> -> memref<80xi32, #tpu.memory_space<vmem>>
        %dma_start3A_87 = arith.constant 0 : i32
        %dma_start3A_88 = arith.constant 0 : i32
        %dma_start3A_89 = tpu.memref_slice %arg11[%dma_start3A_87, %dma_start3A_88] : memref<10112x128xf32, #tpu.memory_space<vmem_shared>> -> memref<10112x128xf32, #tpu.memory_space<vmem_shared>>
        tpu.enqueue_indirect_dma source(%arg10 : memref<80x128xf32, #tpu.memory_space<vmem>>) target(%dma_start3A_89 : memref<10112x128xf32, #tpu.memory_space<vmem_shared>>) offsets(%dma_start3A_86 : memref<80xi32, #tpu.memory_space<vmem>>) semaphore(%run_scoped3A_83 : memref<!tpu.dma_semaphore, #tpu.memory_space<semaphore_mem>>) {add = true}
        %dma_wait3A_90 = arith.constant 0 : i32
        %dma_wait3A_91 = tpu.memref_slice %arg7[%add3A_55, %dma_wait3A_90] : memref<125x80xi32, #tpu.memory_space<vmem>> -> memref<1x80xi32, #tpu.memory_space<vmem>>
        %dma_wait3A_92 = tpu.memref_squeeze %dma_wait3A_91 : memref<1x80xi32, #tpu.memory_space<vmem>> -> memref<80xi32, #tpu.memory_space<vmem>>
        %dma_wait3A_93 = arith.constant 0 : i32
        %dma_wait3A_94 = arith.constant 0 : i32
        %dma_wait3A_95 = tpu.memref_slice %arg11[%dma_wait3A_93, %dma_wait3A_94] : memref<10112x128xf32, #tpu.memory_space<vmem_shared>> -> memref<10112x128xf32, #tpu.memory_space<vmem_shared>>
        tpu.wait_indirect_dma semaphore(%run_scoped3A_83 : memref<!tpu.dma_semaphore, #tpu.memory_space<semaphore_mem>>) src(%arg10 : memref<80x128xf32, #tpu.memory_space<vmem>>) dst(%dma_wait3A_95 : memref<10112x128xf32, #tpu.memory_space<vmem_shared>>)
        tpu.yield
      }) : () -> ()
      %scan3A_82 = arith.constant 0 : i32
      scf.yield %scan3A_82 : i32
    }
    %scan3A_43 = arith.constant 62 : i32
    %dma_wait3A_44 = arith.constant 9920 : i32
    %dma_wait3A_45 = tpu.memref_slice %arg8[%dma_wait3A_44] : memref<10000xi32, #tpu.memory_space<vmem>> -> memref<80xi32, #tpu.memory_space<vmem>>
    %dma_wait3A_46 = arith.constant 0 : i32
    %dma_wait3A_47 = arith.constant 0 : i32
    %dma_wait3A_48 = tpu.memref_slice %arg3[%dma_wait3A_46, %dma_wait3A_47] : memref<10000x128xf32, #tpu.memory_space<hbm>> -> memref<10000x128xf32, #tpu.memory_space<hbm>>
    tpu.wait_indirect_dma semaphore(%arg12 : memref<!tpu.dma_semaphore, #tpu.memory_space<semaphore_mem>>) src(%dma_wait3A_48 : memref<10000x128xf32, #tpu.memory_space<hbm>>) dst(%arg9 : memref<80x128xf32, #tpu.memory_space<vmem>>)
    %run_scoped3A = arith.constant 124 : i32
    "tpu.region"() ({
      %run_scoped3A_50 = tpu.sem_alloc : memref<!tpu.dma_semaphore, #tpu.memory_space<semaphore_mem>>
      %dma_start3A_51 = arith.constant 0 : i32
      %dma_start3A_52 = tpu.memref_slice %arg7[%run_scoped3A, %dma_start3A_51] : memref<125x80xi32, #tpu.memory_space<vmem>> -> memref<1x80xi32, #tpu.memory_space<vmem>>
      %dma_start3A_53 = tpu.memref_squeeze %dma_start3A_52 : memref<1x80xi32, #tpu.memory_space<vmem>> -> memref<80xi32, #tpu.memory_space<vmem>>
      %dma_start3A_54 = arith.constant 0 : i32
      %dma_start3A_55 = arith.constant 0 : i32
      %dma_start3A_56 = tpu.memref_slice %arg11[%dma_start3A_54, %dma_start3A_55] : memref<10112x128xf32, #tpu.memory_space<vmem_shared>> -> memref<10112x128xf32, #tpu.memory_space<vmem_shared>>
      tpu.enqueue_indirect_dma source(%arg9 : memref<80x128xf32, #tpu.memory_space<vmem>>) target(%dma_start3A_56 : memref<10112x128xf32, #tpu.memory_space<vmem_shared>>) offsets(%dma_start3A_53 : memref<80xi32, #tpu.memory_space<vmem>>) semaphore(%run_scoped3A_50 : memref<!tpu.dma_semaphore, #tpu.memory_space<semaphore_mem>>) {add = true}
      %dma_wait3A_57 = arith.constant 0 : i32
      %dma_wait3A_58 = tpu.memref_slice %arg7[%run_scoped3A, %dma_wait3A_57] : memref<125x80xi32, #tpu.memory_space<vmem>> -> memref<1x80xi32, #tpu.memory_space<vmem>>
      %dma_wait3A_59 = tpu.memref_squeeze %dma_wait3A_58 : memref<1x80xi32, #tpu.memory_space<vmem>> -> memref<80xi32, #tpu.memory_space<vmem>>
      %dma_wait3A_60 = arith.constant 0 : i32
      %dma_wait3A_61 = arith.constant 0 : i32
      %dma_wait3A_62 = tpu.memref_slice %arg11[%dma_wait3A_60, %dma_wait3A_61] : memref<10112x128xf32, #tpu.memory_space<vmem_shared>> -> memref<10112x128xf32, #tpu.memory_space<vmem_shared>>
      tpu.wait_indirect_dma semaphore(%run_scoped3A_50 : memref<!tpu.dma_semaphore, #tpu.memory_space<semaphore_mem>>) src(%arg9 : memref<80x128xf32, #tpu.memory_space<vmem>>) dst(%dma_wait3A_62 : memref<10112x128xf32, #tpu.memory_space<vmem_shared>>)
      tpu.yield
    }) : () -> ()
    %barrier3A_49 = arith.constant 0 : index
    tpu.barrier barrier_id(%barrier3A_49)
    "tpu.region"() ({
      %run_scoped3A_50 = tpu.sem_alloc : memref<!tpu.dma_semaphore, #tpu.memory_space<semaphore_mem>>
      %dma_start3A_51 = arith.constant 0 : i32
      %dma_start3A_52 = tpu.memref_slice %arg6[%arg0, %mul3A_2, %dma_start3A_51] : memref<2x10112x128xf32, #tpu.memory_space<hbm>> -> memref<1x632x128xf32, #tpu.memory_space<hbm>>
      %dma_start3A_53 = tpu.memref_squeeze %dma_start3A_52 : memref<1x632x128xf32, #tpu.memory_space<hbm>> -> memref<632x128xf32, #tpu.memory_space<hbm>>
      %dma_start3A_54 = arith.constant 0 : i32
      %dma_start3A_55 = tpu.memref_slice %arg11[%mul3A_2, %dma_start3A_54] : memref<10112x128xf32, #tpu.memory_space<vmem_shared>> -> memref<632x128xf32, #tpu.memory_space<vmem_shared>>
      tpu.enqueue_dma source(%dma_start3A_55 : memref<632x128xf32, #tpu.memory_space<vmem_shared>>) target(%dma_start3A_53 : memref<632x128xf32, #tpu.memory_space<hbm>>) target_semaphore(%run_scoped3A_50 : memref<!tpu.dma_semaphore, #tpu.memory_space<semaphore_mem>>)
      %dma_wait3A_56 = arith.constant 0 : i32
      %dma_wait3A_57 = tpu.memref_slice %arg6[%arg0, %mul3A_2, %dma_wait3A_56] : memref<2x10112x128xf32, #tpu.memory_space<hbm>> -> memref<1x632x128xf32, #tpu.memory_space<hbm>>
      %dma_wait3A_58 = tpu.memref_squeeze %dma_wait3A_57 : memref<1x632x128xf32, #tpu.memory_space<hbm>> -> memref<632x128xf32, #tpu.memory_space<hbm>>
      %dma_wait3A_59 = arith.constant 0 : i32
      %dma_wait3A_60 = tpu.memref_slice %arg11[%mul3A_2, %dma_wait3A_59] : memref<10112x128xf32, #tpu.memory_space<vmem_shared>> -> memref<632x128xf32, #tpu.memory_space<vmem_shared>>
      tpu.wait_dma2 semaphore(%run_scoped3A_50 : memref<!tpu.dma_semaphore, #tpu.memory_space<semaphore_mem>>) src(%dma_wait3A_60 : memref<632x128xf32, #tpu.memory_space<vmem_shared>>) dst(%dma_wait3A_58 : memref<632x128xf32, #tpu.memory_space<hbm>>)
      tpu.yield
    }) : () -> ()
    return
  }
}

#map = affine_map<(d0, d1) -> (0, 0)>
#map1 = affine_map<(d0, d1) -> (0, 0, 0)>
module attributes {stable_mosaic.version = 14 : i64} {
  func.func @k(%arg0: i32, %arg1: i32, %arg2: memref<632x128xf32, #tpu.memory_space<hbm>>, %arg3: memref<10000x128xf32, #tpu.memory_space<hbm>>, %arg4: memref<32x125x80xi32, #tpu.memory_space<hbm>>, %arg5: memref<32x10000xi32, #tpu.memory_space<hbm>>, %arg6: memref<2x10112x128xf32, #tpu.memory_space<hbm>>, %arg7: memref<125x80xi32, #tpu.memory_space<vmem>>, %arg8: memref<10000xi32, #tpu.memory_space<vmem>>, %arg9: memref<80x128xf32, #tpu.memory_space<vmem>>, %arg10: memref<80x128xf32, #tpu.memory_space<vmem>>, %arg11: memref<10112x128xf32, #tpu.memory_space<vmem_shared>>, %arg12: memref<!tpu.dma_semaphore, #tpu.memory_space<semaphore_mem>>, %arg13: memref<!tpu.dma_semaphore, #tpu.memory_space<semaphore_mem>>, %arg14: memref<!tpu.dma_semaphore, #tpu.memory_space<semaphore_mem>>) attributes {dimension_semantics = [#tpu.dimension_semantics<core_parallel>, #tpu.dimension_semantics<subcore_parallel>], iteration_bounds = array<i64: 2, 16>, scalar_prefetch = 0 : i64, scratch_operands = 8 : i64, tpu.core_type = #tpu.core_type<sc_vector_subcore>, window_params = [{transform_indices = #map}, {transform_indices = #map}, {transform_indices = #map1}, {transform_indices = #map}, {transform_indices = #map1}]} {
    %mul3A = arith.constant 2 : i32
    %mul3A_0 = arith.muli %arg1, %mul3A : i32
    %add3A = arith.addi %mul3A_0, %arg0 : i32
    %mul3A_1 = arith.constant 632 : i32
    %mul3A_2 = arith.muli %arg1, %mul3A_1 : i32
    %dma_start3A = arith.constant 0 : i32
    %dma_start3A_3 = tpu.memref_slice %arg11[%mul3A_2, %dma_start3A] : memref<10112x128xf32, #tpu.memory_space<vmem_shared>> -> memref<632x128xf32, #tpu.memory_space<vmem_shared>>
    tpu.enqueue_dma source(%arg2 : memref<632x128xf32, #tpu.memory_space<hbm>>) target(%dma_start3A_3 : memref<632x128xf32, #tpu.memory_space<vmem_shared>>) target_semaphore(%arg14 : memref<!tpu.dma_semaphore, #tpu.memory_space<semaphore_mem>>)
    %dma_start3A_4 = arith.constant 0 : i32
    %dma_start3A_5 = arith.constant 0 : i32
    %dma_start3A_6 = tpu.memref_slice %arg4[%add3A, %dma_start3A_4, %dma_start3A_5] : memref<32x125x80xi32, #tpu.memory_space<hbm>> -> memref<1x125x80xi32, #tpu.memory_space<hbm>>
    %dma_start3A_7 = tpu.memref_squeeze %dma_start3A_6 : memref<1x125x80xi32, #tpu.memory_space<hbm>> -> memref<125x80xi32, #tpu.memory_space<hbm>>
    %dma_start3A_8 = arith.constant 0 : i32
    %dma_start3A_9 = arith.constant 0 : i32
    %dma_start3A_10 = tpu.memref_slice %arg4[%add3A, %dma_start3A_8, %dma_start3A_9] : memref<32x125x80xi32, #tpu.memory_space<hbm>> -> memref<1x125x80xi32, #tpu.memory_space<hbm>>
    %dma_start3A_11 = tpu.memref_squeeze %dma_start3A_10 : memref<1x125x80xi32, #tpu.memory_space<hbm>> -> memref<125x80xi32, #tpu.memory_space<hbm>>
    tpu.enqueue_dma source(%dma_start3A_11 : memref<125x80xi32, #tpu.memory_space<hbm>>) target(%arg7 : memref<125x80xi32, #tpu.memory_space<vmem>>) target_semaphore(%arg14 : memref<!tpu.dma_semaphore, #tpu.memory_space<semaphore_mem>>)
    %dma_start3A_12 = arith.constant 0 : i32
    %dma_start3A_13 = tpu.memref_slice %arg5[%add3A, %dma_start3A_12] : memref<32x10000xi32, #tpu.memory_space<hbm>> -> memref<1x10000xi32, #tpu.memory_space<hbm>>
    %dma_start3A_14 = tpu.memref_squeeze %dma_start3A_13 : memref<1x10000xi32, #tpu.memory_space<hbm>> -> memref<10000xi32, #tpu.memory_space<hbm>>
    %dma_start3A_15 = arith.constant 0 : i32
    %dma_start3A_16 = tpu.memref_slice %arg5[%add3A, %dma_start3A_15] : memref<32x10000xi32, #tpu.memory_space<hbm>> -> memref<1x10000xi32, #tpu.memory_space<hbm>>
    %dma_start3A_17 = tpu.memref_squeeze %dma_start3A_16 : memref<1x10000xi32, #tpu.memory_space<hbm>> -> memref<10000xi32, #tpu.memory_space<hbm>>
    tpu.enqueue_dma source(%dma_start3A_17 : memref<10000xi32, #tpu.memory_space<hbm>>) target(%arg8 : memref<10000xi32, #tpu.memory_space<vmem>>) target_semaphore(%arg14 : memref<!tpu.dma_semaphore, #tpu.memory_space<semaphore_mem>>)
    %dma_wait3A = arith.constant 0 : i32
    %dma_wait3A_18 = tpu.memref_slice %arg11[%mul3A_2, %dma_wait3A] : memref<10112x128xf32, #tpu.memory_space<vmem_shared>> -> memref<632x128xf32, #tpu.memory_space<vmem_shared>>
    tpu.wait_dma2 semaphore(%arg14 : memref<!tpu.dma_semaphore, #tpu.memory_space<semaphore_mem>>) src(%arg2 : memref<632x128xf32, #tpu.memory_space<hbm>>) dst(%dma_wait3A_18 : memref<632x128xf32, #tpu.memory_space<vmem_shared>>)
    %dma_wait3A_19 = arith.constant 0 : i32
    %dma_wait3A_20 = arith.constant 0 : i32
    %dma_wait3A_21 = tpu.memref_slice %arg4[%add3A, %dma_wait3A_19, %dma_wait3A_20] : memref<32x125x80xi32, #tpu.memory_space<hbm>> -> memref<1x125x80xi32, #tpu.memory_space<hbm>>
    %dma_wait3A_22 = tpu.memref_squeeze %dma_wait3A_21 : memref<1x125x80xi32, #tpu.memory_space<hbm>> -> memref<125x80xi32, #tpu.memory_space<hbm>>
    %dma_wait3A_23 = arith.constant 0 : i32
    %dma_wait3A_24 = arith.constant 0 : i32
    %dma_wait3A_25 = tpu.memref_slice %arg4[%add3A, %dma_wait3A_23, %dma_wait3A_24] : memref<32x125x80xi32, #tpu.memory_space<hbm>> -> memref<1x125x80xi32, #tpu.memory_space<hbm>>
    %dma_wait3A_26 = tpu.memref_squeeze %dma_wait3A_25 : memref<1x125x80xi32, #tpu.memory_space<hbm>> -> memref<125x80xi32, #tpu.memory_space<hbm>>
    tpu.wait_dma2 semaphore(%arg14 : memref<!tpu.dma_semaphore, #tpu.memory_space<semaphore_mem>>) src(%dma_wait3A_26 : memref<125x80xi32, #tpu.memory_space<hbm>>) dst(%arg7 : memref<125x80xi32, #tpu.memory_space<vmem>>)
    %dma_wait3A_27 = arith.constant 0 : i32
    %dma_wait3A_28 = tpu.memref_slice %arg5[%add3A, %dma_wait3A_27] : memref<32x10000xi32, #tpu.memory_space<hbm>> -> memref<1x10000xi32, #tpu.memory_space<hbm>>
    %dma_wait3A_29 = tpu.memref_squeeze %dma_wait3A_28 : memref<1x10000xi32, #tpu.memory_space<hbm>> -> memref<10000xi32, #tpu.memory_space<hbm>>
    %dma_wait3A_30 = arith.constant 0 : i32
    %dma_wait3A_31 = tpu.memref_slice %arg5[%add3A, %dma_wait3A_30] : memref<32x10000xi32, #tpu.memory_space<hbm>> -> memref<1x10000xi32, #tpu.memory_space<hbm>>
    %dma_wait3A_32 = tpu.memref_squeeze %dma_wait3A_31 : memref<1x10000xi32, #tpu.memory_space<hbm>> -> memref<10000xi32, #tpu.memory_space<hbm>>
    tpu.wait_dma2 semaphore(%arg14 : memref<!tpu.dma_semaphore, #tpu.memory_space<semaphore_mem>>) src(%dma_wait3A_32 : memref<10000xi32, #tpu.memory_space<hbm>>) dst(%arg8 : memref<10000xi32, #tpu.memory_space<vmem>>)
    %dma_start3A_33 = arith.constant 0 : i32
    %dma_start3A_34 = tpu.memref_slice %arg8[%dma_start3A_33] : memref<10000xi32, #tpu.memory_space<vmem>> -> memref<80xi32, #tpu.memory_space<vmem>>
    %dma_start3A_35 = arith.constant 0 : i32
    %dma_start3A_36 = arith.constant 0 : i32
    %dma_start3A_37 = tpu.memref_slice %arg3[%dma_start3A_35, %dma_start3A_36] : memref<10000x128xf32, #tpu.memory_space<hbm>> -> memref<10000x128xf32, #tpu.memory_space<hbm>>
    tpu.enqueue_indirect_dma source(%dma_start3A_37 : memref<10000x128xf32, #tpu.memory_space<hbm>>) target(%arg9 : memref<80x128xf32, #tpu.memory_space<vmem>>) offsets(%dma_start3A_34 : memref<80xi32, #tpu.memory_space<vmem>>) semaphore(%arg12 : memref<!tpu.dma_semaphore, #tpu.memory_space<semaphore_mem>>)
    %barrier3A = arith.constant 0 : index
    tpu.barrier barrier_id(%barrier3A)
    %scan3A = arith.constant 0 : i32
    %scan3A_38 = arith.constant 0 : i32
    %scan3A_39 = arith.constant 62 : i32
    %scan3A_40 = arith.addi %scan3A_38, %scan3A_39 : i32
    %scan3A_41 = arith.constant 1 : i32
    %scan3A_42 = scf.for %scan3A_50 = %scan3A_38 to %scan3A_40 step %scan3A_41 iter_args(%scan3A_51 = %scan3A) -> (i32)  : i32 {
      %mul3A_52 = arith.constant 2 : i32
      %mul3A_53 = arith.muli %mul3A_52, %scan3A_50 : i32
      %add3A_54 = arith.constant 1 : i32
      %add3A_55 = arith.addi %mul3A_53, %add3A_54 : i32
      %mul3A_56 = arith.constant 80 : i32
      %mul3A_57 = arith.muli %add3A_55, %mul3A_56 : i32
      %dma_start3A_58 = tpu.memref_slice %arg8[%mul3A_57] : memref<10000xi32, #tpu.memory_space<vmem>> -> memref<80xi32, #tpu.memory_space<vmem>>
      %dma_start3A_59 = arith.constant 0 : i32
      %dma_start3A_60 = arith.constant 0 : i32
      %dma_start3A_61 = tpu.memref_slice %arg3[%dma_start3A_59, %dma_start3A_60] : memref<10000x128xf32, #tpu.memory_space<hbm>> -> memref<10000x128xf32, #tpu.memory_space<hbm>>
      tpu.enqueue_indirect_dma source(%dma_start3A_61 : memref<10000x128xf32, #tpu.memory_space<hbm>>) target(%arg10 : memref<80x128xf32, #tpu.memory_space<vmem>>) offsets(%dma_start3A_58 : memref<80xi32, #tpu.memory_space<vmem>>) semaphore(%arg13 : memref<!tpu.dma_semaphore, #tpu.memory_space<semaphore_mem>>)
      %mul3A_62 = arith.constant 80 : i32
      %mul3A_63 = arith.muli %mul3A_53, %mul3A_62 : i32
      %dma_wait3A_64 = tpu.memref_slice %arg8[%mul3A_63] : memref<10000xi32, #tpu.memory_space<vmem>> -> memref<80xi32, #tpu.memory_space<vmem>>
      %dma_wait3A_65 = arith.constant 0 : i32
      %dma_wait3A_66 = arith.constant 0 : i32
      %dma_wait3A_67 = tpu.memref_slice %arg3[%dma_wait3A_65, %dma_wait3A_66] : memref<10000x128xf32, #tpu.memory_space<hbm>> -> memref<10000x128xf32, #tpu.memory_space<hbm>>
      tpu.wait_indirect_dma semaphore(%arg12 : memref<!tpu.dma_semaphore, #tpu.memory_space<semaphore_mem>>) src(%dma_wait3A_67 : memref<10000x128xf32, #tpu.memory_space<hbm>>) dst(%arg9 : memref<80x128xf32, #tpu.memory_space<vmem>>)
      "tpu.region"() ({
        %run_scoped3A_83 = tpu.sem_alloc : memref<!tpu.dma_semaphore, #tpu.memory_space<semaphore_mem>>
        %dma_start3A_84 = arith.constant 0 : i32
        %dma_start3A_85 = tpu.memref_slice %arg7[%mul3A_53, %dma_start3A_84] : memref<125x80xi32, #tpu.memory_space<vmem>> -> memref<1x80xi32, #tpu.memory_space<vmem>>
        %dma_start3A_86 = tpu.memref_squeeze %dma_start3A_85 : memref<1x80xi32, #tpu.memory_space<vmem>> -> memref<80xi32, #tpu.memory_space<vmem>>
        %dma_start3A_87 = arith.constant 0 : i32
        %dma_start3A_88 = arith.constant 0 : i32
        %dma_start3A_89 = tpu.memref_slice %arg11[%dma_start3A_87, %dma_start3A_88] : memref<10112x128xf32, #tpu.memory_space<vmem_shared>> -> memref<10112x128xf32, #tpu.memory_space<vmem_shared>>
        tpu.enqueue_indirect_dma source(%arg9 : memref<80x128xf32, #tpu.memory_space<vmem>>) target(%dma_start3A_89 : memref<10112x128xf32, #tpu.memory_space<vmem_shared>>) offsets(%dma_start3A_86 : memref<80xi32, #tpu.memory_space<vmem>>) semaphore(%run_scoped3A_83 : memref<!tpu.dma_semaphore, #tpu.memory_space<semaphore_mem>>) {add = true}
        %dma_wait3A_90 = arith.constant 0 : i32
        %dma_wait3A_91 = tpu.memref_slice %arg7[%mul3A_53, %dma_wait3A_90] : memref<125x80xi32, #tpu.memory_space<vmem>> -> memref<1x80xi32, #tpu.memory_space<vmem>>
        %dma_wait3A_92 = tpu.memref_squeeze %dma_wait3A_91 : memref<1x80xi32, #tpu.memory_space<vmem>> -> memref<80xi32, #tpu.memory_space<vmem>>
        %dma_wait3A_93 = arith.constant 0 : i32
        %dma_wait3A_94 = arith.constant 0 : i32
        %dma_wait3A_95 = tpu.memref_slice %arg11[%dma_wait3A_93, %dma_wait3A_94] : memref<10112x128xf32, #tpu.memory_space<vmem_shared>> -> memref<10112x128xf32, #tpu.memory_space<vmem_shared>>
        tpu.wait_indirect_dma semaphore(%run_scoped3A_83 : memref<!tpu.dma_semaphore, #tpu.memory_space<semaphore_mem>>) src(%arg9 : memref<80x128xf32, #tpu.memory_space<vmem>>) dst(%dma_wait3A_95 : memref<10112x128xf32, #tpu.memory_space<vmem_shared>>)
        tpu.yield
      }) : () -> ()
      %add3A_68 = arith.constant 1 : i32
      %add3A_69 = arith.addi %add3A_55, %add3A_68 : i32
      %mul3A_70 = arith.constant 80 : i32
      %mul3A_71 = arith.muli %add3A_69, %mul3A_70 : i32
      %dma_start3A_72 = tpu.memref_slice %arg8[%mul3A_71] : memref<10000xi32, #tpu.memory_space<vmem>> -> memref<80xi32, #tpu.memory_space<vmem>>
      %dma_start3A_73 = arith.constant 0 : i32
      %dma_start3A_74 = arith.constant 0 : i32
      %dma_start3A_75 = tpu.memref_slice %arg3[%dma_start3A_73, %dma_start3A_74] : memref<10000x128xf32, #tpu.memory_space<hbm>> -> memref<10000x128xf32, #tpu.memory_space<hbm>>
      tpu.enqueue_indirect_dma source(%dma_start3A_75 : memref<10000x128xf32, #tpu.memory_space<hbm>>) target(%arg9 : memref<80x128xf32, #tpu.memory_space<vmem>>) offsets(%dma_start3A_72 : memref<80xi32, #tpu.memory_space<vmem>>) semaphore(%arg12 : memref<!tpu.dma_semaphore, #tpu.memory_space<semaphore_mem>>)
      %mul3A_76 = arith.constant 80 : i32
      %mul3A_77 = arith.muli %add3A_55, %mul3A_76 : i32
      %dma_wait3A_78 = tpu.memref_slice %arg8[%mul3A_77] : memref<10000xi32, #tpu.memory_space<vmem>> -> memref<80xi32, #tpu.memory_space<vmem>>
      %dma_wait3A_79 = arith.constant 0 : i32
      %dma_wait3A_80 = arith.constant 0 : i32
      %dma_wait3A_81 = tpu.memref_slice %arg3[%dma_wait3A_79, %dma_wait3A_80] : memref<10000x128xf32, #tpu.memory_space<hbm>> -> memref<10000x128xf32, #tpu.memory_space<hbm>>
      tpu.wait_indirect_dma semaphore(%arg13 : memref<!tpu.dma_semaphore, #tpu.memory_space<semaphore_mem>>) src(%dma_wait3A_81 : memref<10000x128xf32, #tpu.memory_space<hbm>>) dst(%arg10 : memref<80x128xf32, #tpu.memory_space<vmem>>)
      "tpu.region"() ({
        %run_scoped3A_83 = tpu.sem_alloc : memref<!tpu.dma_semaphore, #tpu.memory_space<semaphore_mem>>
        %dma_start3A_84 = arith.constant 0 : i32
        %dma_start3A_85 = tpu.memref_slice %arg7[%add3A_55, %dma_start3A_84] : memref<125x80xi32, #tpu.memory_space<vmem>> -> memref<1x80xi32, #tpu.memory_space<vmem>>
        %dma_start3A_86 = tpu.memref_squeeze %dma_start3A_85 : memref<1x80xi32, #tpu.memory_space<vmem>> -> memref<80xi32, #tpu.memory_space<vmem>>
        %dma_start3A_87 = arith.constant 0 : i32
        %dma_start3A_88 = arith.constant 0 : i32
        %dma_start3A_89 = tpu.memref_slice %arg11[%dma_start3A_87, %dma_start3A_88] : memref<10112x128xf32, #tpu.memory_space<vmem_shared>> -> memref<10112x128xf32, #tpu.memory_space<vmem_shared>>
        tpu.enqueue_indirect_dma source(%arg10 : memref<80x128xf32, #tpu.memory_space<vmem>>) target(%dma_start3A_89 : memref<10112x128xf32, #tpu.memory_space<vmem_shared>>) offsets(%dma_start3A_86 : memref<80xi32, #tpu.memory_space<vmem>>) semaphore(%run_scoped3A_83 : memref<!tpu.dma_semaphore, #tpu.memory_space<semaphore_mem>>) {add = true}
        %dma_wait3A_90 = arith.constant 0 : i32
        %dma_wait3A_91 = tpu.memref_slice %arg7[%add3A_55, %dma_wait3A_90] : memref<125x80xi32, #tpu.memory_space<vmem>> -> memref<1x80xi32, #tpu.memory_space<vmem>>
        %dma_wait3A_92 = tpu.memref_squeeze %dma_wait3A_91 : memref<1x80xi32, #tpu.memory_space<vmem>> -> memref<80xi32, #tpu.memory_space<vmem>>
        %dma_wait3A_93 = arith.constant 0 : i32
        %dma_wait3A_94 = arith.constant 0 : i32
        %dma_wait3A_95 = tpu.memref_slice %arg11[%dma_wait3A_93, %dma_wait3A_94] : memref<10112x128xf32, #tpu.memory_space<vmem_shared>> -> memref<10112x128xf32, #tpu.memory_space<vmem_shared>>
        tpu.wait_indirect_dma semaphore(%run_scoped3A_83 : memref<!tpu.dma_semaphore, #tpu.memory_space<semaphore_mem>>) src(%arg10 : memref<80x128xf32, #tpu.memory_space<vmem>>) dst(%dma_wait3A_95 : memref<10112x128xf32, #tpu.memory_space<vmem_shared>>)
        tpu.yield
      }) : () -> ()
      %scan3A_82 = arith.constant 0 : i32
      scf.yield %scan3A_82 : i32
    }
    %scan3A_43 = arith.constant 62 : i32
    %dma_wait3A_44 = arith.constant 9920 : i32
    %dma_wait3A_45 = tpu.memref_slice %arg8[%dma_wait3A_44] : memref<10000xi32, #tpu.memory_space<vmem>> -> memref<80xi32, #tpu.memory_space<vmem>>
    %dma_wait3A_46 = arith.constant 0 : i32
    %dma_wait3A_47 = arith.constant 0 : i32
    %dma_wait3A_48 = tpu.memref_slice %arg3[%dma_wait3A_46, %dma_wait3A_47] : memref<10000x128xf32, #tpu.memory_space<hbm>> -> memref<10000x128xf32, #tpu.memory_space<hbm>>
    tpu.wait_indirect_dma semaphore(%arg12 : memref<!tpu.dma_semaphore, #tpu.memory_space<semaphore_mem>>) src(%dma_wait3A_48 : memref<10000x128xf32, #tpu.memory_space<hbm>>) dst(%arg9 : memref<80x128xf32, #tpu.memory_space<vmem>>)
    %run_scoped3A = arith.constant 124 : i32
    "tpu.region"() ({
      %run_scoped3A_50 = tpu.sem_alloc : memref<!tpu.dma_semaphore, #tpu.memory_space<semaphore_mem>>
      %dma_start3A_51 = arith.constant 0 : i32
      %dma_start3A_52 = tpu.memref_slice %arg7[%run_scoped3A, %dma_start3A_51] : memref<125x80xi32, #tpu.memory_space<vmem>> -> memref<1x80xi32, #tpu.memory_space<vmem>>
      %dma_start3A_53 = tpu.memref_squeeze %dma_start3A_52 : memref<1x80xi32, #tpu.memory_space<vmem>> -> memref<80xi32, #tpu.memory_space<vmem>>
      %dma_start3A_54 = arith.constant 0 : i32
      %dma_start3A_55 = arith.constant 0 : i32
      %dma_start3A_56 = tpu.memref_slice %arg11[%dma_start3A_54, %dma_start3A_55] : memref<10112x128xf32, #tpu.memory_space<vmem_shared>> -> memref<10112x128xf32, #tpu.memory_space<vmem_shared>>
      tpu.enqueue_indirect_dma source(%arg9 : memref<80x128xf32, #tpu.memory_space<vmem>>) target(%dma_start3A_56 : memref<10112x128xf32, #tpu.memory_space<vmem_shared>>) offsets(%dma_start3A_53 : memref<80xi32, #tpu.memory_space<vmem>>) semaphore(%run_scoped3A_50 : memref<!tpu.dma_semaphore, #tpu.memory_space<semaphore_mem>>) {add = true}
      %dma_wait3A_57 = arith.constant 0 : i32
      %dma_wait3A_58 = tpu.memref_slice %arg7[%run_scoped3A, %dma_wait3A_57] : memref<125x80xi32, #tpu.memory_space<vmem>> -> memref<1x80xi32, #tpu.memory_space<vmem>>
      %dma_wait3A_59 = tpu.memref_squeeze %dma_wait3A_58 : memref<1x80xi32, #tpu.memory_space<vmem>> -> memref<80xi32, #tpu.memory_space<vmem>>
      %dma_wait3A_60 = arith.constant 0 : i32
      %dma_wait3A_61 = arith.constant 0 : i32
      %dma_wait3A_62 = tpu.memref_slice %arg11[%dma_wait3A_60, %dma_wait3A_61] : memref<10112x128xf32, #tpu.memory_space<vmem_shared>> -> memref<10112x128xf32, #tpu.memory_space<vmem_shared>>
      tpu.wait_indirect_dma semaphore(%run_scoped3A_50 : memref<!tpu.dma_semaphore, #tpu.memory_space<semaphore_mem>>) src(%arg9 : memref<80x128xf32, #tpu.memory_space<vmem>>) dst(%dma_wait3A_62 : memref<10112x128xf32, #tpu.memory_space<vmem_shared>>)
      tpu.yield
    }) : () -> ()
    %barrier3A_49 = arith.constant 0 : index
    tpu.barrier barrier_id(%barrier3A_49)
    "tpu.region"() ({
      %run_scoped3A_50 = tpu.sem_alloc : memref<!tpu.dma_semaphore, #tpu.memory_space<semaphore_mem>>
      %dma_start3A_51 = arith.constant 0 : i32
      %dma_start3A_52 = tpu.memref_slice %arg6[%arg0, %mul3A_2, %dma_start3A_51] : memref<2x10112x128xf32, #tpu.memory_space<hbm>> -> memref<1x632x128xf32, #tpu.memory_space<hbm>>
      %dma_start3A_53 = tpu.memref_squeeze %dma_start3A_52 : memref<1x632x128xf32, #tpu.memory_space<hbm>> -> memref<632x128xf32, #tpu.memory_space<hbm>>
      %dma_start3A_54 = arith.constant 0 : i32
      %dma_start3A_55 = tpu.memref_slice %arg11[%mul3A_2, %dma_start3A_54] : memref<10112x128xf32, #tpu.memory_space<vmem_shared>> -> memref<632x128xf32, #tpu.memory_space<vmem_shared>>
      tpu.enqueue_dma source(%dma_start3A_55 : memref<632x128xf32, #tpu.memory_space<vmem_shared>>) target(%dma_start3A_53 : memref<632x128xf32, #tpu.memory_space<hbm>>) target_semaphore(%run_scoped3A_50 : memref<!tpu.dma_semaphore, #tpu.memory_space<semaphore_mem>>)
      %dma_wait3A_56 = arith.constant 0 : i32
      %dma_wait3A_57 = tpu.memref_slice %arg6[%arg0, %mul3A_2, %dma_wait3A_56] : memref<2x10112x128xf32, #tpu.memory_space<hbm>> -> memref<1x632x128xf32, #tpu.memory_space<hbm>>
      %dma_wait3A_58 = tpu.memref_squeeze %dma_wait3A_57 : memref<1x632x128xf32, #tpu.memory_space<hbm>> -> memref<632x128xf32, #tpu.memory_space<hbm>>
      %dma_wait3A_59 = arith.constant 0 : i32
      %dma_wait3A_60 = tpu.memref_slice %arg11[%mul3A_2, %dma_wait3A_59] : memref<10112x128xf32, #tpu.memory_space<vmem_shared>> -> memref<632x128xf32, #tpu.memory_space<vmem_shared>>
      tpu.wait_dma2 semaphore(%run_scoped3A_50 : memref<!tpu.dma_semaphore, #tpu.memory_space<semaphore_mem>>) src(%dma_wait3A_60 : memref<632x128xf32, #tpu.memory_space<vmem_shared>>) dst(%dma_wait3A_58 : memref<632x128xf32, #tpu.memory_space<hbm>>)
      tpu.yield
    }) : () -> ()
    return
  }
}

#map = affine_map<(d0, d1) -> (0, 0)>
#map1 = affine_map<(d0, d1) -> (0, 0, 0)>
module attributes {stable_mosaic.version = 14 : i64} {
  func.func @k(%arg0: i32, %arg1: i32, %arg2: memref<632x128xf32, #tpu.memory_space<hbm>>, %arg3: memref<10000x128xf32, #tpu.memory_space<hbm>>, %arg4: memref<32x125x80xi32, #tpu.memory_space<hbm>>, %arg5: memref<32x10000xi32, #tpu.memory_space<hbm>>, %arg6: memref<2x10112x128xf32, #tpu.memory_space<hbm>>, %arg7: memref<125x80xi32, #tpu.memory_space<vmem>>, %arg8: memref<10000xi32, #tpu.memory_space<vmem>>, %arg9: memref<80x128xf32, #tpu.memory_space<vmem>>, %arg10: memref<80x128xf32, #tpu.memory_space<vmem>>, %arg11: memref<10112x128xf32, #tpu.memory_space<vmem_shared>>, %arg12: memref<!tpu.dma_semaphore, #tpu.memory_space<semaphore_mem>>, %arg13: memref<!tpu.dma_semaphore, #tpu.memory_space<semaphore_mem>>, %arg14: memref<!tpu.dma_semaphore, #tpu.memory_space<semaphore_mem>>) attributes {dimension_semantics = [#tpu.dimension_semantics<core_parallel>, #tpu.dimension_semantics<subcore_parallel>], iteration_bounds = array<i64: 2, 16>, scalar_prefetch = 0 : i64, scratch_operands = 8 : i64, tpu.core_type = #tpu.core_type<sc_vector_subcore>, window_params = [{transform_indices = #map}, {transform_indices = #map}, {transform_indices = #map1}, {transform_indices = #map}, {transform_indices = #map1}]} {
    %mul3A = arith.constant 2 : i32
    %mul3A_0 = arith.muli %arg1, %mul3A : i32
    %add3A = arith.addi %mul3A_0, %arg0 : i32
    %mul3A_1 = arith.constant 632 : i32
    %mul3A_2 = arith.muli %arg1, %mul3A_1 : i32
    %dma_start3A = arith.constant 0 : i32
    %dma_start3A_3 = tpu.memref_slice %arg11[%mul3A_2, %dma_start3A] : memref<10112x128xf32, #tpu.memory_space<vmem_shared>> -> memref<632x128xf32, #tpu.memory_space<vmem_shared>>
    tpu.enqueue_dma source(%arg2 : memref<632x128xf32, #tpu.memory_space<hbm>>) target(%dma_start3A_3 : memref<632x128xf32, #tpu.memory_space<vmem_shared>>) target_semaphore(%arg14 : memref<!tpu.dma_semaphore, #tpu.memory_space<semaphore_mem>>)
    %dma_start3A_4 = arith.constant 0 : i32
    %dma_start3A_5 = arith.constant 0 : i32
    %dma_start3A_6 = tpu.memref_slice %arg4[%add3A, %dma_start3A_4, %dma_start3A_5] : memref<32x125x80xi32, #tpu.memory_space<hbm>> -> memref<1x125x80xi32, #tpu.memory_space<hbm>>
    %dma_start3A_7 = tpu.memref_squeeze %dma_start3A_6 : memref<1x125x80xi32, #tpu.memory_space<hbm>> -> memref<125x80xi32, #tpu.memory_space<hbm>>
    %dma_start3A_8 = arith.constant 0 : i32
    %dma_start3A_9 = arith.constant 0 : i32
    %dma_start3A_10 = tpu.memref_slice %arg4[%add3A, %dma_start3A_8, %dma_start3A_9] : memref<32x125x80xi32, #tpu.memory_space<hbm>> -> memref<1x125x80xi32, #tpu.memory_space<hbm>>
    %dma_start3A_11 = tpu.memref_squeeze %dma_start3A_10 : memref<1x125x80xi32, #tpu.memory_space<hbm>> -> memref<125x80xi32, #tpu.memory_space<hbm>>
    tpu.enqueue_dma source(%dma_start3A_11 : memref<125x80xi32, #tpu.memory_space<hbm>>) target(%arg7 : memref<125x80xi32, #tpu.memory_space<vmem>>) target_semaphore(%arg14 : memref<!tpu.dma_semaphore, #tpu.memory_space<semaphore_mem>>)
    %dma_start3A_12 = arith.constant 0 : i32
    %dma_start3A_13 = tpu.memref_slice %arg5[%add3A, %dma_start3A_12] : memref<32x10000xi32, #tpu.memory_space<hbm>> -> memref<1x10000xi32, #tpu.memory_space<hbm>>
    %dma_start3A_14 = tpu.memref_squeeze %dma_start3A_13 : memref<1x10000xi32, #tpu.memory_space<hbm>> -> memref<10000xi32, #tpu.memory_space<hbm>>
    %dma_start3A_15 = arith.constant 0 : i32
    %dma_start3A_16 = tpu.memref_slice %arg5[%add3A, %dma_start3A_15] : memref<32x10000xi32, #tpu.memory_space<hbm>> -> memref<1x10000xi32, #tpu.memory_space<hbm>>
    %dma_start3A_17 = tpu.memref_squeeze %dma_start3A_16 : memref<1x10000xi32, #tpu.memory_space<hbm>> -> memref<10000xi32, #tpu.memory_space<hbm>>
    tpu.enqueue_dma source(%dma_start3A_17 : memref<10000xi32, #tpu.memory_space<hbm>>) target(%arg8 : memref<10000xi32, #tpu.memory_space<vmem>>) target_semaphore(%arg14 : memref<!tpu.dma_semaphore, #tpu.memory_space<semaphore_mem>>)
    %dma_wait3A = arith.constant 0 : i32
    %dma_wait3A_18 = tpu.memref_slice %arg11[%mul3A_2, %dma_wait3A] : memref<10112x128xf32, #tpu.memory_space<vmem_shared>> -> memref<632x128xf32, #tpu.memory_space<vmem_shared>>
    tpu.wait_dma2 semaphore(%arg14 : memref<!tpu.dma_semaphore, #tpu.memory_space<semaphore_mem>>) src(%arg2 : memref<632x128xf32, #tpu.memory_space<hbm>>) dst(%dma_wait3A_18 : memref<632x128xf32, #tpu.memory_space<vmem_shared>>)
    %dma_wait3A_19 = arith.constant 0 : i32
    %dma_wait3A_20 = arith.constant 0 : i32
    %dma_wait3A_21 = tpu.memref_slice %arg4[%add3A, %dma_wait3A_19, %dma_wait3A_20] : memref<32x125x80xi32, #tpu.memory_space<hbm>> -> memref<1x125x80xi32, #tpu.memory_space<hbm>>
    %dma_wait3A_22 = tpu.memref_squeeze %dma_wait3A_21 : memref<1x125x80xi32, #tpu.memory_space<hbm>> -> memref<125x80xi32, #tpu.memory_space<hbm>>
    %dma_wait3A_23 = arith.constant 0 : i32
    %dma_wait3A_24 = arith.constant 0 : i32
    %dma_wait3A_25 = tpu.memref_slice %arg4[%add3A, %dma_wait3A_23, %dma_wait3A_24] : memref<32x125x80xi32, #tpu.memory_space<hbm>> -> memref<1x125x80xi32, #tpu.memory_space<hbm>>
    %dma_wait3A_26 = tpu.memref_squeeze %dma_wait3A_25 : memref<1x125x80xi32, #tpu.memory_space<hbm>> -> memref<125x80xi32, #tpu.memory_space<hbm>>
    tpu.wait_dma2 semaphore(%arg14 : memref<!tpu.dma_semaphore, #tpu.memory_space<semaphore_mem>>) src(%dma_wait3A_26 : memref<125x80xi32, #tpu.memory_space<hbm>>) dst(%arg7 : memref<125x80xi32, #tpu.memory_space<vmem>>)
    %dma_wait3A_27 = arith.constant 0 : i32
    %dma_wait3A_28 = tpu.memref_slice %arg5[%add3A, %dma_wait3A_27] : memref<32x10000xi32, #tpu.memory_space<hbm>> -> memref<1x10000xi32, #tpu.memory_space<hbm>>
    %dma_wait3A_29 = tpu.memref_squeeze %dma_wait3A_28 : memref<1x10000xi32, #tpu.memory_space<hbm>> -> memref<10000xi32, #tpu.memory_space<hbm>>
    %dma_wait3A_30 = arith.constant 0 : i32
    %dma_wait3A_31 = tpu.memref_slice %arg5[%add3A, %dma_wait3A_30] : memref<32x10000xi32, #tpu.memory_space<hbm>> -> memref<1x10000xi32, #tpu.memory_space<hbm>>
    %dma_wait3A_32 = tpu.memref_squeeze %dma_wait3A_31 : memref<1x10000xi32, #tpu.memory_space<hbm>> -> memref<10000xi32, #tpu.memory_space<hbm>>
    tpu.wait_dma2 semaphore(%arg14 : memref<!tpu.dma_semaphore, #tpu.memory_space<semaphore_mem>>) src(%dma_wait3A_32 : memref<10000xi32, #tpu.memory_space<hbm>>) dst(%arg8 : memref<10000xi32, #tpu.memory_space<vmem>>)
    %dma_start3A_33 = arith.constant 0 : i32
    %dma_start3A_34 = tpu.memref_slice %arg8[%dma_start3A_33] : memref<10000xi32, #tpu.memory_space<vmem>> -> memref<80xi32, #tpu.memory_space<vmem>>
    %dma_start3A_35 = arith.constant 0 : i32
    %dma_start3A_36 = arith.constant 0 : i32
    %dma_start3A_37 = tpu.memref_slice %arg3[%dma_start3A_35, %dma_start3A_36] : memref<10000x128xf32, #tpu.memory_space<hbm>> -> memref<10000x128xf32, #tpu.memory_space<hbm>>
    tpu.enqueue_indirect_dma source(%dma_start3A_37 : memref<10000x128xf32, #tpu.memory_space<hbm>>) target(%arg9 : memref<80x128xf32, #tpu.memory_space<vmem>>) offsets(%dma_start3A_34 : memref<80xi32, #tpu.memory_space<vmem>>) semaphore(%arg12 : memref<!tpu.dma_semaphore, #tpu.memory_space<semaphore_mem>>)
    %barrier3A = arith.constant 0 : index
    tpu.barrier barrier_id(%barrier3A)
    %scan3A = arith.constant 0 : i32
    %scan3A_38 = arith.constant 0 : i32
    %scan3A_39 = arith.constant 62 : i32
    %scan3A_40 = arith.addi %scan3A_38, %scan3A_39 : i32
    %scan3A_41 = arith.constant 1 : i32
    %scan3A_42 = scf.for %scan3A_50 = %scan3A_38 to %scan3A_40 step %scan3A_41 iter_args(%scan3A_51 = %scan3A) -> (i32)  : i32 {
      %mul3A_52 = arith.constant 2 : i32
      %mul3A_53 = arith.muli %mul3A_52, %scan3A_50 : i32
      %add3A_54 = arith.constant 1 : i32
      %add3A_55 = arith.addi %mul3A_53, %add3A_54 : i32
      %mul3A_56 = arith.constant 80 : i32
      %mul3A_57 = arith.muli %add3A_55, %mul3A_56 : i32
      %dma_start3A_58 = tpu.memref_slice %arg8[%mul3A_57] : memref<10000xi32, #tpu.memory_space<vmem>> -> memref<80xi32, #tpu.memory_space<vmem>>
      %dma_start3A_59 = arith.constant 0 : i32
      %dma_start3A_60 = arith.constant 0 : i32
      %dma_start3A_61 = tpu.memref_slice %arg3[%dma_start3A_59, %dma_start3A_60] : memref<10000x128xf32, #tpu.memory_space<hbm>> -> memref<10000x128xf32, #tpu.memory_space<hbm>>
      tpu.enqueue_indirect_dma source(%dma_start3A_61 : memref<10000x128xf32, #tpu.memory_space<hbm>>) target(%arg10 : memref<80x128xf32, #tpu.memory_space<vmem>>) offsets(%dma_start3A_58 : memref<80xi32, #tpu.memory_space<vmem>>) semaphore(%arg13 : memref<!tpu.dma_semaphore, #tpu.memory_space<semaphore_mem>>)
      %mul3A_62 = arith.constant 80 : i32
      %mul3A_63 = arith.muli %mul3A_53, %mul3A_62 : i32
      %dma_wait3A_64 = tpu.memref_slice %arg8[%mul3A_63] : memref<10000xi32, #tpu.memory_space<vmem>> -> memref<80xi32, #tpu.memory_space<vmem>>
      %dma_wait3A_65 = arith.constant 0 : i32
      %dma_wait3A_66 = arith.constant 0 : i32
      %dma_wait3A_67 = tpu.memref_slice %arg3[%dma_wait3A_65, %dma_wait3A_66] : memref<10000x128xf32, #tpu.memory_space<hbm>> -> memref<10000x128xf32, #tpu.memory_space<hbm>>
      tpu.wait_indirect_dma semaphore(%arg12 : memref<!tpu.dma_semaphore, #tpu.memory_space<semaphore_mem>>) src(%dma_wait3A_67 : memref<10000x128xf32, #tpu.memory_space<hbm>>) dst(%arg9 : memref<80x128xf32, #tpu.memory_space<vmem>>)
      "tpu.region"() ({
        %run_scoped3A_83 = tpu.sem_alloc : memref<!tpu.dma_semaphore, #tpu.memory_space<semaphore_mem>>
        %dma_start3A_84 = arith.constant 0 : i32
        %dma_start3A_85 = tpu.memref_slice %arg7[%mul3A_53, %dma_start3A_84] : memref<125x80xi32, #tpu.memory_space<vmem>> -> memref<1x80xi32, #tpu.memory_space<vmem>>
        %dma_start3A_86 = tpu.memref_squeeze %dma_start3A_85 : memref<1x80xi32, #tpu.memory_space<vmem>> -> memref<80xi32, #tpu.memory_space<vmem>>
        %dma_start3A_87 = arith.constant 0 : i32
        %dma_start3A_88 = arith.constant 0 : i32
        %dma_start3A_89 = tpu.memref_slice %arg11[%dma_start3A_87, %dma_start3A_88] : memref<10112x128xf32, #tpu.memory_space<vmem_shared>> -> memref<10112x128xf32, #tpu.memory_space<vmem_shared>>
        tpu.enqueue_indirect_dma source(%arg9 : memref<80x128xf32, #tpu.memory_space<vmem>>) target(%dma_start3A_89 : memref<10112x128xf32, #tpu.memory_space<vmem_shared>>) offsets(%dma_start3A_86 : memref<80xi32, #tpu.memory_space<vmem>>) semaphore(%run_scoped3A_83 : memref<!tpu.dma_semaphore, #tpu.memory_space<semaphore_mem>>) {add = true}
        %dma_wait3A_90 = arith.constant 0 : i32
        %dma_wait3A_91 = tpu.memref_slice %arg7[%mul3A_53, %dma_wait3A_90] : memref<125x80xi32, #tpu.memory_space<vmem>> -> memref<1x80xi32, #tpu.memory_space<vmem>>
        %dma_wait3A_92 = tpu.memref_squeeze %dma_wait3A_91 : memref<1x80xi32, #tpu.memory_space<vmem>> -> memref<80xi32, #tpu.memory_space<vmem>>
        %dma_wait3A_93 = arith.constant 0 : i32
        %dma_wait3A_94 = arith.constant 0 : i32
        %dma_wait3A_95 = tpu.memref_slice %arg11[%dma_wait3A_93, %dma_wait3A_94] : memref<10112x128xf32, #tpu.memory_space<vmem_shared>> -> memref<10112x128xf32, #tpu.memory_space<vmem_shared>>
        tpu.wait_indirect_dma semaphore(%run_scoped3A_83 : memref<!tpu.dma_semaphore, #tpu.memory_space<semaphore_mem>>) src(%arg9 : memref<80x128xf32, #tpu.memory_space<vmem>>) dst(%dma_wait3A_95 : memref<10112x128xf32, #tpu.memory_space<vmem_shared>>)
        tpu.yield
      }) : () -> ()
      %add3A_68 = arith.constant 1 : i32
      %add3A_69 = arith.addi %add3A_55, %add3A_68 : i32
      %mul3A_70 = arith.constant 80 : i32
      %mul3A_71 = arith.muli %add3A_69, %mul3A_70 : i32
      %dma_start3A_72 = tpu.memref_slice %arg8[%mul3A_71] : memref<10000xi32, #tpu.memory_space<vmem>> -> memref<80xi32, #tpu.memory_space<vmem>>
      %dma_start3A_73 = arith.constant 0 : i32
      %dma_start3A_74 = arith.constant 0 : i32
      %dma_start3A_75 = tpu.memref_slice %arg3[%dma_start3A_73, %dma_start3A_74] : memref<10000x128xf32, #tpu.memory_space<hbm>> -> memref<10000x128xf32, #tpu.memory_space<hbm>>
      tpu.enqueue_indirect_dma source(%dma_start3A_75 : memref<10000x128xf32, #tpu.memory_space<hbm>>) target(%arg9 : memref<80x128xf32, #tpu.memory_space<vmem>>) offsets(%dma_start3A_72 : memref<80xi32, #tpu.memory_space<vmem>>) semaphore(%arg12 : memref<!tpu.dma_semaphore, #tpu.memory_space<semaphore_mem>>)
      %mul3A_76 = arith.constant 80 : i32
      %mul3A_77 = arith.muli %add3A_55, %mul3A_76 : i32
      %dma_wait3A_78 = tpu.memref_slice %arg8[%mul3A_77] : memref<10000xi32, #tpu.memory_space<vmem>> -> memref<80xi32, #tpu.memory_space<vmem>>
      %dma_wait3A_79 = arith.constant 0 : i32
      %dma_wait3A_80 = arith.constant 0 : i32
      %dma_wait3A_81 = tpu.memref_slice %arg3[%dma_wait3A_79, %dma_wait3A_80] : memref<10000x128xf32, #tpu.memory_space<hbm>> -> memref<10000x128xf32, #tpu.memory_space<hbm>>
      tpu.wait_indirect_dma semaphore(%arg13 : memref<!tpu.dma_semaphore, #tpu.memory_space<semaphore_mem>>) src(%dma_wait3A_81 : memref<10000x128xf32, #tpu.memory_space<hbm>>) dst(%arg10 : memref<80x128xf32, #tpu.memory_space<vmem>>)
      "tpu.region"() ({
        %run_scoped3A_83 = tpu.sem_alloc : memref<!tpu.dma_semaphore, #tpu.memory_space<semaphore_mem>>
        %dma_start3A_84 = arith.constant 0 : i32
        %dma_start3A_85 = tpu.memref_slice %arg7[%add3A_55, %dma_start3A_84] : memref<125x80xi32, #tpu.memory_space<vmem>> -> memref<1x80xi32, #tpu.memory_space<vmem>>
        %dma_start3A_86 = tpu.memref_squeeze %dma_start3A_85 : memref<1x80xi32, #tpu.memory_space<vmem>> -> memref<80xi32, #tpu.memory_space<vmem>>
        %dma_start3A_87 = arith.constant 0 : i32
        %dma_start3A_88 = arith.constant 0 : i32
        %dma_start3A_89 = tpu.memref_slice %arg11[%dma_start3A_87, %dma_start3A_88] : memref<10112x128xf32, #tpu.memory_space<vmem_shared>> -> memref<10112x128xf32, #tpu.memory_space<vmem_shared>>
        tpu.enqueue_indirect_dma source(%arg10 : memref<80x128xf32, #tpu.memory_space<vmem>>) target(%dma_start3A_89 : memref<10112x128xf32, #tpu.memory_space<vmem_shared>>) offsets(%dma_start3A_86 : memref<80xi32, #tpu.memory_space<vmem>>) semaphore(%run_scoped3A_83 : memref<!tpu.dma_semaphore, #tpu.memory_space<semaphore_mem>>) {add = true}
        %dma_wait3A_90 = arith.constant 0 : i32
        %dma_wait3A_91 = tpu.memref_slice %arg7[%add3A_55, %dma_wait3A_90] : memref<125x80xi32, #tpu.memory_space<vmem>> -> memref<1x80xi32, #tpu.memory_space<vmem>>
        %dma_wait3A_92 = tpu.memref_squeeze %dma_wait3A_91 : memref<1x80xi32, #tpu.memory_space<vmem>> -> memref<80xi32, #tpu.memory_space<vmem>>
        %dma_wait3A_93 = arith.constant 0 : i32
        %dma_wait3A_94 = arith.constant 0 : i32
        %dma_wait3A_95 = tpu.memref_slice %arg11[%dma_wait3A_93, %dma_wait3A_94] : memref<10112x128xf32, #tpu.memory_space<vmem_shared>> -> memref<10112x128xf32, #tpu.memory_space<vmem_shared>>
        tpu.wait_indirect_dma semaphore(%run_scoped3A_83 : memref<!tpu.dma_semaphore, #tpu.memory_space<semaphore_mem>>) src(%arg10 : memref<80x128xf32, #tpu.memory_space<vmem>>) dst(%dma_wait3A_95 : memref<10112x128xf32, #tpu.memory_space<vmem_shared>>)
        tpu.yield
      }) : () -> ()
      %scan3A_82 = arith.constant 0 : i32
      scf.yield %scan3A_82 : i32
    }
    %scan3A_43 = arith.constant 62 : i32
    %dma_wait3A_44 = arith.constant 9920 : i32
    %dma_wait3A_45 = tpu.memref_slice %arg8[%dma_wait3A_44] : memref<10000xi32, #tpu.memory_space<vmem>> -> memref<80xi32, #tpu.memory_space<vmem>>
    %dma_wait3A_46 = arith.constant 0 : i32
    %dma_wait3A_47 = arith.constant 0 : i32
    %dma_wait3A_48 = tpu.memref_slice %arg3[%dma_wait3A_46, %dma_wait3A_47] : memref<10000x128xf32, #tpu.memory_space<hbm>> -> memref<10000x128xf32, #tpu.memory_space<hbm>>
    tpu.wait_indirect_dma semaphore(%arg12 : memref<!tpu.dma_semaphore, #tpu.memory_space<semaphore_mem>>) src(%dma_wait3A_48 : memref<10000x128xf32, #tpu.memory_space<hbm>>) dst(%arg9 : memref<80x128xf32, #tpu.memory_space<vmem>>)
    %run_scoped3A = arith.constant 124 : i32
    "tpu.region"() ({
      %run_scoped3A_50 = tpu.sem_alloc : memref<!tpu.dma_semaphore, #tpu.memory_space<semaphore_mem>>
      %dma_start3A_51 = arith.constant 0 : i32
      %dma_start3A_52 = tpu.memref_slice %arg7[%run_scoped3A, %dma_start3A_51] : memref<125x80xi32, #tpu.memory_space<vmem>> -> memref<1x80xi32, #tpu.memory_space<vmem>>
      %dma_start3A_53 = tpu.memref_squeeze %dma_start3A_52 : memref<1x80xi32, #tpu.memory_space<vmem>> -> memref<80xi32, #tpu.memory_space<vmem>>
      %dma_start3A_54 = arith.constant 0 : i32
      %dma_start3A_55 = arith.constant 0 : i32
      %dma_start3A_56 = tpu.memref_slice %arg11[%dma_start3A_54, %dma_start3A_55] : memref<10112x128xf32, #tpu.memory_space<vmem_shared>> -> memref<10112x128xf32, #tpu.memory_space<vmem_shared>>
      tpu.enqueue_indirect_dma source(%arg9 : memref<80x128xf32, #tpu.memory_space<vmem>>) target(%dma_start3A_56 : memref<10112x128xf32, #tpu.memory_space<vmem_shared>>) offsets(%dma_start3A_53 : memref<80xi32, #tpu.memory_space<vmem>>) semaphore(%run_scoped3A_50 : memref<!tpu.dma_semaphore, #tpu.memory_space<semaphore_mem>>) {add = true}
      %dma_wait3A_57 = arith.constant 0 : i32
      %dma_wait3A_58 = tpu.memref_slice %arg7[%run_scoped3A, %dma_wait3A_57] : memref<125x80xi32, #tpu.memory_space<vmem>> -> memref<1x80xi32, #tpu.memory_space<vmem>>
      %dma_wait3A_59 = tpu.memref_squeeze %dma_wait3A_58 : memref<1x80xi32, #tpu.memory_space<vmem>> -> memref<80xi32, #tpu.memory_space<vmem>>
      %dma_wait3A_60 = arith.constant 0 : i32
      %dma_wait3A_61 = arith.constant 0 : i32
      %dma_wait3A_62 = tpu.memref_slice %arg11[%dma_wait3A_60, %dma_wait3A_61] : memref<10112x128xf32, #tpu.memory_space<vmem_shared>> -> memref<10112x128xf32, #tpu.memory_space<vmem_shared>>
      tpu.wait_indirect_dma semaphore(%run_scoped3A_50 : memref<!tpu.dma_semaphore, #tpu.memory_space<semaphore_mem>>) src(%arg9 : memref<80x128xf32, #tpu.memory_space<vmem>>) dst(%dma_wait3A_62 : memref<10112x128xf32, #tpu.memory_space<vmem_shared>>)
      tpu.yield
    }) : () -> ()
    %barrier3A_49 = arith.constant 0 : index
    tpu.barrier barrier_id(%barrier3A_49)
    "tpu.region"() ({
      %run_scoped3A_50 = tpu.sem_alloc : memref<!tpu.dma_semaphore, #tpu.memory_space<semaphore_mem>>
      %dma_start3A_51 = arith.constant 0 : i32
      %dma_start3A_52 = tpu.memref_slice %arg6[%arg0, %mul3A_2, %dma_start3A_51] : memref<2x10112x128xf32, #tpu.memory_space<hbm>> -> memref<1x632x128xf32, #tpu.memory_space<hbm>>
      %dma_start3A_53 = tpu.memref_squeeze %dma_start3A_52 : memref<1x632x128xf32, #tpu.memory_space<hbm>> -> memref<632x128xf32, #tpu.memory_space<hbm>>
      %dma_start3A_54 = arith.constant 0 : i32
      %dma_start3A_55 = tpu.memref_slice %arg11[%mul3A_2, %dma_start3A_54] : memref<10112x128xf32, #tpu.memory_space<vmem_shared>> -> memref<632x128xf32, #tpu.memory_space<vmem_shared>>
      tpu.enqueue_dma source(%dma_start3A_55 : memref<632x128xf32, #tpu.memory_space<vmem_shared>>) target(%dma_start3A_53 : memref<632x128xf32, #tpu.memory_space<hbm>>) target_semaphore(%run_scoped3A_50 : memref<!tpu.dma_semaphore, #tpu.memory_space<semaphore_mem>>)
      %dma_wait3A_56 = arith.constant 0 : i32
      %dma_wait3A_57 = tpu.memref_slice %arg6[%arg0, %mul3A_2, %dma_wait3A_56] : memref<2x10112x128xf32, #tpu.memory_space<hbm>> -> memref<1x632x128xf32, #tpu.memory_space<hbm>>
      %dma_wait3A_58 = tpu.memref_squeeze %dma_wait3A_57 : memref<1x632x128xf32, #tpu.memory_space<hbm>> -> memref<632x128xf32, #tpu.memory_space<hbm>>
      %dma_wait3A_59 = arith.constant 0 : i32
      %dma_wait3A_60 = tpu.memref_slice %arg11[%mul3A_2, %dma_wait3A_59] : memref<10112x128xf32, #tpu.memory_space<vmem_shared>> -> memref<632x128xf32, #tpu.memory_space<vmem_shared>>
      tpu.wait_dma2 semaphore(%run_scoped3A_50 : memref<!tpu.dma_semaphore, #tpu.memory_space<semaphore_mem>>) src(%dma_wait3A_60 : memref<632x128xf32, #tpu.memory_space<vmem_shared>>) dst(%dma_wait3A_58 : memref<632x128xf32, #tpu.memory_space<hbm>>)
      tpu.yield
    }) : () -> ()
    return
  }
}

#map = affine_map<(d0, d1) -> (0, 0)>
#map1 = affine_map<(d0, d1) -> (0, 0, 0)>
module attributes {stable_mosaic.version = 14 : i64} {
  func.func @k(%arg0: i32, %arg1: i32, %arg2: memref<632x128xf32, #tpu.memory_space<hbm>>, %arg3: memref<10000x128xf32, #tpu.memory_space<hbm>>, %arg4: memref<32x125x80xi32, #tpu.memory_space<hbm>>, %arg5: memref<32x10000xi32, #tpu.memory_space<hbm>>, %arg6: memref<2x10112x128xf32, #tpu.memory_space<hbm>>, %arg7: memref<125x80xi32, #tpu.memory_space<vmem>>, %arg8: memref<10000xi32, #tpu.memory_space<vmem>>, %arg9: memref<80x128xf32, #tpu.memory_space<vmem>>, %arg10: memref<80x128xf32, #tpu.memory_space<vmem>>, %arg11: memref<10112x128xf32, #tpu.memory_space<vmem_shared>>, %arg12: memref<!tpu.dma_semaphore, #tpu.memory_space<semaphore_mem>>, %arg13: memref<!tpu.dma_semaphore, #tpu.memory_space<semaphore_mem>>, %arg14: memref<!tpu.dma_semaphore, #tpu.memory_space<semaphore_mem>>) attributes {dimension_semantics = [#tpu.dimension_semantics<core_parallel>, #tpu.dimension_semantics<subcore_parallel>], iteration_bounds = array<i64: 2, 16>, scalar_prefetch = 0 : i64, scratch_operands = 8 : i64, tpu.core_type = #tpu.core_type<sc_vector_subcore>, window_params = [{transform_indices = #map}, {transform_indices = #map}, {transform_indices = #map1}, {transform_indices = #map}, {transform_indices = #map1}]} {
    %mul3A = arith.constant 2 : i32
    %mul3A_0 = arith.muli %arg1, %mul3A : i32
    %add3A = arith.addi %mul3A_0, %arg0 : i32
    %mul3A_1 = arith.constant 632 : i32
    %mul3A_2 = arith.muli %arg1, %mul3A_1 : i32
    %dma_start3A = arith.constant 0 : i32
    %dma_start3A_3 = tpu.memref_slice %arg11[%mul3A_2, %dma_start3A] : memref<10112x128xf32, #tpu.memory_space<vmem_shared>> -> memref<632x128xf32, #tpu.memory_space<vmem_shared>>
    tpu.enqueue_dma source(%arg2 : memref<632x128xf32, #tpu.memory_space<hbm>>) target(%dma_start3A_3 : memref<632x128xf32, #tpu.memory_space<vmem_shared>>) target_semaphore(%arg14 : memref<!tpu.dma_semaphore, #tpu.memory_space<semaphore_mem>>)
    %dma_start3A_4 = arith.constant 0 : i32
    %dma_start3A_5 = arith.constant 0 : i32
    %dma_start3A_6 = tpu.memref_slice %arg4[%add3A, %dma_start3A_4, %dma_start3A_5] : memref<32x125x80xi32, #tpu.memory_space<hbm>> -> memref<1x125x80xi32, #tpu.memory_space<hbm>>
    %dma_start3A_7 = tpu.memref_squeeze %dma_start3A_6 : memref<1x125x80xi32, #tpu.memory_space<hbm>> -> memref<125x80xi32, #tpu.memory_space<hbm>>
    %dma_start3A_8 = arith.constant 0 : i32
    %dma_start3A_9 = arith.constant 0 : i32
    %dma_start3A_10 = tpu.memref_slice %arg4[%add3A, %dma_start3A_8, %dma_start3A_9] : memref<32x125x80xi32, #tpu.memory_space<hbm>> -> memref<1x125x80xi32, #tpu.memory_space<hbm>>
    %dma_start3A_11 = tpu.memref_squeeze %dma_start3A_10 : memref<1x125x80xi32, #tpu.memory_space<hbm>> -> memref<125x80xi32, #tpu.memory_space<hbm>>
    tpu.enqueue_dma source(%dma_start3A_11 : memref<125x80xi32, #tpu.memory_space<hbm>>) target(%arg7 : memref<125x80xi32, #tpu.memory_space<vmem>>) target_semaphore(%arg14 : memref<!tpu.dma_semaphore, #tpu.memory_space<semaphore_mem>>)
    %dma_start3A_12 = arith.constant 0 : i32
    %dma_start3A_13 = tpu.memref_slice %arg5[%add3A, %dma_start3A_12] : memref<32x10000xi32, #tpu.memory_space<hbm>> -> memref<1x10000xi32, #tpu.memory_space<hbm>>
    %dma_start3A_14 = tpu.memref_squeeze %dma_start3A_13 : memref<1x10000xi32, #tpu.memory_space<hbm>> -> memref<10000xi32, #tpu.memory_space<hbm>>
    %dma_start3A_15 = arith.constant 0 : i32
    %dma_start3A_16 = tpu.memref_slice %arg5[%add3A, %dma_start3A_15] : memref<32x10000xi32, #tpu.memory_space<hbm>> -> memref<1x10000xi32, #tpu.memory_space<hbm>>
    %dma_start3A_17 = tpu.memref_squeeze %dma_start3A_16 : memref<1x10000xi32, #tpu.memory_space<hbm>> -> memref<10000xi32, #tpu.memory_space<hbm>>
    tpu.enqueue_dma source(%dma_start3A_17 : memref<10000xi32, #tpu.memory_space<hbm>>) target(%arg8 : memref<10000xi32, #tpu.memory_space<vmem>>) target_semaphore(%arg14 : memref<!tpu.dma_semaphore, #tpu.memory_space<semaphore_mem>>)
    %dma_wait3A = arith.constant 0 : i32
    %dma_wait3A_18 = tpu.memref_slice %arg11[%mul3A_2, %dma_wait3A] : memref<10112x128xf32, #tpu.memory_space<vmem_shared>> -> memref<632x128xf32, #tpu.memory_space<vmem_shared>>
    tpu.wait_dma2 semaphore(%arg14 : memref<!tpu.dma_semaphore, #tpu.memory_space<semaphore_mem>>) src(%arg2 : memref<632x128xf32, #tpu.memory_space<hbm>>) dst(%dma_wait3A_18 : memref<632x128xf32, #tpu.memory_space<vmem_shared>>)
    %dma_wait3A_19 = arith.constant 0 : i32
    %dma_wait3A_20 = arith.constant 0 : i32
    %dma_wait3A_21 = tpu.memref_slice %arg4[%add3A, %dma_wait3A_19, %dma_wait3A_20] : memref<32x125x80xi32, #tpu.memory_space<hbm>> -> memref<1x125x80xi32, #tpu.memory_space<hbm>>
    %dma_wait3A_22 = tpu.memref_squeeze %dma_wait3A_21 : memref<1x125x80xi32, #tpu.memory_space<hbm>> -> memref<125x80xi32, #tpu.memory_space<hbm>>
    %dma_wait3A_23 = arith.constant 0 : i32
    %dma_wait3A_24 = arith.constant 0 : i32
    %dma_wait3A_25 = tpu.memref_slice %arg4[%add3A, %dma_wait3A_23, %dma_wait3A_24] : memref<32x125x80xi32, #tpu.memory_space<hbm>> -> memref<1x125x80xi32, #tpu.memory_space<hbm>>
    %dma_wait3A_26 = tpu.memref_squeeze %dma_wait3A_25 : memref<1x125x80xi32, #tpu.memory_space<hbm>> -> memref<125x80xi32, #tpu.memory_space<hbm>>
    tpu.wait_dma2 semaphore(%arg14 : memref<!tpu.dma_semaphore, #tpu.memory_space<semaphore_mem>>) src(%dma_wait3A_26 : memref<125x80xi32, #tpu.memory_space<hbm>>) dst(%arg7 : memref<125x80xi32, #tpu.memory_space<vmem>>)
    %dma_wait3A_27 = arith.constant 0 : i32
    %dma_wait3A_28 = tpu.memref_slice %arg5[%add3A, %dma_wait3A_27] : memref<32x10000xi32, #tpu.memory_space<hbm>> -> memref<1x10000xi32, #tpu.memory_space<hbm>>
    %dma_wait3A_29 = tpu.memref_squeeze %dma_wait3A_28 : memref<1x10000xi32, #tpu.memory_space<hbm>> -> memref<10000xi32, #tpu.memory_space<hbm>>
    %dma_wait3A_30 = arith.constant 0 : i32
    %dma_wait3A_31 = tpu.memref_slice %arg5[%add3A, %dma_wait3A_30] : memref<32x10000xi32, #tpu.memory_space<hbm>> -> memref<1x10000xi32, #tpu.memory_space<hbm>>
    %dma_wait3A_32 = tpu.memref_squeeze %dma_wait3A_31 : memref<1x10000xi32, #tpu.memory_space<hbm>> -> memref<10000xi32, #tpu.memory_space<hbm>>
    tpu.wait_dma2 semaphore(%arg14 : memref<!tpu.dma_semaphore, #tpu.memory_space<semaphore_mem>>) src(%dma_wait3A_32 : memref<10000xi32, #tpu.memory_space<hbm>>) dst(%arg8 : memref<10000xi32, #tpu.memory_space<vmem>>)
    %dma_start3A_33 = arith.constant 0 : i32
    %dma_start3A_34 = tpu.memref_slice %arg8[%dma_start3A_33] : memref<10000xi32, #tpu.memory_space<vmem>> -> memref<80xi32, #tpu.memory_space<vmem>>
    %dma_start3A_35 = arith.constant 0 : i32
    %dma_start3A_36 = arith.constant 0 : i32
    %dma_start3A_37 = tpu.memref_slice %arg3[%dma_start3A_35, %dma_start3A_36] : memref<10000x128xf32, #tpu.memory_space<hbm>> -> memref<10000x128xf32, #tpu.memory_space<hbm>>
    tpu.enqueue_indirect_dma source(%dma_start3A_37 : memref<10000x128xf32, #tpu.memory_space<hbm>>) target(%arg9 : memref<80x128xf32, #tpu.memory_space<vmem>>) offsets(%dma_start3A_34 : memref<80xi32, #tpu.memory_space<vmem>>) semaphore(%arg12 : memref<!tpu.dma_semaphore, #tpu.memory_space<semaphore_mem>>)
    %barrier3A = arith.constant 0 : index
    tpu.barrier barrier_id(%barrier3A)
    %scan3A = arith.constant 0 : i32
    %scan3A_38 = arith.constant 0 : i32
    %scan3A_39 = arith.constant 62 : i32
    %scan3A_40 = arith.addi %scan3A_38, %scan3A_39 : i32
    %scan3A_41 = arith.constant 1 : i32
    %scan3A_42 = scf.for %scan3A_50 = %scan3A_38 to %scan3A_40 step %scan3A_41 iter_args(%scan3A_51 = %scan3A) -> (i32)  : i32 {
      %mul3A_52 = arith.constant 2 : i32
      %mul3A_53 = arith.muli %mul3A_52, %scan3A_50 : i32
      %add3A_54 = arith.constant 1 : i32
      %add3A_55 = arith.addi %mul3A_53, %add3A_54 : i32
      %mul3A_56 = arith.constant 80 : i32
      %mul3A_57 = arith.muli %add3A_55, %mul3A_56 : i32
      %dma_start3A_58 = tpu.memref_slice %arg8[%mul3A_57] : memref<10000xi32, #tpu.memory_space<vmem>> -> memref<80xi32, #tpu.memory_space<vmem>>
      %dma_start3A_59 = arith.constant 0 : i32
      %dma_start3A_60 = arith.constant 0 : i32
      %dma_start3A_61 = tpu.memref_slice %arg3[%dma_start3A_59, %dma_start3A_60] : memref<10000x128xf32, #tpu.memory_space<hbm>> -> memref<10000x128xf32, #tpu.memory_space<hbm>>
      tpu.enqueue_indirect_dma source(%dma_start3A_61 : memref<10000x128xf32, #tpu.memory_space<hbm>>) target(%arg10 : memref<80x128xf32, #tpu.memory_space<vmem>>) offsets(%dma_start3A_58 : memref<80xi32, #tpu.memory_space<vmem>>) semaphore(%arg13 : memref<!tpu.dma_semaphore, #tpu.memory_space<semaphore_mem>>)
      %mul3A_62 = arith.constant 80 : i32
      %mul3A_63 = arith.muli %mul3A_53, %mul3A_62 : i32
      %dma_wait3A_64 = tpu.memref_slice %arg8[%mul3A_63] : memref<10000xi32, #tpu.memory_space<vmem>> -> memref<80xi32, #tpu.memory_space<vmem>>
      %dma_wait3A_65 = arith.constant 0 : i32
      %dma_wait3A_66 = arith.constant 0 : i32
      %dma_wait3A_67 = tpu.memref_slice %arg3[%dma_wait3A_65, %dma_wait3A_66] : memref<10000x128xf32, #tpu.memory_space<hbm>> -> memref<10000x128xf32, #tpu.memory_space<hbm>>
      tpu.wait_indirect_dma semaphore(%arg12 : memref<!tpu.dma_semaphore, #tpu.memory_space<semaphore_mem>>) src(%dma_wait3A_67 : memref<10000x128xf32, #tpu.memory_space<hbm>>) dst(%arg9 : memref<80x128xf32, #tpu.memory_space<vmem>>)
      "tpu.region"() ({
        %run_scoped3A_83 = tpu.sem_alloc : memref<!tpu.dma_semaphore, #tpu.memory_space<semaphore_mem>>
        %dma_start3A_84 = arith.constant 0 : i32
        %dma_start3A_85 = tpu.memref_slice %arg7[%mul3A_53, %dma_start3A_84] : memref<125x80xi32, #tpu.memory_space<vmem>> -> memref<1x80xi32, #tpu.memory_space<vmem>>
        %dma_start3A_86 = tpu.memref_squeeze %dma_start3A_85 : memref<1x80xi32, #tpu.memory_space<vmem>> -> memref<80xi32, #tpu.memory_space<vmem>>
        %dma_start3A_87 = arith.constant 0 : i32
        %dma_start3A_88 = arith.constant 0 : i32
        %dma_start3A_89 = tpu.memref_slice %arg11[%dma_start3A_87, %dma_start3A_88] : memref<10112x128xf32, #tpu.memory_space<vmem_shared>> -> memref<10112x128xf32, #tpu.memory_space<vmem_shared>>
        tpu.enqueue_indirect_dma source(%arg9 : memref<80x128xf32, #tpu.memory_space<vmem>>) target(%dma_start3A_89 : memref<10112x128xf32, #tpu.memory_space<vmem_shared>>) offsets(%dma_start3A_86 : memref<80xi32, #tpu.memory_space<vmem>>) semaphore(%run_scoped3A_83 : memref<!tpu.dma_semaphore, #tpu.memory_space<semaphore_mem>>) {add = true}
        %dma_wait3A_90 = arith.constant 0 : i32
        %dma_wait3A_91 = tpu.memref_slice %arg7[%mul3A_53, %dma_wait3A_90] : memref<125x80xi32, #tpu.memory_space<vmem>> -> memref<1x80xi32, #tpu.memory_space<vmem>>
        %dma_wait3A_92 = tpu.memref_squeeze %dma_wait3A_91 : memref<1x80xi32, #tpu.memory_space<vmem>> -> memref<80xi32, #tpu.memory_space<vmem>>
        %dma_wait3A_93 = arith.constant 0 : i32
        %dma_wait3A_94 = arith.constant 0 : i32
        %dma_wait3A_95 = tpu.memref_slice %arg11[%dma_wait3A_93, %dma_wait3A_94] : memref<10112x128xf32, #tpu.memory_space<vmem_shared>> -> memref<10112x128xf32, #tpu.memory_space<vmem_shared>>
        tpu.wait_indirect_dma semaphore(%run_scoped3A_83 : memref<!tpu.dma_semaphore, #tpu.memory_space<semaphore_mem>>) src(%arg9 : memref<80x128xf32, #tpu.memory_space<vmem>>) dst(%dma_wait3A_95 : memref<10112x128xf32, #tpu.memory_space<vmem_shared>>)
        tpu.yield
      }) : () -> ()
      %add3A_68 = arith.constant 1 : i32
      %add3A_69 = arith.addi %add3A_55, %add3A_68 : i32
      %mul3A_70 = arith.constant 80 : i32
      %mul3A_71 = arith.muli %add3A_69, %mul3A_70 : i32
      %dma_start3A_72 = tpu.memref_slice %arg8[%mul3A_71] : memref<10000xi32, #tpu.memory_space<vmem>> -> memref<80xi32, #tpu.memory_space<vmem>>
      %dma_start3A_73 = arith.constant 0 : i32
      %dma_start3A_74 = arith.constant 0 : i32
      %dma_start3A_75 = tpu.memref_slice %arg3[%dma_start3A_73, %dma_start3A_74] : memref<10000x128xf32, #tpu.memory_space<hbm>> -> memref<10000x128xf32, #tpu.memory_space<hbm>>
      tpu.enqueue_indirect_dma source(%dma_start3A_75 : memref<10000x128xf32, #tpu.memory_space<hbm>>) target(%arg9 : memref<80x128xf32, #tpu.memory_space<vmem>>) offsets(%dma_start3A_72 : memref<80xi32, #tpu.memory_space<vmem>>) semaphore(%arg12 : memref<!tpu.dma_semaphore, #tpu.memory_space<semaphore_mem>>)
      %mul3A_76 = arith.constant 80 : i32
      %mul3A_77 = arith.muli %add3A_55, %mul3A_76 : i32
      %dma_wait3A_78 = tpu.memref_slice %arg8[%mul3A_77] : memref<10000xi32, #tpu.memory_space<vmem>> -> memref<80xi32, #tpu.memory_space<vmem>>
      %dma_wait3A_79 = arith.constant 0 : i32
      %dma_wait3A_80 = arith.constant 0 : i32
      %dma_wait3A_81 = tpu.memref_slice %arg3[%dma_wait3A_79, %dma_wait3A_80] : memref<10000x128xf32, #tpu.memory_space<hbm>> -> memref<10000x128xf32, #tpu.memory_space<hbm>>
      tpu.wait_indirect_dma semaphore(%arg13 : memref<!tpu.dma_semaphore, #tpu.memory_space<semaphore_mem>>) src(%dma_wait3A_81 : memref<10000x128xf32, #tpu.memory_space<hbm>>) dst(%arg10 : memref<80x128xf32, #tpu.memory_space<vmem>>)
      "tpu.region"() ({
        %run_scoped3A_83 = tpu.sem_alloc : memref<!tpu.dma_semaphore, #tpu.memory_space<semaphore_mem>>
        %dma_start3A_84 = arith.constant 0 : i32
        %dma_start3A_85 = tpu.memref_slice %arg7[%add3A_55, %dma_start3A_84] : memref<125x80xi32, #tpu.memory_space<vmem>> -> memref<1x80xi32, #tpu.memory_space<vmem>>
        %dma_start3A_86 = tpu.memref_squeeze %dma_start3A_85 : memref<1x80xi32, #tpu.memory_space<vmem>> -> memref<80xi32, #tpu.memory_space<vmem>>
        %dma_start3A_87 = arith.constant 0 : i32
        %dma_start3A_88 = arith.constant 0 : i32
        %dma_start3A_89 = tpu.memref_slice %arg11[%dma_start3A_87, %dma_start3A_88] : memref<10112x128xf32, #tpu.memory_space<vmem_shared>> -> memref<10112x128xf32, #tpu.memory_space<vmem_shared>>
        tpu.enqueue_indirect_dma source(%arg10 : memref<80x128xf32, #tpu.memory_space<vmem>>) target(%dma_start3A_89 : memref<10112x128xf32, #tpu.memory_space<vmem_shared>>) offsets(%dma_start3A_86 : memref<80xi32, #tpu.memory_space<vmem>>) semaphore(%run_scoped3A_83 : memref<!tpu.dma_semaphore, #tpu.memory_space<semaphore_mem>>) {add = true}
        %dma_wait3A_90 = arith.constant 0 : i32
        %dma_wait3A_91 = tpu.memref_slice %arg7[%add3A_55, %dma_wait3A_90] : memref<125x80xi32, #tpu.memory_space<vmem>> -> memref<1x80xi32, #tpu.memory_space<vmem>>
        %dma_wait3A_92 = tpu.memref_squeeze %dma_wait3A_91 : memref<1x80xi32, #tpu.memory_space<vmem>> -> memref<80xi32, #tpu.memory_space<vmem>>
        %dma_wait3A_93 = arith.constant 0 : i32
        %dma_wait3A_94 = arith.constant 0 : i32
        %dma_wait3A_95 = tpu.memref_slice %arg11[%dma_wait3A_93, %dma_wait3A_94] : memref<10112x128xf32, #tpu.memory_space<vmem_shared>> -> memref<10112x128xf32, #tpu.memory_space<vmem_shared>>
        tpu.wait_indirect_dma semaphore(%run_scoped3A_83 : memref<!tpu.dma_semaphore, #tpu.memory_space<semaphore_mem>>) src(%arg10 : memref<80x128xf32, #tpu.memory_space<vmem>>) dst(%dma_wait3A_95 : memref<10112x128xf32, #tpu.memory_space<vmem_shared>>)
        tpu.yield
      }) : () -> ()
      %scan3A_82 = arith.constant 0 : i32
      scf.yield %scan3A_82 : i32
    }
    %scan3A_43 = arith.constant 62 : i32
    %dma_wait3A_44 = arith.constant 9920 : i32
    %dma_wait3A_45 = tpu.memref_slice %arg8[%dma_wait3A_44] : memref<10000xi32, #tpu.memory_space<vmem>> -> memref<80xi32, #tpu.memory_space<vmem>>
    %dma_wait3A_46 = arith.constant 0 : i32
    %dma_wait3A_47 = arith.constant 0 : i32
    %dma_wait3A_48 = tpu.memref_slice %arg3[%dma_wait3A_46, %dma_wait3A_47] : memref<10000x128xf32, #tpu.memory_space<hbm>> -> memref<10000x128xf32, #tpu.memory_space<hbm>>
    tpu.wait_indirect_dma semaphore(%arg12 : memref<!tpu.dma_semaphore, #tpu.memory_space<semaphore_mem>>) src(%dma_wait3A_48 : memref<10000x128xf32, #tpu.memory_space<hbm>>) dst(%arg9 : memref<80x128xf32, #tpu.memory_space<vmem>>)
    %run_scoped3A = arith.constant 124 : i32
    "tpu.region"() ({
      %run_scoped3A_50 = tpu.sem_alloc : memref<!tpu.dma_semaphore, #tpu.memory_space<semaphore_mem>>
      %dma_start3A_51 = arith.constant 0 : i32
      %dma_start3A_52 = tpu.memref_slice %arg7[%run_scoped3A, %dma_start3A_51] : memref<125x80xi32, #tpu.memory_space<vmem>> -> memref<1x80xi32, #tpu.memory_space<vmem>>
      %dma_start3A_53 = tpu.memref_squeeze %dma_start3A_52 : memref<1x80xi32, #tpu.memory_space<vmem>> -> memref<80xi32, #tpu.memory_space<vmem>>
      %dma_start3A_54 = arith.constant 0 : i32
      %dma_start3A_55 = arith.constant 0 : i32
      %dma_start3A_56 = tpu.memref_slice %arg11[%dma_start3A_54, %dma_start3A_55] : memref<10112x128xf32, #tpu.memory_space<vmem_shared>> -> memref<10112x128xf32, #tpu.memory_space<vmem_shared>>
      tpu.enqueue_indirect_dma source(%arg9 : memref<80x128xf32, #tpu.memory_space<vmem>>) target(%dma_start3A_56 : memref<10112x128xf32, #tpu.memory_space<vmem_shared>>) offsets(%dma_start3A_53 : memref<80xi32, #tpu.memory_space<vmem>>) semaphore(%run_scoped3A_50 : memref<!tpu.dma_semaphore, #tpu.memory_space<semaphore_mem>>) {add = true}
      %dma_wait3A_57 = arith.constant 0 : i32
      %dma_wait3A_58 = tpu.memref_slice %arg7[%run_scoped3A, %dma_wait3A_57] : memref<125x80xi32, #tpu.memory_space<vmem>> -> memref<1x80xi32, #tpu.memory_space<vmem>>
      %dma_wait3A_59 = tpu.memref_squeeze %dma_wait3A_58 : memref<1x80xi32, #tpu.memory_space<vmem>> -> memref<80xi32, #tpu.memory_space<vmem>>
      %dma_wait3A_60 = arith.constant 0 : i32
      %dma_wait3A_61 = arith.constant 0 : i32
      %dma_wait3A_62 = tpu.memref_slice %arg11[%dma_wait3A_60, %dma_wait3A_61] : memref<10112x128xf32, #tpu.memory_space<vmem_shared>> -> memref<10112x128xf32, #tpu.memory_space<vmem_shared>>
      tpu.wait_indirect_dma semaphore(%run_scoped3A_50 : memref<!tpu.dma_semaphore, #tpu.memory_space<semaphore_mem>>) src(%arg9 : memref<80x128xf32, #tpu.memory_space<vmem>>) dst(%dma_wait3A_62 : memref<10112x128xf32, #tpu.memory_space<vmem_shared>>)
      tpu.yield
    }) : () -> ()
    %barrier3A_49 = arith.constant 0 : index
    tpu.barrier barrier_id(%barrier3A_49)
    "tpu.region"() ({
      %run_scoped3A_50 = tpu.sem_alloc : memref<!tpu.dma_semaphore, #tpu.memory_space<semaphore_mem>>
      %dma_start3A_51 = arith.constant 0 : i32
      %dma_start3A_52 = tpu.memref_slice %arg6[%arg0, %mul3A_2, %dma_start3A_51] : memref<2x10112x128xf32, #tpu.memory_space<hbm>> -> memref<1x632x128xf32, #tpu.memory_space<hbm>>
      %dma_start3A_53 = tpu.memref_squeeze %dma_start3A_52 : memref<1x632x128xf32, #tpu.memory_space<hbm>> -> memref<632x128xf32, #tpu.memory_space<hbm>>
      %dma_start3A_54 = arith.constant 0 : i32
      %dma_start3A_55 = tpu.memref_slice %arg11[%mul3A_2, %dma_start3A_54] : memref<10112x128xf32, #tpu.memory_space<vmem_shared>> -> memref<632x128xf32, #tpu.memory_space<vmem_shared>>
      tpu.enqueue_dma source(%dma_start3A_55 : memref<632x128xf32, #tpu.memory_space<vmem_shared>>) target(%dma_start3A_53 : memref<632x128xf32, #tpu.memory_space<hbm>>) target_semaphore(%run_scoped3A_50 : memref<!tpu.dma_semaphore, #tpu.memory_space<semaphore_mem>>)
      %dma_wait3A_56 = arith.constant 0 : i32
      %dma_wait3A_57 = tpu.memref_slice %arg6[%arg0, %mul3A_2, %dma_wait3A_56] : memref<2x10112x128xf32, #tpu.memory_space<hbm>> -> memref<1x632x128xf32, #tpu.memory_space<hbm>>
      %dma_wait3A_58 = tpu.memref_squeeze %dma_wait3A_57 : memref<1x632x128xf32, #tpu.memory_space<hbm>> -> memref<632x128xf32, #tpu.memory_space<hbm>>
      %dma_wait3A_59 = arith.constant 0 : i32
      %dma_wait3A_60 = tpu.memref_slice %arg11[%mul3A_2, %dma_wait3A_59] : memref<10112x128xf32, #tpu.memory_space<vmem_shared>> -> memref<632x128xf32, #tpu.memory_space<vmem_shared>>
      tpu.wait_dma2 semaphore(%run_scoped3A_50 : memref<!tpu.dma_semaphore, #tpu.memory_space<semaphore_mem>>) src(%dma_wait3A_60 : memref<632x128xf32, #tpu.memory_space<vmem_shared>>) dst(%dma_wait3A_58 : memref<632x128xf32, #tpu.memory_space<hbm>>)
      tpu.yield
    }) : () -> ()
    return
  }
}

#map = affine_map<(d0, d1) -> (0, 0)>
#map1 = affine_map<(d0, d1) -> (0, 0, 0)>
module attributes {stable_mosaic.version = 14 : i64} {
  func.func @k(%arg0: i32, %arg1: i32, %arg2: memref<632x128xf32, #tpu.memory_space<hbm>>, %arg3: memref<10000x128xf32, #tpu.memory_space<hbm>>, %arg4: memref<32x125x80xi32, #tpu.memory_space<hbm>>, %arg5: memref<32x10000xi32, #tpu.memory_space<hbm>>, %arg6: memref<2x10112x128xf32, #tpu.memory_space<hbm>>, %arg7: memref<125x80xi32, #tpu.memory_space<vmem>>, %arg8: memref<10000xi32, #tpu.memory_space<vmem>>, %arg9: memref<80x128xf32, #tpu.memory_space<vmem>>, %arg10: memref<80x128xf32, #tpu.memory_space<vmem>>, %arg11: memref<10112x128xf32, #tpu.memory_space<vmem_shared>>, %arg12: memref<!tpu.dma_semaphore, #tpu.memory_space<semaphore_mem>>, %arg13: memref<!tpu.dma_semaphore, #tpu.memory_space<semaphore_mem>>, %arg14: memref<!tpu.dma_semaphore, #tpu.memory_space<semaphore_mem>>) attributes {dimension_semantics = [#tpu.dimension_semantics<core_parallel>, #tpu.dimension_semantics<subcore_parallel>], iteration_bounds = array<i64: 2, 16>, scalar_prefetch = 0 : i64, scratch_operands = 8 : i64, tpu.core_type = #tpu.core_type<sc_vector_subcore>, window_params = [{transform_indices = #map}, {transform_indices = #map}, {transform_indices = #map1}, {transform_indices = #map}, {transform_indices = #map1}]} {
    %mul3A = arith.constant 2 : i32
    %mul3A_0 = arith.muli %arg1, %mul3A : i32
    %add3A = arith.addi %mul3A_0, %arg0 : i32
    %mul3A_1 = arith.constant 632 : i32
    %mul3A_2 = arith.muli %arg1, %mul3A_1 : i32
    %dma_start3A = arith.constant 0 : i32
    %dma_start3A_3 = tpu.memref_slice %arg11[%mul3A_2, %dma_start3A] : memref<10112x128xf32, #tpu.memory_space<vmem_shared>> -> memref<632x128xf32, #tpu.memory_space<vmem_shared>>
    tpu.enqueue_dma source(%arg2 : memref<632x128xf32, #tpu.memory_space<hbm>>) target(%dma_start3A_3 : memref<632x128xf32, #tpu.memory_space<vmem_shared>>) target_semaphore(%arg14 : memref<!tpu.dma_semaphore, #tpu.memory_space<semaphore_mem>>)
    %dma_start3A_4 = arith.constant 0 : i32
    %dma_start3A_5 = arith.constant 0 : i32
    %dma_start3A_6 = tpu.memref_slice %arg4[%add3A, %dma_start3A_4, %dma_start3A_5] : memref<32x125x80xi32, #tpu.memory_space<hbm>> -> memref<1x125x80xi32, #tpu.memory_space<hbm>>
    %dma_start3A_7 = tpu.memref_squeeze %dma_start3A_6 : memref<1x125x80xi32, #tpu.memory_space<hbm>> -> memref<125x80xi32, #tpu.memory_space<hbm>>
    %dma_start3A_8 = arith.constant 0 : i32
    %dma_start3A_9 = arith.constant 0 : i32
    %dma_start3A_10 = tpu.memref_slice %arg4[%add3A, %dma_start3A_8, %dma_start3A_9] : memref<32x125x80xi32, #tpu.memory_space<hbm>> -> memref<1x125x80xi32, #tpu.memory_space<hbm>>
    %dma_start3A_11 = tpu.memref_squeeze %dma_start3A_10 : memref<1x125x80xi32, #tpu.memory_space<hbm>> -> memref<125x80xi32, #tpu.memory_space<hbm>>
    tpu.enqueue_dma source(%dma_start3A_11 : memref<125x80xi32, #tpu.memory_space<hbm>>) target(%arg7 : memref<125x80xi32, #tpu.memory_space<vmem>>) target_semaphore(%arg14 : memref<!tpu.dma_semaphore, #tpu.memory_space<semaphore_mem>>)
    %dma_start3A_12 = arith.constant 0 : i32
    %dma_start3A_13 = tpu.memref_slice %arg5[%add3A, %dma_start3A_12] : memref<32x10000xi32, #tpu.memory_space<hbm>> -> memref<1x10000xi32, #tpu.memory_space<hbm>>
    %dma_start3A_14 = tpu.memref_squeeze %dma_start3A_13 : memref<1x10000xi32, #tpu.memory_space<hbm>> -> memref<10000xi32, #tpu.memory_space<hbm>>
    %dma_start3A_15 = arith.constant 0 : i32
    %dma_start3A_16 = tpu.memref_slice %arg5[%add3A, %dma_start3A_15] : memref<32x10000xi32, #tpu.memory_space<hbm>> -> memref<1x10000xi32, #tpu.memory_space<hbm>>
    %dma_start3A_17 = tpu.memref_squeeze %dma_start3A_16 : memref<1x10000xi32, #tpu.memory_space<hbm>> -> memref<10000xi32, #tpu.memory_space<hbm>>
    tpu.enqueue_dma source(%dma_start3A_17 : memref<10000xi32, #tpu.memory_space<hbm>>) target(%arg8 : memref<10000xi32, #tpu.memory_space<vmem>>) target_semaphore(%arg14 : memref<!tpu.dma_semaphore, #tpu.memory_space<semaphore_mem>>)
    %dma_wait3A = arith.constant 0 : i32
    %dma_wait3A_18 = tpu.memref_slice %arg11[%mul3A_2, %dma_wait3A] : memref<10112x128xf32, #tpu.memory_space<vmem_shared>> -> memref<632x128xf32, #tpu.memory_space<vmem_shared>>
    tpu.wait_dma2 semaphore(%arg14 : memref<!tpu.dma_semaphore, #tpu.memory_space<semaphore_mem>>) src(%arg2 : memref<632x128xf32, #tpu.memory_space<hbm>>) dst(%dma_wait3A_18 : memref<632x128xf32, #tpu.memory_space<vmem_shared>>)
    %dma_wait3A_19 = arith.constant 0 : i32
    %dma_wait3A_20 = arith.constant 0 : i32
    %dma_wait3A_21 = tpu.memref_slice %arg4[%add3A, %dma_wait3A_19, %dma_wait3A_20] : memref<32x125x80xi32, #tpu.memory_space<hbm>> -> memref<1x125x80xi32, #tpu.memory_space<hbm>>
    %dma_wait3A_22 = tpu.memref_squeeze %dma_wait3A_21 : memref<1x125x80xi32, #tpu.memory_space<hbm>> -> memref<125x80xi32, #tpu.memory_space<hbm>>
    %dma_wait3A_23 = arith.constant 0 : i32
    %dma_wait3A_24 = arith.constant 0 : i32
    %dma_wait3A_25 = tpu.memref_slice %arg4[%add3A, %dma_wait3A_23, %dma_wait3A_24] : memref<32x125x80xi32, #tpu.memory_space<hbm>> -> memref<1x125x80xi32, #tpu.memory_space<hbm>>
    %dma_wait3A_26 = tpu.memref_squeeze %dma_wait3A_25 : memref<1x125x80xi32, #tpu.memory_space<hbm>> -> memref<125x80xi32, #tpu.memory_space<hbm>>
    tpu.wait_dma2 semaphore(%arg14 : memref<!tpu.dma_semaphore, #tpu.memory_space<semaphore_mem>>) src(%dma_wait3A_26 : memref<125x80xi32, #tpu.memory_space<hbm>>) dst(%arg7 : memref<125x80xi32, #tpu.memory_space<vmem>>)
    %dma_wait3A_27 = arith.constant 0 : i32
    %dma_wait3A_28 = tpu.memref_slice %arg5[%add3A, %dma_wait3A_27] : memref<32x10000xi32, #tpu.memory_space<hbm>> -> memref<1x10000xi32, #tpu.memory_space<hbm>>
    %dma_wait3A_29 = tpu.memref_squeeze %dma_wait3A_28 : memref<1x10000xi32, #tpu.memory_space<hbm>> -> memref<10000xi32, #tpu.memory_space<hbm>>
    %dma_wait3A_30 = arith.constant 0 : i32
    %dma_wait3A_31 = tpu.memref_slice %arg5[%add3A, %dma_wait3A_30] : memref<32x10000xi32, #tpu.memory_space<hbm>> -> memref<1x10000xi32, #tpu.memory_space<hbm>>
    %dma_wait3A_32 = tpu.memref_squeeze %dma_wait3A_31 : memref<1x10000xi32, #tpu.memory_space<hbm>> -> memref<10000xi32, #tpu.memory_space<hbm>>
    tpu.wait_dma2 semaphore(%arg14 : memref<!tpu.dma_semaphore, #tpu.memory_space<semaphore_mem>>) src(%dma_wait3A_32 : memref<10000xi32, #tpu.memory_space<hbm>>) dst(%arg8 : memref<10000xi32, #tpu.memory_space<vmem>>)
    %dma_start3A_33 = arith.constant 0 : i32
    %dma_start3A_34 = tpu.memref_slice %arg8[%dma_start3A_33] : memref<10000xi32, #tpu.memory_space<vmem>> -> memref<80xi32, #tpu.memory_space<vmem>>
    %dma_start3A_35 = arith.constant 0 : i32
    %dma_start3A_36 = arith.constant 0 : i32
    %dma_start3A_37 = tpu.memref_slice %arg3[%dma_start3A_35, %dma_start3A_36] : memref<10000x128xf32, #tpu.memory_space<hbm>> -> memref<10000x128xf32, #tpu.memory_space<hbm>>
    tpu.enqueue_indirect_dma source(%dma_start3A_37 : memref<10000x128xf32, #tpu.memory_space<hbm>>) target(%arg9 : memref<80x128xf32, #tpu.memory_space<vmem>>) offsets(%dma_start3A_34 : memref<80xi32, #tpu.memory_space<vmem>>) semaphore(%arg12 : memref<!tpu.dma_semaphore, #tpu.memory_space<semaphore_mem>>)
    %barrier3A = arith.constant 0 : index
    tpu.barrier barrier_id(%barrier3A)
    %scan3A = arith.constant 0 : i32
    %scan3A_38 = arith.constant 0 : i32
    %scan3A_39 = arith.constant 62 : i32
    %scan3A_40 = arith.addi %scan3A_38, %scan3A_39 : i32
    %scan3A_41 = arith.constant 1 : i32
    %scan3A_42 = scf.for %scan3A_50 = %scan3A_38 to %scan3A_40 step %scan3A_41 iter_args(%scan3A_51 = %scan3A) -> (i32)  : i32 {
      %mul3A_52 = arith.constant 2 : i32
      %mul3A_53 = arith.muli %mul3A_52, %scan3A_50 : i32
      %add3A_54 = arith.constant 1 : i32
      %add3A_55 = arith.addi %mul3A_53, %add3A_54 : i32
      %mul3A_56 = arith.constant 80 : i32
      %mul3A_57 = arith.muli %add3A_55, %mul3A_56 : i32
      %dma_start3A_58 = tpu.memref_slice %arg8[%mul3A_57] : memref<10000xi32, #tpu.memory_space<vmem>> -> memref<80xi32, #tpu.memory_space<vmem>>
      %dma_start3A_59 = arith.constant 0 : i32
      %dma_start3A_60 = arith.constant 0 : i32
      %dma_start3A_61 = tpu.memref_slice %arg3[%dma_start3A_59, %dma_start3A_60] : memref<10000x128xf32, #tpu.memory_space<hbm>> -> memref<10000x128xf32, #tpu.memory_space<hbm>>
      tpu.enqueue_indirect_dma source(%dma_start3A_61 : memref<10000x128xf32, #tpu.memory_space<hbm>>) target(%arg10 : memref<80x128xf32, #tpu.memory_space<vmem>>) offsets(%dma_start3A_58 : memref<80xi32, #tpu.memory_space<vmem>>) semaphore(%arg13 : memref<!tpu.dma_semaphore, #tpu.memory_space<semaphore_mem>>)
      %mul3A_62 = arith.constant 80 : i32
      %mul3A_63 = arith.muli %mul3A_53, %mul3A_62 : i32
      %dma_wait3A_64 = tpu.memref_slice %arg8[%mul3A_63] : memref<10000xi32, #tpu.memory_space<vmem>> -> memref<80xi32, #tpu.memory_space<vmem>>
      %dma_wait3A_65 = arith.constant 0 : i32
      %dma_wait3A_66 = arith.constant 0 : i32
      %dma_wait3A_67 = tpu.memref_slice %arg3[%dma_wait3A_65, %dma_wait3A_66] : memref<10000x128xf32, #tpu.memory_space<hbm>> -> memref<10000x128xf32, #tpu.memory_space<hbm>>
      tpu.wait_indirect_dma semaphore(%arg12 : memref<!tpu.dma_semaphore, #tpu.memory_space<semaphore_mem>>) src(%dma_wait3A_67 : memref<10000x128xf32, #tpu.memory_space<hbm>>) dst(%arg9 : memref<80x128xf32, #tpu.memory_space<vmem>>)
      "tpu.region"() ({
        %run_scoped3A_83 = tpu.sem_alloc : memref<!tpu.dma_semaphore, #tpu.memory_space<semaphore_mem>>
        %dma_start3A_84 = arith.constant 0 : i32
        %dma_start3A_85 = tpu.memref_slice %arg7[%mul3A_53, %dma_start3A_84] : memref<125x80xi32, #tpu.memory_space<vmem>> -> memref<1x80xi32, #tpu.memory_space<vmem>>
        %dma_start3A_86 = tpu.memref_squeeze %dma_start3A_85 : memref<1x80xi32, #tpu.memory_space<vmem>> -> memref<80xi32, #tpu.memory_space<vmem>>
        %dma_start3A_87 = arith.constant 0 : i32
        %dma_start3A_88 = arith.constant 0 : i32
        %dma_start3A_89 = tpu.memref_slice %arg11[%dma_start3A_87, %dma_start3A_88] : memref<10112x128xf32, #tpu.memory_space<vmem_shared>> -> memref<10112x128xf32, #tpu.memory_space<vmem_shared>>
        tpu.enqueue_indirect_dma source(%arg9 : memref<80x128xf32, #tpu.memory_space<vmem>>) target(%dma_start3A_89 : memref<10112x128xf32, #tpu.memory_space<vmem_shared>>) offsets(%dma_start3A_86 : memref<80xi32, #tpu.memory_space<vmem>>) semaphore(%run_scoped3A_83 : memref<!tpu.dma_semaphore, #tpu.memory_space<semaphore_mem>>) {add = true}
        %dma_wait3A_90 = arith.constant 0 : i32
        %dma_wait3A_91 = tpu.memref_slice %arg7[%mul3A_53, %dma_wait3A_90] : memref<125x80xi32, #tpu.memory_space<vmem>> -> memref<1x80xi32, #tpu.memory_space<vmem>>
        %dma_wait3A_92 = tpu.memref_squeeze %dma_wait3A_91 : memref<1x80xi32, #tpu.memory_space<vmem>> -> memref<80xi32, #tpu.memory_space<vmem>>
        %dma_wait3A_93 = arith.constant 0 : i32
        %dma_wait3A_94 = arith.constant 0 : i32
        %dma_wait3A_95 = tpu.memref_slice %arg11[%dma_wait3A_93, %dma_wait3A_94] : memref<10112x128xf32, #tpu.memory_space<vmem_shared>> -> memref<10112x128xf32, #tpu.memory_space<vmem_shared>>
        tpu.wait_indirect_dma semaphore(%run_scoped3A_83 : memref<!tpu.dma_semaphore, #tpu.memory_space<semaphore_mem>>) src(%arg9 : memref<80x128xf32, #tpu.memory_space<vmem>>) dst(%dma_wait3A_95 : memref<10112x128xf32, #tpu.memory_space<vmem_shared>>)
        tpu.yield
      }) : () -> ()
      %add3A_68 = arith.constant 1 : i32
      %add3A_69 = arith.addi %add3A_55, %add3A_68 : i32
      %mul3A_70 = arith.constant 80 : i32
      %mul3A_71 = arith.muli %add3A_69, %mul3A_70 : i32
      %dma_start3A_72 = tpu.memref_slice %arg8[%mul3A_71] : memref<10000xi32, #tpu.memory_space<vmem>> -> memref<80xi32, #tpu.memory_space<vmem>>
      %dma_start3A_73 = arith.constant 0 : i32
      %dma_start3A_74 = arith.constant 0 : i32
      %dma_start3A_75 = tpu.memref_slice %arg3[%dma_start3A_73, %dma_start3A_74] : memref<10000x128xf32, #tpu.memory_space<hbm>> -> memref<10000x128xf32, #tpu.memory_space<hbm>>
      tpu.enqueue_indirect_dma source(%dma_start3A_75 : memref<10000x128xf32, #tpu.memory_space<hbm>>) target(%arg9 : memref<80x128xf32, #tpu.memory_space<vmem>>) offsets(%dma_start3A_72 : memref<80xi32, #tpu.memory_space<vmem>>) semaphore(%arg12 : memref<!tpu.dma_semaphore, #tpu.memory_space<semaphore_mem>>)
      %mul3A_76 = arith.constant 80 : i32
      %mul3A_77 = arith.muli %add3A_55, %mul3A_76 : i32
      %dma_wait3A_78 = tpu.memref_slice %arg8[%mul3A_77] : memref<10000xi32, #tpu.memory_space<vmem>> -> memref<80xi32, #tpu.memory_space<vmem>>
      %dma_wait3A_79 = arith.constant 0 : i32
      %dma_wait3A_80 = arith.constant 0 : i32
      %dma_wait3A_81 = tpu.memref_slice %arg3[%dma_wait3A_79, %dma_wait3A_80] : memref<10000x128xf32, #tpu.memory_space<hbm>> -> memref<10000x128xf32, #tpu.memory_space<hbm>>
      tpu.wait_indirect_dma semaphore(%arg13 : memref<!tpu.dma_semaphore, #tpu.memory_space<semaphore_mem>>) src(%dma_wait3A_81 : memref<10000x128xf32, #tpu.memory_space<hbm>>) dst(%arg10 : memref<80x128xf32, #tpu.memory_space<vmem>>)
      "tpu.region"() ({
        %run_scoped3A_83 = tpu.sem_alloc : memref<!tpu.dma_semaphore, #tpu.memory_space<semaphore_mem>>
        %dma_start3A_84 = arith.constant 0 : i32
        %dma_start3A_85 = tpu.memref_slice %arg7[%add3A_55, %dma_start3A_84] : memref<125x80xi32, #tpu.memory_space<vmem>> -> memref<1x80xi32, #tpu.memory_space<vmem>>
        %dma_start3A_86 = tpu.memref_squeeze %dma_start3A_85 : memref<1x80xi32, #tpu.memory_space<vmem>> -> memref<80xi32, #tpu.memory_space<vmem>>
        %dma_start3A_87 = arith.constant 0 : i32
        %dma_start3A_88 = arith.constant 0 : i32
        %dma_start3A_89 = tpu.memref_slice %arg11[%dma_start3A_87, %dma_start3A_88] : memref<10112x128xf32, #tpu.memory_space<vmem_shared>> -> memref<10112x128xf32, #tpu.memory_space<vmem_shared>>
        tpu.enqueue_indirect_dma source(%arg10 : memref<80x128xf32, #tpu.memory_space<vmem>>) target(%dma_start3A_89 : memref<10112x128xf32, #tpu.memory_space<vmem_shared>>) offsets(%dma_start3A_86 : memref<80xi32, #tpu.memory_space<vmem>>) semaphore(%run_scoped3A_83 : memref<!tpu.dma_semaphore, #tpu.memory_space<semaphore_mem>>) {add = true}
        %dma_wait3A_90 = arith.constant 0 : i32
        %dma_wait3A_91 = tpu.memref_slice %arg7[%add3A_55, %dma_wait3A_90] : memref<125x80xi32, #tpu.memory_space<vmem>> -> memref<1x80xi32, #tpu.memory_space<vmem>>
        %dma_wait3A_92 = tpu.memref_squeeze %dma_wait3A_91 : memref<1x80xi32, #tpu.memory_space<vmem>> -> memref<80xi32, #tpu.memory_space<vmem>>
        %dma_wait3A_93 = arith.constant 0 : i32
        %dma_wait3A_94 = arith.constant 0 : i32
        %dma_wait3A_95 = tpu.memref_slice %arg11[%dma_wait3A_93, %dma_wait3A_94] : memref<10112x128xf32, #tpu.memory_space<vmem_shared>> -> memref<10112x128xf32, #tpu.memory_space<vmem_shared>>
        tpu.wait_indirect_dma semaphore(%run_scoped3A_83 : memref<!tpu.dma_semaphore, #tpu.memory_space<semaphore_mem>>) src(%arg10 : memref<80x128xf32, #tpu.memory_space<vmem>>) dst(%dma_wait3A_95 : memref<10112x128xf32, #tpu.memory_space<vmem_shared>>)
        tpu.yield
      }) : () -> ()
      %scan3A_82 = arith.constant 0 : i32
      scf.yield %scan3A_82 : i32
    }
    %scan3A_43 = arith.constant 62 : i32
    %dma_wait3A_44 = arith.constant 9920 : i32
    %dma_wait3A_45 = tpu.memref_slice %arg8[%dma_wait3A_44] : memref<10000xi32, #tpu.memory_space<vmem>> -> memref<80xi32, #tpu.memory_space<vmem>>
    %dma_wait3A_46 = arith.constant 0 : i32
    %dma_wait3A_47 = arith.constant 0 : i32
    %dma_wait3A_48 = tpu.memref_slice %arg3[%dma_wait3A_46, %dma_wait3A_47] : memref<10000x128xf32, #tpu.memory_space<hbm>> -> memref<10000x128xf32, #tpu.memory_space<hbm>>
    tpu.wait_indirect_dma semaphore(%arg12 : memref<!tpu.dma_semaphore, #tpu.memory_space<semaphore_mem>>) src(%dma_wait3A_48 : memref<10000x128xf32, #tpu.memory_space<hbm>>) dst(%arg9 : memref<80x128xf32, #tpu.memory_space<vmem>>)
    %run_scoped3A = arith.constant 124 : i32
    "tpu.region"() ({
      %run_scoped3A_50 = tpu.sem_alloc : memref<!tpu.dma_semaphore, #tpu.memory_space<semaphore_mem>>
      %dma_start3A_51 = arith.constant 0 : i32
      %dma_start3A_52 = tpu.memref_slice %arg7[%run_scoped3A, %dma_start3A_51] : memref<125x80xi32, #tpu.memory_space<vmem>> -> memref<1x80xi32, #tpu.memory_space<vmem>>
      %dma_start3A_53 = tpu.memref_squeeze %dma_start3A_52 : memref<1x80xi32, #tpu.memory_space<vmem>> -> memref<80xi32, #tpu.memory_space<vmem>>
      %dma_start3A_54 = arith.constant 0 : i32
      %dma_start3A_55 = arith.constant 0 : i32
      %dma_start3A_56 = tpu.memref_slice %arg11[%dma_start3A_54, %dma_start3A_55] : memref<10112x128xf32, #tpu.memory_space<vmem_shared>> -> memref<10112x128xf32, #tpu.memory_space<vmem_shared>>
      tpu.enqueue_indirect_dma source(%arg9 : memref<80x128xf32, #tpu.memory_space<vmem>>) target(%dma_start3A_56 : memref<10112x128xf32, #tpu.memory_space<vmem_shared>>) offsets(%dma_start3A_53 : memref<80xi32, #tpu.memory_space<vmem>>) semaphore(%run_scoped3A_50 : memref<!tpu.dma_semaphore, #tpu.memory_space<semaphore_mem>>) {add = true}
      %dma_wait3A_57 = arith.constant 0 : i32
      %dma_wait3A_58 = tpu.memref_slice %arg7[%run_scoped3A, %dma_wait3A_57] : memref<125x80xi32, #tpu.memory_space<vmem>> -> memref<1x80xi32, #tpu.memory_space<vmem>>
      %dma_wait3A_59 = tpu.memref_squeeze %dma_wait3A_58 : memref<1x80xi32, #tpu.memory_space<vmem>> -> memref<80xi32, #tpu.memory_space<vmem>>
      %dma_wait3A_60 = arith.constant 0 : i32
      %dma_wait3A_61 = arith.constant 0 : i32
      %dma_wait3A_62 = tpu.memref_slice %arg11[%dma_wait3A_60, %dma_wait3A_61] : memref<10112x128xf32, #tpu.memory_space<vmem_shared>> -> memref<10112x128xf32, #tpu.memory_space<vmem_shared>>
      tpu.wait_indirect_dma semaphore(%run_scoped3A_50 : memref<!tpu.dma_semaphore, #tpu.memory_space<semaphore_mem>>) src(%arg9 : memref<80x128xf32, #tpu.memory_space<vmem>>) dst(%dma_wait3A_62 : memref<10112x128xf32, #tpu.memory_space<vmem_shared>>)
      tpu.yield
    }) : () -> ()
    %barrier3A_49 = arith.constant 0 : index
    tpu.barrier barrier_id(%barrier3A_49)
    "tpu.region"() ({
      %run_scoped3A_50 = tpu.sem_alloc : memref<!tpu.dma_semaphore, #tpu.memory_space<semaphore_mem>>
      %dma_start3A_51 = arith.constant 0 : i32
      %dma_start3A_52 = tpu.memref_slice %arg6[%arg0, %mul3A_2, %dma_start3A_51] : memref<2x10112x128xf32, #tpu.memory_space<hbm>> -> memref<1x632x128xf32, #tpu.memory_space<hbm>>
      %dma_start3A_53 = tpu.memref_squeeze %dma_start3A_52 : memref<1x632x128xf32, #tpu.memory_space<hbm>> -> memref<632x128xf32, #tpu.memory_space<hbm>>
      %dma_start3A_54 = arith.constant 0 : i32
      %dma_start3A_55 = tpu.memref_slice %arg11[%mul3A_2, %dma_start3A_54] : memref<10112x128xf32, #tpu.memory_space<vmem_shared>> -> memref<632x128xf32, #tpu.memory_space<vmem_shared>>
      tpu.enqueue_dma source(%dma_start3A_55 : memref<632x128xf32, #tpu.memory_space<vmem_shared>>) target(%dma_start3A_53 : memref<632x128xf32, #tpu.memory_space<hbm>>) target_semaphore(%run_scoped3A_50 : memref<!tpu.dma_semaphore, #tpu.memory_space<semaphore_mem>>)
      %dma_wait3A_56 = arith.constant 0 : i32
      %dma_wait3A_57 = tpu.memref_slice %arg6[%arg0, %mul3A_2, %dma_wait3A_56] : memref<2x10112x128xf32, #tpu.memory_space<hbm>> -> memref<1x632x128xf32, #tpu.memory_space<hbm>>
      %dma_wait3A_58 = tpu.memref_squeeze %dma_wait3A_57 : memref<1x632x128xf32, #tpu.memory_space<hbm>> -> memref<632x128xf32, #tpu.memory_space<hbm>>
      %dma_wait3A_59 = arith.constant 0 : i32
      %dma_wait3A_60 = tpu.memref_slice %arg11[%mul3A_2, %dma_wait3A_59] : memref<10112x128xf32, #tpu.memory_space<vmem_shared>> -> memref<632x128xf32, #tpu.memory_space<vmem_shared>>
      tpu.wait_dma2 semaphore(%run_scoped3A_50 : memref<!tpu.dma_semaphore, #tpu.memory_space<semaphore_mem>>) src(%dma_wait3A_60 : memref<632x128xf32, #tpu.memory_space<vmem_shared>>) dst(%dma_wait3A_58 : memref<632x128xf32, #tpu.memory_space<hbm>>)
      tpu.yield
    }) : () -> ()
    return
  }
}

module attributes {stable_mosaic.version = 14 : i64} {
  func.func @body(%arg0: i32, %arg1: memref<2x1000x128xf32, #tpu.memory_space<vmem>>, %arg2: memref<128x128xf32, #tpu.memory_space<vmem>>, %arg3: memref<1000x128xf32, #tpu.memory_space<vmem>>) attributes {dimension_semantics = [#tpu.dimension_semantics<arbitrary>], iteration_bounds = array<i64: 10>, scalar_prefetch = 0 : i64, scratch_operands = 0 : i64, tpu.core_type = #tpu.core_type<tc>, window_params = [{transform_indices = @transform_0, window_bounds = array<i64: 2, 1000, 128>}, {pipeline_mode = #tpu.pipeline_mode<synchronous>, transform_indices = @transform_1, window_bounds = array<i64: 128, 128>}, {transform_indices = @transform_2, window_bounds = array<i64: 1000, 128>}]} {
    %get3A = arith.constant 0 : index
    %get3A_0 = arith.constant 0 : index
    %get3A_1 = arith.constant 0 : index
    %get3A_2 = vector.load %arg1[%get3A, %get3A_0, %get3A_1] : memref<2x1000x128xf32, #tpu.memory_space<vmem>>, vector<1x1000x128xf32>
    %get3A_3 = vector.shape_cast %get3A_2 : vector<1x1000x128xf32> to vector<1000x128xf32>
    %get3A_4 = arith.constant 1 : index
    %get3A_5 = arith.constant 0 : index
    %get3A_6 = arith.constant 0 : index
    %get3A_7 = vector.load %arg1[%get3A_4, %get3A_5, %get3A_6] : memref<2x1000x128xf32, #tpu.memory_space<vmem>>, vector<1x1000x128xf32>
    %get3A_8 = vector.shape_cast %get3A_7 : vector<1x1000x128xf32> to vector<1000x128xf32>
    %add3A = arith.addf %get3A_3, %get3A_8 : vector<1000x128xf32>
    %get3A_9 = arith.constant 0 : index
    %get3A_10 = arith.constant 0 : index
    %get3A_11 = vector.load %arg2[%get3A_9, %get3A_10] : memref<128x128xf32, #tpu.memory_space<vmem>>, vector<128x128xf32>
    %dot_general3A = arith.constant dense<0.000000e+00> : vector<1000x128xf32>
    %dot_general3A_12 = tpu.matmul %add3A, %get3A_11, %dot_general3A {dimension_numbers = #tpu.dot_dimension_numbers<[1], [0], [0], [1], [0, 0, 1, 1], [], []>, transpose_lhs_hint = false} : vector<1000x128xf32>, vector<128x128xf32>, vector<1000x128xf32> -> vector<1000x128xf32>
    %max3A = arith.constant 0.000000e+00 : f32
    %max3A_13 = vector.broadcast %max3A : f32 to vector<1000x128xf32>
    %max3A_14 = arith.maximumf %dot_general3A_12, %max3A_13 : vector<1000x128xf32>
    %swap3A = arith.constant 0 : index
    %swap3A_15 = arith.constant 0 : index
    %swap3A_16 = vector.load %arg3[%swap3A, %swap3A_15] : memref<1000x128xf32, #tpu.memory_space<vmem>>, vector<1000x128xf32>
    tpu.vector_store %arg3[%swap3A, %swap3A_15], %max3A_14 {strides = array<i32>} : memref<1000x128xf32, #tpu.memory_space<vmem>>, vector<1000x128xf32>,
    return
  }
  func.func @transform_0(%arg0: i32) -> (i32, i32, i32) {
    %c0_i32 = arith.constant 0 : i32
    %c0_i32_0 = arith.constant 0 : i32
    %c0_i32_1 = arith.constant 0 : i32
    return %c0_i32, %arg0, %c0_i32_0 : i32, i32, i32
  }
  func.func @transform_1(%arg0: i32) -> (i32, i32) {
    %c0_i32 = arith.constant 0 : i32
    %c0_i32_0 = arith.constant 0 : i32
    %c0_i32_1 = arith.constant 0 : i32
    return %c0_i32, %c0_i32_0 : i32, i32
  }
  func.func @transform_2(%arg0: i32) -> (i32, i32) {
    %c0_i32 = arith.constant 0 : i32
    %c0_i32_0 = arith.constant 0 : i32
    return %arg0, %c0_i32 : i32, i32
  }
}

module attributes {stable_mosaic.version = 14 : i64} {
  func.func @body(%arg0: i32, %arg1: memref<2x1000x128xf32, #tpu.memory_space<vmem>>, %arg2: memref<128x128xf32, #tpu.memory_space<vmem>>, %arg3: memref<1000x128xf32, #tpu.memory_space<vmem>>) attributes {dimension_semantics = [#tpu.dimension_semantics<arbitrary>], iteration_bounds = array<i64: 10>, scalar_prefetch = 0 : i64, scratch_operands = 0 : i64, tpu.core_type = #tpu.core_type<tc>, window_params = [{transform_indices = @transform_0, window_bounds = array<i64: 2, 1000, 128>}, {pipeline_mode = #tpu.pipeline_mode<synchronous>, transform_indices = @transform_1, window_bounds = array<i64: 128, 128>}, {transform_indices = @transform_2, window_bounds = array<i64: 1000, 128>}]} {
    %get3A = arith.constant 0 : index
    %get3A_0 = arith.constant 0 : index
    %get3A_1 = arith.constant 0 : index
    %get3A_2 = vector.load %arg1[%get3A, %get3A_0, %get3A_1] : memref<2x1000x128xf32, #tpu.memory_space<vmem>>, vector<1x1000x128xf32>
    %get3A_3 = vector.shape_cast %get3A_2 : vector<1x1000x128xf32> to vector<1000x128xf32>
    %get3A_4 = arith.constant 1 : index
    %get3A_5 = arith.constant 0 : index
    %get3A_6 = arith.constant 0 : index
    %get3A_7 = vector.load %arg1[%get3A_4, %get3A_5, %get3A_6] : memref<2x1000x128xf32, #tpu.memory_space<vmem>>, vector<1x1000x128xf32>
    %get3A_8 = vector.shape_cast %get3A_7 : vector<1x1000x128xf32> to vector<1000x128xf32>
    %add3A = arith.addf %get3A_3, %get3A_8 : vector<1000x128xf32>
    %get3A_9 = arith.constant 0 : index
    %get3A_10 = arith.constant 0 : index
    %get3A_11 = vector.load %arg2[%get3A_9, %get3A_10] : memref<128x128xf32, #tpu.memory_space<vmem>>, vector<128x128xf32>
    %dot_general3A = arith.constant dense<0.000000e+00> : vector<1000x128xf32>
    %dot_general3A_12 = tpu.matmul %add3A, %get3A_11, %dot_general3A {dimension_numbers = #tpu.dot_dimension_numbers<[1], [0], [0], [1], [0, 0, 1, 1], [], []>, transpose_lhs_hint = false} : vector<1000x128xf32>, vector<128x128xf32>, vector<1000x128xf32> -> vector<1000x128xf32>
    %swap3A = arith.constant 0 : index
    %swap3A_13 = arith.constant 0 : index
    %swap3A_14 = vector.load %arg3[%swap3A, %swap3A_13] : memref<1000x128xf32, #tpu.memory_space<vmem>>, vector<1000x128xf32>
    tpu.vector_store %arg3[%swap3A, %swap3A_13], %dot_general3A_12 {strides = array<i32>} : memref<1000x128xf32, #tpu.memory_space<vmem>>, vector<1000x128xf32>,
    return
  }
  func.func @transform_0(%arg0: i32) -> (i32, i32, i32) {
    %c0_i32 = arith.constant 0 : i32
    %c0_i32_0 = arith.constant 0 : i32
    %c0_i32_1 = arith.constant 0 : i32
    return %c0_i32, %arg0, %c0_i32_0 : i32, i32, i32
  }
  func.func @transform_1(%arg0: i32) -> (i32, i32) {
    %c0_i32 = arith.constant 0 : i32
    %c0_i32_0 = arith.constant 0 : i32
    %c0_i32_1 = arith.constant 0 : i32
    return %c0_i32, %c0_i32_0 : i32, i32
  }
  func.func @transform_2(%arg0: i32) -> (i32, i32) {
    %c0_i32 = arith.constant 0 : i32
    %c0_i32_0 = arith.constant 0 : i32
    return %arg0, %c0_i32 : i32, i32
  }
}

</mosaic_0001>

<sc_bundles>
// kernel: kernel.18.cloned.1.call-start
scs
__scs_entry_jumppad:
0x0: {  	(pc) =	sbr.rel $0x88, $3  }
0x1: {  	(tag) =	ssettag $0x0;
	lr =	simm.s32 $0x1  }
0x2: {  	[smem:$0x3F8D] =	sst lr;
	_ =	strace $0xD0000000  }
0x3: {  	_ = 	snop  }
0x4: {  	_ = 	snop  }
0x5: {  	_ = 	snop  }
0x6: {  	_ = 	snop  }
0x7: {  	_ = 	snop  }
__scs_overlays_trampoline_lowered:
0x8: {  	[smem:$0x3F9C] =	sst s0  }
0x9: {  	[smem:$0x3F9D] =	sst s1  }
0xa: {  	[smem:$0x3F9E] =	sst s2  }
0xb: {  	[smem:$0x3F9F] =	sst s3  }
0xc: {  	[smem:$0x3FA0] =	sst s4  }
0xd: {  	[smem:$0x3FA1] =	sst s5  }
0xe: {  	[smem:$0x3FA2] =	sst s6  }
0xf: {  	[smem:$0x3FA3] =	sst s7  }
0x10: {  	[smem:$0x3FA4] =	sst s8  }
0x11: {  	[smem:$0x3FA5] =	sst s9;
	s0 =	simm.s32 @!p0 $0x0  }
0x12: {  	s1 =	sld [smem:$0x3F8B];
	s0 =	simm.s32 @p0 $0x1  }
0x13: {  	[smem:$0x3FA6] =	sst s0;
	s0 =	simm.s32 @!p1 $0x0  }
0x14: {  	s2 =	sld [smem:$0x3F8A];
	s0 =	simm.s32 @p1 $0x1  }
0x15: {  	[smem:$0x3FA7] =	sst s0;
	s0 =	simm.s32 @!p2 $0x0  }
0x16: {  	s3 =	sld [smem:$0x3FDB];
	s0 =	simm.s32 @p2 $0x1  }
0x17: {  	s4 =	simm.s32 $0x1BF5;
	[smem:$0x3FA9] =	sst s0  }
0x18: {  	s0 =	sld [smem:$0x3F8C];
	_ =	swait.ge [sflag:s4], $0x0  }
0x19: {  	s7 =	sld [smem:$0x3F8D]  }
0x1a: {  	s8 =	sadd.s32 $0xFFFFE003, lr  }
0x1b: {  	s9 =	sadd.s32 $0xFFFFFEF7, lr;
	s5 =	simm.s32 $0xFFFFFFFF;
	p2 =	slt.u32 s8, $0xFFFFF086  }
0x1c: {  	p1 =	slt.u32 s9, $0xF7A;
	s5 =	simm.s32 @!p2 $0x0  }
0x1d: {  	s5 =	simm.s32 @p1 $0x1;
	p0 =	seq.s32 s7, s2  }
0x1e: {  	s7 =	smul.u32 @!p0 $0xF7A, s2;
	p2 =	seq.s32 @!p0 s5, $0x0  }
0x1f: {  	s9 =	smul.u32 $0xF7A, s1;
	s8 =	simm.s32 @!p0 $0x1BF5;
	p2 =	por !p2, p0  }
0x20: {  	[sflag:s8] =	ssyncset.s32 @!p0 $0xFFFFF086;
	s6 =	sadd.s32 @!p0 s3, s7;
	s7 =	simm.s32 @!p0 $0x108  }
0x21: {  	s3 =	sadd.s32 s3, s9;
	s6 =	sadd.s32 @!p0 $0x88, s6;
	s7 =	simm.s32 @p2 $0x1082  }
0x22: {  	[simem:s7], [sflag:s8] =	dma.local @!p0 [hbm:s6], $0xF7A  }
0x23: {  	s9 =	sor.u32 $0xD0000000, s2;
	s6 =	simm.s32 $0x108;
	_ =	swait.ge @!p0 [sflag:s8], $0x0  }
0x24: {  	s3 =	sadd.s32 $0x88, s3;
	s6 =	simm.s32 @!p1 $0x1082;
	[sflag:s4] =	ssyncset.s32 $0xFFFFF086  }
0x25: {  	[simem:s6], [sflag:s4] =	dma.local [hbm:s3], $0xF7A  }
0x26: {  	[smem:$0x3F8D] =	sst s1;
	(tag) =	ssettag s2;
	_ =	strace s9  }
0x27: {  	s1 =	sld [smem:$0x3F9D]  }
0x28: {  	s2 =	sld [smem:$0x3F9E]  }
0x29: {  	s4 =	sld [smem:$0x3FA0]  }
0x2a: {  	p0 =	seq.s32 s5, $0x0;
	s5 =	sld [smem:$0x3FA1]  }
0x2b: {  	s6 =	sld [smem:$0x3FA2]  }
0x2c: {  	s7 =	sld [smem:$0x3FA3]  }
0x2d: {  	s3 =	simm.s32 $0x108;
	s8 =	sld [smem:$0x3FA4]  }
0x2e: {  	s3 =	simm.s32 @!p0 $0x1082;
	s9 =	sld [smem:$0x3FA5]  }
0x2f: {  	lr =	sadd.s32 s0, s3;
	s0 =	sld [smem:$0x3F9C]  }
0x30: {  	s3 =	sld [smem:$0x3F9F]  }
0x31: {  	[smem:$0x3FA8] =	sst s10  }
0x32: {  	s10 =	sld [smem:$0x3FA6];
	_ =	sdelay $0x3  }
0x33: {  	p0 =	seq.s32 s10, $0x1;
	s10 =	sld [smem:$0x3FA8];
	_ =	sdelay $0x3  }
0x34: {  	[smem:$0x3FA8] =	sst s10  }
0x35: {  	s10 =	sld [smem:$0x3FA7];
	_ =	sdelay $0x3  }
0x36: {  	p1 =	seq.s32 s10, $0x1;
	s10 =	sld [smem:$0x3FA8];
	_ =	sdelay $0x3  }
0x37: {  	[smem:$0x3FA8] =	sst s10  }
0x38: {  	s10 =	sld [smem:$0x3FA9]  }
0x39: {  	_ = 	snop;
	(pc) =	sbr.ind lr, $3  }
0x3a: {  	_ = 	snop  }
0x3b: {  	_ = 	snop  }
0x3c: {  	p2 =	seq.s32 s10, $0x1;
	s10 =	sld [smem:$0x3FA8]  }
0x3d: {  	_ =	shalt  }
0x3e: {  	_ =	shalt  }
0x3f: {  	_ =	shalt  }
0x40: {  	_ =	shalt  }
0x41: {  	_ =	shalt  }
0x42: {  	_ =	shalt  }
0x43: {  	_ =	shalt  }
0x44: {  	_ =	shalt  }
0x45: {  	_ =	shalt  }
0x46: {  	_ =	shalt  }
0x47: {  	_ =	shalt  }
0x48: {  	_ =	shalt  }
0x49: {  	_ =	shalt  }
0x4a: {  	_ =	shalt  }
0x4b: {  	_ =	shalt  }
0x4c: {  	_ =	shalt  }
0x4d: {  	_ =	shalt  }
0x4e: {  	_ =	shalt  }
0x4f: {  	_ =	shalt  }
0x50: {  	_ =	shalt  }
0x51: {  	_ =	shalt  }
0x52: {  	_ =	shalt  }
0x53: {  	_ =	shalt  }
0x54: {  	_ =	shalt  }
0x55: {  	_ =	shalt  }
0x56: {  	_ =	shalt  }
0x57: {  	_ =	shalt  }
0x58: {  	_ =	shalt  }
0x59: {  	_ =	shalt  }
0x5a: {  	_ =	shalt  }
0x5b: {  	_ =	shalt  }
0x5c: {  	_ =	shalt  }
0x5d: {  	_ =	shalt  }
0x5e: {  	_ =	shalt  }
0x5f: {  	_ =	shalt  }
0x60: {  	_ =	shalt  }
0x61: {  	_ =	shalt  }
0x62: {  	_ =	shalt  }
0x63: {  	_ =	shalt  }
0x64: {  	_ =	shalt  }
0x65: {  	_ =	shalt  }
0x66: {  	_ =	shalt  }
0x67: {  	_ =	shalt  }
0x68: {  	_ =	shalt  }
0x69: {  	_ =	shalt  }
0x6a: {  	_ =	shalt  }
0x6b: {  	_ =	shalt  }
0x6c: {  	_ =	shalt  }
0x6d: {  	_ =	shalt  }
0x6e: {  	_ =	shalt  }
0x6f: {  	_ =	shalt  }
0x70: {  	_ =	shalt  }
0x71: {  	_ =	shalt  }
0x72: {  	_ =	shalt  }
0x73: {  	_ =	shalt  }
0x74: {  	_ =	shalt  }
0x75: {  	_ =	shalt  }
0x76: {  	_ =	shalt  }
0x77: {  	_ =	shalt  }
0x78: {  	_ =	shalt  }
0x79: {  	_ =	shalt  }
0x7a: {  	_ =	shalt  }
0x7b: {  	_ =	shalt  }
0x7c: {  	_ =	shalt  }
0x7d: {  	_ =	shalt  }
0x7e: {  	_ =	shalt  }
0x7f: {  	_ =	shalt  }
0x80: {  	_ =	shalt  }
0x81: {  	_ =	shalt  }
0x82: {  	_ =	shalt  }
0x83: {  	_ =	shalt  }
0x84: {  	_ =	shalt  }
0x85: {  	_ =	shalt  }
0x86: {  	_ =	shalt  }
0x87: {  	_ =	shalt  }
.Lfunc_end0:
.L_simem_size_0:
called_computation_lowered:
.L_overlay_start_0:
0x88: {  	s2 =	sld [smem:$0x3FD9]  }
0x89: {  	s3 =	sld [smem:$0x3FFE];
	_ =	sdelay $0x1  }
0x8a: {  	s1 =	srdreg.scid  }
0x8b: {  	s0 =	sand.u32 $0x1, s1  }
0x8c: {  	s15 =	sshll.u32 s0, $0xA;
	s2 =	sadd.s32 s3, s2  }
0x8d: {  	s2 =	sadd.s32 s2, s15  }
0x8e: {  	[smem:$0x3FB4] =	sst s2  }
0x8f: {  	_ = 	snop  }
0x90: {  	s16 =	sld [smem:$0x3FD0];
	_ =	sdelay $0x2  }
0x91: {  	s4 =	simm.s32 $0xD;
	s5 =	simm.s32 $0x10;
	s2 =	sld [smem:$0x3FC0]  }
0x92: {  	[smem:s5], [sflag:s4] =	dma.local [hbm:s16], $0x1  }
0x93: {  	_ =	swait.eq [sflag:s4], $0x1  }
0x94: {  	[sflag:s4] =	ssyncset.done $0x0  }
0x95: {  	[sflag:s4] =	ssyncadd.s32 $0xFFFFFFFF  }
0x96: {  	s17 =	sld [smem:$0x11];
	(tm) =	ssettm $0x1  }
0x97: {  	s18 =	sld [smem:$0x3FFB];
	_ =	sdelay $0x3  }
0x98: {  	_ =	strace s18  }
0x99: {  	s3 =	sld [smem:$0x3FFC];
	_ =	sdelay $0x3  }
0x9a: {  	_ =	strace s3  }
0x9b: {  	s3 =	sld [smem:$0x3FFD];
	_ =	sdelay $0x3  }
0x9c: {  	_ =	strace s3  }
0x9d: {  	_ =	strace $0x8FFFFFFF  }
0x9e: {  	s19 =	sld [smem:$0x3FDB];
	_ =	sdelay $0x1  }
0x9f: {  	s20 =	simm.s32 $_scs_section_size  }
0xa0: {  	s6 =	simm.s32 $_size__tile_overlayer_lowered;
	s7 =	simm.s32 $_tile_overlayer_lowered  }
0xa1: {  	s8 =	simm.s32 $0x1BFF;
	s21 =	sshll.u32 s7, $0x1;
	s5 =	sadd.s32 s20, s19  }
0xa2: {  	s22 =	simm.s32 $0x0;
	s6 =	sshll.u32 s6, $0x1;
	s7 =	sadd.s32 s21, s5  }
0xa3: {  	[timem:s22], [sflag:s8] =	dma.local [hbm:s7], s6  }
0xa4: {  	_ =	swait.ge [sflag:s8], s6  }
0xa5: {  	s6 =	ssub.s32 $0x0, s6;
	[sflag:s8] =	ssyncset.done $0x0  }
0xa6: {  	[sflag:s8] =	ssyncadd.s32 s6;
	_ =	sdelay $0x1  }
0xa7: {  	s23 =	simm.s32 $0x1B8B  }
0xa8: {  	_ =	swait.ge [sflag:s23], $0x1  }
0xa9: {  	[sflag:s23] =	ssyncset.done $0x0  }
0xaa: {  	[sflag:s23] =	ssyncadd.s32 $0xFFFFFFFF  }
0xab: {  	s6 =	sld [smem:$0x0]  }
0xac: {  	s7 =	sand.u32 $0xFFFFFFFE, s1  }
0xad: {  	p0 =	sne.s32 s1, s7  }
0xae: {  	s7 =	sshll.u32 @p0 s7, $0xE  }
0xaf: {  	s7 =	sadd.s32 @p0 $0x11B8D, s7;
	s8 =	sshll.u32 @p0 s6, $0x11  }
0xb0: {  	s7 =	sor.u32 @p0 s8, s7  }
0xb1: {  	[sflag:s7] =	ssyncadd.remote.s32 @p0 $0x1;
	_ =	sdelay $0x1  }
0xb2: {  	s7 =	simm.s32 @p0 $0x1B8D  }
0xb3: {  	_ =	swait.eq @p0 [sflag:s7], $0x1  }
0xb4: {  	[sflag:s7] =	ssyncadd.s32 @p0 $0xFFFFFFFF  }
0xb5: {  	s8 =	sshll.u32 @!p0 s1, $0xE  }
0xb6: {  	s8 =	sor.u32 @!p0 $0x4000, s8;
	s7 =	simm.s32 @!p0 $0x1B8D  }
0xb7: {  	s6 =	sshll.u32 @!p0 s6, $0x11;
	s8 =	sadd.s32 @!p0 $0x11B8D, s8;
	_ =	swait.eq @!p0 [sflag:s7], $0x1  }
0xb8: {  	s6 =	sor.u32 @!p0 s6, s8;
	[sflag:s7] =	ssyncadd.s32 @!p0 $0xFFFFFFFF  }
0xb9: {  	s25 =	simm.s32 $0x1B8E;
	s24 =	sld [smem:$0x3FFE];
	[sflag:s6] =	ssyncadd.remote.s32 @!p0 $0x1  }
0xba: {  	s26 =	simm.s32 $execute0_lowered;
	[smem:$0x3FD2] =	sst s25  }
0xbb: {  	s7 =	sshll.u32 s26, $0x1;
	_ =	strace $0x8000004F;
	[dreg:$0x1] =	wrdreg $0xFFFFFFFF  }
0xbc: {  	s28 =	simm.s32 $_size_execute0_lowered;
	s5 =	sadd.s32 s5, s7;
	[dreg:$0x0] =	wrdreg $0x0  }
0xbd: {  	s7 =	sshll.u32 s28, $0x1;
	[dreg:$0x2] =	wrdreg s5  }
0xbe: {  	[dreg:$0x3] =	wrdreg s7  }
0xbf: {  	[dreg:$0x4] =	wrdreg $0xC0  }
0xc0: {  	_ =	task [dreg:s22], $0x5FFFF  }
0xc1: {  	[dreg:$0x1] =	wrdreg $0xFFFFFFFF  }
0xc2: {  	[dreg:$0x0] =	wrdreg $0x60  }
0xc3: {  	[dreg:$0x2] =	wrdreg s24  }
0xc4: {  	[dreg:$0x3] =	wrdreg s2  }
0xc5: {  	[dreg:$0x4] =	wrdreg s17  }
0xc6: {  	[dreg:$0x5] =	wrdreg $0xB7800  }
0xc7: {  	[dreg:$0x6] =	wrdreg $0x9  }
0xc8: {  	_ =	task.clear_ibuf [dreg:s22], $0x7FFFF;
	_ =	strace $0x9000004F  }
0xc9: {  	s29 =	simm.s32 $0x9;
	_ =	strace $0x80000051  }
0xca: {  	_ =	swait.ge [sflag:s29], $0x1  }
0xcb: {  	[sflag:s29] =	ssyncadd.s32 $0xFFFFFFFF  }
0xcc: {  	_ =	strace $0x90000051  }
0xcd: {  	_ =	sfence  }
0xce: {  	s30 =	sld [smem:$0x0];
	_ =	sdelay $0x2  }
0xcf: {  	s31 =	sshll.u32 s1, $0xD;
	s1 =	sshrl.u32 s1, $0x2  }
0xd0: {  	s4 =	sand.u32 $0x4000, s31;
	s1 =	sadd.s32 s1, s30  }
0xd1: {  	s0 =	sor.u32 s4, s0;
	s1 =	sshll.u32 s1, $0x11  }
0xd2: {  	s0 =	sor.u32 s1, s0  }
0xd3: {  	s0 =	sadd.s32 $0x8F2B, s0  }
0xd4: {  	[sflag:s0] =	ssyncadd.remote.s32 $0x1  }
0xd5: {  	_ =	sfence.sel $0xFFFF  }
0xd6: {  	[dreg:$0x0] =	wrdreg $0xFFFFFFFF;
	(pc) =	sbr.abs _section_cstart, $3  }
0xd7: {  	[dreg:$0x1] =	wrdreg $0xFFFFFFFF  }
0xd8: {  	_ =	task.clear_ibuf [dreg:s22], $0x2FFFF;
	_ =	strace $0x9FFFFFFF  }
0xd9: {  	(tm) =	ssettm $0x7FFFFFFF  }
tec
execute0_lowered:
.L_overlay_start_1:
0x0: {  	(tag) =	ssettag $0x1  }
0x1: {  	s6 =	rddreg [dreg:$0x0]  }
0x2: {  	s1 =	rddreg [dreg:$0x1]  }
0x3: {  	s7 =	rddreg [dreg:$0x2]  }
0x4: {  	s3 =	rddreg [dreg:$0x3];
	s2 =	srdreg.scid  }
0x5: {  	s0 =	stileid.u32;
	s14 =	simm.s32 $0x4000;
	s15 =	simm.s32 $0x3  }
0x6: {  	s16 =	simm.s32 $0x50;
	s17 =	simm.s32 $0x6780;
	s18 =	simm.s32 $0x8F80  }
0x7: {  	s19 =	simm.s32 $0x1;
	s20 =	simm.s32 $0x4;
	s21 =	simm.s32 $0x2  }
0x8: {  	s22 =	simm.s32 $0x3E00;
	s24 =	simm.s32 $0x0;
	s8 =	sand.u32 $0x1, s2  }
0x9: {  	s4 =	sshll.u32 s0, $0x1;
	s5 =	sshrl.u32 s0, $0x2;
	s12 =	smul.u32 $0x13C00, s0  }
0xa: {  	s2 =	rddreg [dreg:$0x4];
	s28 =	smul.u32 $0x4F000, s0;
	s23 =	sshll.u32 s0, $0x6  }
0xb: {  	s9 =	sor.u32 s8, s4;
	s5 =	smul.u32 $0x13C00, s5;
	s4 =	simm.s32 $0x0  }
0xc: {  	s11 =	smul.u32 $0x13C000, s8;
	s8 =	ssub.s32 $0x2, s8;
	s10 =	sshll.u32 s9, $0x7  }
0xd: {  	[smem:$0x7FF] =	sst s4;
	s29 =	sshrl.u32 s8, $0x1;
	s30 =	sshrl.u32 s28, $0x2  }
0xe: {  	s31 =	sshll.u32 s9, $0xB;
	s10 =	sand.u32 $0x380, s10;
	_ =	strace $0x80000050  }
0xf: {  	s11 =	sadd.s32 s12, s11;
	s13 =	ssub.s32 s8, s29;
	s12 =	sadd.s32 s30, s3  }
0x10: {  	s7 =	sadd.s32 s7, s31;
	s10 =	sor.u32 s5, s10;
	s11 =	sshrl.u32 s11, $0x3  }
0x11: {  	s5 =	sadd.s32 $0xA600, s6;
	s10 =	sshrl.u32 s10, $0x3;
	s11 =	sadd.s32 s11, s6  }
0x12: {  	s10 =	sadd.s32 s10, s6;
	s6 =	sor.u32 $0x1C03, s23;
	s9 =	sadd.s32 $0x117800, s11  }
0x13: {  	s11 =	sshrl.u32 s12, $0x3;
	s12 =	simm.s32 $0x80;
	s23 =	sor.u32 $0x1C04, s23  }
0x14: {  	s8 =	sadd.s32 $0x10DA00, s10;
	s10 =	smax.u32 s13, $0x1;
	s13 =	simm.s32 $0x400  }
.LBB2_1:
0x15: {  	[spmem:s11], [sflag:s6] =	dma.local [hbm:s5], $0x2780  }
0x16: {  	[tilespmem:s4], [sflag:$0x3] =	stream.linear.gather [hbm4b:s7+s4], $0x3E80, $0x38;
	[tilespmem:$0x1F380] =	vst v63  }
0x17: {  	_ = 	snop  }
0x18: {  	[tilespmem:s14], [sflag:$0x3] =	stream.strided.gather [hbm4b:s8+s12], $0x2780, s13, s12, $0x38;
	[tilespmem:$0x1F380] =	vst v63  }
0x19: {  	_ =	swait.ge [sflag:s15], $0x2780  }
0x1a: {  	[sflag:s15] =	ssyncset.done $0x0  }
0x1b: {  	[sflag:s15] =	ssyncadd.s32 $0xFFFFD880  }
0x1c: {  	_ =	swait.ge [sflag:s15], $0x3E80  }
0x1d: {  	[sflag:s15] =	ssyncset.done $0x0  }
0x1e: {  	[sflag:s15] =	ssyncadd.s32 $0xFFFFC180  }
0x1f: {  	_ =	swait.ge [sflag:s15], $0x2780  }
0x20: {  	[sflag:s15] =	ssyncset.done $0x0  }
0x21: {  	[sflag:s15] =	ssyncadd.s32 $0xFFFFD880  }
0x22: {  	[tilespmem:s17], [sflag:$0x1] =	stream.indirect.gather [hbm4b:s1+s16], $0x80, s14, s16, $0xb8;
	[tilespmem:$0x1F380] =	vst v63  }
0x23: {  	s25 =	simm.s32 $0x4050;
	[bflag:$0x0] =	sbarrier.arrive $0xFFFF  }
0x24: {  	[tilespmem:s18], [sflag:$0x2] =	stream.indirect.gather [hbm4b:s1+s16], $0x80, s25, s16, $0xb8;
	[tilespmem:$0x1F380] =	vst v63  }
0x25: {  	_ =	swait.ge [sflag:s19], $0x2800  }
0x26: {  	[sflag:s19] =	ssyncset.done $0x0  }
0x27: {  	s29 =	simm.s32 $0x0;
	[sflag:s19] =	ssyncadd.s32 $0xFFFFD800  }
0x28: {  	[spmem:s3] =	stream.indirect.scatter.add.f32 [tilespmem:s17], [sflag:$0x4], $0x80, s29, s16, $0xb8;
	[tilespmem:$0x1F380] =	vst v63  }
0x29: {  	_ =	swait.ge [sflag:s20], $0x2800  }
0x2a: {  	[sflag:s20] =	ssyncset.done $0x0  }
0x2b: {  	s30 =	simm.s32 $0x40A0;
	[sflag:s20] =	ssyncadd.s32 $0xFFFFD800  }
0x2c: {  	[tilespmem:s17], [sflag:$0x1] =	stream.indirect.gather [hbm4b:s1+s16], $0x80, s30, s16, $0xb8;
	[tilespmem:$0x1F380] =	vst v63  }
0x2d: {  	_ =	swait.ge [sflag:s21], $0x2800  }
0x2e: {  	[sflag:s21] =	ssyncset.done $0x0  }
0x2f: {  	s31 =	simm.s32 $0x80;
	[sflag:s21] =	ssyncadd.s32 $0xFFFFD800  }
0x30: {  	[spmem:s3] =	stream.indirect.scatter.add.f32 [tilespmem:s18], [sflag:$0x4], $0x80, s31, s16, $0xb8;
	[tilespmem:$0x1F380] =	vst v63  }
0x31: {  	s26 =	simm.s32 $0x400;
	_ =	swait.ge [sflag:s20], $0x2800  }
0x32: {  	s28 =	simm.s32 $0x800;
	s25 =	simm.s32 $0x4140;
	[sflag:s20] =	ssyncset.done $0x0  }
.LBB2_2:
0x33: {  	p0 =	sne.s32 s28, $0xF400;
	s29 =	sadd.s32 $0xFFFFFFB0, s25;
	[sflag:s20] =	ssyncadd.s32 $0xFFFFD800  }
0x34: {  	[tilespmem:s18], [sflag:$0x2] =	stream.indirect.gather [hbm4b:s1+s16], $0x80, s29, s16, $0xb8;
	[tilespmem:$0x1F380] =	vst v63  }
0x35: {  	s29 =	smov.u32 s28;
	s28 =	sadd.s32 $0x400, s28;
	_ =	swait.ge [sflag:s19], $0x2800  }
0x36: {  	[sflag:s19] =	ssyncset.done $0x0  }
0x37: {  	s30 =	sshra.s32 s26, $0x2;
	s26 =	smov.u32 s29;
	[sflag:s19] =	ssyncadd.s32 $0xFFFFD800  }
0x38: {  	[spmem:s3] =	stream.indirect.scatter.add.f32 [tilespmem:s17], [sflag:$0x4], $0x80, s30, s16, $0xb8;
	[tilespmem:$0x1F380] =	vst v63  }
0x39: {  	_ =	swait.ge [sflag:s20], $0x2800  }
0x3a: {  	[sflag:s20] =	ssyncset.done $0x0  }
0x3b: {  	[sflag:s20] =	ssyncadd.s32 $0xFFFFD800  }
0x3c: {  	[tilespmem:s17], [sflag:$0x1] =	stream.indirect.gather [hbm4b:s1+s16], $0x80, s25, s16, $0xb8;
	[tilespmem:$0x1F380] =	vst v63  }
0x3d: {  	_ =	swait.ge [sflag:s21], $0x2800  }
.Ltmp0:
0x3e: {  	[sflag:s21] =	ssyncset.done $0x0;
	(pc) =	sbr.rel @p0 .LBB2_2-.Ltmp0, $4  }
0x3f: {  	s29 =	sadd.s32 $0x80, s30;
	[sflag:s21] =	ssyncadd.s32 $0xFFFFD800  }
0x40: {  	[spmem:s3] =	stream.indirect.scatter.add.f32 [tilespmem:s18], [sflag:$0x4], $0x80, s29, s16, $0xb8;
	[tilespmem:$0x1F380] =	vst v63  }
0x41: {  	_ =	swait.ge [sflag:s20], $0x2800  }
0x42: {  	s25 =	sadd.s32 $0xA0, s25;
	[sflag:s20] =	ssyncset.done $0x0  }
0x43: {  	s28 =	sadd.s32 $0xFFFFFFB0, s25;
	[sflag:s20] =	ssyncadd.s32 $0xFFFFD800  }
0x44: {  	[tilespmem:s18], [sflag:$0x2] =	stream.indirect.gather [hbm4b:s1+s16], $0x80, s28, s16, $0xb8;
	[tilespmem:$0x1F380] =	vst v63  }
0x45: {  	_ =	swait.ge [sflag:s19], $0x2800  }
0x46: {  	[sflag:s19] =	ssyncset.done $0x0  }
0x47: {  	s26 =	sshra.s32 s26, $0x2;
	[sflag:s19] =	ssyncadd.s32 $0xFFFFD800  }
0x48: {  	[spmem:s3] =	stream.indirect.scatter.add.f32 [tilespmem:s17], [sflag:$0x4], $0x80, s26, s16, $0xb8;
	[tilespmem:$0x1F380] =	vst v63  }
0x49: {  	_ =	swait.ge [sflag:s20], $0x2800  }
0x4a: {  	[sflag:s20] =	ssyncset.done $0x0  }
0x4b: {  	[sflag:s20] =	ssyncadd.s32 $0xFFFFD800  }
0x4c: {  	[tilespmem:s17], [sflag:$0x1] =	stream.indirect.gather [hbm4b:s1+s16], $0x80, s25, s16, $0xb8;
	[tilespmem:$0x1F380] =	vst v63  }
0x4d: {  	_ =	swait.ge [sflag:s21], $0x2800  }
0x4e: {  	[sflag:s21] =	ssyncset.done $0x0  }
0x4f: {  	s31 =	sadd.s32 $0x80, s26;
	[sflag:s21] =	ssyncadd.s32 $0xFFFFD800  }
0x50: {  	[spmem:s3] =	stream.indirect.scatter.add.f32 [tilespmem:s18], [sflag:$0x4], $0x80, s31, s16, $0xb8;
	[tilespmem:$0x1F380] =	vst v63  }
0x51: {  	_ =	swait.ge [sflag:s20], $0x2800  }
0x52: {  	[sflag:s20] =	ssyncset.done $0x0  }
0x53: {  	[sflag:s20] =	ssyncadd.s32 $0xFFFFD800  }
0x54: {  	_ =	swait.ge [sflag:s19], $0x2800  }
0x55: {  	[sflag:s19] =	ssyncset.done $0x0  }
0x56: {  	[sflag:s19] =	ssyncadd.s32 $0xFFFFD800  }
0x57: {  	[spmem:s3] =	stream.indirect.scatter.add.f32 [tilespmem:s17], [sflag:$0x4], $0x80, s22, s16, $0xb8;
	[tilespmem:$0x1F380] =	vst v63  }
0x58: {  	_ =	swait.ge [sflag:s20], $0x2800  }
0x59: {  	s24 =	sadd.s32 $0x1, s24;
	[sflag:s20] =	ssyncset.done $0x0  }
0x5a: {  	p0 =	sne.s32 s24, s10;
	[sflag:s20] =	ssyncadd.s32 $0xFFFFD800  }
.Ltmp1:
0x5b: {  	[bflag:$0x0] =	sbarrier.arrive $0xFFFF;
	(pc) =	sbr.rel @p0 .LBB2_1-.Ltmp1, $4  }
0x5c: {  	[hbm:s9], [sflag:s23] =	dma.local [spmem:s11], $0x2780  }
0x5d: {  	_ =	swait.ge [sflag:s20], $0x2780  }
0x5e: {  	[sflag:s20] =	ssyncset.done $0x0  }
0x5f: {  	[sflag:s20] =	ssyncadd.s32 $0xFFFFD880  }
0x60: {  	_ =	sfence.sel $0x180000  }
0x61: {  	[bflag:$0x0] =	sbarrier.arrive $0xFFFF  }
0x62: {  	p0 =	sne.s32 s0, $0x0;
	_ =	strace $0x90000050  }
0x63: {  	s0 =	sadd.s32 @!p0 $0x100000, s2;
	[bflag:$0x2] =	sbarrier.arrive $0xFFFF  }
0x64: {  	[sflag:s0] =	ssyncadd.tile.s32 @!p0 $0x1;
	_ =	shalt  }
.Lfunc_end2:
_tile_overlayer_lowered:
.L_overlay_start_2:
0x65: {  	(tag) =	ssettag $0x2  }
0x66: {  	s0 =	rddreg [dreg:$0x0];
	s2 =	stileid.u32  }
0x67: {  	s1 =	rddreg [dreg:$0x1];
	p0 =	sne.s32 s2, $0x0  }
0x68: {  	s3 =	rddreg [dreg:$0x2];
	[bflag:$0x3] =	sbarrier.arrive $0xFFFF;
	s2 =	simm.s32 @!p0 $0x1C04  }
0x69: {  	[timem:s3], [sflag:s2] =	dma.local @!p0 [hbm:s0], s1  }
0x6a: {  	s0 =	simm.s32 @!p0 $0x4  }
0x6b: {  	_ =	swait.ge @!p0 [sflag:s0], s1  }
0x6c: {  	s1 =	ssub.s32 @!p0 $0x0, s1;
	[sflag:s0] =	ssyncset.done @!p0 $0x0  }
0x6d: {  	[sflag:s0] =	ssyncadd.s32 @!p0 s1  }
0x6e: {  	[bflag:$0x3] =	sbarrier.arrive $0xFFFF  }
0x6f: {  	_ =	shalt  }

// kernel: kernel.21.cloned.1.call-start
scs
__scs_entry_jumppad:
0x0: {  	(pc) =	sbr.rel $0x88, $3  }
0x1: {  	(tag) =	ssettag $0x0;
	lr =	simm.s32 $0x1  }
0x2: {  	[smem:$0x3F8D] =	sst lr;
	_ =	strace $0xD0000000  }
0x3: {  	_ = 	snop  }
0x4: {  	_ = 	snop  }
0x5: {  	_ = 	snop  }
0x6: {  	_ = 	snop  }
0x7: {  	_ = 	snop  }
__scs_overlays_trampoline_lowered:
0x8: {  	[smem:$0x3F9C] =	sst s0  }
0x9: {  	[smem:$0x3F9D] =	sst s1  }
0xa: {  	[smem:$0x3F9E] =	sst s2  }
0xb: {  	[smem:$0x3F9F] =	sst s3  }
0xc: {  	[smem:$0x3FA0] =	sst s4  }
0xd: {  	[smem:$0x3FA1] =	sst s5  }
0xe: {  	[smem:$0x3FA2] =	sst s6  }
0xf: {  	[smem:$0x3FA3] =	sst s7  }
0x10: {  	[smem:$0x3FA4] =	sst s8  }
0x11: {  	[smem:$0x3FA5] =	sst s9;
	s0 =	simm.s32 @!p0 $0x0  }
0x12: {  	s1 =	sld [smem:$0x3F8B];
	s0 =	simm.s32 @p0 $0x1  }
0x13: {  	[smem:$0x3FA6] =	sst s0;
	s0 =	simm.s32 @!p1 $0x0  }
0x14: {  	s2 =	sld [smem:$0x3F8A];
	s0 =	simm.s32 @p1 $0x1  }
0x15: {  	[smem:$0x3FA7] =	sst s0;
	s0 =	simm.s32 @!p2 $0x0  }
0x16: {  	s3 =	sld [smem:$0x3FDB];
	s0 =	simm.s32 @p2 $0x1  }
0x17: {  	s4 =	simm.s32 $0x1BF5;
	[smem:$0x3FA9] =	sst s0  }
0x18: {  	s0 =	sld [smem:$0x3F8C];
	_ =	swait.ge [sflag:s4], $0x0  }
0x19: {  	s7 =	sld [smem:$0x3F8D]  }
0x1a: {  	s8 =	sadd.s32 $0xFFFFE003, lr  }
0x1b: {  	s9 =	sadd.s32 $0xFFFFFEF7, lr;
	s5 =	simm.s32 $0xFFFFFFFF;
	p2 =	slt.u32 s8, $0xFFFFF086  }
0x1c: {  	p1 =	slt.u32 s9, $0xF7A;
	s5 =	simm.s32 @!p2 $0x0  }
0x1d: {  	s5 =	simm.s32 @p1 $0x1;
	p0 =	seq.s32 s7, s2  }
0x1e: {  	s7 =	smul.u32 @!p0 $0xF7A, s2;
	p2 =	seq.s32 @!p0 s5, $0x0  }
0x1f: {  	s9 =	smul.u32 $0xF7A, s1;
	s8 =	simm.s32 @!p0 $0x1BF5;
	p2 =	por !p2, p0  }
0x20: {  	[sflag:s8] =	ssyncset.s32 @!p0 $0xFFFFF086;
	s6 =	sadd.s32 @!p0 s3, s7;
	s7 =	simm.s32 @!p0 $0x108  }
0x21: {  	s3 =	sadd.s32 s3, s9;
	s6 =	sadd.s32 @!p0 $0x88, s6;
	s7 =	simm.s32 @p2 $0x1082  }
0x22: {  	[simem:s7], [sflag:s8] =	dma.local @!p0 [hbm:s6], $0xF7A  }
0x23: {  	s9 =	sor.u32 $0xD0000000, s2;
	s6 =	simm.s32 $0x108;
	_ =	swait.ge @!p0 [sflag:s8], $0x0  }
0x24: {  	s3 =	sadd.s32 $0x88, s3;
	s6 =	simm.s32 @!p1 $0x1082;
	[sflag:s4] =	ssyncset.s32 $0xFFFFF086  }
0x25: {  	[simem:s6], [sflag:s4] =	dma.local [hbm:s3], $0xF7A  }
0x26: {  	[smem:$0x3F8D] =	sst s1;
	(tag) =	ssettag s2;
	_ =	strace s9  }
0x27: {  	s1 =	sld [smem:$0x3F9D]  }
0x28: {  	s2 =	sld [smem:$0x3F9E]  }
0x29: {  	s4 =	sld [smem:$0x3FA0]  }
0x2a: {  	p0 =	seq.s32 s5, $0x0;
	s5 =	sld [smem:$0x3FA1]  }
0x2b: {  	s6 =	sld [smem:$0x3FA2]  }
0x2c: {  	s7 =	sld [smem:$0x3FA3]  }
0x2d: {  	s3 =	simm.s32 $0x108;
	s8 =	sld [smem:$0x3FA4]  }
0x2e: {  	s3 =	simm.s32 @!p0 $0x1082;
	s9 =	sld [smem:$0x3FA5]  }
0x2f: {  	lr =	sadd.s32 s0, s3;
	s0 =	sld [smem:$0x3F9C]  }
0x30: {  	s3 =	sld [smem:$0x3F9F]  }
0x31: {  	[smem:$0x3FA8] =	sst s10  }
0x32: {  	s10 =	sld [smem:$0x3FA6];
	_ =	sdelay $0x3  }
0x33: {  	p0 =	seq.s32 s10, $0x1;
	s10 =	sld [smem:$0x3FA8];
	_ =	sdelay $0x3  }
0x34: {  	[smem:$0x3FA8] =	sst s10  }
0x35: {  	s10 =	sld [smem:$0x3FA7];
	_ =	sdelay $0x3  }
0x36: {  	p1 =	seq.s32 s10, $0x1;
	s10 =	sld [smem:$0x3FA8];
	_ =	sdelay $0x3  }
0x37: {  	[smem:$0x3FA8] =	sst s10  }
0x38: {  	s10 =	sld [smem:$0x3FA9]  }
0x39: {  	_ = 	snop;
	(pc) =	sbr.ind lr, $3  }
0x3a: {  	_ = 	snop  }
0x3b: {  	_ = 	snop  }
0x3c: {  	p2 =	seq.s32 s10, $0x1;
	s10 =	sld [smem:$0x3FA8]  }
0x3d: {  	_ =	shalt  }
0x3e: {  	_ =	shalt  }
0x3f: {  	_ =	shalt  }
0x40: {  	_ =	shalt  }
0x41: {  	_ =	shalt  }
0x42: {  	_ =	shalt  }
0x43: {  	_ =	shalt  }
0x44: {  	_ =	shalt  }
0x45: {  	_ =	shalt  }
0x46: {  	_ =	shalt  }
0x47: {  	_ =	shalt  }
0x48: {  	_ =	shalt  }
0x49: {  	_ =	shalt  }
0x4a: {  	_ =	shalt  }
0x4b: {  	_ =	shalt  }
0x4c: {  	_ =	shalt  }
0x4d: {  	_ =	shalt  }
0x4e: {  	_ =	shalt  }
0x4f: {  	_ =	shalt  }
0x50: {  	_ =	shalt  }
0x51: {  	_ =	shalt  }
0x52: {  	_ =	shalt  }
0x53: {  	_ =	shalt  }
0x54: {  	_ =	shalt  }
0x55: {  	_ =	shalt  }
0x56: {  	_ =	shalt  }
0x57: {  	_ =	shalt  }
0x58: {  	_ =	shalt  }
0x59: {  	_ =	shalt  }
0x5a: {  	_ =	shalt  }
0x5b: {  	_ =	shalt  }
0x5c: {  	_ =	shalt  }
0x5d: {  	_ =	shalt  }
0x5e: {  	_ =	shalt  }
0x5f: {  	_ =	shalt  }
0x60: {  	_ =	shalt  }
0x61: {  	_ =	shalt  }
0x62: {  	_ =	shalt  }
0x63: {  	_ =	shalt  }
0x64: {  	_ =	shalt  }
0x65: {  	_ =	shalt  }
0x66: {  	_ =	shalt  }
0x67: {  	_ =	shalt  }
0x68: {  	_ =	shalt  }
0x69: {  	_ =	shalt  }
0x6a: {  	_ =	shalt  }
0x6b: {  	_ =	shalt  }
0x6c: {  	_ =	shalt  }
0x6d: {  	_ =	shalt  }
0x6e: {  	_ =	shalt  }
0x6f: {  	_ =	shalt  }
0x70: {  	_ =	shalt  }
0x71: {  	_ =	shalt  }
0x72: {  	_ =	shalt  }
0x73: {  	_ =	shalt  }
0x74: {  	_ =	shalt  }
0x75: {  	_ =	shalt  }
0x76: {  	_ =	shalt  }
0x77: {  	_ =	shalt  }
0x78: {  	_ =	shalt  }
0x79: {  	_ =	shalt  }
0x7a: {  	_ =	shalt  }
0x7b: {  	_ =	shalt  }
0x7c: {  	_ =	shalt  }
0x7d: {  	_ =	shalt  }
0x7e: {  	_ =	shalt  }
0x7f: {  	_ =	shalt  }
0x80: {  	_ =	shalt  }
0x81: {  	_ =	shalt  }
0x82: {  	_ =	shalt  }
0x83: {  	_ =	shalt  }
0x84: {  	_ =	shalt  }
0x85: {  	_ =	shalt  }
0x86: {  	_ =	shalt  }
0x87: {  	_ =	shalt  }
.Lfunc_end0:
.L_simem_size_0:
called_computation.1_lowered:
.L_overlay_start_0:
0x88: {  	s2 =	sld [smem:$0x3FD9]  }
0x89: {  	s3 =	sld [smem:$0x3FFE];
	_ =	sdelay $0x1  }
0x8a: {  	s1 =	srdreg.scid  }
0x8b: {  	s0 =	sand.u32 $0x1, s1  }
0x8c: {  	s14 =	sshll.u32 s0, $0xA;
	s2 =	sadd.s32 s3, s2  }
0x8d: {  	s2 =	sadd.s32 s2, s14  }
0x8e: {  	[smem:$0x3FB4] =	sst s2  }
0x8f: {  	_ = 	snop  }
0x90: {  	s2 =	sld [smem:$0x3FD0];
	_ =	sdelay $0x2  }
0x91: {  	s4 =	simm.s32 $0xD;
	s5 =	simm.s32 $0x10;
	s15 =	sld [smem:$0x3FC1]  }
0x92: {  	[smem:s5], [sflag:s4] =	dma.local [hbm:s2], $0x1  }
0x93: {  	_ =	swait.eq [sflag:s4], $0x1  }
0x94: {  	[sflag:s4] =	ssyncset.done $0x0  }
0x95: {  	[sflag:s4] =	ssyncadd.s32 $0xFFFFFFFF  }
0x96: {  	s16 =	sld [smem:$0x13];
	(tm) =	ssettm $0x1  }
0x97: {  	s17 =	sld [smem:$0x3FFB];
	_ =	sdelay $0x3  }
0x98: {  	_ =	strace s17  }
0x99: {  	s4 =	sld [smem:$0x3FFC];
	_ =	sdelay $0x3  }
0x9a: {  	_ =	strace s4  }
0x9b: {  	s4 =	sld [smem:$0x3FFD];
	_ =	sdelay $0x3  }
0x9c: {  	_ =	strace s4  }
0x9d: {  	_ =	strace $0x8FFFFFFF  }
0x9e: {  	s18 =	sld [smem:$0x3FDB];
	_ =	sdelay $0x1  }
0x9f: {  	s19 =	simm.s32 $_scs_section_size  }
0xa0: {  	s6 =	simm.s32 $_size__tile_overlayer_lowered;
	s7 =	simm.s32 $_tile_overlayer_lowered  }
0xa1: {  	s22 =	simm.s32 $0x1BFF;
	s21 =	sshll.u32 s7, $0x1;
	s4 =	sadd.s32 s19, s18  }
0xa2: {  	s8 =	simm.s32 $0x0;
	s20 =	sshll.u32 s6, $0x1;
	s6 =	sadd.s32 s21, s4  }
0xa3: {  	[timem:s8], [sflag:s22] =	dma.local [hbm:s6], s20  }
0xa4: {  	_ =	swait.ge [sflag:s22], s20  }
0xa5: {  	s5 =	ssub.s32 $0x0, s20;
	[sflag:s22] =	ssyncset.done $0x0  }
0xa6: {  	[sflag:s22] =	ssyncadd.s32 s5;
	_ =	sdelay $0x1  }
0xa7: {  	s23 =	simm.s32 $0x1B8B  }
0xa8: {  	_ =	swait.ge [sflag:s23], $0x1  }
0xa9: {  	[sflag:s23] =	ssyncset.done $0x0  }
0xaa: {  	s25 =	simm.s32 $0x1B8E;
	s24 =	sld [smem:$0x3FFE];
	[sflag:s23] =	ssyncadd.s32 $0xFFFFFFFF  }
0xab: {  	s26 =	simm.s32 $execute0_lowered;
	[smem:$0x3FD2] =	sst s25  }
0xac: {  	s6 =	sshll.u32 s26, $0x1;
	_ =	strace $0x80000046;
	[dreg:$0x1] =	wrdreg $0xFFFFFFFF  }
0xad: {  	s28 =	simm.s32 $_size_execute0_lowered;
	s4 =	sadd.s32 s4, s6;
	[dreg:$0x0] =	wrdreg $0x0  }
0xae: {  	s6 =	sshll.u32 s28, $0x1;
	[dreg:$0x2] =	wrdreg s4  }
0xaf: {  	[dreg:$0x3] =	wrdreg s6  }
0xb0: {  	[dreg:$0x4] =	wrdreg $0xC0  }
0xb1: {  	_ =	task [dreg:s8], $0x5FFFF  }
0xb2: {  	[dreg:$0x1] =	wrdreg $0xFFFFFFFF  }
0xb3: {  	[dreg:$0x0] =	wrdreg $0x60  }
0xb4: {  	[dreg:$0x2] =	wrdreg s24  }
0xb5: {  	[dreg:$0x3] =	wrdreg s15  }
0xb6: {  	[dreg:$0x4] =	wrdreg s16  }
0xb7: {  	[dreg:$0x5] =	wrdreg $0xB7800  }
0xb8: {  	[dreg:$0x6] =	wrdreg $0xA  }
0xb9: {  	_ =	task.clear_ibuf [dreg:s8], $0x7FFFF;
	_ =	strace $0x90000046  }
0xba: {  	s29 =	simm.s32 $0xA;
	_ =	strace $0x80000048  }
0xbb: {  	_ =	swait.ge [sflag:s29], $0x1  }
0xbc: {  	[sflag:s29] =	ssyncadd.s32 $0xFFFFFFFF  }
0xbd: {  	_ =	strace $0x90000048  }
0xbe: {  	_ =	sfence  }
0xbf: {  	s30 =	sld [smem:$0x0];
	_ =	sdelay $0x2  }
0xc0: {  	s31 =	sshll.u32 s1, $0xD;
	s1 =	sshrl.u32 s1, $0x2  }
0xc1: {  	s3 =	sand.u32 $0x4000, s31;
	s1 =	sadd.s32 s1, s30  }
0xc2: {  	s0 =	sor.u32 s3, s0;
	s1 =	sshll.u32 s1, $0x11  }
0xc3: {  	s0 =	sor.u32 s1, s0  }
0xc4: {  	s0 =	sadd.s32 $0x8F2B, s0  }
0xc5: {  	[sflag:s0] =	ssyncadd.remote.s32 $0x1  }
0xc6: {  	_ =	sfence.sel $0xFFFF  }
0xc7: {  	[dreg:$0x0] =	wrdreg $0xFFFFFFFF;
	(pc) =	sbr.abs _section_cstart, $3  }
0xc8: {  	[dreg:$0x1] =	wrdreg $0xFFFFFFFF  }
0xc9: {  	_ =	task.clear_ibuf [dreg:s8], $0x2FFFF;
	_ =	strace $0x9FFFFFFF  }
0xca: {  	(tm) =	ssettm $0x7FFFFFFF  }
0xcb: {  	_ =	shalt  }
tec
execute0_lowered:
.L_overlay_start_1:
0x0: {  	(tag) =	ssettag $0x1  }
0x1: {  	s6 =	rddreg [dreg:$0x0]  }
0x2: {  	s1 =	rddreg [dreg:$0x1]  }
0x3: {  	s7 =	rddreg [dreg:$0x2]  }
0x4: {  	s3 =	rddreg [dreg:$0x3];
	s2 =	srdreg.scid  }
0x5: {  	s0 =	stileid.u32;
	s14 =	simm.s32 $0x4000;
	s15 =	simm.s32 $0x3  }
0x6: {  	s16 =	simm.s32 $0x50;
	s17 =	simm.s32 $0x6780;
	s18 =	simm.s32 $0x8F80  }
0x7: {  	s19 =	simm.s32 $0x1;
	s20 =	simm.s32 $0x4;
	s21 =	simm.s32 $0x2  }
0x8: {  	s22 =	simm.s32 $0x3E00;
	s24 =	simm.s32 $0x0;
	s8 =	sand.u32 $0x1, s2  }
0x9: {  	s4 =	sshll.u32 s0, $0x1;
	s5 =	sshrl.u32 s0, $0x2;
	s12 =	smul.u32 $0x13C00, s0  }
0xa: {  	s2 =	rddreg [dreg:$0x4];
	s28 =	smul.u32 $0x4F000, s0;
	s23 =	sshll.u32 s0, $0x6  }
0xb: {  	s9 =	sor.u32 s8, s4;
	s5 =	smul.u32 $0x13C00, s5;
	s4 =	simm.s32 $0x0  }
0xc: {  	s11 =	smul.u32 $0x13C000, s8;
	s8 =	ssub.s32 $0x2, s8;
	s10 =	sshll.u32 s9, $0x7  }
0xd: {  	[smem:$0x7FF] =	sst s4;
	s29 =	sshrl.u32 s8, $0x1;
	s30 =	sshrl.u32 s28, $0x2  }
0xe: {  	s31 =	sshll.u32 s9, $0xB;
	s10 =	sand.u32 $0x380, s10;
	_ =	strace $0x80000047  }
0xf: {  	s11 =	sadd.s32 s12, s11;
	s13 =	ssub.s32 s8, s29;
	s12 =	sadd.s32 s30, s3  }
0x10: {  	s7 =	sadd.s32 s7, s31;
	s10 =	sor.u32 s5, s10;
	s11 =	sshrl.u32 s11, $0x3  }
0x11: {  	s5 =	sadd.s32 $0xA600, s6;
	s10 =	sshrl.u32 s10, $0x3;
	s11 =	sadd.s32 s11, s6  }
0x12: {  	s10 =	sadd.s32 s10, s6;
	s6 =	sor.u32 $0x1C03, s23;
	s9 =	sadd.s32 $0xCE00, s11  }
0x13: {  	s11 =	sshrl.u32 s12, $0x3;
	s12 =	simm.s32 $0x80;
	s23 =	sor.u32 $0x1C04, s23  }
0x14: {  	s8 =	sadd.s32 $0x800, s10;
	s10 =	smax.u32 s13, $0x1;
	s13 =	simm.s32 $0x400  }
.LBB2_1:
0x15: {  	[spmem:s11], [sflag:s6] =	dma.local [hbm:s5], $0x2780  }
0x16: {  	[tilespmem:s4], [sflag:$0x3] =	stream.linear.gather [hbm4b:s7+s4], $0x3E80, $0x38;
	[tilespmem:$0x1F380] =	vst v63  }
0x17: {  	_ = 	snop  }
0x18: {  	[tilespmem:s14], [sflag:$0x3] =	stream.strided.gather [hbm4b:s8+s12], $0x2780, s13, s12, $0x38;
	[tilespmem:$0x1F380] =	vst v63  }
0x19: {  	_ =	swait.ge [sflag:s15], $0x2780  }
0x1a: {  	[sflag:s15] =	ssyncset.done $0x0  }
0x1b: {  	[sflag:s15] =	ssyncadd.s32 $0xFFFFD880  }
0x1c: {  	_ =	swait.ge [sflag:s15], $0x3E80  }
0x1d: {  	[sflag:s15] =	ssyncset.done $0x0  }
0x1e: {  	[sflag:s15] =	ssyncadd.s32 $0xFFFFC180  }
0x1f: {  	_ =	swait.ge [sflag:s15], $0x2780  }
0x20: {  	[sflag:s15] =	ssyncset.done $0x0  }
0x21: {  	[sflag:s15] =	ssyncadd.s32 $0xFFFFD880  }
0x22: {  	[tilespmem:s17], [sflag:$0x1] =	stream.indirect.gather [hbm4b:s1+s16], $0x80, s14, s16, $0xb8;
	[tilespmem:$0x1F380] =	vst v63  }
0x23: {  	s25 =	simm.s32 $0x4050;
	[bflag:$0x0] =	sbarrier.arrive $0xFFFF  }
0x24: {  	[tilespmem:s18], [sflag:$0x2] =	stream.indirect.gather [hbm4b:s1+s16], $0x80, s25, s16, $0xb8;
	[tilespmem:$0x1F380] =	vst v63  }
0x25: {  	_ =	swait.ge [sflag:s19], $0x2800  }
0x26: {  	[sflag:s19] =	ssyncset.done $0x0  }
0x27: {  	s29 =	simm.s32 $0x0;
	[sflag:s19] =	ssyncadd.s32 $0xFFFFD800  }
0x28: {  	[spmem:s3] =	stream.indirect.scatter.add.f32 [tilespmem:s17], [sflag:$0x4], $0x80, s29, s16, $0xb8;
	[tilespmem:$0x1F380] =	vst v63  }
0x29: {  	_ =	swait.ge [sflag:s20], $0x2800  }
0x2a: {  	[sflag:s20] =	ssyncset.done $0x0  }
0x2b: {  	s30 =	simm.s32 $0x40A0;
	[sflag:s20] =	ssyncadd.s32 $0xFFFFD800  }
0x2c: {  	[tilespmem:s17], [sflag:$0x1] =	stream.indirect.gather [hbm4b:s1+s16], $0x80, s30, s16, $0xb8;
	[tilespmem:$0x1F380] =	vst v63  }
0x2d: {  	_ =	swait.ge [sflag:s21], $0x2800  }
0x2e: {  	[sflag:s21] =	ssyncset.done $0x0  }
0x2f: {  	s31 =	simm.s32 $0x80;
	[sflag:s21] =	ssyncadd.s32 $0xFFFFD800  }
0x30: {  	[spmem:s3] =	stream.indirect.scatter.add.f32 [tilespmem:s18], [sflag:$0x4], $0x80, s31, s16, $0xb8;
	[tilespmem:$0x1F380] =	vst v63  }
0x31: {  	s26 =	simm.s32 $0x400;
	_ =	swait.ge [sflag:s20], $0x2800  }
0x32: {  	s28 =	simm.s32 $0x800;
	s25 =	simm.s32 $0x4140;
	[sflag:s20] =	ssyncset.done $0x0  }
.LBB2_2:
0x33: {  	p0 =	sne.s32 s28, $0xF400;
	s29 =	sadd.s32 $0xFFFFFFB0, s25;
	[sflag:s20] =	ssyncadd.s32 $0xFFFFD800  }
0x34: {  	[tilespmem:s18], [sflag:$0x2] =	stream.indirect.gather [hbm4b:s1+s16], $0x80, s29, s16, $0xb8;
	[tilespmem:$0x1F380] =	vst v63  }
0x35: {  	s29 =	smov.u32 s28;
	s28 =	sadd.s32 $0x400, s28;
	_ =	swait.ge [sflag:s19], $0x2800  }
0x36: {  	[sflag:s19] =	ssyncset.done $0x0  }
0x37: {  	s30 =	sshra.s32 s26, $0x2;
	s26 =	smov.u32 s29;
	[sflag:s19] =	ssyncadd.s32 $0xFFFFD800  }
0x38: {  	[spmem:s3] =	stream.indirect.scatter.add.f32 [tilespmem:s17], [sflag:$0x4], $0x80, s30, s16, $0xb8;
	[tilespmem:$0x1F380] =	vst v63  }
0x39: {  	_ =	swait.ge [sflag:s20], $0x2800  }
0x3a: {  	[sflag:s20] =	ssyncset.done $0x0  }
0x3b: {  	[sflag:s20] =	ssyncadd.s32 $0xFFFFD800  }
0x3c: {  	[tilespmem:s17], [sflag:$0x1] =	stream.indirect.gather [hbm4b:s1+s16], $0x80, s25, s16, $0xb8;
	[tilespmem:$0x1F380] =	vst v63  }
0x3d: {  	_ =	swait.ge [sflag:s21], $0x2800  }
.Ltmp0:
0x3e: {  	[sflag:s21] =	ssyncset.done $0x0;
	(pc) =	sbr.rel @p0 .LBB2_2-.Ltmp0, $4  }
0x3f: {  	s29 =	sadd.s32 $0x80, s30;
	[sflag:s21] =	ssyncadd.s32 $0xFFFFD800  }
0x40: {  	[spmem:s3] =	stream.indirect.scatter.add.f32 [tilespmem:s18], [sflag:$0x4], $0x80, s29, s16, $0xb8;
	[tilespmem:$0x1F380] =	vst v63  }
0x41: {  	_ =	swait.ge [sflag:s20], $0x2800  }
0x42: {  	s25 =	sadd.s32 $0xA0, s25;
	[sflag:s20] =	ssyncset.done $0x0  }
0x43: {  	s28 =	sadd.s32 $0xFFFFFFB0, s25;
	[sflag:s20] =	ssyncadd.s32 $0xFFFFD800  }
0x44: {  	[tilespmem:s18], [sflag:$0x2] =	stream.indirect.gather [hbm4b:s1+s16], $0x80, s28, s16, $0xb8;
	[tilespmem:$0x1F380] =	vst v63  }
0x45: {  	_ =	swait.ge [sflag:s19], $0x2800  }
0x46: {  	[sflag:s19] =	ssyncset.done $0x0  }
0x47: {  	s26 =	sshra.s32 s26, $0x2;
	[sflag:s19] =	ssyncadd.s32 $0xFFFFD800  }
0x48: {  	[spmem:s3] =	stream.indirect.scatter.add.f32 [tilespmem:s17], [sflag:$0x4], $0x80, s26, s16, $0xb8;
	[tilespmem:$0x1F380] =	vst v63  }
0x49: {  	_ =	swait.ge [sflag:s20], $0x2800  }
0x4a: {  	[sflag:s20] =	ssyncset.done $0x0  }
0x4b: {  	[sflag:s20] =	ssyncadd.s32 $0xFFFFD800  }
0x4c: {  	[tilespmem:s17], [sflag:$0x1] =	stream.indirect.gather [hbm4b:s1+s16], $0x80, s25, s16, $0xb8;
	[tilespmem:$0x1F380] =	vst v63  }
0x4d: {  	_ =	swait.ge [sflag:s21], $0x2800  }
0x4e: {  	[sflag:s21] =	ssyncset.done $0x0  }
0x4f: {  	s31 =	sadd.s32 $0x80, s26;
	[sflag:s21] =	ssyncadd.s32 $0xFFFFD800  }
0x50: {  	[spmem:s3] =	stream.indirect.scatter.add.f32 [tilespmem:s18], [sflag:$0x4], $0x80, s31, s16, $0xb8;
	[tilespmem:$0x1F380] =	vst v63  }
0x51: {  	_ =	swait.ge [sflag:s20], $0x2800  }
0x52: {  	[sflag:s20] =	ssyncset.done $0x0  }
0x53: {  	[sflag:s20] =	ssyncadd.s32 $0xFFFFD800  }
0x54: {  	_ =	swait.ge [sflag:s19], $0x2800  }
0x55: {  	[sflag:s19] =	ssyncset.done $0x0  }
0x56: {  	[sflag:s19] =	ssyncadd.s32 $0xFFFFD800  }
0x57: {  	[spmem:s3] =	stream.indirect.scatter.add.f32 [tilespmem:s17], [sflag:$0x4], $0x80, s22, s16, $0xb8;
	[tilespmem:$0x1F380] =	vst v63  }
0x58: {  	_ =	swait.ge [sflag:s20], $0x2800  }
0x59: {  	s24 =	sadd.s32 $0x1, s24;
	[sflag:s20] =	ssyncset.done $0x0  }
0x5a: {  	p0 =	sne.s32 s24, s10;
	[sflag:s20] =	ssyncadd.s32 $0xFFFFD800  }
.Ltmp1:
0x5b: {  	[bflag:$0x0] =	sbarrier.arrive $0xFFFF;
	(pc) =	sbr.rel @p0 .LBB2_1-.Ltmp1, $4  }
0x5c: {  	[hbm:s9], [sflag:s23] =	dma.local [spmem:s11], $0x2780  }
0x5d: {  	_ =	swait.ge [sflag:s20], $0x2780  }
0x5e: {  	[sflag:s20] =	ssyncset.done $0x0  }
0x5f: {  	[sflag:s20] =	ssyncadd.s32 $0xFFFFD880  }
0x60: {  	_ =	sfence.sel $0x180000  }
0x61: {  	[bflag:$0x0] =	sbarrier.arrive $0xFFFF  }
0x62: {  	p0 =	sne.s32 s0, $0x0;
	_ =	strace $0x90000047  }
0x63: {  	s0 =	sadd.s32 @!p0 $0x100000, s2;
	[bflag:$0x2] =	sbarrier.arrive $0xFFFF  }
0x64: {  	[sflag:s0] =	ssyncadd.tile.s32 @!p0 $0x1;
	_ =	shalt  }
.Lfunc_end2:
_tile_overlayer_lowered:
.L_overlay_start_2:
0x65: {  	(tag) =	ssettag $0x2  }
0x66: {  	s0 =	rddreg [dreg:$0x0];
	s2 =	stileid.u32  }
0x67: {  	s1 =	rddreg [dreg:$0x1];
	p0 =	sne.s32 s2, $0x0  }
0x68: {  	s3 =	rddreg [dreg:$0x2];
	[bflag:$0x3] =	sbarrier.arrive $0xFFFF;
	s2 =	simm.s32 @!p0 $0x1C04  }
0x69: {  	[timem:s3], [sflag:s2] =	dma.local @!p0 [hbm:s0], s1  }
0x6a: {  	s0 =	simm.s32 @!p0 $0x4  }
0x6b: {  	_ =	swait.ge @!p0 [sflag:s0], s1  }
0x6c: {  	s1 =	ssub.s32 @!p0 $0x0, s1;
	[sflag:s0] =	ssyncset.done @!p0 $0x0  }
0x6d: {  	[sflag:s0] =	ssyncadd.s32 @!p0 s1  }
0x6e: {  	[bflag:$0x3] =	sbarrier.arrive $0xFFFF  }
0x6f: {  	_ =	shalt  }

// kernel: kernel.24.cloned.1.call-start
scs
__scs_entry_jumppad:
0x0: {  	(pc) =	sbr.rel $0x88, $3  }
0x1: {  	(tag) =	ssettag $0x0;
	lr =	simm.s32 $0x1  }
0x2: {  	[smem:$0x3F8D] =	sst lr;
	_ =	strace $0xD0000000  }
0x3: {  	_ = 	snop  }
0x4: {  	_ = 	snop  }
0x5: {  	_ = 	snop  }
0x6: {  	_ = 	snop  }
0x7: {  	_ = 	snop  }
__scs_overlays_trampoline_lowered:
0x8: {  	[smem:$0x3F9C] =	sst s0  }
0x9: {  	[smem:$0x3F9D] =	sst s1  }
0xa: {  	[smem:$0x3F9E] =	sst s2  }
0xb: {  	[smem:$0x3F9F] =	sst s3  }
0xc: {  	[smem:$0x3FA0] =	sst s4  }
0xd: {  	[smem:$0x3FA1] =	sst s5  }
0xe: {  	[smem:$0x3FA2] =	sst s6  }
0xf: {  	[smem:$0x3FA3] =	sst s7  }
0x10: {  	[smem:$0x3FA4] =	sst s8  }
0x11: {  	[smem:$0x3FA5] =	sst s9;
	s0 =	simm.s32 @!p0 $0x0  }
0x12: {  	s1 =	sld [smem:$0x3F8B];
	s0 =	simm.s32 @p0 $0x1  }
0x13: {  	[smem:$0x3FA6] =	sst s0;
	s0 =	simm.s32 @!p1 $0x0  }
0x14: {  	s2 =	sld [smem:$0x3F8A];
	s0 =	simm.s32 @p1 $0x1  }
0x15: {  	[smem:$0x3FA7] =	sst s0;
	s0 =	simm.s32 @!p2 $0x0  }
0x16: {  	s3 =	sld [smem:$0x3FDB];
	s0 =	simm.s32 @p2 $0x1  }
0x17: {  	s4 =	simm.s32 $0x1BF5;
	[smem:$0x3FA9] =	sst s0  }
0x18: {  	s0 =	sld [smem:$0x3F8C];
	_ =	swait.ge [sflag:s4], $0x0  }
0x19: {  	s7 =	sld [smem:$0x3F8D]  }
0x1a: {  	s8 =	sadd.s32 $0xFFFFE003, lr  }
0x1b: {  	s9 =	sadd.s32 $0xFFFFFEF7, lr;
	s5 =	simm.s32 $0xFFFFFFFF;
	p2 =	slt.u32 s8, $0xFFFFF086  }
0x1c: {  	p1 =	slt.u32 s9, $0xF7A;
	s5 =	simm.s32 @!p2 $0x0  }
0x1d: {  	s5 =	simm.s32 @p1 $0x1;
	p0 =	seq.s32 s7, s2  }
0x1e: {  	s7 =	smul.u32 @!p0 $0xF7A, s2;
	p2 =	seq.s32 @!p0 s5, $0x0  }
0x1f: {  	s9 =	smul.u32 $0xF7A, s1;
	s8 =	simm.s32 @!p0 $0x1BF5;
	p2 =	por !p2, p0  }
0x20: {  	[sflag:s8] =	ssyncset.s32 @!p0 $0xFFFFF086;
	s6 =	sadd.s32 @!p0 s3, s7;
	s7 =	simm.s32 @!p0 $0x108  }
0x21: {  	s3 =	sadd.s32 s3, s9;
	s6 =	sadd.s32 @!p0 $0x88, s6;
	s7 =	simm.s32 @p2 $0x1082  }
0x22: {  	[simem:s7], [sflag:s8] =	dma.local @!p0 [hbm:s6], $0xF7A  }
0x23: {  	s9 =	sor.u32 $0xD0000000, s2;
	s6 =	simm.s32 $0x108;
	_ =	swait.ge @!p0 [sflag:s8], $0x0  }
0x24: {  	s3 =	sadd.s32 $0x88, s3;
	s6 =	simm.s32 @!p1 $0x1082;
	[sflag:s4] =	ssyncset.s32 $0xFFFFF086  }
0x25: {  	[simem:s6], [sflag:s4] =	dma.local [hbm:s3], $0xF7A  }
0x26: {  	[smem:$0x3F8D] =	sst s1;
	(tag) =	ssettag s2;
	_ =	strace s9  }
0x27: {  	s1 =	sld [smem:$0x3F9D]  }
0x28: {  	s2 =	sld [smem:$0x3F9E]  }
0x29: {  	s4 =	sld [smem:$0x3FA0]  }
0x2a: {  	p0 =	seq.s32 s5, $0x0;
	s5 =	sld [smem:$0x3FA1]  }
0x2b: {  	s6 =	sld [smem:$0x3FA2]  }
0x2c: {  	s7 =	sld [smem:$0x3FA3]  }
0x2d: {  	s3 =	simm.s32 $0x108;
	s8 =	sld [smem:$0x3FA4]  }
0x2e: {  	s3 =	simm.s32 @!p0 $0x1082;
	s9 =	sld [smem:$0x3FA5]  }
0x2f: {  	lr =	sadd.s32 s0, s3;
	s0 =	sld [smem:$0x3F9C]  }
0x30: {  	s3 =	sld [smem:$0x3F9F]  }
0x31: {  	[smem:$0x3FA8] =	sst s10  }
0x32: {  	s10 =	sld [smem:$0x3FA6];
	_ =	sdelay $0x3  }
0x33: {  	p0 =	seq.s32 s10, $0x1;
	s10 =	sld [smem:$0x3FA8];
	_ =	sdelay $0x3  }
0x34: {  	[smem:$0x3FA8] =	sst s10  }
0x35: {  	s10 =	sld [smem:$0x3FA7];
	_ =	sdelay $0x3  }
0x36: {  	p1 =	seq.s32 s10, $0x1;
	s10 =	sld [smem:$0x3FA8];
	_ =	sdelay $0x3  }
0x37: {  	[smem:$0x3FA8] =	sst s10  }
0x38: {  	s10 =	sld [smem:$0x3FA9]  }
0x39: {  	_ = 	snop;
	(pc) =	sbr.ind lr, $3  }
0x3a: {  	_ = 	snop  }
0x3b: {  	_ = 	snop  }
0x3c: {  	p2 =	seq.s32 s10, $0x1;
	s10 =	sld [smem:$0x3FA8]  }
0x3d: {  	_ =	shalt  }
0x3e: {  	_ =	shalt  }
0x3f: {  	_ =	shalt  }
0x40: {  	_ =	shalt  }
0x41: {  	_ =	shalt  }
0x42: {  	_ =	shalt  }
0x43: {  	_ =	shalt  }
0x44: {  	_ =	shalt  }
0x45: {  	_ =	shalt  }
0x46: {  	_ =	shalt  }
0x47: {  	_ =	shalt  }
0x48: {  	_ =	shalt  }
0x49: {  	_ =	shalt  }
0x4a: {  	_ =	shalt  }
0x4b: {  	_ =	shalt  }
0x4c: {  	_ =	shalt  }
0x4d: {  	_ =	shalt  }
0x4e: {  	_ =	shalt  }
0x4f: {  	_ =	shalt  }
0x50: {  	_ =	shalt  }
0x51: {  	_ =	shalt  }
0x52: {  	_ =	shalt  }
0x53: {  	_ =	shalt  }
0x54: {  	_ =	shalt  }
0x55: {  	_ =	shalt  }
0x56: {  	_ =	shalt  }
0x57: {  	_ =	shalt  }
0x58: {  	_ =	shalt  }
0x59: {  	_ =	shalt  }
0x5a: {  	_ =	shalt  }
0x5b: {  	_ =	shalt  }
0x5c: {  	_ =	shalt  }
0x5d: {  	_ =	shalt  }
0x5e: {  	_ =	shalt  }
0x5f: {  	_ =	shalt  }
0x60: {  	_ =	shalt  }
0x61: {  	_ =	shalt  }
0x62: {  	_ =	shalt  }
0x63: {  	_ =	shalt  }
0x64: {  	_ =	shalt  }
0x65: {  	_ =	shalt  }
0x66: {  	_ =	shalt  }
0x67: {  	_ =	shalt  }
0x68: {  	_ =	shalt  }
0x69: {  	_ =	shalt  }
0x6a: {  	_ =	shalt  }
0x6b: {  	_ =	shalt  }
0x6c: {  	_ =	shalt  }
0x6d: {  	_ =	shalt  }
0x6e: {  	_ =	shalt  }
0x6f: {  	_ =	shalt  }
0x70: {  	_ =	shalt  }
0x71: {  	_ =	shalt  }
0x72: {  	_ =	shalt  }
0x73: {  	_ =	shalt  }
0x74: {  	_ =	shalt  }
0x75: {  	_ =	shalt  }
0x76: {  	_ =	shalt  }
0x77: {  	_ =	shalt  }
0x78: {  	_ =	shalt  }
0x79: {  	_ =	shalt  }
0x7a: {  	_ =	shalt  }
0x7b: {  	_ =	shalt  }
0x7c: {  	_ =	shalt  }
0x7d: {  	_ =	shalt  }
0x7e: {  	_ =	shalt  }
0x7f: {  	_ =	shalt  }
0x80: {  	_ =	shalt  }
0x81: {  	_ =	shalt  }
0x82: {  	_ =	shalt  }
0x83: {  	_ =	shalt  }
0x84: {  	_ =	shalt  }
0x85: {  	_ =	shalt  }
0x86: {  	_ =	shalt  }
0x87: {  	_ =	shalt  }
.Lfunc_end0:
.L_simem_size_0:
called_computation.2_lowered:
.L_overlay_start_0:
0x88: {  	s2 =	sld [smem:$0x3FD9]  }
0x89: {  	s3 =	sld [smem:$0x3FFE];
	_ =	sdelay $0x1  }
0x8a: {  	s1 =	srdreg.scid  }
0x8b: {  	s0 =	sand.u32 $0x1, s1  }
0x8c: {  	s15 =	sshll.u32 s0, $0xA;
	s2 =	sadd.s32 s3, s2  }
0x8d: {  	s2 =	sadd.s32 s2, s15  }
0x8e: {  	[smem:$0x3FB4] =	sst s2  }
0x8f: {  	_ = 	snop  }
0x90: {  	s16 =	sld [smem:$0x3FD0];
	_ =	sdelay $0x2  }
0x91: {  	s4 =	simm.s32 $0xD;
	s5 =	simm.s32 $0x10;
	s2 =	sld [smem:$0x3FBE]  }
0x92: {  	[smem:s5], [sflag:s4] =	dma.local [hbm:s16], $0x1  }
0x93: {  	_ =	swait.eq [sflag:s4], $0x1  }
0x94: {  	[sflag:s4] =	ssyncset.done $0x0  }
0x95: {  	[sflag:s4] =	ssyncadd.s32 $0xFFFFFFFF  }
0x96: {  	s17 =	sld [smem:$0x12];
	(tm) =	ssettm $0x1  }
0x97: {  	s18 =	sld [smem:$0x3FFB];
	_ =	sdelay $0x3  }
0x98: {  	_ =	strace s18  }
0x99: {  	s3 =	sld [smem:$0x3FFC];
	_ =	sdelay $0x3  }
0x9a: {  	_ =	strace s3  }
0x9b: {  	s3 =	sld [smem:$0x3FFD];
	_ =	sdelay $0x3  }
0x9c: {  	_ =	strace s3  }
0x9d: {  	_ =	strace $0x8FFFFFFF  }
0x9e: {  	s19 =	sld [smem:$0x3FDB];
	_ =	sdelay $0x1  }
0x9f: {  	s20 =	simm.s32 $_scs_section_size  }
0xa0: {  	s6 =	simm.s32 $_size__tile_overlayer_lowered;
	s7 =	simm.s32 $_tile_overlayer_lowered  }
0xa1: {  	s8 =	simm.s32 $0x1BFF;
	s21 =	sshll.u32 s7, $0x1;
	s5 =	sadd.s32 s20, s19  }
0xa2: {  	s22 =	simm.s32 $0x0;
	s6 =	sshll.u32 s6, $0x1;
	s7 =	sadd.s32 s21, s5  }
0xa3: {  	[timem:s22], [sflag:s8] =	dma.local [hbm:s7], s6  }
0xa4: {  	_ =	swait.ge [sflag:s8], s6  }
0xa5: {  	s6 =	ssub.s32 $0x0, s6;
	[sflag:s8] =	ssyncset.done $0x0  }
0xa6: {  	[sflag:s8] =	ssyncadd.s32 s6;
	_ =	sdelay $0x1  }
0xa7: {  	s23 =	simm.s32 $0x1B8B  }
0xa8: {  	_ =	swait.ge [sflag:s23], $0x1  }
0xa9: {  	[sflag:s23] =	ssyncset.done $0x0  }
0xaa: {  	[sflag:s23] =	ssyncadd.s32 $0xFFFFFFFF  }
0xab: {  	s6 =	sld [smem:$0x0]  }
0xac: {  	s7 =	sand.u32 $0xFFFFFFFE, s1  }
0xad: {  	p0 =	sne.s32 s1, s7  }
0xae: {  	s7 =	sshll.u32 @p0 s7, $0xE  }
0xaf: {  	s7 =	sadd.s32 @p0 $0x11B8D, s7;
	s8 =	sshll.u32 @p0 s6, $0x11  }
0xb0: {  	s7 =	sor.u32 @p0 s8, s7  }
0xb1: {  	[sflag:s7] =	ssyncadd.remote.s32 @p0 $0x1;
	_ =	sdelay $0x1  }
0xb2: {  	s7 =	simm.s32 @p0 $0x1B8D  }
0xb3: {  	_ =	swait.eq @p0 [sflag:s7], $0x1  }
0xb4: {  	[sflag:s7] =	ssyncadd.s32 @p0 $0xFFFFFFFF  }
0xb5: {  	s8 =	sshll.u32 @!p0 s1, $0xE  }
0xb6: {  	s8 =	sor.u32 @!p0 $0x4000, s8;
	s7 =	simm.s32 @!p0 $0x1B8D  }
0xb7: {  	s6 =	sshll.u32 @!p0 s6, $0x11;
	s8 =	sadd.s32 @!p0 $0x11B8D, s8;
	_ =	swait.eq @!p0 [sflag:s7], $0x1  }
0xb8: {  	s6 =	sor.u32 @!p0 s6, s8;
	[sflag:s7] =	ssyncadd.s32 @!p0 $0xFFFFFFFF  }
0xb9: {  	s25 =	simm.s32 $0x1B8E;
	s24 =	sld [smem:$0x3FFE];
	[sflag:s6] =	ssyncadd.remote.s32 @!p0 $0x1  }
0xba: {  	s26 =	simm.s32 $execute0_lowered;
	[smem:$0x3FD2] =	sst s25  }
0xbb: {  	s7 =	sshll.u32 s26, $0x1;
	_ =	strace $0x80000049;
	[dreg:$0x1] =	wrdreg $0xFFFFFFFF  }
0xbc: {  	s28 =	simm.s32 $_size_execute0_lowered;
	s5 =	sadd.s32 s5, s7;
	[dreg:$0x0] =	wrdreg $0x0  }
0xbd: {  	s7 =	sshll.u32 s28, $0x1;
	[dreg:$0x2] =	wrdreg s5  }
0xbe: {  	[dreg:$0x3] =	wrdreg s7  }
0xbf: {  	[dreg:$0x4] =	wrdreg $0xC0  }
0xc0: {  	_ =	task [dreg:s22], $0x5FFFF  }
0xc1: {  	[dreg:$0x1] =	wrdreg $0xFFFFFFFF  }
0xc2: {  	[dreg:$0x0] =	wrdreg $0x60  }
0xc3: {  	[dreg:$0x2] =	wrdreg s24  }
0xc4: {  	[dreg:$0x3] =	wrdreg s2  }
0xc5: {  	[dreg:$0x4] =	wrdreg s17  }
0xc6: {  	[dreg:$0x5] =	wrdreg $0xB7800  }
0xc7: {  	[dreg:$0x6] =	wrdreg $0xC  }
0xc8: {  	_ =	task.clear_ibuf [dreg:s22], $0x7FFFF;
	_ =	strace $0x90000049  }
0xc9: {  	s29 =	simm.s32 $0xC;
	_ =	strace $0x8000004B  }
0xca: {  	_ =	swait.ge [sflag:s29], $0x1  }
0xcb: {  	[sflag:s29] =	ssyncadd.s32 $0xFFFFFFFF  }
0xcc: {  	_ =	strace $0x9000004B  }
0xcd: {  	_ =	sfence  }
0xce: {  	s30 =	sld [smem:$0x0];
	_ =	sdelay $0x2  }
0xcf: {  	s31 =	sshll.u32 s1, $0xD;
	s1 =	sshrl.u32 s1, $0x2  }
0xd0: {  	s4 =	sand.u32 $0x4000, s31;
	s1 =	sadd.s32 s1, s30  }
0xd1: {  	s0 =	sor.u32 s4, s0;
	s1 =	sshll.u32 s1, $0x11  }
0xd2: {  	s0 =	sor.u32 s1, s0  }
0xd3: {  	s0 =	sadd.s32 $0x8F2B, s0  }
0xd4: {  	[sflag:s0] =	ssyncadd.remote.s32 $0x1  }
0xd5: {  	_ =	sfence.sel $0xFFFF  }
0xd6: {  	[dreg:$0x0] =	wrdreg $0xFFFFFFFF;
	(pc) =	sbr.abs _section_cstart, $3  }
0xd7: {  	[dreg:$0x1] =	wrdreg $0xFFFFFFFF  }
0xd8: {  	_ =	task.clear_ibuf [dreg:s22], $0x2FFFF;
	_ =	strace $0x9FFFFFFF  }
0xd9: {  	(tm) =	ssettm $0x7FFFFFFF  }
tec
execute0_lowered:
.L_overlay_start_1:
0x0: {  	(tag) =	ssettag $0x1  }
0x1: {  	s6 =	rddreg [dreg:$0x0]  }
0x2: {  	s1 =	rddreg [dreg:$0x1]  }
0x3: {  	s7 =	rddreg [dreg:$0x2]  }
0x4: {  	s3 =	rddreg [dreg:$0x3];
	s2 =	srdreg.scid  }
0x5: {  	s0 =	stileid.u32;
	s14 =	simm.s32 $0x4000;
	s15 =	simm.s32 $0x3  }
0x6: {  	s16 =	simm.s32 $0x50;
	s17 =	simm.s32 $0x6780;
	s18 =	simm.s32 $0x8F80  }
0x7: {  	s19 =	simm.s32 $0x1;
	s20 =	simm.s32 $0x4;
	s21 =	simm.s32 $0x2  }
0x8: {  	s22 =	simm.s32 $0x3E00;
	s24 =	simm.s32 $0x0;
	s8 =	sand.u32 $0x1, s2  }
0x9: {  	s4 =	sshll.u32 s0, $0x1;
	s5 =	sshrl.u32 s0, $0x2;
	s12 =	smul.u32 $0x13C00, s0  }
0xa: {  	s2 =	rddreg [dreg:$0x4];
	s28 =	smul.u32 $0x4F000, s0;
	s23 =	sshll.u32 s0, $0x6  }
0xb: {  	s9 =	sor.u32 s8, s4;
	s5 =	smul.u32 $0x13C00, s5;
	s4 =	simm.s32 $0x0  }
0xc: {  	s11 =	smul.u32 $0x13C000, s8;
	s8 =	ssub.s32 $0x2, s8;
	s10 =	sshll.u32 s9, $0x7  }
0xd: {  	[smem:$0x7FF] =	sst s4;
	s29 =	sshrl.u32 s8, $0x1;
	s30 =	sshrl.u32 s28, $0x2  }
0xe: {  	s31 =	sshll.u32 s9, $0xB;
	s10 =	sand.u32 $0x380, s10;
	_ =	strace $0x8000004A  }
0xf: {  	s11 =	sadd.s32 s12, s11;
	s13 =	ssub.s32 s8, s29;
	s12 =	sadd.s32 s30, s3  }
0x10: {  	s7 =	sadd.s32 s7, s31;
	s10 =	sor.u32 s5, s10;
	s11 =	sshrl.u32 s11, $0x3  }
0x11: {  	s5 =	sadd.s32 $0xA600, s6;
	s10 =	sshrl.u32 s10, $0x3;
	s11 =	sadd.s32 s11, s6  }
0x12: {  	s10 =	sadd.s32 s10, s6;
	s6 =	sor.u32 $0x1C03, s23;
	s9 =	sadd.s32 $0x65C00, s11  }
0x13: {  	s11 =	sshrl.u32 s12, $0x3;
	s12 =	simm.s32 $0x80;
	s23 =	sor.u32 $0x1C04, s23  }
0x14: {  	s8 =	sadd.s32 $0x5BE00, s10;
	s10 =	smax.u32 s13, $0x1;
	s13 =	simm.s32 $0x400  }
.LBB2_1:
0x15: {  	[spmem:s11], [sflag:s6] =	dma.local [hbm:s5], $0x2780  }
0x16: {  	[tilespmem:s4], [sflag:$0x3] =	stream.linear.gather [hbm4b:s7+s4], $0x3E80, $0x38;
	[tilespmem:$0x1F380] =	vst v63  }
0x17: {  	_ = 	snop  }
0x18: {  	[tilespmem:s14], [sflag:$0x3] =	stream.strided.gather [hbm4b:s8+s12], $0x2780, s13, s12, $0x38;
	[tilespmem:$0x1F380] =	vst v63  }
0x19: {  	_ =	swait.ge [sflag:s15], $0x2780  }
0x1a: {  	[sflag:s15] =	ssyncset.done $0x0  }
0x1b: {  	[sflag:s15] =	ssyncadd.s32 $0xFFFFD880  }
0x1c: {  	_ =	swait.ge [sflag:s15], $0x3E80  }
0x1d: {  	[sflag:s15] =	ssyncset.done $0x0  }
0x1e: {  	[sflag:s15] =	ssyncadd.s32 $0xFFFFC180  }
0x1f: {  	_ =	swait.ge [sflag:s15], $0x2780  }
0x20: {  	[sflag:s15] =	ssyncset.done $0x0  }
0x21: {  	[sflag:s15] =	ssyncadd.s32 $0xFFFFD880  }
0x22: {  	[tilespmem:s17], [sflag:$0x1] =	stream.indirect.gather [hbm4b:s1+s16], $0x80, s14, s16, $0xb8;
	[tilespmem:$0x1F380] =	vst v63  }
0x23: {  	s25 =	simm.s32 $0x4050;
	[bflag:$0x0] =	sbarrier.arrive $0xFFFF  }
0x24: {  	[tilespmem:s18], [sflag:$0x2] =	stream.indirect.gather [hbm4b:s1+s16], $0x80, s25, s16, $0xb8;
	[tilespmem:$0x1F380] =	vst v63  }
0x25: {  	_ =	swait.ge [sflag:s19], $0x2800  }
0x26: {  	[sflag:s19] =	ssyncset.done $0x0  }
0x27: {  	s29 =	simm.s32 $0x0;
	[sflag:s19] =	ssyncadd.s32 $0xFFFFD800  }
0x28: {  	[spmem:s3] =	stream.indirect.scatter.add.f32 [tilespmem:s17], [sflag:$0x4], $0x80, s29, s16, $0xb8;
	[tilespmem:$0x1F380] =	vst v63  }
0x29: {  	_ =	swait.ge [sflag:s20], $0x2800  }
0x2a: {  	[sflag:s20] =	ssyncset.done $0x0  }
0x2b: {  	s30 =	simm.s32 $0x40A0;
	[sflag:s20] =	ssyncadd.s32 $0xFFFFD800  }
0x2c: {  	[tilespmem:s17], [sflag:$0x1] =	stream.indirect.gather [hbm4b:s1+s16], $0x80, s30, s16, $0xb8;
	[tilespmem:$0x1F380] =	vst v63  }
0x2d: {  	_ =	swait.ge [sflag:s21], $0x2800  }
0x2e: {  	[sflag:s21] =	ssyncset.done $0x0  }
0x2f: {  	s31 =	simm.s32 $0x80;
	[sflag:s21] =	ssyncadd.s32 $0xFFFFD800  }
0x30: {  	[spmem:s3] =	stream.indirect.scatter.add.f32 [tilespmem:s18], [sflag:$0x4], $0x80, s31, s16, $0xb8;
	[tilespmem:$0x1F380] =	vst v63  }
0x31: {  	s26 =	simm.s32 $0x400;
	_ =	swait.ge [sflag:s20], $0x2800  }
0x32: {  	s28 =	simm.s32 $0x800;
	s25 =	simm.s32 $0x4140;
	[sflag:s20] =	ssyncset.done $0x0  }
.LBB2_2:
0x33: {  	p0 =	sne.s32 s28, $0xF400;
	s29 =	sadd.s32 $0xFFFFFFB0, s25;
	[sflag:s20] =	ssyncadd.s32 $0xFFFFD800  }
0x34: {  	[tilespmem:s18], [sflag:$0x2] =	stream.indirect.gather [hbm4b:s1+s16], $0x80, s29, s16, $0xb8;
	[tilespmem:$0x1F380] =	vst v63  }
0x35: {  	s29 =	smov.u32 s28;
	s28 =	sadd.s32 $0x400, s28;
	_ =	swait.ge [sflag:s19], $0x2800  }
0x36: {  	[sflag:s19] =	ssyncset.done $0x0  }
0x37: {  	s30 =	sshra.s32 s26, $0x2;
	s26 =	smov.u32 s29;
	[sflag:s19] =	ssyncadd.s32 $0xFFFFD800  }
0x38: {  	[spmem:s3] =	stream.indirect.scatter.add.f32 [tilespmem:s17], [sflag:$0x4], $0x80, s30, s16, $0xb8;
	[tilespmem:$0x1F380] =	vst v63  }
0x39: {  	_ =	swait.ge [sflag:s20], $0x2800  }
0x3a: {  	[sflag:s20] =	ssyncset.done $0x0  }
0x3b: {  	[sflag:s20] =	ssyncadd.s32 $0xFFFFD800  }
0x3c: {  	[tilespmem:s17], [sflag:$0x1] =	stream.indirect.gather [hbm4b:s1+s16], $0x80, s25, s16, $0xb8;
	[tilespmem:$0x1F380] =	vst v63  }
0x3d: {  	_ =	swait.ge [sflag:s21], $0x2800  }
.Ltmp0:
0x3e: {  	[sflag:s21] =	ssyncset.done $0x0;
	(pc) =	sbr.rel @p0 .LBB2_2-.Ltmp0, $4  }
0x3f: {  	s29 =	sadd.s32 $0x80, s30;
	[sflag:s21] =	ssyncadd.s32 $0xFFFFD800  }
0x40: {  	[spmem:s3] =	stream.indirect.scatter.add.f32 [tilespmem:s18], [sflag:$0x4], $0x80, s29, s16, $0xb8;
	[tilespmem:$0x1F380] =	vst v63  }
0x41: {  	_ =	swait.ge [sflag:s20], $0x2800  }
0x42: {  	s25 =	sadd.s32 $0xA0, s25;
	[sflag:s20] =	ssyncset.done $0x0  }
0x43: {  	s28 =	sadd.s32 $0xFFFFFFB0, s25;
	[sflag:s20] =	ssyncadd.s32 $0xFFFFD800  }
0x44: {  	[tilespmem:s18], [sflag:$0x2] =	stream.indirect.gather [hbm4b:s1+s16], $0x80, s28, s16, $0xb8;
	[tilespmem:$0x1F380] =	vst v63  }
0x45: {  	_ =	swait.ge [sflag:s19], $0x2800  }
0x46: {  	[sflag:s19] =	ssyncset.done $0x0  }
0x47: {  	s26 =	sshra.s32 s26, $0x2;
	[sflag:s19] =	ssyncadd.s32 $0xFFFFD800  }
0x48: {  	[spmem:s3] =	stream.indirect.scatter.add.f32 [tilespmem:s17], [sflag:$0x4], $0x80, s26, s16, $0xb8;
	[tilespmem:$0x1F380] =	vst v63  }
0x49: {  	_ =	swait.ge [sflag:s20], $0x2800  }
0x4a: {  	[sflag:s20] =	ssyncset.done $0x0  }
0x4b: {  	[sflag:s20] =	ssyncadd.s32 $0xFFFFD800  }
0x4c: {  	[tilespmem:s17], [sflag:$0x1] =	stream.indirect.gather [hbm4b:s1+s16], $0x80, s25, s16, $0xb8;
	[tilespmem:$0x1F380] =	vst v63  }
0x4d: {  	_ =	swait.ge [sflag:s21], $0x2800  }
0x4e: {  	[sflag:s21] =	ssyncset.done $0x0  }
0x4f: {  	s31 =	sadd.s32 $0x80, s26;
	[sflag:s21] =	ssyncadd.s32 $0xFFFFD800  }
0x50: {  	[spmem:s3] =	stream.indirect.scatter.add.f32 [tilespmem:s18], [sflag:$0x4], $0x80, s31, s16, $0xb8;
	[tilespmem:$0x1F380] =	vst v63  }
0x51: {  	_ =	swait.ge [sflag:s20], $0x2800  }
0x52: {  	[sflag:s20] =	ssyncset.done $0x0  }
0x53: {  	[sflag:s20] =	ssyncadd.s32 $0xFFFFD800  }
0x54: {  	_ =	swait.ge [sflag:s19], $0x2800  }
0x55: {  	[sflag:s19] =	ssyncset.done $0x0  }
0x56: {  	[sflag:s19] =	ssyncadd.s32 $0xFFFFD800  }
0x57: {  	[spmem:s3] =	stream.indirect.scatter.add.f32 [tilespmem:s17], [sflag:$0x4], $0x80, s22, s16, $0xb8;
	[tilespmem:$0x1F380] =	vst v63  }
0x58: {  	_ =	swait.ge [sflag:s20], $0x2800  }
0x59: {  	s24 =	sadd.s32 $0x1, s24;
	[sflag:s20] =	ssyncset.done $0x0  }
0x5a: {  	p0 =	sne.s32 s24, s10;
	[sflag:s20] =	ssyncadd.s32 $0xFFFFD800  }
.Ltmp1:
0x5b: {  	[bflag:$0x0] =	sbarrier.arrive $0xFFFF;
	(pc) =	sbr.rel @p0 .LBB2_1-.Ltmp1, $4  }
0x5c: {  	[hbm:s9], [sflag:s23] =	dma.local [spmem:s11], $0x2780  }
0x5d: {  	_ =	swait.ge [sflag:s20], $0x2780  }
0x5e: {  	[sflag:s20] =	ssyncset.done $0x0  }
0x5f: {  	[sflag:s20] =	ssyncadd.s32 $0xFFFFD880  }
0x60: {  	_ =	sfence.sel $0x180000  }
0x61: {  	[bflag:$0x0] =	sbarrier.arrive $0xFFFF  }
0x62: {  	p0 =	sne.s32 s0, $0x0;
	_ =	strace $0x9000004A  }
0x63: {  	s0 =	sadd.s32 @!p0 $0x100000, s2;
	[bflag:$0x2] =	sbarrier.arrive $0xFFFF  }
0x64: {  	[sflag:s0] =	ssyncadd.tile.s32 @!p0 $0x1;
	_ =	shalt  }
.Lfunc_end2:
_tile_overlayer_lowered:
.L_overlay_start_2:
0x65: {  	(tag) =	ssettag $0x2  }
0x66: {  	s0 =	rddreg [dreg:$0x0];
	s2 =	stileid.u32  }
0x67: {  	s1 =	rddreg [dreg:$0x1];
	p0 =	sne.s32 s2, $0x0  }
0x68: {  	s3 =	rddreg [dreg:$0x2];
	[bflag:$0x3] =	sbarrier.arrive $0xFFFF;
	s2 =	simm.s32 @!p0 $0x1C04  }
0x69: {  	[timem:s3], [sflag:s2] =	dma.local @!p0 [hbm:s0], s1  }
0x6a: {  	s0 =	simm.s32 @!p0 $0x4  }
0x6b: {  	_ =	swait.ge @!p0 [sflag:s0], s1  }
0x6c: {  	s1 =	ssub.s32 @!p0 $0x0, s1;
	[sflag:s0] =	ssyncset.done @!p0 $0x0  }
0x6d: {  	[sflag:s0] =	ssyncadd.s32 @!p0 s1  }
0x6e: {  	[bflag:$0x3] =	sbarrier.arrive $0xFFFF  }
0x6f: {  	_ =	shalt  }

// kernel: kernel.27.cloned.1.call-start
scs
__scs_entry_jumppad:
0x0: {  	(pc) =	sbr.rel $0x88, $3  }
0x1: {  	(tag) =	ssettag $0x0;
	lr =	simm.s32 $0x1  }
0x2: {  	[smem:$0x3F8D] =	sst lr;
	_ =	strace $0xD0000000  }
0x3: {  	_ = 	snop  }
0x4: {  	_ = 	snop  }
0x5: {  	_ = 	snop  }
0x6: {  	_ = 	snop  }
0x7: {  	_ = 	snop  }
__scs_overlays_trampoline_lowered:
0x8: {  	[smem:$0x3F9C] =	sst s0  }
0x9: {  	[smem:$0x3F9D] =	sst s1  }
0xa: {  	[smem:$0x3F9E] =	sst s2  }
0xb: {  	[smem:$0x3F9F] =	sst s3  }
0xc: {  	[smem:$0x3FA0] =	sst s4  }
0xd: {  	[smem:$0x3FA1] =	sst s5  }
0xe: {  	[smem:$0x3FA2] =	sst s6  }
0xf: {  	[smem:$0x3FA3] =	sst s7  }
0x10: {  	[smem:$0x3FA4] =	sst s8  }
0x11: {  	[smem:$0x3FA5] =	sst s9;
	s0 =	simm.s32 @!p0 $0x0  }
0x12: {  	s1 =	sld [smem:$0x3F8B];
	s0 =	simm.s32 @p0 $0x1  }
0x13: {  	[smem:$0x3FA6] =	sst s0;
	s0 =	simm.s32 @!p1 $0x0  }
0x14: {  	s2 =	sld [smem:$0x3F8A];
	s0 =	simm.s32 @p1 $0x1  }
0x15: {  	[smem:$0x3FA7] =	sst s0;
	s0 =	simm.s32 @!p2 $0x0  }
0x16: {  	s3 =	sld [smem:$0x3FDB];
	s0 =	simm.s32 @p2 $0x1  }
0x17: {  	s4 =	simm.s32 $0x1BF5;
	[smem:$0x3FA9] =	sst s0  }
0x18: {  	s0 =	sld [smem:$0x3F8C];
	_ =	swait.ge [sflag:s4], $0x0  }
0x19: {  	s7 =	sld [smem:$0x3F8D]  }
0x1a: {  	s8 =	sadd.s32 $0xFFFFE003, lr  }
0x1b: {  	s9 =	sadd.s32 $0xFFFFFEF7, lr;
	s5 =	simm.s32 $0xFFFFFFFF;
	p2 =	slt.u32 s8, $0xFFFFF086  }
0x1c: {  	p1 =	slt.u32 s9, $0xF7A;
	s5 =	simm.s32 @!p2 $0x0  }
0x1d: {  	s5 =	simm.s32 @p1 $0x1;
	p0 =	seq.s32 s7, s2  }
0x1e: {  	s7 =	smul.u32 @!p0 $0xF7A, s2;
	p2 =	seq.s32 @!p0 s5, $0x0  }
0x1f: {  	s9 =	smul.u32 $0xF7A, s1;
	s8 =	simm.s32 @!p0 $0x1BF5;
	p2 =	por !p2, p0  }
0x20: {  	[sflag:s8] =	ssyncset.s32 @!p0 $0xFFFFF086;
	s6 =	sadd.s32 @!p0 s3, s7;
	s7 =	simm.s32 @!p0 $0x108  }
0x21: {  	s3 =	sadd.s32 s3, s9;
	s6 =	sadd.s32 @!p0 $0x88, s6;
	s7 =	simm.s32 @p2 $0x1082  }
0x22: {  	[simem:s7], [sflag:s8] =	dma.local @!p0 [hbm:s6], $0xF7A  }
0x23: {  	s9 =	sor.u32 $0xD0000000, s2;
	s6 =	simm.s32 $0x108;
	_ =	swait.ge @!p0 [sflag:s8], $0x0  }
0x24: {  	s3 =	sadd.s32 $0x88, s3;
	s6 =	simm.s32 @!p1 $0x1082;
	[sflag:s4] =	ssyncset.s32 $0xFFFFF086  }
0x25: {  	[simem:s6], [sflag:s4] =	dma.local [hbm:s3], $0xF7A  }
0x26: {  	[smem:$0x3F8D] =	sst s1;
	(tag) =	ssettag s2;
	_ =	strace s9  }
0x27: {  	s1 =	sld [smem:$0x3F9D]  }
0x28: {  	s2 =	sld [smem:$0x3F9E]  }
0x29: {  	s4 =	sld [smem:$0x3FA0]  }
0x2a: {  	p0 =	seq.s32 s5, $0x0;
	s5 =	sld [smem:$0x3FA1]  }
0x2b: {  	s6 =	sld [smem:$0x3FA2]  }
0x2c: {  	s7 =	sld [smem:$0x3FA3]  }
0x2d: {  	s3 =	simm.s32 $0x108;
	s8 =	sld [smem:$0x3FA4]  }
0x2e: {  	s3 =	simm.s32 @!p0 $0x1082;
	s9 =	sld [smem:$0x3FA5]  }
0x2f: {  	lr =	sadd.s32 s0, s3;
	s0 =	sld [smem:$0x3F9C]  }
0x30: {  	s3 =	sld [smem:$0x3F9F]  }
0x31: {  	[smem:$0x3FA8] =	sst s10  }
0x32: {  	s10 =	sld [smem:$0x3FA6];
	_ =	sdelay $0x3  }
0x33: {  	p0 =	seq.s32 s10, $0x1;
	s10 =	sld [smem:$0x3FA8];
	_ =	sdelay $0x3  }
0x34: {  	[smem:$0x3FA8] =	sst s10  }
0x35: {  	s10 =	sld [smem:$0x3FA7];
	_ =	sdelay $0x3  }
0x36: {  	p1 =	seq.s32 s10, $0x1;
	s10 =	sld [smem:$0x3FA8];
	_ =	sdelay $0x3  }
0x37: {  	[smem:$0x3FA8] =	sst s10  }
0x38: {  	s10 =	sld [smem:$0x3FA9]  }
0x39: {  	_ = 	snop;
	(pc) =	sbr.ind lr, $3  }
0x3a: {  	_ = 	snop  }
0x3b: {  	_ = 	snop  }
0x3c: {  	p2 =	seq.s32 s10, $0x1;
	s10 =	sld [smem:$0x3FA8]  }
0x3d: {  	_ =	shalt  }
0x3e: {  	_ =	shalt  }
0x3f: {  	_ =	shalt  }
0x40: {  	_ =	shalt  }
0x41: {  	_ =	shalt  }
0x42: {  	_ =	shalt  }
0x43: {  	_ =	shalt  }
0x44: {  	_ =	shalt  }
0x45: {  	_ =	shalt  }
0x46: {  	_ =	shalt  }
0x47: {  	_ =	shalt  }
0x48: {  	_ =	shalt  }
0x49: {  	_ =	shalt  }
0x4a: {  	_ =	shalt  }
0x4b: {  	_ =	shalt  }
0x4c: {  	_ =	shalt  }
0x4d: {  	_ =	shalt  }
0x4e: {  	_ =	shalt  }
0x4f: {  	_ =	shalt  }
0x50: {  	_ =	shalt  }
0x51: {  	_ =	shalt  }
0x52: {  	_ =	shalt  }
0x53: {  	_ =	shalt  }
0x54: {  	_ =	shalt  }
0x55: {  	_ =	shalt  }
0x56: {  	_ =	shalt  }
0x57: {  	_ =	shalt  }
0x58: {  	_ =	shalt  }
0x59: {  	_ =	shalt  }
0x5a: {  	_ =	shalt  }
0x5b: {  	_ =	shalt  }
0x5c: {  	_ =	shalt  }
0x5d: {  	_ =	shalt  }
0x5e: {  	_ =	shalt  }
0x5f: {  	_ =	shalt  }
0x60: {  	_ =	shalt  }
0x61: {  	_ =	shalt  }
0x62: {  	_ =	shalt  }
0x63: {  	_ =	shalt  }
0x64: {  	_ =	shalt  }
0x65: {  	_ =	shalt  }
0x66: {  	_ =	shalt  }
0x67: {  	_ =	shalt  }
0x68: {  	_ =	shalt  }
0x69: {  	_ =	shalt  }
0x6a: {  	_ =	shalt  }
0x6b: {  	_ =	shalt  }
0x6c: {  	_ =	shalt  }
0x6d: {  	_ =	shalt  }
0x6e: {  	_ =	shalt  }
0x6f: {  	_ =	shalt  }
0x70: {  	_ =	shalt  }
0x71: {  	_ =	shalt  }
0x72: {  	_ =	shalt  }
0x73: {  	_ =	shalt  }
0x74: {  	_ =	shalt  }
0x75: {  	_ =	shalt  }
0x76: {  	_ =	shalt  }
0x77: {  	_ =	shalt  }
0x78: {  	_ =	shalt  }
0x79: {  	_ =	shalt  }
0x7a: {  	_ =	shalt  }
0x7b: {  	_ =	shalt  }
0x7c: {  	_ =	shalt  }
0x7d: {  	_ =	shalt  }
0x7e: {  	_ =	shalt  }
0x7f: {  	_ =	shalt  }
0x80: {  	_ =	shalt  }
0x81: {  	_ =	shalt  }
0x82: {  	_ =	shalt  }
0x83: {  	_ =	shalt  }
0x84: {  	_ =	shalt  }
0x85: {  	_ =	shalt  }
0x86: {  	_ =	shalt  }
0x87: {  	_ =	shalt  }
.Lfunc_end0:
.L_simem_size_0:
called_computation.3_lowered:
.L_overlay_start_0:
0x88: {  	s2 =	sld [smem:$0x3FD9]  }
0x89: {  	s3 =	sld [smem:$0x3FFE];
	_ =	sdelay $0x1  }
0x8a: {  	s1 =	srdreg.scid  }
0x8b: {  	s0 =	sand.u32 $0x1, s1  }
0x8c: {  	s15 =	sshll.u32 s0, $0xA;
	s2 =	sadd.s32 s3, s2  }
0x8d: {  	s2 =	sadd.s32 s2, s15  }
0x8e: {  	[smem:$0x3FB4] =	sst s2  }
0x8f: {  	_ = 	snop  }
0x90: {  	s16 =	sld [smem:$0x3FD0];
	_ =	sdelay $0x2  }
0x91: {  	s4 =	simm.s32 $0xD;
	s5 =	simm.s32 $0x10;
	s2 =	sld [smem:$0x3FBF]  }
0x92: {  	[smem:s5], [sflag:s4] =	dma.local [hbm:s16], $0x1  }
0x93: {  	_ =	swait.eq [sflag:s4], $0x1  }
0x94: {  	[sflag:s4] =	ssyncset.done $0x0  }
0x95: {  	[sflag:s4] =	ssyncadd.s32 $0xFFFFFFFF  }
0x96: {  	s17 =	sld [smem:$0x10];
	(tm) =	ssettm $0x1  }
0x97: {  	s18 =	sld [smem:$0x3FFB];
	_ =	sdelay $0x3  }
0x98: {  	_ =	strace s18  }
0x99: {  	s3 =	sld [smem:$0x3FFC];
	_ =	sdelay $0x3  }
0x9a: {  	_ =	strace s3  }
0x9b: {  	s3 =	sld [smem:$0x3FFD];
	_ =	sdelay $0x3  }
0x9c: {  	_ =	strace s3  }
0x9d: {  	_ =	strace $0x8FFFFFFF  }
0x9e: {  	s19 =	sld [smem:$0x3FDB];
	_ =	sdelay $0x1  }
0x9f: {  	s20 =	simm.s32 $_scs_section_size  }
0xa0: {  	s6 =	simm.s32 $_size__tile_overlayer_lowered;
	s7 =	simm.s32 $_tile_overlayer_lowered  }
0xa1: {  	s8 =	simm.s32 $0x1BFF;
	s21 =	sshll.u32 s7, $0x1;
	s5 =	sadd.s32 s20, s19  }
0xa2: {  	s22 =	simm.s32 $0x0;
	s6 =	sshll.u32 s6, $0x1;
	s7 =	sadd.s32 s21, s5  }
0xa3: {  	[timem:s22], [sflag:s8] =	dma.local [hbm:s7], s6  }
0xa4: {  	_ =	swait.ge [sflag:s8], s6  }
0xa5: {  	s6 =	ssub.s32 $0x0, s6;
	[sflag:s8] =	ssyncset.done $0x0  }
0xa6: {  	[sflag:s8] =	ssyncadd.s32 s6;
	_ =	sdelay $0x1  }
0xa7: {  	s23 =	simm.s32 $0x1B8B  }
0xa8: {  	_ =	swait.ge [sflag:s23], $0x1  }
0xa9: {  	[sflag:s23] =	ssyncset.done $0x0  }
0xaa: {  	[sflag:s23] =	ssyncadd.s32 $0xFFFFFFFF  }
0xab: {  	s6 =	sld [smem:$0x0]  }
0xac: {  	s7 =	sand.u32 $0xFFFFFFFE, s1  }
0xad: {  	p0 =	sne.s32 s1, s7  }
0xae: {  	s7 =	sshll.u32 @p0 s7, $0xE  }
0xaf: {  	s7 =	sadd.s32 @p0 $0x11B8D, s7;
	s8 =	sshll.u32 @p0 s6, $0x11  }
0xb0: {  	s7 =	sor.u32 @p0 s8, s7  }
0xb1: {  	[sflag:s7] =	ssyncadd.remote.s32 @p0 $0x1;
	_ =	sdelay $0x1  }
0xb2: {  	s7 =	simm.s32 @p0 $0x1B8D  }
0xb3: {  	_ =	swait.eq @p0 [sflag:s7], $0x1  }
0xb4: {  	[sflag:s7] =	ssyncadd.s32 @p0 $0xFFFFFFFF  }
0xb5: {  	s8 =	sshll.u32 @!p0 s1, $0xE  }
0xb6: {  	s8 =	sor.u32 @!p0 $0x4000, s8;
	s7 =	simm.s32 @!p0 $0x1B8D  }
0xb7: {  	s6 =	sshll.u32 @!p0 s6, $0x11;
	s8 =	sadd.s32 @!p0 $0x11B8D, s8;
	_ =	swait.eq @!p0 [sflag:s7], $0x1  }
0xb8: {  	s6 =	sor.u32 @!p0 s6, s8;
	[sflag:s7] =	ssyncadd.s32 @!p0 $0xFFFFFFFF  }
0xb9: {  	s25 =	simm.s32 $0x1B8E;
	s24 =	sld [smem:$0x3FFE];
	[sflag:s6] =	ssyncadd.remote.s32 @!p0 $0x1  }
0xba: {  	s26 =	simm.s32 $execute0_lowered;
	[smem:$0x3FD2] =	sst s25  }
0xbb: {  	s7 =	sshll.u32 s26, $0x1;
	_ =	strace $0x8000004C;
	[dreg:$0x1] =	wrdreg $0xFFFFFFFF  }
0xbc: {  	s28 =	simm.s32 $_size_execute0_lowered;
	s5 =	sadd.s32 s5, s7;
	[dreg:$0x0] =	wrdreg $0x0  }
0xbd: {  	s7 =	sshll.u32 s28, $0x1;
	[dreg:$0x2] =	wrdreg s5  }
0xbe: {  	[dreg:$0x3] =	wrdreg s7  }
0xbf: {  	[dreg:$0x4] =	wrdreg $0xC0  }
0xc0: {  	_ =	task [dreg:s22], $0x5FFFF  }
0xc1: {  	[dreg:$0x1] =	wrdreg $0xFFFFFFFF  }
0xc2: {  	[dreg:$0x0] =	wrdreg $0x60  }
0xc3: {  	[dreg:$0x2] =	wrdreg s24  }
0xc4: {  	[dreg:$0x3] =	wrdreg s2  }
0xc5: {  	[dreg:$0x4] =	wrdreg s17  }
0xc6: {  	[dreg:$0x5] =	wrdreg $0xB7800  }
0xc7: {  	[dreg:$0x6] =	wrdreg $0xB  }
0xc8: {  	_ =	task.clear_ibuf [dreg:s22], $0x7FFFF;
	_ =	strace $0x9000004C  }
0xc9: {  	s29 =	simm.s32 $0xB;
	_ =	strace $0x8000004E  }
0xca: {  	_ =	swait.ge [sflag:s29], $0x1  }
0xcb: {  	[sflag:s29] =	ssyncadd.s32 $0xFFFFFFFF  }
0xcc: {  	_ =	strace $0x9000004E  }
0xcd: {  	_ =	sfence  }
0xce: {  	s30 =	sld [smem:$0x0];
	_ =	sdelay $0x2  }
0xcf: {  	s31 =	sshll.u32 s1, $0xD;
	s1 =	sshrl.u32 s1, $0x2  }
0xd0: {  	s4 =	sand.u32 $0x4000, s31;
	s1 =	sadd.s32 s1, s30  }
0xd1: {  	s0 =	sor.u32 s4, s0;
	s1 =	sshll.u32 s1, $0x11  }
0xd2: {  	s0 =	sor.u32 s1, s0  }
0xd3: {  	s0 =	sadd.s32 $0x8F2B, s0  }
0xd4: {  	[sflag:s0] =	ssyncadd.remote.s32 $0x1  }
0xd5: {  	_ =	sfence.sel $0xFFFF  }
0xd6: {  	[dreg:$0x0] =	wrdreg $0xFFFFFFFF;
	(pc) =	sbr.abs _section_cstart, $3  }
0xd7: {  	[dreg:$0x1] =	wrdreg $0xFFFFFFFF  }
0xd8: {  	_ =	task.clear_ibuf [dreg:s22], $0x2FFFF;
	_ =	strace $0x9FFFFFFF  }
0xd9: {  	(tm) =	ssettm $0x7FFFFFFF  }
tec
execute0_lowered:
.L_overlay_start_1:
0x0: {  	(tag) =	ssettag $0x1  }
0x1: {  	s6 =	rddreg [dreg:$0x0]  }
0x2: {  	s1 =	rddreg [dreg:$0x1]  }
0x3: {  	s7 =	rddreg [dreg:$0x2]  }
0x4: {  	s3 =	rddreg [dreg:$0x3];
	s2 =	srdreg.scid  }
0x5: {  	s0 =	stileid.u32;
	s14 =	simm.s32 $0x4000;
	s15 =	simm.s32 $0x3  }
0x6: {  	s16 =	simm.s32 $0x50;
	s17 =	simm.s32 $0x6780;
	s18 =	simm.s32 $0x8F80  }
0x7: {  	s19 =	simm.s32 $0x1;
	s20 =	simm.s32 $0x4;
	s21 =	simm.s32 $0x2  }
0x8: {  	s22 =	simm.s32 $0x3E00;
	s24 =	simm.s32 $0x0;
	s8 =	sand.u32 $0x1, s2  }
0x9: {  	s4 =	sshll.u32 s0, $0x1;
	s5 =	sshrl.u32 s0, $0x2;
	s12 =	smul.u32 $0x13C00, s0  }
0xa: {  	s2 =	rddreg [dreg:$0x4];
	s28 =	smul.u32 $0x4F000, s0;
	s23 =	sshll.u32 s0, $0x6  }
0xb: {  	s9 =	sor.u32 s8, s4;
	s5 =	smul.u32 $0x13C00, s5;
	s4 =	simm.s32 $0x0  }
0xc: {  	s11 =	smul.u32 $0x13C000, s8;
	s8 =	ssub.s32 $0x2, s8;
	s10 =	sshll.u32 s9, $0x7  }
0xd: {  	[smem:$0x7FF] =	sst s4;
	s29 =	sshrl.u32 s8, $0x1;
	s30 =	sshrl.u32 s28, $0x2  }
0xe: {  	s31 =	sshll.u32 s9, $0xB;
	s10 =	sand.u32 $0x380, s10;
	_ =	strace $0x8000004D  }
0xf: {  	s11 =	sadd.s32 s12, s11;
	s13 =	ssub.s32 s8, s29;
	s12 =	sadd.s32 s30, s3  }
0x10: {  	s7 =	sadd.s32 s7, s31;
	s10 =	sor.u32 s5, s10;
	s11 =	sshrl.u32 s11, $0x3  }
0x11: {  	s5 =	sadd.s32 $0xA600, s6;
	s10 =	sshrl.u32 s10, $0x3;
	s11 =	sadd.s32 s11, s6  }
0x12: {  	s10 =	sadd.s32 s10, s6;
	s6 =	sor.u32 $0x1C03, s23;
	s9 =	sadd.s32 $0xBEA00, s11  }
0x13: {  	s11 =	sshrl.u32 s12, $0x3;
	s12 =	simm.s32 $0x80;
	s23 =	sor.u32 $0x1C04, s23  }
0x14: {  	s8 =	sadd.s32 $0xB4C00, s10;
	s10 =	smax.u32 s13, $0x1;
	s13 =	simm.s32 $0x400  }
.LBB2_1:
0x15: {  	[spmem:s11], [sflag:s6] =	dma.local [hbm:s5], $0x2780  }
0x16: {  	[tilespmem:s4], [sflag:$0x3] =	stream.linear.gather [hbm4b:s7+s4], $0x3E80, $0x38;
	[tilespmem:$0x1F380] =	vst v63  }
0x17: {  	_ = 	snop  }
0x18: {  	[tilespmem:s14], [sflag:$0x3] =	stream.strided.gather [hbm4b:s8+s12], $0x2780, s13, s12, $0x38;
	[tilespmem:$0x1F380] =	vst v63  }
0x19: {  	_ =	swait.ge [sflag:s15], $0x2780  }
0x1a: {  	[sflag:s15] =	ssyncset.done $0x0  }
0x1b: {  	[sflag:s15] =	ssyncadd.s32 $0xFFFFD880  }
0x1c: {  	_ =	swait.ge [sflag:s15], $0x3E80  }
0x1d: {  	[sflag:s15] =	ssyncset.done $0x0  }
0x1e: {  	[sflag:s15] =	ssyncadd.s32 $0xFFFFC180  }
0x1f: {  	_ =	swait.ge [sflag:s15], $0x2780  }
0x20: {  	[sflag:s15] =	ssyncset.done $0x0  }
0x21: {  	[sflag:s15] =	ssyncadd.s32 $0xFFFFD880  }
0x22: {  	[tilespmem:s17], [sflag:$0x1] =	stream.indirect.gather [hbm4b:s1+s16], $0x80, s14, s16, $0xb8;
	[tilespmem:$0x1F380] =	vst v63  }
0x23: {  	s25 =	simm.s32 $0x4050;
	[bflag:$0x0] =	sbarrier.arrive $0xFFFF  }
0x24: {  	[tilespmem:s18], [sflag:$0x2] =	stream.indirect.gather [hbm4b:s1+s16], $0x80, s25, s16, $0xb8;
	[tilespmem:$0x1F380] =	vst v63  }
0x25: {  	_ =	swait.ge [sflag:s19], $0x2800  }
0x26: {  	[sflag:s19] =	ssyncset.done $0x0  }
0x27: {  	s29 =	simm.s32 $0x0;
	[sflag:s19] =	ssyncadd.s32 $0xFFFFD800  }
0x28: {  	[spmem:s3] =	stream.indirect.scatter.add.f32 [tilespmem:s17], [sflag:$0x4], $0x80, s29, s16, $0xb8;
	[tilespmem:$0x1F380] =	vst v63  }
0x29: {  	_ =	swait.ge [sflag:s20], $0x2800  }
0x2a: {  	[sflag:s20] =	ssyncset.done $0x0  }
0x2b: {  	s30 =	simm.s32 $0x40A0;
	[sflag:s20] =	ssyncadd.s32 $0xFFFFD800  }
0x2c: {  	[tilespmem:s17], [sflag:$0x1] =	stream.indirect.gather [hbm4b:s1+s16], $0x80, s30, s16, $0xb8;
	[tilespmem:$0x1F380] =	vst v63  }
0x2d: {  	_ =	swait.ge [sflag:s21], $0x2800  }
0x2e: {  	[sflag:s21] =	ssyncset.done $0x0  }
0x2f: {  	s31 =	simm.s32 $0x80;
	[sflag:s21] =	ssyncadd.s32 $0xFFFFD800  }
0x30: {  	[spmem:s3] =	stream.indirect.scatter.add.f32 [tilespmem:s18], [sflag:$0x4], $0x80, s31, s16, $0xb8;
	[tilespmem:$0x1F380] =	vst v63  }
0x31: {  	s26 =	simm.s32 $0x400;
	_ =	swait.ge [sflag:s20], $0x2800  }
0x32: {  	s28 =	simm.s32 $0x800;
	s25 =	simm.s32 $0x4140;
	[sflag:s20] =	ssyncset.done $0x0  }
.LBB2_2:
0x33: {  	p0 =	sne.s32 s28, $0xF400;
	s29 =	sadd.s32 $0xFFFFFFB0, s25;
	[sflag:s20] =	ssyncadd.s32 $0xFFFFD800  }
0x34: {  	[tilespmem:s18], [sflag:$0x2] =	stream.indirect.gather [hbm4b:s1+s16], $0x80, s29, s16, $0xb8;
	[tilespmem:$0x1F380] =	vst v63  }
0x35: {  	s29 =	smov.u32 s28;
	s28 =	sadd.s32 $0x400, s28;
	_ =	swait.ge [sflag:s19], $0x2800  }
0x36: {  	[sflag:s19] =	ssyncset.done $0x0  }
0x37: {  	s30 =	sshra.s32 s26, $0x2;
	s26 =	smov.u32 s29;
	[sflag:s19] =	ssyncadd.s32 $0xFFFFD800  }
0x38: {  	[spmem:s3] =	stream.indirect.scatter.add.f32 [tilespmem:s17], [sflag:$0x4], $0x80, s30, s16, $0xb8;
	[tilespmem:$0x1F380] =	vst v63  }
0x39: {  	_ =	swait.ge [sflag:s20], $0x2800  }
0x3a: {  	[sflag:s20] =	ssyncset.done $0x0  }
0x3b: {  	[sflag:s20] =	ssyncadd.s32 $0xFFFFD800  }
0x3c: {  	[tilespmem:s17], [sflag:$0x1] =	stream.indirect.gather [hbm4b:s1+s16], $0x80, s25, s16, $0xb8;
	[tilespmem:$0x1F380] =	vst v63  }
0x3d: {  	_ =	swait.ge [sflag:s21], $0x2800  }
.Ltmp0:
0x3e: {  	[sflag:s21] =	ssyncset.done $0x0;
	(pc) =	sbr.rel @p0 .LBB2_2-.Ltmp0, $4  }
0x3f: {  	s29 =	sadd.s32 $0x80, s30;
	[sflag:s21] =	ssyncadd.s32 $0xFFFFD800  }
0x40: {  	[spmem:s3] =	stream.indirect.scatter.add.f32 [tilespmem:s18], [sflag:$0x4], $0x80, s29, s16, $0xb8;
	[tilespmem:$0x1F380] =	vst v63  }
0x41: {  	_ =	swait.ge [sflag:s20], $0x2800  }
0x42: {  	s25 =	sadd.s32 $0xA0, s25;
	[sflag:s20] =	ssyncset.done $0x0  }
0x43: {  	s28 =	sadd.s32 $0xFFFFFFB0, s25;
	[sflag:s20] =	ssyncadd.s32 $0xFFFFD800  }
0x44: {  	[tilespmem:s18], [sflag:$0x2] =	stream.indirect.gather [hbm4b:s1+s16], $0x80, s28, s16, $0xb8;
	[tilespmem:$0x1F380] =	vst v63  }
0x45: {  	_ =	swait.ge [sflag:s19], $0x2800  }
0x46: {  	[sflag:s19] =	ssyncset.done $0x0  }
0x47: {  	s26 =	sshra.s32 s26, $0x2;
	[sflag:s19] =	ssyncadd.s32 $0xFFFFD800  }
0x48: {  	[spmem:s3] =	stream.indirect.scatter.add.f32 [tilespmem:s17], [sflag:$0x4], $0x80, s26, s16, $0xb8;
	[tilespmem:$0x1F380] =	vst v63  }
0x49: {  	_ =	swait.ge [sflag:s20], $0x2800  }
0x4a: {  	[sflag:s20] =	ssyncset.done $0x0  }
0x4b: {  	[sflag:s20] =	ssyncadd.s32 $0xFFFFD800  }
0x4c: {  	[tilespmem:s17], [sflag:$0x1] =	stream.indirect.gather [hbm4b:s1+s16], $0x80, s25, s16, $0xb8;
	[tilespmem:$0x1F380] =	vst v63  }
0x4d: {  	_ =	swait.ge [sflag:s21], $0x2800  }
0x4e: {  	[sflag:s21] =	ssyncset.done $0x0  }
0x4f: {  	s31 =	sadd.s32 $0x80, s26;
	[sflag:s21] =	ssyncadd.s32 $0xFFFFD800  }
0x50: {  	[spmem:s3] =	stream.indirect.scatter.add.f32 [tilespmem:s18], [sflag:$0x4], $0x80, s31, s16, $0xb8;
	[tilespmem:$0x1F380] =	vst v63  }
0x51: {  	_ =	swait.ge [sflag:s20], $0x2800  }
0x52: {  	[sflag:s20] =	ssyncset.done $0x0  }
0x53: {  	[sflag:s20] =	ssyncadd.s32 $0xFFFFD800  }
0x54: {  	_ =	swait.ge [sflag:s19], $0x2800  }
0x55: {  	[sflag:s19] =	ssyncset.done $0x0  }
0x56: {  	[sflag:s19] =	ssyncadd.s32 $0xFFFFD800  }
0x57: {  	[spmem:s3] =	stream.indirect.scatter.add.f32 [tilespmem:s17], [sflag:$0x4], $0x80, s22, s16, $0xb8;
	[tilespmem:$0x1F380] =	vst v63  }
0x58: {  	_ =	swait.ge [sflag:s20], $0x2800  }
0x59: {  	s24 =	sadd.s32 $0x1, s24;
	[sflag:s20] =	ssyncset.done $0x0  }
0x5a: {  	p0 =	sne.s32 s24, s10;
	[sflag:s20] =	ssyncadd.s32 $0xFFFFD800  }
.Ltmp1:
0x5b: {  	[bflag:$0x0] =	sbarrier.arrive $0xFFFF;
	(pc) =	sbr.rel @p0 .LBB2_1-.Ltmp1, $4  }
0x5c: {  	[hbm:s9], [sflag:s23] =	dma.local [spmem:s11], $0x2780  }
0x5d: {  	_ =	swait.ge [sflag:s20], $0x2780  }
0x5e: {  	[sflag:s20] =	ssyncset.done $0x0  }
0x5f: {  	[sflag:s20] =	ssyncadd.s32 $0xFFFFD880  }
0x60: {  	_ =	sfence.sel $0x180000  }
0x61: {  	[bflag:$0x0] =	sbarrier.arrive $0xFFFF  }
0x62: {  	p0 =	sne.s32 s0, $0x0;
	_ =	strace $0x9000004D  }
0x63: {  	s0 =	sadd.s32 @!p0 $0x100000, s2;
	[bflag:$0x2] =	sbarrier.arrive $0xFFFF  }
0x64: {  	[sflag:s0] =	ssyncadd.tile.s32 @!p0 $0x1;
	_ =	shalt  }
.Lfunc_end2:
_tile_overlayer_lowered:
.L_overlay_start_2:
0x65: {  	(tag) =	ssettag $0x2  }
0x66: {  	s0 =	rddreg [dreg:$0x0];
	s2 =	stileid.u32  }
0x67: {  	s1 =	rddreg [dreg:$0x1];
	p0 =	sne.s32 s2, $0x0  }
0x68: {  	s3 =	rddreg [dreg:$0x2];
	[bflag:$0x3] =	sbarrier.arrive $0xFFFF;
	s2 =	simm.s32 @!p0 $0x1C04  }
0x69: {  	[timem:s3], [sflag:s2] =	dma.local @!p0 [hbm:s0], s1  }
0x6a: {  	s0 =	simm.s32 @!p0 $0x4  }
0x6b: {  	_ =	swait.ge @!p0 [sflag:s0], s1  }
0x6c: {  	s1 =	ssub.s32 @!p0 $0x0, s1;
	[sflag:s0] =	ssyncset.done @!p0 $0x0  }
0x6d: {  	[sflag:s0] =	ssyncadd.s32 @!p0 s1  }
0x6e: {  	[bflag:$0x3] =	sbarrier.arrive $0xFFFF  }
0x6f: {  	_ =	shalt  }

// kernel: kernel.30.cloned.1.call-start
scs
__scs_entry_jumppad:
0x0: {  	(pc) =	sbr.rel $0x88, $3  }
0x1: {  	(tag) =	ssettag $0x0;
	lr =	simm.s32 $0x1  }
0x2: {  	[smem:$0x3F8D] =	sst lr;
	_ =	strace $0xD0000000  }
0x3: {  	_ = 	snop  }
0x4: {  	_ = 	snop  }
0x5: {  	_ = 	snop  }
0x6: {  	_ = 	snop  }
0x7: {  	_ = 	snop  }
__scs_overlays_trampoline_lowered:
0x8: {  	[smem:$0x3F9C] =	sst s0  }
0x9: {  	[smem:$0x3F9D] =	sst s1  }
0xa: {  	[smem:$0x3F9E] =	sst s2  }
0xb: {  	[smem:$0x3F9F] =	sst s3  }
0xc: {  	[smem:$0x3FA0] =	sst s4  }
0xd: {  	[smem:$0x3FA1] =	sst s5  }
0xe: {  	[smem:$0x3FA2] =	sst s6  }
0xf: {  	[smem:$0x3FA3] =	sst s7  }
0x10: {  	[smem:$0x3FA4] =	sst s8  }
0x11: {  	[smem:$0x3FA5] =	sst s9;
	s0 =	simm.s32 @!p0 $0x0  }
0x12: {  	s1 =	sld [smem:$0x3F8B];
	s0 =	simm.s32 @p0 $0x1  }
0x13: {  	[smem:$0x3FA6] =	sst s0;
	s0 =	simm.s32 @!p1 $0x0  }
0x14: {  	s2 =	sld [smem:$0x3F8A];
	s0 =	simm.s32 @p1 $0x1  }
0x15: {  	[smem:$0x3FA7] =	sst s0;
	s0 =	simm.s32 @!p2 $0x0  }
0x16: {  	s3 =	sld [smem:$0x3FDB];
	s0 =	simm.s32 @p2 $0x1  }
0x17: {  	s4 =	simm.s32 $0x1BF5;
	[smem:$0x3FA9] =	sst s0  }
0x18: {  	s0 =	sld [smem:$0x3F8C];
	_ =	swait.ge [sflag:s4], $0x0  }
0x19: {  	s7 =	sld [smem:$0x3F8D]  }
0x1a: {  	s8 =	sadd.s32 $0xFFFFE003, lr  }
0x1b: {  	s9 =	sadd.s32 $0xFFFFFEF7, lr;
	s5 =	simm.s32 $0xFFFFFFFF;
	p2 =	slt.u32 s8, $0xFFFFF086  }
0x1c: {  	p1 =	slt.u32 s9, $0xF7A;
	s5 =	simm.s32 @!p2 $0x0  }
0x1d: {  	s5 =	simm.s32 @p1 $0x1;
	p0 =	seq.s32 s7, s2  }
0x1e: {  	s7 =	smul.u32 @!p0 $0xF7A, s2;
	p2 =	seq.s32 @!p0 s5, $0x0  }
0x1f: {  	s9 =	smul.u32 $0xF7A, s1;
	s8 =	simm.s32 @!p0 $0x1BF5;
	p2 =	por !p2, p0  }
0x20: {  	[sflag:s8] =	ssyncset.s32 @!p0 $0xFFFFF086;
	s6 =	sadd.s32 @!p0 s3, s7;
	s7 =	simm.s32 @!p0 $0x108  }
0x21: {  	s3 =	sadd.s32 s3, s9;
	s6 =	sadd.s32 @!p0 $0x88, s6;
	s7 =	simm.s32 @p2 $0x1082  }
0x22: {  	[simem:s7], [sflag:s8] =	dma.local @!p0 [hbm:s6], $0xF7A  }
0x23: {  	s9 =	sor.u32 $0xD0000000, s2;
	s6 =	simm.s32 $0x108;
	_ =	swait.ge @!p0 [sflag:s8], $0x0  }
0x24: {  	s3 =	sadd.s32 $0x88, s3;
	s6 =	simm.s32 @!p1 $0x1082;
	[sflag:s4] =	ssyncset.s32 $0xFFFFF086  }
0x25: {  	[simem:s6], [sflag:s4] =	dma.local [hbm:s3], $0xF7A  }
0x26: {  	[smem:$0x3F8D] =	sst s1;
	(tag) =	ssettag s2;
	_ =	strace s9  }
0x27: {  	s1 =	sld [smem:$0x3F9D]  }
0x28: {  	s2 =	sld [smem:$0x3F9E]  }
0x29: {  	s4 =	sld [smem:$0x3FA0]  }
0x2a: {  	p0 =	seq.s32 s5, $0x0;
	s5 =	sld [smem:$0x3FA1]  }
0x2b: {  	s6 =	sld [smem:$0x3FA2]  }
0x2c: {  	s7 =	sld [smem:$0x3FA3]  }
0x2d: {  	s3 =	simm.s32 $0x108;
	s8 =	sld [smem:$0x3FA4]  }
0x2e: {  	s3 =	simm.s32 @!p0 $0x1082;
	s9 =	sld [smem:$0x3FA5]  }
0x2f: {  	lr =	sadd.s32 s0, s3;
	s0 =	sld [smem:$0x3F9C]  }
0x30: {  	s3 =	sld [smem:$0x3F9F]  }
0x31: {  	[smem:$0x3FA8] =	sst s10  }
0x32: {  	s10 =	sld [smem:$0x3FA6];
	_ =	sdelay $0x3  }
0x33: {  	p0 =	seq.s32 s10, $0x1;
	s10 =	sld [smem:$0x3FA8];
	_ =	sdelay $0x3  }
0x34: {  	[smem:$0x3FA8] =	sst s10  }
0x35: {  	s10 =	sld [smem:$0x3FA7];
	_ =	sdelay $0x3  }
0x36: {  	p1 =	seq.s32 s10, $0x1;
	s10 =	sld [smem:$0x3FA8];
	_ =	sdelay $0x3  }
0x37: {  	[smem:$0x3FA8] =	sst s10  }
0x38: {  	s10 =	sld [smem:$0x3FA9]  }
0x39: {  	_ = 	snop;
	(pc) =	sbr.ind lr, $3  }
0x3a: {  	_ = 	snop  }
0x3b: {  	_ = 	snop  }
0x3c: {  	p2 =	seq.s32 s10, $0x1;
	s10 =	sld [smem:$0x3FA8]  }
0x3d: {  	_ =	shalt  }
0x3e: {  	_ =	shalt  }
0x3f: {  	_ =	shalt  }
0x40: {  	_ =	shalt  }
0x41: {  	_ =	shalt  }
0x42: {  	_ =	shalt  }
0x43: {  	_ =	shalt  }
0x44: {  	_ =	shalt  }
0x45: {  	_ =	shalt  }
0x46: {  	_ =	shalt  }
0x47: {  	_ =	shalt  }
0x48: {  	_ =	shalt  }
0x49: {  	_ =	shalt  }
0x4a: {  	_ =	shalt  }
0x4b: {  	_ =	shalt  }
0x4c: {  	_ =	shalt  }
0x4d: {  	_ =	shalt  }
0x4e: {  	_ =	shalt  }
0x4f: {  	_ =	shalt  }
0x50: {  	_ =	shalt  }
0x51: {  	_ =	shalt  }
0x52: {  	_ =	shalt  }
0x53: {  	_ =	shalt  }
0x54: {  	_ =	shalt  }
0x55: {  	_ =	shalt  }
0x56: {  	_ =	shalt  }
0x57: {  	_ =	shalt  }
0x58: {  	_ =	shalt  }
0x59: {  	_ =	shalt  }
0x5a: {  	_ =	shalt  }
0x5b: {  	_ =	shalt  }
0x5c: {  	_ =	shalt  }
0x5d: {  	_ =	shalt  }
0x5e: {  	_ =	shalt  }
0x5f: {  	_ =	shalt  }
0x60: {  	_ =	shalt  }
0x61: {  	_ =	shalt  }
0x62: {  	_ =	shalt  }
0x63: {  	_ =	shalt  }
0x64: {  	_ =	shalt  }
0x65: {  	_ =	shalt  }
0x66: {  	_ =	shalt  }
0x67: {  	_ =	shalt  }
0x68: {  	_ =	shalt  }
0x69: {  	_ =	shalt  }
0x6a: {  	_ =	shalt  }
0x6b: {  	_ =	shalt  }
0x6c: {  	_ =	shalt  }
0x6d: {  	_ =	shalt  }
0x6e: {  	_ =	shalt  }
0x6f: {  	_ =	shalt  }
0x70: {  	_ =	shalt  }
0x71: {  	_ =	shalt  }
0x72: {  	_ =	shalt  }
0x73: {  	_ =	shalt  }
0x74: {  	_ =	shalt  }
0x75: {  	_ =	shalt  }
0x76: {  	_ =	shalt  }
0x77: {  	_ =	shalt  }
0x78: {  	_ =	shalt  }
0x79: {  	_ =	shalt  }
0x7a: {  	_ =	shalt  }
0x7b: {  	_ =	shalt  }
0x7c: {  	_ =	shalt  }
0x7d: {  	_ =	shalt  }
0x7e: {  	_ =	shalt  }
0x7f: {  	_ =	shalt  }
0x80: {  	_ =	shalt  }
0x81: {  	_ =	shalt  }
0x82: {  	_ =	shalt  }
0x83: {  	_ =	shalt  }
0x84: {  	_ =	shalt  }
0x85: {  	_ =	shalt  }
0x86: {  	_ =	shalt  }
0x87: {  	_ =	shalt  }
.Lfunc_end0:
.L_simem_size_0:
called_computation.4_lowered:
.L_overlay_start_0:
0x88: {  	s2 =	sld [smem:$0x3FD9]  }
0x89: {  	s3 =	sld [smem:$0x3FFE];
	_ =	sdelay $0x1  }
0x8a: {  	s1 =	srdreg.scid  }
0x8b: {  	s0 =	sand.u32 $0x1, s1  }
0x8c: {  	s15 =	sshll.u32 s0, $0xA;
	s2 =	sadd.s32 s3, s2  }
0x8d: {  	s2 =	sadd.s32 s2, s15  }
0x8e: {  	[smem:$0x3FB4] =	sst s2  }
0x8f: {  	_ = 	snop  }
0x90: {  	s2 =	sld [smem:$0x3FD0];
	_ =	sdelay $0x2  }
0x91: {  	s16 =	simm.s32 $0xD;
	s4 =	simm.s32 $0x10  }
0x92: {  	[smem:s4], [sflag:s16] =	dma.local [hbm:s2], $0x1  }
0x93: {  	_ =	swait.eq [sflag:s16], $0x1  }
0x94: {  	[sflag:s16] =	ssyncset.done $0x0  }
0x95: {  	[sflag:s16] =	ssyncadd.s32 $0xFFFFFFFF  }
0x96: {  	s17 =	sld [smem:$0x10];
	(tm) =	ssettm $0x1  }
0x97: {  	s18 =	sld [smem:$0x3FFB];
	_ =	sdelay $0x3  }
0x98: {  	_ =	strace s18  }
0x99: {  	s2 =	sld [smem:$0x3FFC];
	_ =	sdelay $0x3  }
0x9a: {  	_ =	strace s2  }
0x9b: {  	s2 =	sld [smem:$0x3FFD];
	_ =	sdelay $0x3  }
0x9c: {  	_ =	strace s2  }
0x9d: {  	_ =	strace $0x8FFFFFFF  }
0x9e: {  	s19 =	sld [smem:$0x3FDB];
	_ =	sdelay $0x1  }
0x9f: {  	s20 =	simm.s32 $_scs_section_size  }
0xa0: {  	s5 =	simm.s32 $_size__tile_overlayer_lowered;
	s6 =	simm.s32 $_tile_overlayer_lowered  }
0xa1: {  	s7 =	simm.s32 $0x1BFF;
	s21 =	sshll.u32 s6, $0x1;
	s4 =	sadd.s32 s20, s19  }
0xa2: {  	s22 =	simm.s32 $0x0;
	s5 =	sshll.u32 s5, $0x1;
	s6 =	sadd.s32 s21, s4  }
0xa3: {  	[timem:s22], [sflag:s7] =	dma.local [hbm:s6], s5  }
0xa4: {  	_ =	swait.ge [sflag:s7], s5  }
0xa5: {  	s5 =	ssub.s32 $0x0, s5;
	[sflag:s7] =	ssyncset.done $0x0  }
0xa6: {  	[sflag:s7] =	ssyncadd.s32 s5;
	_ =	sdelay $0x1  }
0xa7: {  	s23 =	simm.s32 $0x1B8B  }
0xa8: {  	_ =	swait.ge [sflag:s23], $0x1  }
0xa9: {  	[sflag:s23] =	ssyncset.done $0x0  }
0xaa: {  	[sflag:s23] =	ssyncadd.s32 $0xFFFFFFFF  }
0xab: {  	s5 =	sld [smem:$0x0]  }
0xac: {  	s6 =	sand.u32 $0xFFFFFFFE, s1  }
0xad: {  	p0 =	sne.s32 s1, s6  }
0xae: {  	s6 =	sshll.u32 @p0 s6, $0xE  }
0xaf: {  	s6 =	sadd.s32 @p0 $0x11B8D, s6;
	s7 =	sshll.u32 @p0 s5, $0x11  }
0xb0: {  	s6 =	sor.u32 @p0 s7, s6  }
0xb1: {  	[sflag:s6] =	ssyncadd.remote.s32 @p0 $0x1;
	_ =	sdelay $0x1  }
0xb2: {  	s6 =	simm.s32 @p0 $0x1B8D  }
0xb3: {  	_ =	swait.eq @p0 [sflag:s6], $0x1  }
0xb4: {  	[sflag:s6] =	ssyncadd.s32 @p0 $0xFFFFFFFF  }
0xb5: {  	s7 =	sshll.u32 @!p0 s1, $0xE  }
0xb6: {  	s7 =	sor.u32 @!p0 $0x4000, s7;
	s6 =	simm.s32 @!p0 $0x1B8D  }
0xb7: {  	s5 =	sshll.u32 @!p0 s5, $0x11;
	s7 =	sadd.s32 @!p0 $0x11B8D, s7;
	_ =	swait.eq @!p0 [sflag:s6], $0x1  }
0xb8: {  	s5 =	sor.u32 @!p0 s5, s7;
	[sflag:s6] =	ssyncadd.s32 @!p0 $0xFFFFFFFF  }
0xb9: {  	s25 =	simm.s32 $0x1B8E;
	s24 =	sld [smem:$0x3FFE];
	[sflag:s5] =	ssyncadd.remote.s32 @!p0 $0x1  }
0xba: {  	s26 =	simm.s32 $execute0_lowered;
	[smem:$0x3FD2] =	sst s25  }
0xbb: {  	s6 =	sshll.u32 s26, $0x1;
	_ =	strace $0x8000005B;
	[dreg:$0x1] =	wrdreg $0xFFFFFFFF  }
0xbc: {  	s28 =	simm.s32 $_size_execute0_lowered;
	s4 =	sadd.s32 s4, s6;
	[dreg:$0x0] =	wrdreg $0x0  }
0xbd: {  	s6 =	sshll.u32 s28, $0x1;
	[dreg:$0x2] =	wrdreg s4  }
0xbe: {  	[dreg:$0x3] =	wrdreg s6  }
0xbf: {  	[dreg:$0x4] =	wrdreg $0xC0  }
0xc0: {  	_ =	task [dreg:s22], $0x5FFFF  }
0xc1: {  	[dreg:$0x1] =	wrdreg $0xFFFFFFFF  }
0xc2: {  	[dreg:$0x0] =	wrdreg $0x60  }
0xc3: {  	[dreg:$0x2] =	wrdreg s24  }
0xc4: {  	[dreg:$0x3] =	wrdreg s17  }
0xc5: {  	[dreg:$0x4] =	wrdreg $0xB7800  }
0xc6: {  	[dreg:$0x5] =	wrdreg $0x9  }
0xc7: {  	_ =	task.clear_ibuf [dreg:s22], $0x6FFFF;
	_ =	strace $0x9000005B  }
0xc8: {  	s29 =	simm.s32 $0x9;
	_ =	strace $0x8000005D  }
0xc9: {  	_ =	swait.ge [sflag:s29], $0x1  }
0xca: {  	[sflag:s29] =	ssyncadd.s32 $0xFFFFFFFF  }
0xcb: {  	_ =	strace $0x9000005D  }
0xcc: {  	_ =	sfence  }
0xcd: {  	s30 =	sld [smem:$0x0];
	_ =	sdelay $0x2  }
0xce: {  	s31 =	sshll.u32 s1, $0xD;
	s1 =	sshrl.u32 s1, $0x2  }
0xcf: {  	s4 =	sand.u32 $0x4000, s31;
	s1 =	sadd.s32 s1, s30  }
0xd0: {  	s0 =	sor.u32 s4, s0;
	s1 =	sshll.u32 s1, $0x11  }
0xd1: {  	s0 =	sor.u32 s1, s0  }
0xd2: {  	s0 =	sadd.s32 $0x8F2B, s0  }
0xd3: {  	[sflag:s0] =	ssyncadd.remote.s32 $0x1  }
0xd4: {  	_ =	sfence.sel $0xFFFF  }
0xd5: {  	[dreg:$0x0] =	wrdreg $0xFFFFFFFF;
	(pc) =	sbr.abs _section_cstart, $3  }
0xd6: {  	[dreg:$0x1] =	wrdreg $0xFFFFFFFF  }
0xd7: {  	_ =	task.clear_ibuf [dreg:s22], $0x2FFFF;
	_ =	strace $0x9FFFFFFF  }
0xd8: {  	(tm) =	ssettm $0x7FFFFFFF  }
0xd9: {  	_ =	shalt  }
tec
execute0_lowered:
.L_overlay_start_1:
0x0: {  	(tag) =	ssettag $0x1  }
0x1: {  	s6 =	rddreg [dreg:$0x0]  }
0x2: {  	s2 =	rddreg [dreg:$0x1]  }
0x3: {  	s3 =	rddreg [dreg:$0x2]  }
0x4: {  	s0 =	rddreg [dreg:$0x3];
	s1 =	stileid.u32  }
0x5: {  	s4 =	simm.s32 $0x0;
	s5 =	srdreg.scid;
	s14 =	simm.s32 $0x4000  }
0x6: {  	s15 =	simm.s32 $0x3;
	s16 =	simm.s32 $0x50;
	s17 =	simm.s32 $0x6780  }
0x7: {  	s18 =	simm.s32 $0x8F80;
	s19 =	simm.s32 $0x1;
	s20 =	simm.s32 $0x4  }
0x8: {  	s21 =	simm.s32 $0x2;
	s22 =	simm.s32 $0x3E00;
	s7 =	sshrl.u32 s1, $0x2  }
0x9: {  	s8 =	sand.u32 $0x1, s5;
	s24 =	sshll.u32 s1, $0x1;
	s12 =	smul.u32 $0x13C00, s1  }
0xa: {  	[smem:$0x7FF] =	sst s4;
	s5 =	sadd.s32 $0xA600, s6;
	s25 =	smul.u32 $0x4F000, s1  }
0xb: {  	s23 =	sshll.u32 s1, $0x6;
	s7 =	smul.u32 $0x13C00, s7;
	s9 =	sor.u32 s8, s24  }
0xc: {  	s10 =	smul.u32 $0x13C000, s8;
	_ =	strace $0x8000005C;
	s28 =	ssub.s32 $0x2, s8  }
0xd: {  	s24 =	simm.s32 $0x0;
	s11 =	sshll.u32 s9, $0x7;
	s9 =	sshll.u32 s9, $0xB  }
0xe: {  	s29 =	sshrl.u32 s28, $0x1;
	s30 =	sshrl.u32 s25, $0x2;
	s11 =	sand.u32 $0x380, s11  }
0xf: {  	s9 =	sadd.s32 s9, s6;
	s10 =	sadd.s32 s12, s10;
	s31 =	ssub.s32 s28, s29  }
0x10: {  	s13 =	sadd.s32 s30, s3;
	s12 =	simm.s32 $0x80;
	s7 =	sor.u32 s7, s11  }
0x11: {  	s10 =	sshrl.u32 s10, $0x3;
	s11 =	sshrl.u32 s13, $0x3;
	s7 =	sshrl.u32 s7, $0x3  }
0x12: {  	s13 =	simm.s32 $0x400;
	s10 =	sadd.s32 s10, s6;
	s26 =	sadd.s32 s7, s6  }
0x13: {  	s6 =	sor.u32 $0x1C03, s23;
	s7 =	sadd.s32 $0xDBE00, s9;
	s9 =	sadd.s32 $0xF5C00, s10  }
0x14: {  	s10 =	smax.u32 s31, $0x1;
	s23 =	sor.u32 $0x1C04, s23;
	s8 =	sadd.s32 $0xEBE00, s26  }
.LBB2_1:
0x15: {  	[spmem:s11], [sflag:s6] =	dma.local [hbm:s5], $0x2780  }
0x16: {  	[tilespmem:s4], [sflag:$0x3] =	stream.linear.gather [hbm4b:s7+s4], $0x3E80, $0x38;
	[tilespmem:$0x1F380] =	vst v63  }
0x17: {  	_ = 	snop  }
0x18: {  	[tilespmem:s14], [sflag:$0x3] =	stream.strided.gather [hbm4b:s8+s12], $0x2780, s13, s12, $0x38;
	[tilespmem:$0x1F380] =	vst v63  }
0x19: {  	_ =	swait.ge [sflag:s15], $0x2780  }
0x1a: {  	[sflag:s15] =	ssyncset.done $0x0  }
0x1b: {  	[sflag:s15] =	ssyncadd.s32 $0xFFFFD880  }
0x1c: {  	_ =	swait.ge [sflag:s15], $0x3E80  }
0x1d: {  	[sflag:s15] =	ssyncset.done $0x0  }
0x1e: {  	[sflag:s15] =	ssyncadd.s32 $0xFFFFC180  }
0x1f: {  	_ =	swait.ge [sflag:s15], $0x2780  }
0x20: {  	[sflag:s15] =	ssyncset.done $0x0  }
0x21: {  	[sflag:s15] =	ssyncadd.s32 $0xFFFFD880  }
0x22: {  	[tilespmem:s17], [sflag:$0x1] =	stream.indirect.gather [hbm4b:s2+s16], $0x80, s14, s16, $0xb8;
	[tilespmem:$0x1F380] =	vst v63  }
0x23: {  	s25 =	simm.s32 $0x4050;
	[bflag:$0x0] =	sbarrier.arrive $0xFFFF  }
0x24: {  	[tilespmem:s18], [sflag:$0x2] =	stream.indirect.gather [hbm4b:s2+s16], $0x80, s25, s16, $0xb8;
	[tilespmem:$0x1F380] =	vst v63  }
0x25: {  	_ =	swait.ge [sflag:s19], $0x2800  }
0x26: {  	[sflag:s19] =	ssyncset.done $0x0  }
0x27: {  	s29 =	simm.s32 $0x0;
	[sflag:s19] =	ssyncadd.s32 $0xFFFFD800  }
0x28: {  	[spmem:s3] =	stream.indirect.scatter.add.f32 [tilespmem:s17], [sflag:$0x4], $0x80, s29, s16, $0xb8;
	[tilespmem:$0x1F380] =	vst v63  }
0x29: {  	_ =	swait.ge [sflag:s20], $0x2800  }
0x2a: {  	[sflag:s20] =	ssyncset.done $0x0  }
0x2b: {  	s30 =	simm.s32 $0x40A0;
	[sflag:s20] =	ssyncadd.s32 $0xFFFFD800  }
0x2c: {  	[tilespmem:s17], [sflag:$0x1] =	stream.indirect.gather [hbm4b:s2+s16], $0x80, s30, s16, $0xb8;
	[tilespmem:$0x1F380] =	vst v63  }
0x2d: {  	_ =	swait.ge [sflag:s21], $0x2800  }
0x2e: {  	[sflag:s21] =	ssyncset.done $0x0  }
0x2f: {  	s31 =	simm.s32 $0x80;
	[sflag:s21] =	ssyncadd.s32 $0xFFFFD800  }
0x30: {  	[spmem:s3] =	stream.indirect.scatter.add.f32 [tilespmem:s18], [sflag:$0x4], $0x80, s31, s16, $0xb8;
	[tilespmem:$0x1F380] =	vst v63  }
0x31: {  	s26 =	simm.s32 $0x400;
	_ =	swait.ge [sflag:s20], $0x2800  }
0x32: {  	s28 =	simm.s32 $0x800;
	s25 =	simm.s32 $0x4140;
	[sflag:s20] =	ssyncset.done $0x0  }
.LBB2_2:
0x33: {  	p0 =	sne.s32 s28, $0xF400;
	s29 =	sadd.s32 $0xFFFFFFB0, s25;
	[sflag:s20] =	ssyncadd.s32 $0xFFFFD800  }
0x34: {  	[tilespmem:s18], [sflag:$0x2] =	stream.indirect.gather [hbm4b:s2+s16], $0x80, s29, s16, $0xb8;
	[tilespmem:$0x1F380] =	vst v63  }
0x35: {  	s29 =	smov.u32 s28;
	s28 =	sadd.s32 $0x400, s28;
	_ =	swait.ge [sflag:s19], $0x2800  }
0x36: {  	[sflag:s19] =	ssyncset.done $0x0  }
0x37: {  	s30 =	sshra.s32 s26, $0x2;
	s26 =	smov.u32 s29;
	[sflag:s19] =	ssyncadd.s32 $0xFFFFD800  }
0x38: {  	[spmem:s3] =	stream.indirect.scatter.add.f32 [tilespmem:s17], [sflag:$0x4], $0x80, s30, s16, $0xb8;
	[tilespmem:$0x1F380] =	vst v63  }
0x39: {  	_ =	swait.ge [sflag:s20], $0x2800  }
0x3a: {  	[sflag:s20] =	ssyncset.done $0x0  }
0x3b: {  	[sflag:s20] =	ssyncadd.s32 $0xFFFFD800  }
0x3c: {  	[tilespmem:s17], [sflag:$0x1] =	stream.indirect.gather [hbm4b:s2+s16], $0x80, s25, s16, $0xb8;
	[tilespmem:$0x1F380] =	vst v63  }
0x3d: {  	_ =	swait.ge [sflag:s21], $0x2800  }
.Ltmp0:
0x3e: {  	[sflag:s21] =	ssyncset.done $0x0;
	(pc) =	sbr.rel @p0 .LBB2_2-.Ltmp0, $4  }
0x3f: {  	s29 =	sadd.s32 $0x80, s30;
	[sflag:s21] =	ssyncadd.s32 $0xFFFFD800  }
0x40: {  	[spmem:s3] =	stream.indirect.scatter.add.f32 [tilespmem:s18], [sflag:$0x4], $0x80, s29, s16, $0xb8;
	[tilespmem:$0x1F380] =	vst v63  }
0x41: {  	_ =	swait.ge [sflag:s20], $0x2800  }
0x42: {  	s25 =	sadd.s32 $0xA0, s25;
	[sflag:s20] =	ssyncset.done $0x0  }
0x43: {  	s28 =	sadd.s32 $0xFFFFFFB0, s25;
	[sflag:s20] =	ssyncadd.s32 $0xFFFFD800  }
0x44: {  	[tilespmem:s18], [sflag:$0x2] =	stream.indirect.gather [hbm4b:s2+s16], $0x80, s28, s16, $0xb8;
	[tilespmem:$0x1F380] =	vst v63  }
0x45: {  	_ =	swait.ge [sflag:s19], $0x2800  }
0x46: {  	[sflag:s19] =	ssyncset.done $0x0  }
0x47: {  	s26 =	sshra.s32 s26, $0x2;
	[sflag:s19] =	ssyncadd.s32 $0xFFFFD800  }
0x48: {  	[spmem:s3] =	stream.indirect.scatter.add.f32 [tilespmem:s17], [sflag:$0x4], $0x80, s26, s16, $0xb8;
	[tilespmem:$0x1F380] =	vst v63  }
0x49: {  	_ =	swait.ge [sflag:s20], $0x2800  }
0x4a: {  	[sflag:s20] =	ssyncset.done $0x0  }
0x4b: {  	[sflag:s20] =	ssyncadd.s32 $0xFFFFD800  }
0x4c: {  	[tilespmem:s17], [sflag:$0x1] =	stream.indirect.gather [hbm4b:s2+s16], $0x80, s25, s16, $0xb8;
	[tilespmem:$0x1F380] =	vst v63  }
0x4d: {  	_ =	swait.ge [sflag:s21], $0x2800  }
0x4e: {  	[sflag:s21] =	ssyncset.done $0x0  }
0x4f: {  	s31 =	sadd.s32 $0x80, s26;
	[sflag:s21] =	ssyncadd.s32 $0xFFFFD800  }
0x50: {  	[spmem:s3] =	stream.indirect.scatter.add.f32 [tilespmem:s18], [sflag:$0x4], $0x80, s31, s16, $0xb8;
	[tilespmem:$0x1F380] =	vst v63  }
0x51: {  	_ =	swait.ge [sflag:s20], $0x2800  }
0x52: {  	[sflag:s20] =	ssyncset.done $0x0  }
0x53: {  	[sflag:s20] =	ssyncadd.s32 $0xFFFFD800  }
0x54: {  	_ =	swait.ge [sflag:s19], $0x2800  }
0x55: {  	[sflag:s19] =	ssyncset.done $0x0  }
0x56: {  	[sflag:s19] =	ssyncadd.s32 $0xFFFFD800  }
0x57: {  	[spmem:s3] =	stream.indirect.scatter.add.f32 [tilespmem:s17], [sflag:$0x4], $0x80, s22, s16, $0xb8;
	[tilespmem:$0x1F380] =	vst v63  }
0x58: {  	_ =	swait.ge [sflag:s20], $0x2800  }
0x59: {  	s24 =	sadd.s32 $0x1, s24;
	[sflag:s20] =	ssyncset.done $0x0  }
0x5a: {  	p0 =	sne.s32 s24, s10;
	[sflag:s20] =	ssyncadd.s32 $0xFFFFD800  }
.Ltmp1:
0x5b: {  	[bflag:$0x0] =	sbarrier.arrive $0xFFFF;
	(pc) =	sbr.rel @p0 .LBB2_1-.Ltmp1, $4  }
0x5c: {  	[hbm:s9], [sflag:s23] =	dma.local [spmem:s11], $0x2780  }
0x5d: {  	_ =	swait.ge [sflag:s20], $0x2780  }
0x5e: {  	[sflag:s20] =	ssyncset.done $0x0  }
0x5f: {  	[sflag:s20] =	ssyncadd.s32 $0xFFFFD880  }
0x60: {  	_ =	sfence.sel $0x180000  }
0x61: {  	[bflag:$0x0] =	sbarrier.arrive $0xFFFF  }
0x62: {  	p0 =	sne.s32 s1, $0x0;
	_ =	strace $0x9000005C  }
0x63: {  	s0 =	sadd.s32 @!p0 $0x100000, s0;
	[bflag:$0x2] =	sbarrier.arrive $0xFFFF  }
0x64: {  	[sflag:s0] =	ssyncadd.tile.s32 @!p0 $0x1;
	_ =	shalt  }
.Lfunc_end2:
_tile_overlayer_lowered:
.L_overlay_start_2:
0x65: {  	(tag) =	ssettag $0x2  }
0x66: {  	s0 =	rddreg [dreg:$0x0];
	s2 =	stileid.u32  }
0x67: {  	s1 =	rddreg [dreg:$0x1];
	p0 =	sne.s32 s2, $0x0  }
0x68: {  	s3 =	rddreg [dreg:$0x2];
	[bflag:$0x3] =	sbarrier.arrive $0xFFFF;
	s2 =	simm.s32 @!p0 $0x1C04  }
0x69: {  	[timem:s3], [sflag:s2] =	dma.local @!p0 [hbm:s0], s1  }
0x6a: {  	s0 =	simm.s32 @!p0 $0x4  }
0x6b: {  	_ =	swait.ge @!p0 [sflag:s0], s1  }
0x6c: {  	s1 =	ssub.s32 @!p0 $0x0, s1;
	[sflag:s0] =	ssyncset.done @!p0 $0x0  }
0x6d: {  	[sflag:s0] =	ssyncadd.s32 @!p0 s1  }
0x6e: {  	[bflag:$0x3] =	sbarrier.arrive $0xFFFF  }
0x6f: {  	_ =	shalt  }

// kernel: kernel.33.cloned.1.call-start
scs
__scs_entry_jumppad:
0x0: {  	(pc) =	sbr.rel $0x88, $3  }
0x1: {  	(tag) =	ssettag $0x0;
	lr =	simm.s32 $0x1  }
0x2: {  	[smem:$0x3F8D] =	sst lr;
	_ =	strace $0xD0000000  }
0x3: {  	_ = 	snop  }
0x4: {  	_ = 	snop  }
0x5: {  	_ = 	snop  }
0x6: {  	_ = 	snop  }
0x7: {  	_ = 	snop  }
__scs_overlays_trampoline_lowered:
0x8: {  	[smem:$0x3F9C] =	sst s0  }
0x9: {  	[smem:$0x3F9D] =	sst s1  }
0xa: {  	[smem:$0x3F9E] =	sst s2  }
0xb: {  	[smem:$0x3F9F] =	sst s3  }
0xc: {  	[smem:$0x3FA0] =	sst s4  }
0xd: {  	[smem:$0x3FA1] =	sst s5  }
0xe: {  	[smem:$0x3FA2] =	sst s6  }
0xf: {  	[smem:$0x3FA3] =	sst s7  }
0x10: {  	[smem:$0x3FA4] =	sst s8  }
0x11: {  	[smem:$0x3FA5] =	sst s9;
	s0 =	simm.s32 @!p0 $0x0  }
0x12: {  	s1 =	sld [smem:$0x3F8B];
	s0 =	simm.s32 @p0 $0x1  }
0x13: {  	[smem:$0x3FA6] =	sst s0;
	s0 =	simm.s32 @!p1 $0x0  }
0x14: {  	s2 =	sld [smem:$0x3F8A];
	s0 =	simm.s32 @p1 $0x1  }
0x15: {  	[smem:$0x3FA7] =	sst s0;
	s0 =	simm.s32 @!p2 $0x0  }
0x16: {  	s3 =	sld [smem:$0x3FDB];
	s0 =	simm.s32 @p2 $0x1  }
0x17: {  	s4 =	simm.s32 $0x1BF5;
	[smem:$0x3FA9] =	sst s0  }
0x18: {  	s0 =	sld [smem:$0x3F8C];
	_ =	swait.ge [sflag:s4], $0x0  }
0x19: {  	s7 =	sld [smem:$0x3F8D]  }
0x1a: {  	s8 =	sadd.s32 $0xFFFFE003, lr  }
0x1b: {  	s9 =	sadd.s32 $0xFFFFFEF7, lr;
	s5 =	simm.s32 $0xFFFFFFFF;
	p2 =	slt.u32 s8, $0xFFFFF086  }
0x1c: {  	p1 =	slt.u32 s9, $0xF7A;
	s5 =	simm.s32 @!p2 $0x0  }
0x1d: {  	s5 =	simm.s32 @p1 $0x1;
	p0 =	seq.s32 s7, s2  }
0x1e: {  	s7 =	smul.u32 @!p0 $0xF7A, s2;
	p2 =	seq.s32 @!p0 s5, $0x0  }
0x1f: {  	s9 =	smul.u32 $0xF7A, s1;
	s8 =	simm.s32 @!p0 $0x1BF5;
	p2 =	por !p2, p0  }
0x20: {  	[sflag:s8] =	ssyncset.s32 @!p0 $0xFFFFF086;
	s6 =	sadd.s32 @!p0 s3, s7;
	s7 =	simm.s32 @!p0 $0x108  }
0x21: {  	s3 =	sadd.s32 s3, s9;
	s6 =	sadd.s32 @!p0 $0x88, s6;
	s7 =	simm.s32 @p2 $0x1082  }
0x22: {  	[simem:s7], [sflag:s8] =	dma.local @!p0 [hbm:s6], $0xF7A  }
0x23: {  	s9 =	sor.u32 $0xD0000000, s2;
	s6 =	simm.s32 $0x108;
	_ =	swait.ge @!p0 [sflag:s8], $0x0  }
0x24: {  	s3 =	sadd.s32 $0x88, s3;
	s6 =	simm.s32 @!p1 $0x1082;
	[sflag:s4] =	ssyncset.s32 $0xFFFFF086  }
0x25: {  	[simem:s6], [sflag:s4] =	dma.local [hbm:s3], $0xF7A  }
0x26: {  	[smem:$0x3F8D] =	sst s1;
	(tag) =	ssettag s2;
	_ =	strace s9  }
0x27: {  	s1 =	sld [smem:$0x3F9D]  }
0x28: {  	s2 =	sld [smem:$0x3F9E]  }
0x29: {  	s4 =	sld [smem:$0x3FA0]  }
0x2a: {  	p0 =	seq.s32 s5, $0x0;
	s5 =	sld [smem:$0x3FA1]  }
0x2b: {  	s6 =	sld [smem:$0x3FA2]  }
0x2c: {  	s7 =	sld [smem:$0x3FA3]  }
0x2d: {  	s3 =	simm.s32 $0x108;
	s8 =	sld [smem:$0x3FA4]  }
0x2e: {  	s3 =	simm.s32 @!p0 $0x1082;
	s9 =	sld [smem:$0x3FA5]  }
0x2f: {  	lr =	sadd.s32 s0, s3;
	s0 =	sld [smem:$0x3F9C]  }
0x30: {  	s3 =	sld [smem:$0x3F9F]  }
0x31: {  	[smem:$0x3FA8] =	sst s10  }
0x32: {  	s10 =	sld [smem:$0x3FA6];
	_ =	sdelay $0x3  }
0x33: {  	p0 =	seq.s32 s10, $0x1;
	s10 =	sld [smem:$0x3FA8];
	_ =	sdelay $0x3  }
0x34: {  	[smem:$0x3FA8] =	sst s10  }
0x35: {  	s10 =	sld [smem:$0x3FA7];
	_ =	sdelay $0x3  }
0x36: {  	p1 =	seq.s32 s10, $0x1;
	s10 =	sld [smem:$0x3FA8];
	_ =	sdelay $0x3  }
0x37: {  	[smem:$0x3FA8] =	sst s10  }
0x38: {  	s10 =	sld [smem:$0x3FA9]  }
0x39: {  	_ = 	snop;
	(pc) =	sbr.ind lr, $3  }
0x3a: {  	_ = 	snop  }
0x3b: {  	_ = 	snop  }
0x3c: {  	p2 =	seq.s32 s10, $0x1;
	s10 =	sld [smem:$0x3FA8]  }
0x3d: {  	_ =	shalt  }
0x3e: {  	_ =	shalt  }
0x3f: {  	_ =	shalt  }
0x40: {  	_ =	shalt  }
0x41: {  	_ =	shalt  }
0x42: {  	_ =	shalt  }
0x43: {  	_ =	shalt  }
0x44: {  	_ =	shalt  }
0x45: {  	_ =	shalt  }
0x46: {  	_ =	shalt  }
0x47: {  	_ =	shalt  }
0x48: {  	_ =	shalt  }
0x49: {  	_ =	shalt  }
0x4a: {  	_ =	shalt  }
0x4b: {  	_ =	shalt  }
0x4c: {  	_ =	shalt  }
0x4d: {  	_ =	shalt  }
0x4e: {  	_ =	shalt  }
0x4f: {  	_ =	shalt  }
0x50: {  	_ =	shalt  }
0x51: {  	_ =	shalt  }
0x52: {  	_ =	shalt  }
0x53: {  	_ =	shalt  }
0x54: {  	_ =	shalt  }
0x55: {  	_ =	shalt  }
0x56: {  	_ =	shalt  }
0x57: {  	_ =	shalt  }
0x58: {  	_ =	shalt  }
0x59: {  	_ =	shalt  }
0x5a: {  	_ =	shalt  }
0x5b: {  	_ =	shalt  }
0x5c: {  	_ =	shalt  }
0x5d: {  	_ =	shalt  }
0x5e: {  	_ =	shalt  }
0x5f: {  	_ =	shalt  }
0x60: {  	_ =	shalt  }
0x61: {  	_ =	shalt  }
0x62: {  	_ =	shalt  }
0x63: {  	_ =	shalt  }
0x64: {  	_ =	shalt  }
0x65: {  	_ =	shalt  }
0x66: {  	_ =	shalt  }
0x67: {  	_ =	shalt  }
0x68: {  	_ =	shalt  }
0x69: {  	_ =	shalt  }
0x6a: {  	_ =	shalt  }
0x6b: {  	_ =	shalt  }
0x6c: {  	_ =	shalt  }
0x6d: {  	_ =	shalt  }
0x6e: {  	_ =	shalt  }
0x6f: {  	_ =	shalt  }
0x70: {  	_ =	shalt  }
0x71: {  	_ =	shalt  }
0x72: {  	_ =	shalt  }
0x73: {  	_ =	shalt  }
0x74: {  	_ =	shalt  }
0x75: {  	_ =	shalt  }
0x76: {  	_ =	shalt  }
0x77: {  	_ =	shalt  }
0x78: {  	_ =	shalt  }
0x79: {  	_ =	shalt  }
0x7a: {  	_ =	shalt  }
0x7b: {  	_ =	shalt  }
0x7c: {  	_ =	shalt  }
0x7d: {  	_ =	shalt  }
0x7e: {  	_ =	shalt  }
0x7f: {  	_ =	shalt  }
0x80: {  	_ =	shalt  }
0x81: {  	_ =	shalt  }
0x82: {  	_ =	shalt  }
0x83: {  	_ =	shalt  }
0x84: {  	_ =	shalt  }
0x85: {  	_ =	shalt  }
0x86: {  	_ =	shalt  }
0x87: {  	_ =	shalt  }
.Lfunc_end0:
.L_simem_size_0:
called_computation.5_lowered:
.L_overlay_start_0:
0x88: {  	s2 =	sld [smem:$0x3FD9]  }
0x89: {  	s3 =	sld [smem:$0x3FFE];
	_ =	sdelay $0x1  }
0x8a: {  	s1 =	srdreg.scid  }
0x8b: {  	s0 =	sand.u32 $0x1, s1  }
0x8c: {  	s15 =	sshll.u32 s0, $0xA;
	s2 =	sadd.s32 s3, s2  }
0x8d: {  	s2 =	sadd.s32 s2, s15  }
0x8e: {  	[smem:$0x3FB4] =	sst s2  }
0x8f: {  	_ = 	snop  }
0x90: {  	s2 =	sld [smem:$0x3FD0];
	_ =	sdelay $0x2  }
0x91: {  	s16 =	simm.s32 $0xD;
	s4 =	simm.s32 $0x10  }
0x92: {  	[smem:s4], [sflag:s16] =	dma.local [hbm:s2], $0x1  }
0x93: {  	_ =	swait.eq [sflag:s16], $0x1  }
0x94: {  	[sflag:s16] =	ssyncset.done $0x0  }
0x95: {  	[sflag:s16] =	ssyncadd.s32 $0xFFFFFFFF  }
0x96: {  	s17 =	sld [smem:$0x13];
	(tm) =	ssettm $0x1  }
0x97: {  	s18 =	sld [smem:$0x3FFB];
	_ =	sdelay $0x3  }
0x98: {  	_ =	strace s18  }
0x99: {  	s2 =	sld [smem:$0x3FFC];
	_ =	sdelay $0x3  }
0x9a: {  	_ =	strace s2  }
0x9b: {  	s2 =	sld [smem:$0x3FFD];
	_ =	sdelay $0x3  }
0x9c: {  	_ =	strace s2  }
0x9d: {  	_ =	strace $0x8FFFFFFF  }
0x9e: {  	s19 =	sld [smem:$0x3FDB];
	_ =	sdelay $0x1  }
0x9f: {  	s20 =	simm.s32 $_scs_section_size  }
0xa0: {  	s5 =	simm.s32 $_size__tile_overlayer_lowered;
	s6 =	simm.s32 $_tile_overlayer_lowered  }
0xa1: {  	s7 =	simm.s32 $0x1BFF;
	s21 =	sshll.u32 s6, $0x1;
	s4 =	sadd.s32 s20, s19  }
0xa2: {  	s22 =	simm.s32 $0x0;
	s5 =	sshll.u32 s5, $0x1;
	s6 =	sadd.s32 s21, s4  }
0xa3: {  	[timem:s22], [sflag:s7] =	dma.local [hbm:s6], s5  }
0xa4: {  	_ =	swait.ge [sflag:s7], s5  }
0xa5: {  	s5 =	ssub.s32 $0x0, s5;
	[sflag:s7] =	ssyncset.done $0x0  }
0xa6: {  	[sflag:s7] =	ssyncadd.s32 s5;
	_ =	sdelay $0x1  }
0xa7: {  	s23 =	simm.s32 $0x1B8B  }
0xa8: {  	_ =	swait.ge [sflag:s23], $0x1  }
0xa9: {  	[sflag:s23] =	ssyncset.done $0x0  }
0xaa: {  	[sflag:s23] =	ssyncadd.s32 $0xFFFFFFFF  }
0xab: {  	s5 =	sld [smem:$0x0]  }
0xac: {  	s6 =	sand.u32 $0xFFFFFFFE, s1  }
0xad: {  	p0 =	sne.s32 s1, s6  }
0xae: {  	s6 =	sshll.u32 @p0 s6, $0xE  }
0xaf: {  	s6 =	sadd.s32 @p0 $0x11B8D, s6;
	s7 =	sshll.u32 @p0 s5, $0x11  }
0xb0: {  	s6 =	sor.u32 @p0 s7, s6  }
0xb1: {  	[sflag:s6] =	ssyncadd.remote.s32 @p0 $0x1;
	_ =	sdelay $0x1  }
0xb2: {  	s6 =	simm.s32 @p0 $0x1B8D  }
0xb3: {  	_ =	swait.eq @p0 [sflag:s6], $0x1  }
0xb4: {  	[sflag:s6] =	ssyncadd.s32 @p0 $0xFFFFFFFF  }
0xb5: {  	s7 =	sshll.u32 @!p0 s1, $0xE  }
0xb6: {  	s7 =	sor.u32 @!p0 $0x4000, s7;
	s6 =	simm.s32 @!p0 $0x1B8D  }
0xb7: {  	s5 =	sshll.u32 @!p0 s5, $0x11;
	s7 =	sadd.s32 @!p0 $0x11B8D, s7;
	_ =	swait.eq @!p0 [sflag:s6], $0x1  }
0xb8: {  	s5 =	sor.u32 @!p0 s5, s7;
	[sflag:s6] =	ssyncadd.s32 @!p0 $0xFFFFFFFF  }
0xb9: {  	s25 =	simm.s32 $0x1B8E;
	s24 =	sld [smem:$0x3FFE];
	[sflag:s5] =	ssyncadd.remote.s32 @!p0 $0x1  }
0xba: {  	s26 =	simm.s32 $execute0_lowered;
	[smem:$0x3FD2] =	sst s25  }
0xbb: {  	s6 =	sshll.u32 s26, $0x1;
	_ =	strace $0x80000052;
	[dreg:$0x1] =	wrdreg $0xFFFFFFFF  }
0xbc: {  	s28 =	simm.s32 $_size_execute0_lowered;
	s4 =	sadd.s32 s4, s6;
	[dreg:$0x0] =	wrdreg $0x0  }
0xbd: {  	s6 =	sshll.u32 s28, $0x1;
	[dreg:$0x2] =	wrdreg s4  }
0xbe: {  	[dreg:$0x3] =	wrdreg s6  }
0xbf: {  	[dreg:$0x4] =	wrdreg $0xC0  }
0xc0: {  	_ =	task [dreg:s22], $0x5FFFF  }
0xc1: {  	[dreg:$0x1] =	wrdreg $0xFFFFFFFF  }
0xc2: {  	[dreg:$0x0] =	wrdreg $0x60  }
0xc3: {  	[dreg:$0x2] =	wrdreg s24  }
0xc4: {  	[dreg:$0x3] =	wrdreg s17  }
0xc5: {  	[dreg:$0x4] =	wrdreg $0xB7800  }
0xc6: {  	[dreg:$0x5] =	wrdreg $0xA  }
0xc7: {  	_ =	task.clear_ibuf [dreg:s22], $0x6FFFF;
	_ =	strace $0x90000052  }
0xc8: {  	s29 =	simm.s32 $0xA;
	_ =	strace $0x80000054  }
0xc9: {  	_ =	swait.ge [sflag:s29], $0x1  }
0xca: {  	[sflag:s29] =	ssyncadd.s32 $0xFFFFFFFF  }
0xcb: {  	_ =	strace $0x90000054  }
0xcc: {  	_ =	sfence  }
0xcd: {  	s30 =	sld [smem:$0x0];
	_ =	sdelay $0x2  }
0xce: {  	s31 =	sshll.u32 s1, $0xD;
	s1 =	sshrl.u32 s1, $0x2  }
0xcf: {  	s4 =	sand.u32 $0x4000, s31;
	s1 =	sadd.s32 s1, s30  }
0xd0: {  	s0 =	sor.u32 s4, s0;
	s1 =	sshll.u32 s1, $0x11  }
0xd1: {  	s0 =	sor.u32 s1, s0  }
0xd2: {  	s0 =	sadd.s32 $0x8F2B, s0  }
0xd3: {  	[sflag:s0] =	ssyncadd.remote.s32 $0x1  }
0xd4: {  	_ =	sfence.sel $0xFFFF  }
0xd5: {  	[dreg:$0x0] =	wrdreg $0xFFFFFFFF;
	(pc) =	sbr.abs _section_cstart, $3  }
0xd6: {  	[dreg:$0x1] =	wrdreg $0xFFFFFFFF  }
0xd7: {  	_ =	task.clear_ibuf [dreg:s22], $0x2FFFF;
	_ =	strace $0x9FFFFFFF  }
0xd8: {  	(tm) =	ssettm $0x7FFFFFFF  }
0xd9: {  	_ =	shalt  }
tec
execute0_lowered:
.L_overlay_start_1:
0x0: {  	(tag) =	ssettag $0x1  }
0x1: {  	s6 =	rddreg [dreg:$0x0]  }
0x2: {  	s2 =	rddreg [dreg:$0x1]  }
0x3: {  	s3 =	rddreg [dreg:$0x2]  }
0x4: {  	s4 =	srdreg.scid;
	s1 =	stileid.u32  }
0x5: {  	s0 =	rddreg [dreg:$0x3];
	s14 =	simm.s32 $0x4000;
	s15 =	simm.s32 $0x3  }
0x6: {  	s16 =	simm.s32 $0x50;
	s17 =	simm.s32 $0x6780;
	s18 =	simm.s32 $0x8F80  }
0x7: {  	s19 =	simm.s32 $0x1;
	s20 =	simm.s32 $0x4;
	s21 =	simm.s32 $0x2  }
0x8: {  	s22 =	simm.s32 $0x3E00;
	s24 =	simm.s32 $0x0;
	s7 =	sand.u32 $0x1, s4  }
0x9: {  	s5 =	sshll.u32 s1, $0x1;
	s4 =	simm.s32 $0x0;
	s29 =	smul.u32 $0x13C00, s1  }
0xa: {  	s8 =	sshrl.u32 s1, $0x2;
	s30 =	smul.u32 $0x4F000, s1;
	s23 =	sshll.u32 s1, $0x6  }
0xb: {  	s5 =	sor.u32 s7, s5;
	[smem:$0x7FF] =	sst s4;
	s8 =	smul.u32 $0x13C00, s8  }
0xc: {  	s10 =	smul.u32 $0x13C000, s7;
	s7 =	ssub.s32 $0x2, s7;
	s9 =	sshll.u32 s5, $0x7  }
0xd: {  	_ =	strace $0x80000053;
	s11 =	sshll.u32 s5, $0xB;
	s5 =	sadd.s32 $0xA600, s6  }
0xe: {  	s12 =	sshrl.u32 s7, $0x1;
	s31 =	sshrl.u32 s30, $0x2;
	s9 =	sand.u32 $0x380, s9  }
0xf: {  	s11 =	sadd.s32 s11, s6;
	s12 =	ssub.s32 s7, s12;
	s13 =	sadd.s32 s31, s3  }
0x10: {  	s7 =	sor.u32 $0x1C03, s23;
	s23 =	sor.u32 $0x1C04, s23;
	s8 =	sor.u32 s8, s9  }
0x11: {  	s9 =	sadd.s32 s29, s10;
	s10 =	smax.u32 s12, $0x1;
	s8 =	sshrl.u32 s8, $0x3  }
0x12: {  	s12 =	simm.s32 $0x80;
	s9 =	sshrl.u32 s9, $0x3;
	s8 =	sadd.s32 s8, s6  }
0x13: {  	s9 =	sadd.s32 s9, s6;
	s6 =	sadd.s32 $0x166800, s11;
	s11 =	sshrl.u32 s13, $0x3  }
0x14: {  	s13 =	simm.s32 $0x400;
	s8 =	sadd.s32 $0x176800, s8;
	s9 =	sadd.s32 $0xCE00, s9  }
.LBB2_1:
0x15: {  	[spmem:s11], [sflag:s7] =	dma.local [hbm:s5], $0x2780  }
0x16: {  	[tilespmem:s4], [sflag:$0x3] =	stream.linear.gather [hbm4b:s6+s4], $0x3E80, $0x38;
	[tilespmem:$0x1F380] =	vst v63  }
0x17: {  	_ = 	snop  }
0x18: {  	[tilespmem:s14], [sflag:$0x3] =	stream.strided.gather [hbm4b:s8+s12], $0x2780, s13, s12, $0x38;
	[tilespmem:$0x1F380] =	vst v63  }
0x19: {  	_ =	swait.ge [sflag:s15], $0x2780  }
0x1a: {  	[sflag:s15] =	ssyncset.done $0x0  }
0x1b: {  	[sflag:s15] =	ssyncadd.s32 $0xFFFFD880  }
0x1c: {  	_ =	swait.ge [sflag:s15], $0x3E80  }
0x1d: {  	[sflag:s15] =	ssyncset.done $0x0  }
0x1e: {  	[sflag:s15] =	ssyncadd.s32 $0xFFFFC180  }
0x1f: {  	_ =	swait.ge [sflag:s15], $0x2780  }
0x20: {  	[sflag:s15] =	ssyncset.done $0x0  }
0x21: {  	[sflag:s15] =	ssyncadd.s32 $0xFFFFD880  }
0x22: {  	[tilespmem:s17], [sflag:$0x1] =	stream.indirect.gather [hbm4b:s2+s16], $0x80, s14, s16, $0xb8;
	[tilespmem:$0x1F380] =	vst v63  }
0x23: {  	s25 =	simm.s32 $0x4050;
	[bflag:$0x0] =	sbarrier.arrive $0xFFFF  }
0x24: {  	[tilespmem:s18], [sflag:$0x2] =	stream.indirect.gather [hbm4b:s2+s16], $0x80, s25, s16, $0xb8;
	[tilespmem:$0x1F380] =	vst v63  }
0x25: {  	_ =	swait.ge [sflag:s19], $0x2800  }
0x26: {  	[sflag:s19] =	ssyncset.done $0x0  }
0x27: {  	s29 =	simm.s32 $0x0;
	[sflag:s19] =	ssyncadd.s32 $0xFFFFD800  }
0x28: {  	[spmem:s3] =	stream.indirect.scatter.add.f32 [tilespmem:s17], [sflag:$0x4], $0x80, s29, s16, $0xb8;
	[tilespmem:$0x1F380] =	vst v63  }
0x29: {  	_ =	swait.ge [sflag:s20], $0x2800  }
0x2a: {  	[sflag:s20] =	ssyncset.done $0x0  }
0x2b: {  	s30 =	simm.s32 $0x40A0;
	[sflag:s20] =	ssyncadd.s32 $0xFFFFD800  }
0x2c: {  	[tilespmem:s17], [sflag:$0x1] =	stream.indirect.gather [hbm4b:s2+s16], $0x80, s30, s16, $0xb8;
	[tilespmem:$0x1F380] =	vst v63  }
0x2d: {  	_ =	swait.ge [sflag:s21], $0x2800  }
0x2e: {  	[sflag:s21] =	ssyncset.done $0x0  }
0x2f: {  	s31 =	simm.s32 $0x80;
	[sflag:s21] =	ssyncadd.s32 $0xFFFFD800  }
0x30: {  	[spmem:s3] =	stream.indirect.scatter.add.f32 [tilespmem:s18], [sflag:$0x4], $0x80, s31, s16, $0xb8;
	[tilespmem:$0x1F380] =	vst v63  }
0x31: {  	s26 =	simm.s32 $0x400;
	_ =	swait.ge [sflag:s20], $0x2800  }
0x32: {  	s28 =	simm.s32 $0x800;
	s25 =	simm.s32 $0x4140;
	[sflag:s20] =	ssyncset.done $0x0  }
.LBB2_2:
0x33: {  	p0 =	sne.s32 s28, $0xF400;
	s29 =	sadd.s32 $0xFFFFFFB0, s25;
	[sflag:s20] =	ssyncadd.s32 $0xFFFFD800  }
0x34: {  	[tilespmem:s18], [sflag:$0x2] =	stream.indirect.gather [hbm4b:s2+s16], $0x80, s29, s16, $0xb8;
	[tilespmem:$0x1F380] =	vst v63  }
0x35: {  	s29 =	smov.u32 s28;
	s28 =	sadd.s32 $0x400, s28;
	_ =	swait.ge [sflag:s19], $0x2800  }
0x36: {  	[sflag:s19] =	ssyncset.done $0x0  }
0x37: {  	s30 =	sshra.s32 s26, $0x2;
	s26 =	smov.u32 s29;
	[sflag:s19] =	ssyncadd.s32 $0xFFFFD800  }
0x38: {  	[spmem:s3] =	stream.indirect.scatter.add.f32 [tilespmem:s17], [sflag:$0x4], $0x80, s30, s16, $0xb8;
	[tilespmem:$0x1F380] =	vst v63  }
0x39: {  	_ =	swait.ge [sflag:s20], $0x2800  }
0x3a: {  	[sflag:s20] =	ssyncset.done $0x0  }
0x3b: {  	[sflag:s20] =	ssyncadd.s32 $0xFFFFD800  }
0x3c: {  	[tilespmem:s17], [sflag:$0x1] =	stream.indirect.gather [hbm4b:s2+s16], $0x80, s25, s16, $0xb8;
	[tilespmem:$0x1F380] =	vst v63  }
0x3d: {  	_ =	swait.ge [sflag:s21], $0x2800  }
.Ltmp0:
0x3e: {  	[sflag:s21] =	ssyncset.done $0x0;
	(pc) =	sbr.rel @p0 .LBB2_2-.Ltmp0, $4  }
0x3f: {  	s29 =	sadd.s32 $0x80, s30;
	[sflag:s21] =	ssyncadd.s32 $0xFFFFD800  }
0x40: {  	[spmem:s3] =	stream.indirect.scatter.add.f32 [tilespmem:s18], [sflag:$0x4], $0x80, s29, s16, $0xb8;
	[tilespmem:$0x1F380] =	vst v63  }
0x41: {  	_ =	swait.ge [sflag:s20], $0x2800  }
0x42: {  	s25 =	sadd.s32 $0xA0, s25;
	[sflag:s20] =	ssyncset.done $0x0  }
0x43: {  	s28 =	sadd.s32 $0xFFFFFFB0, s25;
	[sflag:s20] =	ssyncadd.s32 $0xFFFFD800  }
0x44: {  	[tilespmem:s18], [sflag:$0x2] =	stream.indirect.gather [hbm4b:s2+s16], $0x80, s28, s16, $0xb8;
	[tilespmem:$0x1F380] =	vst v63  }
0x45: {  	_ =	swait.ge [sflag:s19], $0x2800  }
0x46: {  	[sflag:s19] =	ssyncset.done $0x0  }
0x47: {  	s26 =	sshra.s32 s26, $0x2;
	[sflag:s19] =	ssyncadd.s32 $0xFFFFD800  }
0x48: {  	[spmem:s3] =	stream.indirect.scatter.add.f32 [tilespmem:s17], [sflag:$0x4], $0x80, s26, s16, $0xb8;
	[tilespmem:$0x1F380] =	vst v63  }
0x49: {  	_ =	swait.ge [sflag:s20], $0x2800  }
0x4a: {  	[sflag:s20] =	ssyncset.done $0x0  }
0x4b: {  	[sflag:s20] =	ssyncadd.s32 $0xFFFFD800  }
0x4c: {  	[tilespmem:s17], [sflag:$0x1] =	stream.indirect.gather [hbm4b:s2+s16], $0x80, s25, s16, $0xb8;
	[tilespmem:$0x1F380] =	vst v63  }
0x4d: {  	_ =	swait.ge [sflag:s21], $0x2800  }
0x4e: {  	[sflag:s21] =	ssyncset.done $0x0  }
0x4f: {  	s31 =	sadd.s32 $0x80, s26;
	[sflag:s21] =	ssyncadd.s32 $0xFFFFD800  }
0x50: {  	[spmem:s3] =	stream.indirect.scatter.add.f32 [tilespmem:s18], [sflag:$0x4], $0x80, s31, s16, $0xb8;
	[tilespmem:$0x1F380] =	vst v63  }
0x51: {  	_ =	swait.ge [sflag:s20], $0x2800  }
0x52: {  	[sflag:s20] =	ssyncset.done $0x0  }
0x53: {  	[sflag:s20] =	ssyncadd.s32 $0xFFFFD800  }
0x54: {  	_ =	swait.ge [sflag:s19], $0x2800  }
0x55: {  	[sflag:s19] =	ssyncset.done $0x0  }
0x56: {  	[sflag:s19] =	ssyncadd.s32 $0xFFFFD800  }
0x57: {  	[spmem:s3] =	stream.indirect.scatter.add.f32 [tilespmem:s17], [sflag:$0x4], $0x80, s22, s16, $0xb8;
	[tilespmem:$0x1F380] =	vst v63  }
0x58: {  	_ =	swait.ge [sflag:s20], $0x2800  }
0x59: {  	s24 =	sadd.s32 $0x1, s24;
	[sflag:s20] =	ssyncset.done $0x0  }
0x5a: {  	p0 =	sne.s32 s24, s10;
	[sflag:s20] =	ssyncadd.s32 $0xFFFFD800  }
.Ltmp1:
0x5b: {  	[bflag:$0x0] =	sbarrier.arrive $0xFFFF;
	(pc) =	sbr.rel @p0 .LBB2_1-.Ltmp1, $4  }
0x5c: {  	[hbm:s9], [sflag:s23] =	dma.local [spmem:s11], $0x2780  }
0x5d: {  	_ =	swait.ge [sflag:s20], $0x2780  }
0x5e: {  	[sflag:s20] =	ssyncset.done $0x0  }
0x5f: {  	[sflag:s20] =	ssyncadd.s32 $0xFFFFD880  }
0x60: {  	_ =	sfence.sel $0x180000  }
0x61: {  	[bflag:$0x0] =	sbarrier.arrive $0xFFFF  }
0x62: {  	p0 =	sne.s32 s1, $0x0;
	_ =	strace $0x90000053  }
0x63: {  	s0 =	sadd.s32 @!p0 $0x100000, s0;
	[bflag:$0x2] =	sbarrier.arrive $0xFFFF  }
0x64: {  	[sflag:s0] =	ssyncadd.tile.s32 @!p0 $0x1;
	_ =	shalt  }
.Lfunc_end2:
_tile_overlayer_lowered:
.L_overlay_start_2:
0x65: {  	(tag) =	ssettag $0x2  }
0x66: {  	s0 =	rddreg [dreg:$0x0];
	s2 =	stileid.u32  }
0x67: {  	s1 =	rddreg [dreg:$0x1];
	p0 =	sne.s32 s2, $0x0  }
0x68: {  	s3 =	rddreg [dreg:$0x2];
	[bflag:$0x3] =	sbarrier.arrive $0xFFFF;
	s2 =	simm.s32 @!p0 $0x1C04  }
0x69: {  	[timem:s3], [sflag:s2] =	dma.local @!p0 [hbm:s0], s1  }
0x6a: {  	s0 =	simm.s32 @!p0 $0x4  }
0x6b: {  	_ =	swait.ge @!p0 [sflag:s0], s1  }
0x6c: {  	s1 =	ssub.s32 @!p0 $0x0, s1;
	[sflag:s0] =	ssyncset.done @!p0 $0x0  }
0x6d: {  	[sflag:s0] =	ssyncadd.s32 @!p0 s1  }
0x6e: {  	[bflag:$0x3] =	sbarrier.arrive $0xFFFF  }
0x6f: {  	_ =	shalt  }

// kernel: kernel.36.cloned.1.call-start
scs
__scs_entry_jumppad:
0x0: {  	(pc) =	sbr.rel $0x88, $3  }
0x1: {  	(tag) =	ssettag $0x0;
	lr =	simm.s32 $0x1  }
0x2: {  	[smem:$0x3F8D] =	sst lr;
	_ =	strace $0xD0000000  }
0x3: {  	_ = 	snop  }
0x4: {  	_ = 	snop  }
0x5: {  	_ = 	snop  }
0x6: {  	_ = 	snop  }
0x7: {  	_ = 	snop  }
__scs_overlays_trampoline_lowered:
0x8: {  	[smem:$0x3F9C] =	sst s0  }
0x9: {  	[smem:$0x3F9D] =	sst s1  }
0xa: {  	[smem:$0x3F9E] =	sst s2  }
0xb: {  	[smem:$0x3F9F] =	sst s3  }
0xc: {  	[smem:$0x3FA0] =	sst s4  }
0xd: {  	[smem:$0x3FA1] =	sst s5  }
0xe: {  	[smem:$0x3FA2] =	sst s6  }
0xf: {  	[smem:$0x3FA3] =	sst s7  }
0x10: {  	[smem:$0x3FA4] =	sst s8  }
0x11: {  	[smem:$0x3FA5] =	sst s9;
	s0 =	simm.s32 @!p0 $0x0  }
0x12: {  	s1 =	sld [smem:$0x3F8B];
	s0 =	simm.s32 @p0 $0x1  }
0x13: {  	[smem:$0x3FA6] =	sst s0;
	s0 =	simm.s32 @!p1 $0x0  }
0x14: {  	s2 =	sld [smem:$0x3F8A];
	s0 =	simm.s32 @p1 $0x1  }
0x15: {  	[smem:$0x3FA7] =	sst s0;
	s0 =	simm.s32 @!p2 $0x0  }
0x16: {  	s3 =	sld [smem:$0x3FDB];
	s0 =	simm.s32 @p2 $0x1  }
0x17: {  	s4 =	simm.s32 $0x1BF5;
	[smem:$0x3FA9] =	sst s0  }
0x18: {  	s0 =	sld [smem:$0x3F8C];
	_ =	swait.ge [sflag:s4], $0x0  }
0x19: {  	s7 =	sld [smem:$0x3F8D]  }
0x1a: {  	s8 =	sadd.s32 $0xFFFFE003, lr  }
0x1b: {  	s9 =	sadd.s32 $0xFFFFFEF7, lr;
	s5 =	simm.s32 $0xFFFFFFFF;
	p2 =	slt.u32 s8, $0xFFFFF086  }
0x1c: {  	p1 =	slt.u32 s9, $0xF7A;
	s5 =	simm.s32 @!p2 $0x0  }
0x1d: {  	s5 =	simm.s32 @p1 $0x1;
	p0 =	seq.s32 s7, s2  }
0x1e: {  	s7 =	smul.u32 @!p0 $0xF7A, s2;
	p2 =	seq.s32 @!p0 s5, $0x0  }
0x1f: {  	s9 =	smul.u32 $0xF7A, s1;
	s8 =	simm.s32 @!p0 $0x1BF5;
	p2 =	por !p2, p0  }
0x20: {  	[sflag:s8] =	ssyncset.s32 @!p0 $0xFFFFF086;
	s6 =	sadd.s32 @!p0 s3, s7;
	s7 =	simm.s32 @!p0 $0x108  }
0x21: {  	s3 =	sadd.s32 s3, s9;
	s6 =	sadd.s32 @!p0 $0x88, s6;
	s7 =	simm.s32 @p2 $0x1082  }
0x22: {  	[simem:s7], [sflag:s8] =	dma.local @!p0 [hbm:s6], $0xF7A  }
0x23: {  	s9 =	sor.u32 $0xD0000000, s2;
	s6 =	simm.s32 $0x108;
	_ =	swait.ge @!p0 [sflag:s8], $0x0  }
0x24: {  	s3 =	sadd.s32 $0x88, s3;
	s6 =	simm.s32 @!p1 $0x1082;
	[sflag:s4] =	ssyncset.s32 $0xFFFFF086  }
0x25: {  	[simem:s6], [sflag:s4] =	dma.local [hbm:s3], $0xF7A  }
0x26: {  	[smem:$0x3F8D] =	sst s1;
	(tag) =	ssettag s2;
	_ =	strace s9  }
0x27: {  	s1 =	sld [smem:$0x3F9D]  }
0x28: {  	s2 =	sld [smem:$0x3F9E]  }
0x29: {  	s4 =	sld [smem:$0x3FA0]  }
0x2a: {  	p0 =	seq.s32 s5, $0x0;
	s5 =	sld [smem:$0x3FA1]  }
0x2b: {  	s6 =	sld [smem:$0x3FA2]  }
0x2c: {  	s7 =	sld [smem:$0x3FA3]  }
0x2d: {  	s3 =	simm.s32 $0x108;
	s8 =	sld [smem:$0x3FA4]  }
0x2e: {  	s3 =	simm.s32 @!p0 $0x1082;
	s9 =	sld [smem:$0x3FA5]  }
0x2f: {  	lr =	sadd.s32 s0, s3;
	s0 =	sld [smem:$0x3F9C]  }
0x30: {  	s3 =	sld [smem:$0x3F9F]  }
0x31: {  	[smem:$0x3FA8] =	sst s10  }
0x32: {  	s10 =	sld [smem:$0x3FA6];
	_ =	sdelay $0x3  }
0x33: {  	p0 =	seq.s32 s10, $0x1;
	s10 =	sld [smem:$0x3FA8];
	_ =	sdelay $0x3  }
0x34: {  	[smem:$0x3FA8] =	sst s10  }
0x35: {  	s10 =	sld [smem:$0x3FA7];
	_ =	sdelay $0x3  }
0x36: {  	p1 =	seq.s32 s10, $0x1;
	s10 =	sld [smem:$0x3FA8];
	_ =	sdelay $0x3  }
0x37: {  	[smem:$0x3FA8] =	sst s10  }
0x38: {  	s10 =	sld [smem:$0x3FA9]  }
0x39: {  	_ = 	snop;
	(pc) =	sbr.ind lr, $3  }
0x3a: {  	_ = 	snop  }
0x3b: {  	_ = 	snop  }
0x3c: {  	p2 =	seq.s32 s10, $0x1;
	s10 =	sld [smem:$0x3FA8]  }
0x3d: {  	_ =	shalt  }
0x3e: {  	_ =	shalt  }
0x3f: {  	_ =	shalt  }
0x40: {  	_ =	shalt  }
0x41: {  	_ =	shalt  }
0x42: {  	_ =	shalt  }
0x43: {  	_ =	shalt  }
0x44: {  	_ =	shalt  }
0x45: {  	_ =	shalt  }
0x46: {  	_ =	shalt  }
0x47: {  	_ =	shalt  }
0x48: {  	_ =	shalt  }
0x49: {  	_ =	shalt  }
0x4a: {  	_ =	shalt  }
0x4b: {  	_ =	shalt  }
0x4c: {  	_ =	shalt  }
0x4d: {  	_ =	shalt  }
0x4e: {  	_ =	shalt  }
0x4f: {  	_ =	shalt  }
0x50: {  	_ =	shalt  }
0x51: {  	_ =	shalt  }
0x52: {  	_ =	shalt  }
0x53: {  	_ =	shalt  }
0x54: {  	_ =	shalt  }
0x55: {  	_ =	shalt  }
0x56: {  	_ =	shalt  }
0x57: {  	_ =	shalt  }
0x58: {  	_ =	shalt  }
0x59: {  	_ =	shalt  }
0x5a: {  	_ =	shalt  }
0x5b: {  	_ =	shalt  }
0x5c: {  	_ =	shalt  }
0x5d: {  	_ =	shalt  }
0x5e: {  	_ =	shalt  }
0x5f: {  	_ =	shalt  }
0x60: {  	_ =	shalt  }
0x61: {  	_ =	shalt  }
0x62: {  	_ =	shalt  }
0x63: {  	_ =	shalt  }
0x64: {  	_ =	shalt  }
0x65: {  	_ =	shalt  }
0x66: {  	_ =	shalt  }
0x67: {  	_ =	shalt  }
0x68: {  	_ =	shalt  }
0x69: {  	_ =	shalt  }
0x6a: {  	_ =	shalt  }
0x6b: {  	_ =	shalt  }
0x6c: {  	_ =	shalt  }
0x6d: {  	_ =	shalt  }
0x6e: {  	_ =	shalt  }
0x6f: {  	_ =	shalt  }
0x70: {  	_ =	shalt  }
0x71: {  	_ =	shalt  }
0x72: {  	_ =	shalt  }
0x73: {  	_ =	shalt  }
0x74: {  	_ =	shalt  }
0x75: {  	_ =	shalt  }
0x76: {  	_ =	shalt  }
0x77: {  	_ =	shalt  }
0x78: {  	_ =	shalt  }
0x79: {  	_ =	shalt  }
0x7a: {  	_ =	shalt  }
0x7b: {  	_ =	shalt  }
0x7c: {  	_ =	shalt  }
0x7d: {  	_ =	shalt  }
0x7e: {  	_ =	shalt  }
0x7f: {  	_ =	shalt  }
0x80: {  	_ =	shalt  }
0x81: {  	_ =	shalt  }
0x82: {  	_ =	shalt  }
0x83: {  	_ =	shalt  }
0x84: {  	_ =	shalt  }
0x85: {  	_ =	shalt  }
0x86: {  	_ =	shalt  }
0x87: {  	_ =	shalt  }
.Lfunc_end0:
.L_simem_size_0:
called_computation.6_lowered:
.L_overlay_start_0:
0x88: {  	s2 =	sld [smem:$0x3FD9]  }
0x89: {  	s3 =	sld [smem:$0x3FFE];
	_ =	sdelay $0x1  }
0x8a: {  	s1 =	srdreg.scid  }
0x8b: {  	s0 =	sand.u32 $0x1, s1  }
0x8c: {  	s15 =	sshll.u32 s0, $0xA;
	s2 =	sadd.s32 s3, s2  }
0x8d: {  	s2 =	sadd.s32 s2, s15  }
0x8e: {  	[smem:$0x3FB4] =	sst s2  }
0x8f: {  	_ = 	snop  }
0x90: {  	s2 =	sld [smem:$0x3FD0];
	_ =	sdelay $0x2  }
0x91: {  	s16 =	simm.s32 $0xD;
	s4 =	simm.s32 $0x10  }
0x92: {  	[smem:s4], [sflag:s16] =	dma.local [hbm:s2], $0x1  }
0x93: {  	_ =	swait.eq [sflag:s16], $0x1  }
0x94: {  	[sflag:s16] =	ssyncset.done $0x0  }
0x95: {  	[sflag:s16] =	ssyncadd.s32 $0xFFFFFFFF  }
0x96: {  	s17 =	sld [smem:$0x12];
	(tm) =	ssettm $0x1  }
0x97: {  	s18 =	sld [smem:$0x3FFB];
	_ =	sdelay $0x3  }
0x98: {  	_ =	strace s18  }
0x99: {  	s2 =	sld [smem:$0x3FFC];
	_ =	sdelay $0x3  }
0x9a: {  	_ =	strace s2  }
0x9b: {  	s2 =	sld [smem:$0x3FFD];
	_ =	sdelay $0x3  }
0x9c: {  	_ =	strace s2  }
0x9d: {  	_ =	strace $0x8FFFFFFF  }
0x9e: {  	s19 =	sld [smem:$0x3FDB];
	_ =	sdelay $0x1  }
0x9f: {  	s20 =	simm.s32 $_scs_section_size  }
0xa0: {  	s5 =	simm.s32 $_size__tile_overlayer_lowered;
	s6 =	simm.s32 $_tile_overlayer_lowered  }
0xa1: {  	s7 =	simm.s32 $0x1BFF;
	s21 =	sshll.u32 s6, $0x1;
	s4 =	sadd.s32 s20, s19  }
0xa2: {  	s22 =	simm.s32 $0x0;
	s5 =	sshll.u32 s5, $0x1;
	s6 =	sadd.s32 s21, s4  }
0xa3: {  	[timem:s22], [sflag:s7] =	dma.local [hbm:s6], s5  }
0xa4: {  	_ =	swait.ge [sflag:s7], s5  }
0xa5: {  	s5 =	ssub.s32 $0x0, s5;
	[sflag:s7] =	ssyncset.done $0x0  }
0xa6: {  	[sflag:s7] =	ssyncadd.s32 s5;
	_ =	sdelay $0x1  }
0xa7: {  	s23 =	simm.s32 $0x1B8B  }
0xa8: {  	_ =	swait.ge [sflag:s23], $0x1  }
0xa9: {  	[sflag:s23] =	ssyncset.done $0x0  }
0xaa: {  	[sflag:s23] =	ssyncadd.s32 $0xFFFFFFFF  }
0xab: {  	s5 =	sld [smem:$0x0]  }
0xac: {  	s6 =	sand.u32 $0xFFFFFFFE, s1  }
0xad: {  	p0 =	sne.s32 s1, s6  }
0xae: {  	s6 =	sshll.u32 @p0 s6, $0xE  }
0xaf: {  	s6 =	sadd.s32 @p0 $0x11B8D, s6;
	s7 =	sshll.u32 @p0 s5, $0x11  }
0xb0: {  	s6 =	sor.u32 @p0 s7, s6  }
0xb1: {  	[sflag:s6] =	ssyncadd.remote.s32 @p0 $0x1;
	_ =	sdelay $0x1  }
0xb2: {  	s6 =	simm.s32 @p0 $0x1B8D  }
0xb3: {  	_ =	swait.eq @p0 [sflag:s6], $0x1  }
0xb4: {  	[sflag:s6] =	ssyncadd.s32 @p0 $0xFFFFFFFF  }
0xb5: {  	s7 =	sshll.u32 @!p0 s1, $0xE  }
0xb6: {  	s7 =	sor.u32 @!p0 $0x4000, s7;
	s6 =	simm.s32 @!p0 $0x1B8D  }
0xb7: {  	s5 =	sshll.u32 @!p0 s5, $0x11;
	s7 =	sadd.s32 @!p0 $0x11B8D, s7;
	_ =	swait.eq @!p0 [sflag:s6], $0x1  }
0xb8: {  	s5 =	sor.u32 @!p0 s5, s7;
	[sflag:s6] =	ssyncadd.s32 @!p0 $0xFFFFFFFF  }
0xb9: {  	s25 =	simm.s32 $0x1B8E;
	s24 =	sld [smem:$0x3FFE];
	[sflag:s5] =	ssyncadd.remote.s32 @!p0 $0x1  }
0xba: {  	s26 =	simm.s32 $execute0_lowered;
	[smem:$0x3FD2] =	sst s25  }
0xbb: {  	s6 =	sshll.u32 s26, $0x1;
	_ =	strace $0x80000055;
	[dreg:$0x1] =	wrdreg $0xFFFFFFFF  }
0xbc: {  	s28 =	simm.s32 $_size_execute0_lowered;
	s4 =	sadd.s32 s4, s6;
	[dreg:$0x0] =	wrdreg $0x0  }
0xbd: {  	s6 =	sshll.u32 s28, $0x1;
	[dreg:$0x2] =	wrdreg s4  }
0xbe: {  	[dreg:$0x3] =	wrdreg s6  }
0xbf: {  	[dreg:$0x4] =	wrdreg $0xC0  }
0xc0: {  	_ =	task [dreg:s22], $0x5FFFF  }
0xc1: {  	[dreg:$0x1] =	wrdreg $0xFFFFFFFF  }
0xc2: {  	[dreg:$0x0] =	wrdreg $0x60  }
0xc3: {  	[dreg:$0x2] =	wrdreg s24  }
0xc4: {  	[dreg:$0x3] =	wrdreg s17  }
0xc5: {  	[dreg:$0x4] =	wrdreg $0xB7800  }
0xc6: {  	[dreg:$0x5] =	wrdreg $0xC  }
0xc7: {  	_ =	task.clear_ibuf [dreg:s22], $0x6FFFF;
	_ =	strace $0x90000055  }
0xc8: {  	s29 =	simm.s32 $0xC;
	_ =	strace $0x80000057  }
0xc9: {  	_ =	swait.ge [sflag:s29], $0x1  }
0xca: {  	[sflag:s29] =	ssyncadd.s32 $0xFFFFFFFF  }
0xcb: {  	_ =	strace $0x90000057  }
0xcc: {  	_ =	sfence  }
0xcd: {  	s30 =	sld [smem:$0x0];
	_ =	sdelay $0x2  }
0xce: {  	s31 =	sshll.u32 s1, $0xD;
	s1 =	sshrl.u32 s1, $0x2  }
0xcf: {  	s4 =	sand.u32 $0x4000, s31;
	s1 =	sadd.s32 s1, s30  }
0xd0: {  	s0 =	sor.u32 s4, s0;
	s1 =	sshll.u32 s1, $0x11  }
0xd1: {  	s0 =	sor.u32 s1, s0  }
0xd2: {  	s0 =	sadd.s32 $0x8F2B, s0  }
0xd3: {  	[sflag:s0] =	ssyncadd.remote.s32 $0x1  }
0xd4: {  	_ =	sfence.sel $0xFFFF  }
0xd5: {  	[dreg:$0x0] =	wrdreg $0xFFFFFFFF;
	(pc) =	sbr.abs _section_cstart, $3  }
0xd6: {  	[dreg:$0x1] =	wrdreg $0xFFFFFFFF  }
0xd7: {  	_ =	task.clear_ibuf [dreg:s22], $0x2FFFF;
	_ =	strace $0x9FFFFFFF  }
0xd8: {  	(tm) =	ssettm $0x7FFFFFFF  }
0xd9: {  	_ =	shalt  }
tec
execute0_lowered:
.L_overlay_start_1:
0x0: {  	(tag) =	ssettag $0x1  }
0x1: {  	s6 =	rddreg [dreg:$0x0]  }
0x2: {  	s2 =	rddreg [dreg:$0x1]  }
0x3: {  	s3 =	rddreg [dreg:$0x2]  }
0x4: {  	s0 =	rddreg [dreg:$0x3];
	s1 =	stileid.u32  }
0x5: {  	s4 =	simm.s32 $0x0;
	s5 =	srdreg.scid;
	s14 =	simm.s32 $0x4000  }
0x6: {  	s15 =	simm.s32 $0x3;
	s16 =	simm.s32 $0x50;
	s17 =	simm.s32 $0x6780  }
0x7: {  	s18 =	simm.s32 $0x8F80;
	s19 =	simm.s32 $0x1;
	s20 =	simm.s32 $0x4  }
0x8: {  	s21 =	simm.s32 $0x2;
	s22 =	simm.s32 $0x3E00;
	s7 =	sshrl.u32 s1, $0x2  }
0x9: {  	s8 =	sand.u32 $0x1, s5;
	s24 =	sshll.u32 s1, $0x1;
	s12 =	smul.u32 $0x13C00, s1  }
0xa: {  	[smem:$0x7FF] =	sst s4;
	s5 =	sadd.s32 $0xA600, s6;
	s25 =	smul.u32 $0x4F000, s1  }
0xb: {  	s23 =	sshll.u32 s1, $0x6;
	s7 =	smul.u32 $0x13C00, s7;
	s9 =	sor.u32 s8, s24  }
0xc: {  	s10 =	smul.u32 $0x13C000, s8;
	_ =	strace $0x80000056;
	s28 =	ssub.s32 $0x2, s8  }
0xd: {  	s24 =	simm.s32 $0x0;
	s11 =	sshll.u32 s9, $0x7;
	s9 =	sshll.u32 s9, $0xB  }
0xe: {  	s29 =	sshrl.u32 s28, $0x1;
	s30 =	sshrl.u32 s25, $0x2;
	s11 =	sand.u32 $0x380, s11  }
0xf: {  	s9 =	sadd.s32 s9, s6;
	s10 =	sadd.s32 s12, s10;
	s31 =	ssub.s32 s28, s29  }
0x10: {  	s13 =	sadd.s32 s30, s3;
	s12 =	simm.s32 $0x80;
	s7 =	sor.u32 s7, s11  }
0x11: {  	s10 =	sshrl.u32 s10, $0x3;
	s11 =	sshrl.u32 s13, $0x3;
	s7 =	sshrl.u32 s7, $0x3  }
0x12: {  	s13 =	simm.s32 $0x400;
	s10 =	sadd.s32 s10, s6;
	s26 =	sadd.s32 s7, s6  }
0x13: {  	s6 =	sor.u32 $0x1C03, s23;
	s7 =	sadd.s32 $0x180600, s9;
	s9 =	sadd.s32 $0x5BE00, s10  }
0x14: {  	s10 =	smax.u32 s31, $0x1;
	s23 =	sor.u32 $0x1C04, s23;
	s8 =	sadd.s32 $0x800, s26  }
.LBB2_1:
0x15: {  	[spmem:s11], [sflag:s6] =	dma.local [hbm:s5], $0x2780  }
0x16: {  	[tilespmem:s4], [sflag:$0x3] =	stream.linear.gather [hbm4b:s7+s4], $0x3E80, $0x38;
	[tilespmem:$0x1F380] =	vst v63  }
0x17: {  	_ = 	snop  }
0x18: {  	[tilespmem:s14], [sflag:$0x3] =	stream.strided.gather [hbm4b:s8+s12], $0x2780, s13, s12, $0x38;
	[tilespmem:$0x1F380] =	vst v63  }
0x19: {  	_ =	swait.ge [sflag:s15], $0x2780  }
0x1a: {  	[sflag:s15] =	ssyncset.done $0x0  }
0x1b: {  	[sflag:s15] =	ssyncadd.s32 $0xFFFFD880  }
0x1c: {  	_ =	swait.ge [sflag:s15], $0x3E80  }
0x1d: {  	[sflag:s15] =	ssyncset.done $0x0  }
0x1e: {  	[sflag:s15] =	ssyncadd.s32 $0xFFFFC180  }
0x1f: {  	_ =	swait.ge [sflag:s15], $0x2780  }
0x20: {  	[sflag:s15] =	ssyncset.done $0x0  }
0x21: {  	[sflag:s15] =	ssyncadd.s32 $0xFFFFD880  }
0x22: {  	[tilespmem:s17], [sflag:$0x1] =	stream.indirect.gather [hbm4b:s2+s16], $0x80, s14, s16, $0xb8;
	[tilespmem:$0x1F380] =	vst v63  }
0x23: {  	s25 =	simm.s32 $0x4050;
	[bflag:$0x0] =	sbarrier.arrive $0xFFFF  }
0x24: {  	[tilespmem:s18], [sflag:$0x2] =	stream.indirect.gather [hbm4b:s2+s16], $0x80, s25, s16, $0xb8;
	[tilespmem:$0x1F380] =	vst v63  }
0x25: {  	_ =	swait.ge [sflag:s19], $0x2800  }
0x26: {  	[sflag:s19] =	ssyncset.done $0x0  }
0x27: {  	s29 =	simm.s32 $0x0;
	[sflag:s19] =	ssyncadd.s32 $0xFFFFD800  }
0x28: {  	[spmem:s3] =	stream.indirect.scatter.add.f32 [tilespmem:s17], [sflag:$0x4], $0x80, s29, s16, $0xb8;
	[tilespmem:$0x1F380] =	vst v63  }
0x29: {  	_ =	swait.ge [sflag:s20], $0x2800  }
0x2a: {  	[sflag:s20] =	ssyncset.done $0x0  }
0x2b: {  	s30 =	simm.s32 $0x40A0;
	[sflag:s20] =	ssyncadd.s32 $0xFFFFD800  }
0x2c: {  	[tilespmem:s17], [sflag:$0x1] =	stream.indirect.gather [hbm4b:s2+s16], $0x80, s30, s16, $0xb8;
	[tilespmem:$0x1F380] =	vst v63  }
0x2d: {  	_ =	swait.ge [sflag:s21], $0x2800  }
0x2e: {  	[sflag:s21] =	ssyncset.done $0x0  }
0x2f: {  	s31 =	simm.s32 $0x80;
	[sflag:s21] =	ssyncadd.s32 $0xFFFFD800  }
0x30: {  	[spmem:s3] =	stream.indirect.scatter.add.f32 [tilespmem:s18], [sflag:$0x4], $0x80, s31, s16, $0xb8;
	[tilespmem:$0x1F380] =	vst v63  }
0x31: {  	s26 =	simm.s32 $0x400;
	_ =	swait.ge [sflag:s20], $0x2800  }
0x32: {  	s28 =	simm.s32 $0x800;
	s25 =	simm.s32 $0x4140;
	[sflag:s20] =	ssyncset.done $0x0  }
.LBB2_2:
0x33: {  	p0 =	sne.s32 s28, $0xF400;
	s29 =	sadd.s32 $0xFFFFFFB0, s25;
	[sflag:s20] =	ssyncadd.s32 $0xFFFFD800  }
0x34: {  	[tilespmem:s18], [sflag:$0x2] =	stream.indirect.gather [hbm4b:s2+s16], $0x80, s29, s16, $0xb8;
	[tilespmem:$0x1F380] =	vst v63  }
0x35: {  	s29 =	smov.u32 s28;
	s28 =	sadd.s32 $0x400, s28;
	_ =	swait.ge [sflag:s19], $0x2800  }
0x36: {  	[sflag:s19] =	ssyncset.done $0x0  }
0x37: {  	s30 =	sshra.s32 s26, $0x2;
	s26 =	smov.u32 s29;
	[sflag:s19] =	ssyncadd.s32 $0xFFFFD800  }
0x38: {  	[spmem:s3] =	stream.indirect.scatter.add.f32 [tilespmem:s17], [sflag:$0x4], $0x80, s30, s16, $0xb8;
	[tilespmem:$0x1F380] =	vst v63  }
0x39: {  	_ =	swait.ge [sflag:s20], $0x2800  }
0x3a: {  	[sflag:s20] =	ssyncset.done $0x0  }
0x3b: {  	[sflag:s20] =	ssyncadd.s32 $0xFFFFD800  }
0x3c: {  	[tilespmem:s17], [sflag:$0x1] =	stream.indirect.gather [hbm4b:s2+s16], $0x80, s25, s16, $0xb8;
	[tilespmem:$0x1F380] =	vst v63  }
0x3d: {  	_ =	swait.ge [sflag:s21], $0x2800  }
.Ltmp0:
0x3e: {  	[sflag:s21] =	ssyncset.done $0x0;
	(pc) =	sbr.rel @p0 .LBB2_2-.Ltmp0, $4  }
0x3f: {  	s29 =	sadd.s32 $0x80, s30;
	[sflag:s21] =	ssyncadd.s32 $0xFFFFD800  }
0x40: {  	[spmem:s3] =	stream.indirect.scatter.add.f32 [tilespmem:s18], [sflag:$0x4], $0x80, s29, s16, $0xb8;
	[tilespmem:$0x1F380] =	vst v63  }
0x41: {  	_ =	swait.ge [sflag:s20], $0x2800  }
0x42: {  	s25 =	sadd.s32 $0xA0, s25;
	[sflag:s20] =	ssyncset.done $0x0  }
0x43: {  	s28 =	sadd.s32 $0xFFFFFFB0, s25;
	[sflag:s20] =	ssyncadd.s32 $0xFFFFD800  }
0x44: {  	[tilespmem:s18], [sflag:$0x2] =	stream.indirect.gather [hbm4b:s2+s16], $0x80, s28, s16, $0xb8;
	[tilespmem:$0x1F380] =	vst v63  }
0x45: {  	_ =	swait.ge [sflag:s19], $0x2800  }
0x46: {  	[sflag:s19] =	ssyncset.done $0x0  }
0x47: {  	s26 =	sshra.s32 s26, $0x2;
	[sflag:s19] =	ssyncadd.s32 $0xFFFFD800  }
0x48: {  	[spmem:s3] =	stream.indirect.scatter.add.f32 [tilespmem:s17], [sflag:$0x4], $0x80, s26, s16, $0xb8;
	[tilespmem:$0x1F380] =	vst v63  }
0x49: {  	_ =	swait.ge [sflag:s20], $0x2800  }
0x4a: {  	[sflag:s20] =	ssyncset.done $0x0  }
0x4b: {  	[sflag:s20] =	ssyncadd.s32 $0xFFFFD800  }
0x4c: {  	[tilespmem:s17], [sflag:$0x1] =	stream.indirect.gather [hbm4b:s2+s16], $0x80, s25, s16, $0xb8;
	[tilespmem:$0x1F380] =	vst v63  }
0x4d: {  	_ =	swait.ge [sflag:s21], $0x2800  }
0x4e: {  	[sflag:s21] =	ssyncset.done $0x0  }
0x4f: {  	s31 =	sadd.s32 $0x80, s26;
	[sflag:s21] =	ssyncadd.s32 $0xFFFFD800  }
0x50: {  	[spmem:s3] =	stream.indirect.scatter.add.f32 [tilespmem:s18], [sflag:$0x4], $0x80, s31, s16, $0xb8;
	[tilespmem:$0x1F380] =	vst v63  }
0x51: {  	_ =	swait.ge [sflag:s20], $0x2800  }
0x52: {  	[sflag:s20] =	ssyncset.done $0x0  }
0x53: {  	[sflag:s20] =	ssyncadd.s32 $0xFFFFD800  }
0x54: {  	_ =	swait.ge [sflag:s19], $0x2800  }
0x55: {  	[sflag:s19] =	ssyncset.done $0x0  }
0x56: {  	[sflag:s19] =	ssyncadd.s32 $0xFFFFD800  }
0x57: {  	[spmem:s3] =	stream.indirect.scatter.add.f32 [tilespmem:s17], [sflag:$0x4], $0x80, s22, s16, $0xb8;
	[tilespmem:$0x1F380] =	vst v63  }
0x58: {  	_ =	swait.ge [sflag:s20], $0x2800  }
0x59: {  	s24 =	sadd.s32 $0x1, s24;
	[sflag:s20] =	ssyncset.done $0x0  }
0x5a: {  	p0 =	sne.s32 s24, s10;
	[sflag:s20] =	ssyncadd.s32 $0xFFFFD800  }
.Ltmp1:
0x5b: {  	[bflag:$0x0] =	sbarrier.arrive $0xFFFF;
	(pc) =	sbr.rel @p0 .LBB2_1-.Ltmp1, $4  }
0x5c: {  	[hbm:s9], [sflag:s23] =	dma.local [spmem:s11], $0x2780  }
0x5d: {  	_ =	swait.ge [sflag:s20], $0x2780  }
0x5e: {  	[sflag:s20] =	ssyncset.done $0x0  }
0x5f: {  	[sflag:s20] =	ssyncadd.s32 $0xFFFFD880  }
0x60: {  	_ =	sfence.sel $0x180000  }
0x61: {  	[bflag:$0x0] =	sbarrier.arrive $0xFFFF  }
0x62: {  	p0 =	sne.s32 s1, $0x0;
	_ =	strace $0x90000056  }
0x63: {  	s0 =	sadd.s32 @!p0 $0x100000, s0;
	[bflag:$0x2] =	sbarrier.arrive $0xFFFF  }
0x64: {  	[sflag:s0] =	ssyncadd.tile.s32 @!p0 $0x1;
	_ =	shalt  }
.Lfunc_end2:
_tile_overlayer_lowered:
.L_overlay_start_2:
0x65: {  	(tag) =	ssettag $0x2  }
0x66: {  	s0 =	rddreg [dreg:$0x0];
	s2 =	stileid.u32  }
0x67: {  	s1 =	rddreg [dreg:$0x1];
	p0 =	sne.s32 s2, $0x0  }
0x68: {  	s3 =	rddreg [dreg:$0x2];
	[bflag:$0x3] =	sbarrier.arrive $0xFFFF;
	s2 =	simm.s32 @!p0 $0x1C04  }
0x69: {  	[timem:s3], [sflag:s2] =	dma.local @!p0 [hbm:s0], s1  }
0x6a: {  	s0 =	simm.s32 @!p0 $0x4  }
0x6b: {  	_ =	swait.ge @!p0 [sflag:s0], s1  }
0x6c: {  	s1 =	ssub.s32 @!p0 $0x0, s1;
	[sflag:s0] =	ssyncset.done @!p0 $0x0  }
0x6d: {  	[sflag:s0] =	ssyncadd.s32 @!p0 s1  }
0x6e: {  	[bflag:$0x3] =	sbarrier.arrive $0xFFFF  }
0x6f: {  	_ =	shalt  }

// kernel: kernel.39.cloned.1.call-start
scs
__scs_entry_jumppad:
0x0: {  	(pc) =	sbr.rel $0x88, $3  }
0x1: {  	(tag) =	ssettag $0x0;
	lr =	simm.s32 $0x1  }
0x2: {  	[smem:$0x3F8D] =	sst lr;
	_ =	strace $0xD0000000  }
0x3: {  	_ = 	snop  }
0x4: {  	_ = 	snop  }
0x5: {  	_ = 	snop  }
0x6: {  	_ = 	snop  }
0x7: {  	_ = 	snop  }
__scs_overlays_trampoline_lowered:
0x8: {  	[smem:$0x3F9C] =	sst s0  }
0x9: {  	[smem:$0x3F9D] =	sst s1  }
0xa: {  	[smem:$0x3F9E] =	sst s2  }
0xb: {  	[smem:$0x3F9F] =	sst s3  }
0xc: {  	[smem:$0x3FA0] =	sst s4  }
0xd: {  	[smem:$0x3FA1] =	sst s5  }
0xe: {  	[smem:$0x3FA2] =	sst s6  }
0xf: {  	[smem:$0x3FA3] =	sst s7  }
0x10: {  	[smem:$0x3FA4] =	sst s8  }
0x11: {  	[smem:$0x3FA5] =	sst s9;
	s0 =	simm.s32 @!p0 $0x0  }
0x12: {  	s1 =	sld [smem:$0x3F8B];
	s0 =	simm.s32 @p0 $0x1  }
0x13: {  	[smem:$0x3FA6] =	sst s0;
	s0 =	simm.s32 @!p1 $0x0  }
0x14: {  	s2 =	sld [smem:$0x3F8A];
	s0 =	simm.s32 @p1 $0x1  }
0x15: {  	[smem:$0x3FA7] =	sst s0;
	s0 =	simm.s32 @!p2 $0x0  }
0x16: {  	s3 =	sld [smem:$0x3FDB];
	s0 =	simm.s32 @p2 $0x1  }
0x17: {  	s4 =	simm.s32 $0x1BF5;
	[smem:$0x3FA9] =	sst s0  }
0x18: {  	s0 =	sld [smem:$0x3F8C];
	_ =	swait.ge [sflag:s4], $0x0  }
0x19: {  	s7 =	sld [smem:$0x3F8D]  }
0x1a: {  	s8 =	sadd.s32 $0xFFFFE003, lr  }
0x1b: {  	s9 =	sadd.s32 $0xFFFFFEF7, lr;
	s5 =	simm.s32 $0xFFFFFFFF;
	p2 =	slt.u32 s8, $0xFFFFF086  }
0x1c: {  	p1 =	slt.u32 s9, $0xF7A;
	s5 =	simm.s32 @!p2 $0x0  }
0x1d: {  	s5 =	simm.s32 @p1 $0x1;
	p0 =	seq.s32 s7, s2  }
0x1e: {  	s7 =	smul.u32 @!p0 $0xF7A, s2;
	p2 =	seq.s32 @!p0 s5, $0x0  }
0x1f: {  	s9 =	smul.u32 $0xF7A, s1;
	s8 =	simm.s32 @!p0 $0x1BF5;
	p2 =	por !p2, p0  }
0x20: {  	[sflag:s8] =	ssyncset.s32 @!p0 $0xFFFFF086;
	s6 =	sadd.s32 @!p0 s3, s7;
	s7 =	simm.s32 @!p0 $0x108  }
0x21: {  	s3 =	sadd.s32 s3, s9;
	s6 =	sadd.s32 @!p0 $0x88, s6;
	s7 =	simm.s32 @p2 $0x1082  }
0x22: {  	[simem:s7], [sflag:s8] =	dma.local @!p0 [hbm:s6], $0xF7A  }
0x23: {  	s9 =	sor.u32 $0xD0000000, s2;
	s6 =	simm.s32 $0x108;
	_ =	swait.ge @!p0 [sflag:s8], $0x0  }
0x24: {  	s3 =	sadd.s32 $0x88, s3;
	s6 =	simm.s32 @!p1 $0x1082;
	[sflag:s4] =	ssyncset.s32 $0xFFFFF086  }
0x25: {  	[simem:s6], [sflag:s4] =	dma.local [hbm:s3], $0xF7A  }
0x26: {  	[smem:$0x3F8D] =	sst s1;
	(tag) =	ssettag s2;
	_ =	strace s9  }
0x27: {  	s1 =	sld [smem:$0x3F9D]  }
0x28: {  	s2 =	sld [smem:$0x3F9E]  }
0x29: {  	s4 =	sld [smem:$0x3FA0]  }
0x2a: {  	p0 =	seq.s32 s5, $0x0;
	s5 =	sld [smem:$0x3FA1]  }
0x2b: {  	s6 =	sld [smem:$0x3FA2]  }
0x2c: {  	s7 =	sld [smem:$0x3FA3]  }
0x2d: {  	s3 =	simm.s32 $0x108;
	s8 =	sld [smem:$0x3FA4]  }
0x2e: {  	s3 =	simm.s32 @!p0 $0x1082;
	s9 =	sld [smem:$0x3FA5]  }
0x2f: {  	lr =	sadd.s32 s0, s3;
	s0 =	sld [smem:$0x3F9C]  }
0x30: {  	s3 =	sld [smem:$0x3F9F]  }
0x31: {  	[smem:$0x3FA8] =	sst s10  }
0x32: {  	s10 =	sld [smem:$0x3FA6];
	_ =	sdelay $0x3  }
0x33: {  	p0 =	seq.s32 s10, $0x1;
	s10 =	sld [smem:$0x3FA8];
	_ =	sdelay $0x3  }
0x34: {  	[smem:$0x3FA8] =	sst s10  }
0x35: {  	s10 =	sld [smem:$0x3FA7];
	_ =	sdelay $0x3  }
0x36: {  	p1 =	seq.s32 s10, $0x1;
	s10 =	sld [smem:$0x3FA8];
	_ =	sdelay $0x3  }
0x37: {  	[smem:$0x3FA8] =	sst s10  }
0x38: {  	s10 =	sld [smem:$0x3FA9]  }
0x39: {  	_ = 	snop;
	(pc) =	sbr.ind lr, $3  }
0x3a: {  	_ = 	snop  }
0x3b: {  	_ = 	snop  }
0x3c: {  	p2 =	seq.s32 s10, $0x1;
	s10 =	sld [smem:$0x3FA8]  }
0x3d: {  	_ =	shalt  }
0x3e: {  	_ =	shalt  }
0x3f: {  	_ =	shalt  }
0x40: {  	_ =	shalt  }
0x41: {  	_ =	shalt  }
0x42: {  	_ =	shalt  }
0x43: {  	_ =	shalt  }
0x44: {  	_ =	shalt  }
0x45: {  	_ =	shalt  }
0x46: {  	_ =	shalt  }
0x47: {  	_ =	shalt  }
0x48: {  	_ =	shalt  }
0x49: {  	_ =	shalt  }
0x4a: {  	_ =	shalt  }
0x4b: {  	_ =	shalt  }
0x4c: {  	_ =	shalt  }
0x4d: {  	_ =	shalt  }
0x4e: {  	_ =	shalt  }
0x4f: {  	_ =	shalt  }
0x50: {  	_ =	shalt  }
0x51: {  	_ =	shalt  }
0x52: {  	_ =	shalt  }
0x53: {  	_ =	shalt  }
0x54: {  	_ =	shalt  }
0x55: {  	_ =	shalt  }
0x56: {  	_ =	shalt  }
0x57: {  	_ =	shalt  }
0x58: {  	_ =	shalt  }
0x59: {  	_ =	shalt  }
0x5a: {  	_ =	shalt  }
0x5b: {  	_ =	shalt  }
0x5c: {  	_ =	shalt  }
0x5d: {  	_ =	shalt  }
0x5e: {  	_ =	shalt  }
0x5f: {  	_ =	shalt  }
0x60: {  	_ =	shalt  }
0x61: {  	_ =	shalt  }
0x62: {  	_ =	shalt  }
0x63: {  	_ =	shalt  }
0x64: {  	_ =	shalt  }
0x65: {  	_ =	shalt  }
0x66: {  	_ =	shalt  }
0x67: {  	_ =	shalt  }
0x68: {  	_ =	shalt  }
0x69: {  	_ =	shalt  }
0x6a: {  	_ =	shalt  }
0x6b: {  	_ =	shalt  }
0x6c: {  	_ =	shalt  }
0x6d: {  	_ =	shalt  }
0x6e: {  	_ =	shalt  }
0x6f: {  	_ =	shalt  }
0x70: {  	_ =	shalt  }
0x71: {  	_ =	shalt  }
0x72: {  	_ =	shalt  }
0x73: {  	_ =	shalt  }
0x74: {  	_ =	shalt  }
0x75: {  	_ =	shalt  }
0x76: {  	_ =	shalt  }
0x77: {  	_ =	shalt  }
0x78: {  	_ =	shalt  }
0x79: {  	_ =	shalt  }
0x7a: {  	_ =	shalt  }
0x7b: {  	_ =	shalt  }
0x7c: {  	_ =	shalt  }
0x7d: {  	_ =	shalt  }
0x7e: {  	_ =	shalt  }
0x7f: {  	_ =	shalt  }
0x80: {  	_ =	shalt  }
0x81: {  	_ =	shalt  }
0x82: {  	_ =	shalt  }
0x83: {  	_ =	shalt  }
0x84: {  	_ =	shalt  }
0x85: {  	_ =	shalt  }
0x86: {  	_ =	shalt  }
0x87: {  	_ =	shalt  }
.Lfunc_end0:
.L_simem_size_0:
called_computation.7_lowered:
.L_overlay_start_0:
0x88: {  	s2 =	sld [smem:$0x3FD9]  }
0x89: {  	s3 =	sld [smem:$0x3FFE];
	_ =	sdelay $0x1  }
0x8a: {  	s1 =	srdreg.scid  }
0x8b: {  	s0 =	sand.u32 $0x1, s1  }
0x8c: {  	s17 =	sshll.u32 s0, $0xA;
	s2 =	sadd.s32 s3, s2  }
0x8d: {  	s2 =	sadd.s32 s2, s17  }
0x8e: {  	[smem:$0x3FB4] =	sst s2  }
0x8f: {  	_ = 	snop  }
0x90: {  	(tm) =	ssettm $0x1  }
0x91: {  	s18 =	sld [smem:$0x3FFB];
	_ =	sdelay $0x3  }
0x92: {  	_ =	strace s18  }
0x93: {  	s2 =	sld [smem:$0x3FFC];
	_ =	sdelay $0x3  }
0x94: {  	_ =	strace s2  }
0x95: {  	s2 =	sld [smem:$0x3FFD];
	_ =	sdelay $0x3  }
0x96: {  	_ =	strace s2  }
0x97: {  	_ =	strace $0x8FFFFFFF  }
0x98: {  	s19 =	sld [smem:$0x3FDB];
	_ =	sdelay $0x1  }
0x99: {  	s20 =	simm.s32 $_scs_section_size  }
0x9a: {  	s4 =	simm.s32 $_size__tile_overlayer_lowered;
	s5 =	simm.s32 $_tile_overlayer_lowered  }
0x9b: {  	s6 =	simm.s32 $0x1BFF;
	s21 =	sshll.u32 s5, $0x1;
	s3 =	sadd.s32 s20, s19  }
0x9c: {  	s22 =	simm.s32 $0x0;
	s4 =	sshll.u32 s4, $0x1;
	s5 =	sadd.s32 s21, s3  }
0x9d: {  	[timem:s22], [sflag:s6] =	dma.local [hbm:s5], s4  }
0x9e: {  	_ =	swait.ge [sflag:s6], s4  }
0x9f: {  	s4 =	ssub.s32 $0x0, s4;
	[sflag:s6] =	ssyncset.done $0x0  }
0xa0: {  	[sflag:s6] =	ssyncadd.s32 s4;
	_ =	sdelay $0x1  }
0xa1: {  	s23 =	simm.s32 $0x1B8B  }
0xa2: {  	_ =	swait.ge [sflag:s23], $0x1  }
0xa3: {  	[sflag:s23] =	ssyncset.done $0x0  }
0xa4: {  	[sflag:s23] =	ssyncadd.s32 $0xFFFFFFFF  }
0xa5: {  	s4 =	sld [smem:$0x0]  }
0xa6: {  	s5 =	sand.u32 $0xFFFFFFFE, s1  }
0xa7: {  	p0 =	sne.s32 s1, s5  }
0xa8: {  	s5 =	sshll.u32 @p0 s5, $0xE  }
0xa9: {  	s5 =	sadd.s32 @p0 $0x11B8D, s5;
	s6 =	sshll.u32 @p0 s4, $0x11  }
0xaa: {  	s5 =	sor.u32 @p0 s6, s5  }
0xab: {  	[sflag:s5] =	ssyncadd.remote.s32 @p0 $0x1;
	_ =	sdelay $0x1  }
0xac: {  	s5 =	simm.s32 @p0 $0x1B8D  }
0xad: {  	_ =	swait.eq @p0 [sflag:s5], $0x1  }
0xae: {  	[sflag:s5] =	ssyncadd.s32 @p0 $0xFFFFFFFF  }
0xaf: {  	s6 =	sshll.u32 @!p0 s1, $0xE  }
0xb0: {  	s6 =	sor.u32 @!p0 $0x4000, s6;
	s5 =	simm.s32 @!p0 $0x1B8D  }
0xb1: {  	s4 =	sshll.u32 @!p0 s4, $0x11;
	s6 =	sadd.s32 @!p0 $0x11B8D, s6;
	_ =	swait.eq @!p0 [sflag:s5], $0x1  }
0xb2: {  	s4 =	sor.u32 @!p0 s4, s6;
	[sflag:s5] =	ssyncadd.s32 @!p0 $0xFFFFFFFF  }
0xb3: {  	s25 =	simm.s32 $0x1B8E;
	s24 =	sld [smem:$0x3FFE];
	[sflag:s4] =	ssyncadd.remote.s32 @!p0 $0x1  }
0xb4: {  	s26 =	simm.s32 $execute0_lowered;
	[smem:$0x3FD2] =	sst s25  }
0xb5: {  	s5 =	sshll.u32 s26, $0x1;
	_ =	strace $0x80000058;
	[dreg:$0x1] =	wrdreg $0xFFFFFFFF  }
0xb6: {  	s28 =	simm.s32 $_size_execute0_lowered;
	s3 =	sadd.s32 s3, s5;
	[dreg:$0x0] =	wrdreg $0x0  }
0xb7: {  	s5 =	sshll.u32 s28, $0x1;
	[dreg:$0x2] =	wrdreg s3  }
0xb8: {  	[dreg:$0x3] =	wrdreg s5  }
0xb9: {  	[dreg:$0x4] =	wrdreg $0xC0  }
0xba: {  	_ =	task [dreg:s22], $0x5FFFF  }
0xbb: {  	[dreg:$0x1] =	wrdreg $0xFFFFFFFF  }
0xbc: {  	[dreg:$0x0] =	wrdreg $0x60  }
0xbd: {  	[dreg:$0x2] =	wrdreg s24  }
0xbe: {  	[dreg:$0x3] =	wrdreg $0xB7800  }
0xbf: {  	[dreg:$0x4] =	wrdreg $0xB  }
0xc0: {  	_ =	task.clear_ibuf [dreg:s22], $0x5FFFF;
	_ =	strace $0x90000058  }
0xc1: {  	s29 =	simm.s32 $0xB;
	_ =	strace $0x8000005A  }
0xc2: {  	_ =	swait.ge [sflag:s29], $0x1  }
0xc3: {  	[sflag:s29] =	ssyncadd.s32 $0xFFFFFFFF  }
0xc4: {  	_ =	strace $0x9000005A  }
0xc5: {  	_ =	sfence  }
0xc6: {  	s30 =	sld [smem:$0x0];
	_ =	sdelay $0x2  }
0xc7: {  	s31 =	sshll.u32 s1, $0xD;
	s1 =	sshrl.u32 s1, $0x2  }
0xc8: {  	s4 =	sand.u32 $0x4000, s31;
	s1 =	sadd.s32 s1, s30  }
0xc9: {  	s0 =	sor.u32 s4, s0;
	s1 =	sshll.u32 s1, $0x11  }
0xca: {  	s0 =	sor.u32 s1, s0  }
0xcb: {  	s0 =	sadd.s32 $0x8F2B, s0  }
0xcc: {  	[sflag:s0] =	ssyncadd.remote.s32 $0x1  }
0xcd: {  	_ =	sfence.sel $0xFFFF  }
0xce: {  	[dreg:$0x0] =	wrdreg $0xFFFFFFFF;
	(pc) =	sbr.abs _section_cstart, $3  }
0xcf: {  	[dreg:$0x1] =	wrdreg $0xFFFFFFFF  }
0xd0: {  	_ =	task.clear_ibuf [dreg:s22], $0x2FFFF;
	_ =	strace $0x9FFFFFFF  }
0xd1: {  	(tm) =	ssettm $0x7FFFFFFF  }
tec
execute0_lowered:
.L_overlay_start_1:
0x0: {  	(tag) =	ssettag $0x1  }
0x1: {  	s6 =	rddreg [dreg:$0x0]  }
0x2: {  	s2 =	rddreg [dreg:$0x1]  }
0x3: {  	s0 =	rddreg [dreg:$0x2]  }
0x4: {  	s4 =	srdreg.scid;
	s1 =	stileid.u32  }
0x5: {  	s3 =	simm.s32 $0x0;
	s14 =	simm.s32 $0x4000;
	s15 =	simm.s32 $0x3  }
0x6: {  	s16 =	simm.s32 $0x50;
	s17 =	simm.s32 $0x6780;
	s18 =	simm.s32 $0x8F80  }
0x7: {  	s19 =	simm.s32 $0x1;
	s20 =	simm.s32 $0x4;
	s21 =	simm.s32 $0x2  }
0x8: {  	s22 =	simm.s32 $0x3E00;
	s24 =	simm.s32 $0x0;
	s7 =	sand.u32 $0x1, s4  }
0x9: {  	s26 =	sshll.u32 s1, $0x1;
	[smem:$0x7FF] =	sst s3;
	s29 =	smul.u32 $0x13C00, s1  }
0xa: {  	s28 =	sshrl.u32 s1, $0x2;
	s4 =	sadd.s32 $0xA600, s6;
	s30 =	smul.u32 $0x4F000, s1  }
0xb: {  	s23 =	sshll.u32 s1, $0x6;
	s5 =	sor.u32 s7, s26;
	s8 =	smul.u32 $0x13C00, s28  }
0xc: {  	_ =	strace $0x80000059;
	s10 =	smul.u32 $0x13C000, s7;
	s7 =	ssub.s32 $0x2, s7  }
0xd: {  	s9 =	sshll.u32 s5, $0x7;
	s11 =	sshll.u32 s5, $0xB;
	s5 =	sadd.s32 $0xB4C00, s6  }
0xe: {  	s12 =	sshrl.u32 s7, $0x1;
	s31 =	sshrl.u32 s30, $0x2;
	s9 =	sand.u32 $0x380, s9  }
0xf: {  	s11 =	sadd.s32 s11, s6;
	s12 =	ssub.s32 s7, s12;
	s13 =	sadd.s32 s31, s2  }
0x10: {  	s7 =	sor.u32 $0x1C03, s23;
	s23 =	sor.u32 $0x1C04, s23;
	s8 =	sor.u32 s8, s9  }
0x11: {  	s9 =	sadd.s32 s29, s10;
	s10 =	smax.u32 s12, $0x1;
	s8 =	sshrl.u32 s8, $0x3  }
0x12: {  	s12 =	simm.s32 $0x80;
	s9 =	sshrl.u32 s9, $0x3;
	s8 =	sadd.s32 s8, s6  }
0x13: {  	s9 =	sadd.s32 s9, s6;
	s6 =	sadd.s32 $0x190600, s11;
	s11 =	sshrl.u32 s13, $0x3  }
0x14: {  	s13 =	simm.s32 $0x400;
	s8 =	sadd.s32 $0xAAE00, s8;
	s9 =	sadd.s32 $0x1A0600, s9  }
.LBB2_1:
0x15: {  	[spmem:s11], [sflag:s7] =	dma.local [hbm:s4], $0x2780  }
0x16: {  	[tilespmem:s3], [sflag:$0x3] =	stream.linear.gather [hbm4b:s6+s3], $0x3E80, $0x38;
	[tilespmem:$0x1F380] =	vst v63  }
0x17: {  	_ = 	snop  }
0x18: {  	[tilespmem:s14], [sflag:$0x3] =	stream.strided.gather [hbm4b:s8+s12], $0x2780, s13, s12, $0x38;
	[tilespmem:$0x1F380] =	vst v63  }
0x19: {  	_ =	swait.ge [sflag:s15], $0x2780  }
0x1a: {  	[sflag:s15] =	ssyncset.done $0x0  }
0x1b: {  	[sflag:s15] =	ssyncadd.s32 $0xFFFFD880  }
0x1c: {  	_ =	swait.ge [sflag:s15], $0x3E80  }
0x1d: {  	[sflag:s15] =	ssyncset.done $0x0  }
0x1e: {  	[sflag:s15] =	ssyncadd.s32 $0xFFFFC180  }
0x1f: {  	_ =	swait.ge [sflag:s15], $0x2780  }
0x20: {  	[sflag:s15] =	ssyncset.done $0x0  }
0x21: {  	[sflag:s15] =	ssyncadd.s32 $0xFFFFD880  }
0x22: {  	[tilespmem:s17], [sflag:$0x1] =	stream.indirect.gather [hbm4b:s5+s16], $0x80, s14, s16, $0xb8;
	[tilespmem:$0x1F380] =	vst v63  }
0x23: {  	s25 =	simm.s32 $0x4050;
	[bflag:$0x0] =	sbarrier.arrive $0xFFFF  }
0x24: {  	[tilespmem:s18], [sflag:$0x2] =	stream.indirect.gather [hbm4b:s5+s16], $0x80, s25, s16, $0xb8;
	[tilespmem:$0x1F380] =	vst v63  }
0x25: {  	_ =	swait.ge [sflag:s19], $0x2800  }
0x26: {  	[sflag:s19] =	ssyncset.done $0x0  }
0x27: {  	s29 =	simm.s32 $0x0;
	[sflag:s19] =	ssyncadd.s32 $0xFFFFD800  }
0x28: {  	[spmem:s2] =	stream.indirect.scatter.add.f32 [tilespmem:s17], [sflag:$0x4], $0x80, s29, s16, $0xb8;
	[tilespmem:$0x1F380] =	vst v63  }
0x29: {  	_ =	swait.ge [sflag:s20], $0x2800  }
0x2a: {  	[sflag:s20] =	ssyncset.done $0x0  }
0x2b: {  	s30 =	simm.s32 $0x40A0;
	[sflag:s20] =	ssyncadd.s32 $0xFFFFD800  }
0x2c: {  	[tilespmem:s17], [sflag:$0x1] =	stream.indirect.gather [hbm4b:s5+s16], $0x80, s30, s16, $0xb8;
	[tilespmem:$0x1F380] =	vst v63  }
0x2d: {  	_ =	swait.ge [sflag:s21], $0x2800  }
0x2e: {  	[sflag:s21] =	ssyncset.done $0x0  }
0x2f: {  	s31 =	simm.s32 $0x80;
	[sflag:s21] =	ssyncadd.s32 $0xFFFFD800  }
0x30: {  	[spmem:s2] =	stream.indirect.scatter.add.f32 [tilespmem:s18], [sflag:$0x4], $0x80, s31, s16, $0xb8;
	[tilespmem:$0x1F380] =	vst v63  }
0x31: {  	s26 =	simm.s32 $0x400;
	_ =	swait.ge [sflag:s20], $0x2800  }
0x32: {  	s28 =	simm.s32 $0x800;
	s25 =	simm.s32 $0x4140;
	[sflag:s20] =	ssyncset.done $0x0  }
.LBB2_2:
0x33: {  	p0 =	sne.s32 s28, $0xF400;
	s29 =	sadd.s32 $0xFFFFFFB0, s25;
	[sflag:s20] =	ssyncadd.s32 $0xFFFFD800  }
0x34: {  	[tilespmem:s18], [sflag:$0x2] =	stream.indirect.gather [hbm4b:s5+s16], $0x80, s29, s16, $0xb8;
	[tilespmem:$0x1F380] =	vst v63  }
0x35: {  	s29 =	smov.u32 s28;
	s28 =	sadd.s32 $0x400, s28;
	_ =	swait.ge [sflag:s19], $0x2800  }
0x36: {  	[sflag:s19] =	ssyncset.done $0x0  }
0x37: {  	s30 =	sshra.s32 s26, $0x2;
	s26 =	smov.u32 s29;
	[sflag:s19] =	ssyncadd.s32 $0xFFFFD800  }
0x38: {  	[spmem:s2] =	stream.indirect.scatter.add.f32 [tilespmem:s17], [sflag:$0x4], $0x80, s30, s16, $0xb8;
	[tilespmem:$0x1F380] =	vst v63  }
0x39: {  	_ =	swait.ge [sflag:s20], $0x2800  }
0x3a: {  	[sflag:s20] =	ssyncset.done $0x0  }
0x3b: {  	[sflag:s20] =	ssyncadd.s32 $0xFFFFD800  }
0x3c: {  	[tilespmem:s17], [sflag:$0x1] =	stream.indirect.gather [hbm4b:s5+s16], $0x80, s25, s16, $0xb8;
	[tilespmem:$0x1F380] =	vst v63  }
0x3d: {  	_ =	swait.ge [sflag:s21], $0x2800  }
.Ltmp0:
0x3e: {  	[sflag:s21] =	ssyncset.done $0x0;
	(pc) =	sbr.rel @p0 .LBB2_2-.Ltmp0, $4  }
0x3f: {  	s29 =	sadd.s32 $0x80, s30;
	[sflag:s21] =	ssyncadd.s32 $0xFFFFD800  }
0x40: {  	[spmem:s2] =	stream.indirect.scatter.add.f32 [tilespmem:s18], [sflag:$0x4], $0x80, s29, s16, $0xb8;
	[tilespmem:$0x1F380] =	vst v63  }
0x41: {  	_ =	swait.ge [sflag:s20], $0x2800  }
0x42: {  	s25 =	sadd.s32 $0xA0, s25;
	[sflag:s20] =	ssyncset.done $0x0  }
0x43: {  	s28 =	sadd.s32 $0xFFFFFFB0, s25;
	[sflag:s20] =	ssyncadd.s32 $0xFFFFD800  }
0x44: {  	[tilespmem:s18], [sflag:$0x2] =	stream.indirect.gather [hbm4b:s5+s16], $0x80, s28, s16, $0xb8;
	[tilespmem:$0x1F380] =	vst v63  }
0x45: {  	_ =	swait.ge [sflag:s19], $0x2800  }
0x46: {  	[sflag:s19] =	ssyncset.done $0x0  }
0x47: {  	s26 =	sshra.s32 s26, $0x2;
	[sflag:s19] =	ssyncadd.s32 $0xFFFFD800  }
0x48: {  	[spmem:s2] =	stream.indirect.scatter.add.f32 [tilespmem:s17], [sflag:$0x4], $0x80, s26, s16, $0xb8;
	[tilespmem:$0x1F380] =	vst v63  }
0x49: {  	_ =	swait.ge [sflag:s20], $0x2800  }
0x4a: {  	[sflag:s20] =	ssyncset.done $0x0  }
0x4b: {  	[sflag:s20] =	ssyncadd.s32 $0xFFFFD800  }
0x4c: {  	[tilespmem:s17], [sflag:$0x1] =	stream.indirect.gather [hbm4b:s5+s16], $0x80, s25, s16, $0xb8;
	[tilespmem:$0x1F380] =	vst v63  }
0x4d: {  	_ =	swait.ge [sflag:s21], $0x2800  }
0x4e: {  	[sflag:s21] =	ssyncset.done $0x0  }
0x4f: {  	s31 =	sadd.s32 $0x80, s26;
	[sflag:s21] =	ssyncadd.s32 $0xFFFFD800  }
0x50: {  	[spmem:s2] =	stream.indirect.scatter.add.f32 [tilespmem:s18], [sflag:$0x4], $0x80, s31, s16, $0xb8;
	[tilespmem:$0x1F380] =	vst v63  }
0x51: {  	_ =	swait.ge [sflag:s20], $0x2800  }
0x52: {  	[sflag:s20] =	ssyncset.done $0x0  }
0x53: {  	[sflag:s20] =	ssyncadd.s32 $0xFFFFD800  }
0x54: {  	_ =	swait.ge [sflag:s19], $0x2800  }
0x55: {  	[sflag:s19] =	ssyncset.done $0x0  }
0x56: {  	[sflag:s19] =	ssyncadd.s32 $0xFFFFD800  }
0x57: {  	[spmem:s2] =	stream.indirect.scatter.add.f32 [tilespmem:s17], [sflag:$0x4], $0x80, s22, s16, $0xb8;
	[tilespmem:$0x1F380] =	vst v63  }
0x58: {  	_ =	swait.ge [sflag:s20], $0x2800  }
0x59: {  	s24 =	sadd.s32 $0x1, s24;
	[sflag:s20] =	ssyncset.done $0x0  }
0x5a: {  	p0 =	sne.s32 s24, s10;
	[sflag:s20] =	ssyncadd.s32 $0xFFFFD800  }
.Ltmp1:
0x5b: {  	[bflag:$0x0] =	sbarrier.arrive $0xFFFF;
	(pc) =	sbr.rel @p0 .LBB2_1-.Ltmp1, $4  }
0x5c: {  	[hbm:s9], [sflag:s23] =	dma.local [spmem:s11], $0x2780  }
0x5d: {  	_ =	swait.ge [sflag:s20], $0x2780  }
0x5e: {  	[sflag:s20] =	ssyncset.done $0x0  }
0x5f: {  	[sflag:s20] =	ssyncadd.s32 $0xFFFFD880  }
0x60: {  	_ =	sfence.sel $0x180000  }
0x61: {  	[bflag:$0x0] =	sbarrier.arrive $0xFFFF  }
0x62: {  	p0 =	sne.s32 s1, $0x0;
	_ =	strace $0x90000059  }
0x63: {  	s0 =	sadd.s32 @!p0 $0x100000, s0;
	[bflag:$0x2] =	sbarrier.arrive $0xFFFF  }
0x64: {  	[sflag:s0] =	ssyncadd.tile.s32 @!p0 $0x1;
	_ =	shalt  }
.Lfunc_end2:
_tile_overlayer_lowered:
.L_overlay_start_2:
0x65: {  	(tag) =	ssettag $0x2  }
0x66: {  	s0 =	rddreg [dreg:$0x0];
	s2 =	stileid.u32  }
0x67: {  	s1 =	rddreg [dreg:$0x1];
	p0 =	sne.s32 s2, $0x0  }
0x68: {  	s3 =	rddreg [dreg:$0x2];
	[bflag:$0x3] =	sbarrier.arrive $0xFFFF;
	s2 =	simm.s32 @!p0 $0x1C04  }
0x69: {  	[timem:s3], [sflag:s2] =	dma.local @!p0 [hbm:s0], s1  }
0x6a: {  	s0 =	simm.s32 @!p0 $0x4  }
0x6b: {  	_ =	swait.ge @!p0 [sflag:s0], s1  }
0x6c: {  	s1 =	ssub.s32 @!p0 $0x0, s1;
	[sflag:s0] =	ssyncset.done @!p0 $0x0  }
0x6d: {  	[sflag:s0] =	ssyncadd.s32 @!p0 s1  }
0x6e: {  	[bflag:$0x3] =	sbarrier.arrive $0xFFFF  }
0x6f: {  	_ =	shalt  }

</sc_bundles>
